<compile_context>
chip_gen: v7x
topology: tpu7x:2x2x1
jax: 0.10.2.dev20260603
libtpu: 0.0.44.dev20260713+nightly
codegen_flags: <defaults>
</compile_context>

<pallas_src>
import jax
import jax.numpy as jnp
from jax import lax
from jax.experimental import pallas as pl
from jax.experimental.pallas import tpu as pltpu
from jax.experimental.pallas import tpu_sc as plsc

_N = 10000
_E = 320000
_G = 64
_DIN = 128
_DHID = 64
_DOUT = 8

_NC = 2
_NS = 16
_CHUNK = 128
_NT = 10240
_RPT = _NT // _NS

_TRIPS = 80
_EPAD = _TRIPS * _CHUNK * _NC * _NS
_NCHUNKS = _EPAD // _CHUNK


def _sc_mesh():
    return plsc.VectorSubcoreMesh(core_axis_name="c", subcore_axis_name="s")


def _deg_kernel(col_hbm, out_hbm, col2d, ones_v, zb, acc, sem):
    c = lax.axis_index("c")
    s = lax.axis_index("s")
    for i in range(_CHUNK // 16):
        ones_v[pl.ds(16 * i, 16)] = jnp.ones((16,), jnp.float32)
        zb[pl.ds(16 * i, 16)] = jnp.zeros((16,), jnp.float32)
    for i in range(_RPT // _CHUNK):
        pltpu.sync_copy(zb, acc.at[pl.ds(s * _RPT + _CHUNK * i, _CHUNK)])
    trip0 = (c * _NS + s) * _TRIPS
    pltpu.sync_copy(col_hbm.at[pl.ds(trip0, _TRIPS)], col2d)
    plsc.subcore_barrier()

    @pl.loop(0, _TRIPS // 16)
    def _(g):
        descs = []
        for b in range(16):
            t = g * 16 + b
            descs.append(pltpu.async_copy(ones_v, acc.at[col2d.at[t]], sem, add=True))
        for d in descs:
            d.wait()

    plsc.subcore_barrier()
    pltpu.sync_copy(acc.at[pl.ds(s * _RPT, _RPT)], out_hbm.at[c, pl.ds(s * _RPT, _RPT)])


def _make_deg():
    return pl.kernel(
        _deg_kernel,
        out_type=jax.ShapeDtypeStruct((_NC, _NT), jnp.float32),
        mesh=_sc_mesh(),
        compiler_params=pltpu.CompilerParams(use_tc_tiling_on_sc=False),
        scratch_types=[
            pltpu.VMEM((_TRIPS, _CHUNK), jnp.int32),
            pltpu.VMEM((_CHUNK,), jnp.float32),
            pltpu.VMEM((_CHUNK,), jnp.float32),
            pltpu.MemorySpace.VMEM_SHARED((_NT,), jnp.float32),
            pltpu.SemaphoreType.DMA,
        ],
    )


def _make_scatter(d, kd):
    groups = _TRIPS // kd
    inline_zero = d % 16 == 0

    def inner(row_hbm, col_hbm, g_hbm, zeros_hbm, out_hbm,
              row2d, col2d, rows, acc, gsem, ssem):
        c = lax.axis_index("c")
        s = lax.axis_index("s")
        if inline_zero:
            r0 = rows.at[0]

            @pl.loop(0, _CHUNK)
            def _(j):
                for i in range(d // 16):
                    r0[j, pl.ds(16 * i, 16)] = jnp.zeros((16,), jnp.float32)

            for i in range(_RPT // _CHUNK):
                pltpu.sync_copy(r0, acc.at[pl.ds(s * _RPT + _CHUNK * i, _CHUNK)])
        else:
            pltpu.sync_copy(zeros_hbm.at[pl.ds(s * _RPT, _RPT)],
                            acc.at[pl.ds(s * _RPT, _RPT)])
        trip0 = (c * _NS + s) * _TRIPS
        pltpu.sync_copy(row_hbm.at[pl.ds(trip0, _TRIPS)], row2d)
        pltpu.sync_copy(col_hbm.at[pl.ds(trip0, _TRIPS)], col2d)
        for b in range(kd):
            pltpu.async_copy(g_hbm.at[row2d.at[b]], rows.at[b], gsem)
        plsc.subcore_barrier()

        @pl.loop(0, groups)
        def _(g):
            t0 = g * kd
            sdescs = []
            for b in range(kd):
                t = t0 + b
                pltpu.make_async_copy(g_hbm.at[row2d.at[t]], rows.at[b], gsem).wait()
                sdescs.append(
                    pltpu.async_copy(rows.at[b], acc.at[col2d.at[t]], ssem, add=True))
            for b in range(kd):
                sdescs[b].wait()
                tn = t0 + kd + b
                tn = jnp.where(tn >= _TRIPS, tn - _TRIPS, tn)
                pltpu.async_copy(g_hbm.at[row2d.at[tn]], rows.at[b], gsem)

        for b in range(kd):
            pltpu.make_async_copy(g_hbm.at[row2d.at[b]], rows.at[b], gsem).wait()
        plsc.subcore_barrier()
        pltpu.sync_copy(acc.at[pl.ds(s * _RPT, _RPT)],
                        out_hbm.at[c, pl.ds(s * _RPT, _RPT)])

    if inline_zero:
        def body(row_hbm, col_hbm, g_hbm, out_hbm,
                 row2d, col2d, rows, acc, gsem, ssem):
            inner(row_hbm, col_hbm, g_hbm, None, out_hbm,
                  row2d, col2d, rows, acc, gsem, ssem)
    else:
        body = inner

    return pl.kernel(
        body,
        out_type=jax.ShapeDtypeStruct((_NC, _NT, d), jnp.float32),
        mesh=_sc_mesh(),
        compiler_params=pltpu.CompilerParams(use_tc_tiling_on_sc=False),
        scratch_types=[
            pltpu.VMEM((_TRIPS, _CHUNK), jnp.int32),
            pltpu.VMEM((_TRIPS, _CHUNK), jnp.int32),
            pltpu.VMEM((kd, _CHUNK, d), jnp.float32),
            pltpu.MemorySpace.VMEM_SHARED((_NT, d), jnp.float32),
            pltpu.SemaphoreType.DMA,
            pltpu.SemaphoreType.DMA,
        ],
    )



def _sel(pairs, width):
    seg = width // pairs
    lane = lax.broadcasted_iota(jnp.int32, (pairs, width), 1)
    row = lax.broadcasted_iota(jnp.int32, (pairs, width), 0)
    return (lane // seg == row).astype(jnp.float32)


def _dis2(degp2_ref):
    d2 = degp2_ref[0] + degp2_ref[1]
    return lax.rsqrt(d2[:_N // 2] + 1.0)


def _mm1_body(xpk_ref, w1blk_ref, degp2_ref, g1p_ref):
    dis_pk = lax.dot_general(_dis2(degp2_ref), _sel(2, 128), (((1,), (0,)), ((), ())),
                             preferred_element_type=jnp.float32)
    hpk = jnp.dot(xpk_ref[...], w1blk_ref[...],
                  preferred_element_type=jnp.float32)
    g1p_ref[...] = hpk * dis_pk


def _mm2_body(s1p_ref, g1p_ref, degp2_ref, b1pk_ref, w2blk_ref, g2p_ref):
    cn = (((1,), (0,)), ((), ()))
    dis2 = _dis2(degp2_ref)
    dis_pk = lax.dot_general(dis2, _sel(2, 128), cn,
                             preferred_element_type=jnp.float32)
    agg = (s1p_ref[0] + s1p_ref[1])[:_N // 2] + g1p_ref[...]
    h1pk = jnp.tanh(dis_pk * agg + b1pk_ref[...])
    z2pk = jnp.dot(h1pk, w2blk_ref[...],
                   preferred_element_type=jnp.float32)
    dis_pk16 = lax.dot_general(dis2, _sel(2, 16), cn,
                               preferred_element_type=jnp.float32)
    g2p_ref[...] = z2pk * dis_pk16


def _tail_body(s2p_ref, g2p16_ref, degp16_ref, b2pk_ref, batchp_ref, out_ref):
    cn = (((1,), (0,)), ((), ()))
    d16 = degp16_ref[0] + degp16_ref[1]
    dis16 = lax.rsqrt(d16[:_N // 16] + 1.0)
    dis_pk = lax.dot_general(dis16, _sel(16, 128), cn,
                             preferred_element_type=jnp.float32)
    agg = (s2p_ref[0] + s2p_ref[1])[:_N // 16] + g2p16_ref[...]
    h2pk = jnp.tanh(dis_pk * agg + b2pk_ref[...])
    batchp = batchp_ref[...]
    gid = lax.broadcasted_iota(jnp.int32, (1, _G), 1)
    ones = jnp.ones((_N // 16, 1), jnp.float32)
    dn0 = (((0,), (0,)), ((), ()))
    sums = jnp.zeros((_G, _DOUT), jnp.float32)
    cnt = jnp.zeros((_G, 1), jnp.float32)
    for k in range(16):
        mk = (batchp[:, k:k + 1] == gid).astype(jnp.float32)
        hk = h2pk[:, 8 * k:8 * k + 8]
        sums = sums + lax.dot_general(mk, hk, dn0,
                                      preferred_element_type=jnp.float32)
        cnt = cnt + lax.dot_general(mk, ones, dn0,
                                    preferred_element_type=jnp.float32)
    mean = sums / jnp.maximum(cnt, 1.0)
    out_ref[...] = 1.0 / (1.0 + jnp.exp(-mean))


def kernel(x, edge_index, batch_index, W1, b1, W2, b2):
    row = edge_index[0].astype(jnp.int32)
    col = edge_index[1].astype(jnp.int32)
    npad = _EPAD - _E
    pad_r = (jnp.arange(npad, dtype=jnp.int32) * 37) % _N
    pad_c = _N + (jnp.arange(npad, dtype=jnp.int32) % (_NT - _N))
    row_p = jnp.concatenate([row, pad_r]).reshape(_NCHUNKS, _CHUNK)
    col_p = jnp.concatenate([col, pad_c]).reshape(_NCHUNKS, _CHUNK)

    zeros8 = jnp.zeros((_NT, _DOUT), jnp.float32)

    degp = _make_deg()(col_p)

    degp2 = degp.reshape(_NC, _NT // 2, 2)
    zpad1 = jnp.zeros((_DIN, _DHID), jnp.float32)
    w1blk = jnp.concatenate(
        [jnp.concatenate([W1, zpad1], axis=1),
         jnp.concatenate([zpad1, W1], axis=1)], axis=0)
    g1p = pl.pallas_call(
        _mm1_body,
        out_shape=jax.ShapeDtypeStruct((_N // 2, 2 * _DHID), jnp.float32),
    )(x.reshape(_N // 2, 2 * _DIN), w1blk, degp2)

    s1 = _make_scatter(_DHID, 8)(
        row_p, col_p, g1p.reshape(_N, _DHID))

    b1pk = jnp.concatenate([b1, b1]).reshape(1, 2 * _DHID)
    zpad = jnp.zeros((_DHID, _DOUT), jnp.float32)
    w2blk = jnp.concatenate(
        [jnp.concatenate([W2, zpad], axis=1),
         jnp.concatenate([zpad, W2], axis=1)], axis=0)
    g2p = pl.pallas_call(
        _mm2_body,
        out_shape=jax.ShapeDtypeStruct((_N // 2, 2 * _DOUT), jnp.float32),
    )(s1.reshape(_NC, _NT // 2, 2 * _DHID), g1p, degp2, b1pk, w2blk)

    s2 = _make_scatter(_DOUT, 16)(
        row_p, col_p, g2p.reshape(_N, _DOUT), zeros8)

    out = pl.pallas_call(
        _tail_body,
        out_shape=jax.ShapeDtypeStruct((_G, _DOUT), jnp.float32),
    )(s2.reshape(_NC, _NT // 16, 16 * _DOUT), g2p.reshape(_N // 16, 16 * _DOUT),
      degp.reshape(_NC, _NT // 16, 16), jnp.tile(b2, 16).reshape(1, 16 * _DOUT),
      batch_index.astype(jnp.int32).reshape(_N // 16, 16))
    return out

# --- scband reference (transcript-rebuilt; emitter-appended) ---
"""Pipeline reference for scband-gcn-7645041787420 (READ-ONLY COPY).

The authoritative reference and input builder live on the scoring server;
editing this copy changes nothing except your own understanding.
"""

import jax, jax.numpy as jnp
import numpy as np

N = 10000
E = 320000
NUM_GRAPHS = 64
D_IN = 128
D_HID = 64
D_OUT = 8


def gcn_conv(x, row, col, W, b, num_nodes):
    # x' = D^{-1/2} (A + I) D^{-1/2} X W + b  (self-loops already in row/col)
    h = x @ W
    ones = jnp.ones(row.shape[0], dtype=h.dtype)
    deg = jnp.zeros((num_nodes,), dtype=h.dtype).at[col].add(ones)
    dis = jnp.where(deg > 0, jax.lax.rsqrt(jnp.maximum(deg, 1e-12)), 0.0)
    norm = dis[row] * dis[col]
    msg = h[row] * norm[:, None]
    out = jnp.zeros((num_nodes, h.shape[1]), dtype=h.dtype).at[col].add(msg)
    return out + b


def setup_inputs(seed: int = 0) -> dict:
    key = jax.random.key(seed)
    ks = jax.random.split(key, 6)
    x = jax.random.normal(ks[0], (N, D_IN), dtype=jnp.float32)
    edge_index = jax.random.randint(ks[1], (2, E), 0, N)
    batch_index = jnp.sort(jax.random.randint(ks[2], (N,), 0, NUM_GRAPHS))
    W1 = jax.random.normal(ks[3], (D_IN, D_HID), dtype=jnp.float32) * (1.0 / np.sqrt(D_IN))
    b1 = jnp.zeros((D_HID,), dtype=jnp.float32)
    W2 = jax.random.normal(ks[4], (D_HID, D_OUT), dtype=jnp.float32) * (1.0 / np.sqrt(D_HID))
    b2 = jnp.zeros((D_OUT,), dtype=jnp.float32)
    return {"x": x, "edge_index": edge_index, "batch_index": batch_index,
            "W1": W1, "b1": b1, "W2": W2, "b2": b2}


def reference(x, edge_index, batch_index, W1, b1, W2, b2):
    num_nodes = x.shape[0]
    loop = jnp.arange(num_nodes, dtype=edge_index.dtype)
    row = jnp.concatenate([edge_index[0], loop])
    col = jnp.concatenate([edge_index[1], loop])
    h = jnp.tanh(gcn_conv(x, row, col, W1, b1, num_nodes))
    h = jnp.tanh(gcn_conv(h, row, col, W2, b2, num_nodes))
    sums = jax.ops.segment_sum(h, batch_index, num_segments=NUM_GRAPHS)
    cnt = jax.ops.segment_sum(jnp.ones((num_nodes,), dtype=h.dtype), batch_index, num_segments=NUM_GRAPHS)
    mean = sums / jnp.maximum(cnt, 1.0)[:, None]
    return jax.nn.sigmoid(mean)

if __name__ == "__main__":
    import jax
    _d = setup_inputs()
    print(jax.jit(kernel)(*tuple(_d.values())))

</pallas_src>

<mosaic_0001>
#map = affine_map<(d0, d1) -> (0, 0)>
#map1 = affine_map<(d0, d1) -> (0, 0, 0)>
module attributes {stable_mosaic.version = 14 : i64} {
  func.func @inner(%arg0: i32, %arg1: i32, %arg2: memref<2560x128xi32, #tpu.memory_space<hbm>>, %arg3: memref<2560x128xi32, #tpu.memory_space<hbm>>, %arg4: memref<10000x8xf32, #tpu.memory_space<hbm>>, %arg5: memref<10240x8xf32, #tpu.memory_space<hbm>>, %arg6: memref<2x10240x8xf32, #tpu.memory_space<hbm>>, %arg7: memref<80x128xi32, #tpu.memory_space<vmem>>, %arg8: memref<80x128xi32, #tpu.memory_space<vmem>>, %arg9: memref<16x128x8xf32, #tpu.memory_space<vmem>>, %arg10: memref<10240x8xf32, #tpu.memory_space<vmem_shared>>, %arg11: memref<!tpu.dma_semaphore, #tpu.memory_space<semaphore_mem>>, %arg12: memref<!tpu.dma_semaphore, #tpu.memory_space<semaphore_mem>>) attributes {dimension_semantics = [#tpu.dimension_semantics<core_parallel>, #tpu.dimension_semantics<subcore_parallel>], iteration_bounds = array<i64: 2, 16>, scalar_prefetch = 0 : i64, scratch_operands = 6 : i64, tpu.core_type = #tpu.core_type<sc_vector_subcore>, window_params = [{transform_indices = #map}, {transform_indices = #map}, {transform_indices = #map}, {transform_indices = #map}, {transform_indices = #map1}]} {
    %mul3A = arith.constant 640 : i32
    %mul3A_0 = arith.muli %arg1, %mul3A : i32
    %mul3A_1 = arith.constant 640 : i32
    %mul3A_2 = arith.muli %arg1, %mul3A_1 : i32
    "tpu.region"() ({
      %run_scoped3A = tpu.sem_alloc : memref<!tpu.dma_semaphore, #tpu.memory_space<semaphore_mem>>
      %dma_start3A_398 = arith.constant 0 : i32
      %dma_start3A_399 = tpu.memref_slice %arg10[%mul3A_2, %dma_start3A_398] : memref<10240x8xf32, #tpu.memory_space<vmem_shared>> -> memref<640x8xf32, #tpu.memory_space<vmem_shared>>
      %dma_start3A_400 = arith.constant 0 : i32
      %dma_start3A_401 = tpu.memref_slice %arg5[%mul3A_0, %dma_start3A_400] : memref<10240x8xf32, #tpu.memory_space<hbm>> -> memref<640x8xf32, #tpu.memory_space<hbm>>
      tpu.enqueue_dma source(%dma_start3A_401 : memref<640x8xf32, #tpu.memory_space<hbm>>) target(%dma_start3A_399 : memref<640x8xf32, #tpu.memory_space<vmem_shared>>) target_semaphore(%run_scoped3A : memref<!tpu.dma_semaphore, #tpu.memory_space<semaphore_mem>>)
      %dma_wait3A_402 = arith.constant 0 : i32
      %dma_wait3A_403 = tpu.memref_slice %arg10[%mul3A_2, %dma_wait3A_402] : memref<10240x8xf32, #tpu.memory_space<vmem_shared>> -> memref<640x8xf32, #tpu.memory_space<vmem_shared>>
      %dma_wait3A_404 = arith.constant 0 : i32
      %dma_wait3A_405 = tpu.memref_slice %arg5[%mul3A_0, %dma_wait3A_404] : memref<10240x8xf32, #tpu.memory_space<hbm>> -> memref<640x8xf32, #tpu.memory_space<hbm>>
      tpu.wait_dma2 semaphore(%run_scoped3A : memref<!tpu.dma_semaphore, #tpu.memory_space<semaphore_mem>>) src(%dma_wait3A_405 : memref<640x8xf32, #tpu.memory_space<hbm>>) dst(%dma_wait3A_403 : memref<640x8xf32, #tpu.memory_space<vmem_shared>>)
      tpu.yield
    }) : () -> ()
    %mul3A_3 = arith.constant 16 : i32
    %mul3A_4 = arith.muli %arg0, %mul3A_3 : i32
    %add3A = arith.addi %mul3A_4, %arg1 : i32
    %mul3A_5 = arith.constant 80 : i32
    %mul3A_6 = arith.muli %add3A, %mul3A_5 : i32
    "tpu.region"() ({
      %run_scoped3A = tpu.sem_alloc : memref<!tpu.dma_semaphore, #tpu.memory_space<semaphore_mem>>
      %dma_start3A_398 = arith.constant 0 : i32
      %dma_start3A_399 = tpu.memref_slice %arg2[%mul3A_6, %dma_start3A_398] : memref<2560x128xi32, #tpu.memory_space<hbm>> -> memref<80x128xi32, #tpu.memory_space<hbm>>
      %dma_start3A_400 = arith.constant 0 : i32
      %dma_start3A_401 = tpu.memref_slice %arg2[%mul3A_6, %dma_start3A_400] : memref<2560x128xi32, #tpu.memory_space<hbm>> -> memref<80x128xi32, #tpu.memory_space<hbm>>
      tpu.enqueue_dma source(%dma_start3A_401 : memref<80x128xi32, #tpu.memory_space<hbm>>) target(%arg7 : memref<80x128xi32, #tpu.memory_space<vmem>>) target_semaphore(%run_scoped3A : memref<!tpu.dma_semaphore, #tpu.memory_space<semaphore_mem>>)
      %dma_wait3A_402 = arith.constant 0 : i32
      %dma_wait3A_403 = tpu.memref_slice %arg2[%mul3A_6, %dma_wait3A_402] : memref<2560x128xi32, #tpu.memory_space<hbm>> -> memref<80x128xi32, #tpu.memory_space<hbm>>
      %dma_wait3A_404 = arith.constant 0 : i32
      %dma_wait3A_405 = tpu.memref_slice %arg2[%mul3A_6, %dma_wait3A_404] : memref<2560x128xi32, #tpu.memory_space<hbm>> -> memref<80x128xi32, #tpu.memory_space<hbm>>
      tpu.wait_dma2 semaphore(%run_scoped3A : memref<!tpu.dma_semaphore, #tpu.memory_space<semaphore_mem>>) src(%dma_wait3A_405 : memref<80x128xi32, #tpu.memory_space<hbm>>) dst(%arg7 : memref<80x128xi32, #tpu.memory_space<vmem>>)
      tpu.yield
    }) : () -> ()
    "tpu.region"() ({
      %run_scoped3A = tpu.sem_alloc : memref<!tpu.dma_semaphore, #tpu.memory_space<semaphore_mem>>
      %dma_start3A_398 = arith.constant 0 : i32
      %dma_start3A_399 = tpu.memref_slice %arg3[%mul3A_6, %dma_start3A_398] : memref<2560x128xi32, #tpu.memory_space<hbm>> -> memref<80x128xi32, #tpu.memory_space<hbm>>
      %dma_start3A_400 = arith.constant 0 : i32
      %dma_start3A_401 = tpu.memref_slice %arg3[%mul3A_6, %dma_start3A_400] : memref<2560x128xi32, #tpu.memory_space<hbm>> -> memref<80x128xi32, #tpu.memory_space<hbm>>
      tpu.enqueue_dma source(%dma_start3A_401 : memref<80x128xi32, #tpu.memory_space<hbm>>) target(%arg8 : memref<80x128xi32, #tpu.memory_space<vmem>>) target_semaphore(%run_scoped3A : memref<!tpu.dma_semaphore, #tpu.memory_space<semaphore_mem>>)
      %dma_wait3A_402 = arith.constant 0 : i32
      %dma_wait3A_403 = tpu.memref_slice %arg3[%mul3A_6, %dma_wait3A_402] : memref<2560x128xi32, #tpu.memory_space<hbm>> -> memref<80x128xi32, #tpu.memory_space<hbm>>
      %dma_wait3A_404 = arith.constant 0 : i32
      %dma_wait3A_405 = tpu.memref_slice %arg3[%mul3A_6, %dma_wait3A_404] : memref<2560x128xi32, #tpu.memory_space<hbm>> -> memref<80x128xi32, #tpu.memory_space<hbm>>
      tpu.wait_dma2 semaphore(%run_scoped3A : memref<!tpu.dma_semaphore, #tpu.memory_space<semaphore_mem>>) src(%dma_wait3A_405 : memref<80x128xi32, #tpu.memory_space<hbm>>) dst(%arg8 : memref<80x128xi32, #tpu.memory_space<vmem>>)
      tpu.yield
    }) : () -> ()
    %dma_start3A = arith.constant 0 : i32
    %dma_start3A_7 = arith.constant 0 : i32
    %dma_start3A_8 = arith.constant 0 : i32
    %dma_start3A_9 = arith.constant 0 : i32
    %dma_start3A_10 = tpu.memref_slice %arg9[%dma_start3A_7, %dma_start3A_8, %dma_start3A_9] : memref<16x128x8xf32, #tpu.memory_space<vmem>> -> memref<1x128x8xf32, #tpu.memory_space<vmem>>
    %dma_start3A_11 = tpu.memref_squeeze %dma_start3A_10 : memref<1x128x8xf32, #tpu.memory_space<vmem>> -> memref<128x8xf32, #tpu.memory_space<vmem>>
    %dma_start3A_12 = arith.constant 0 : i32
    %dma_start3A_13 = tpu.memref_slice %arg7[%dma_start3A, %dma_start3A_12] : memref<80x128xi32, #tpu.memory_space<vmem>> -> memref<1x128xi32, #tpu.memory_space<vmem>>
    %dma_start3A_14 = tpu.memref_squeeze %dma_start3A_13 : memref<1x128xi32, #tpu.memory_space<vmem>> -> memref<128xi32, #tpu.memory_space<vmem>>
    %dma_start3A_15 = arith.constant 0 : i32
    %dma_start3A_16 = arith.constant 0 : i32
    %dma_start3A_17 = tpu.memref_slice %arg4[%dma_start3A_15, %dma_start3A_16] : memref<10000x8xf32, #tpu.memory_space<hbm>> -> memref<10000x8xf32, #tpu.memory_space<hbm>>
    tpu.enqueue_indirect_dma source(%dma_start3A_17 : memref<10000x8xf32, #tpu.memory_space<hbm>>) target(%dma_start3A_11 : memref<128x8xf32, #tpu.memory_space<vmem>>) offsets(%dma_start3A_14 : memref<128xi32, #tpu.memory_space<vmem>>) semaphore(%arg11 : memref<!tpu.dma_semaphore, #tpu.memory_space<semaphore_mem>>)
    %dma_start3A_18 = arith.constant 1 : i32
    %dma_start3A_19 = arith.constant 1 : i32
    %dma_start3A_20 = arith.constant 0 : i32
    %dma_start3A_21 = arith.constant 0 : i32
    %dma_start3A_22 = tpu.memref_slice %arg9[%dma_start3A_19, %dma_start3A_20, %dma_start3A_21] : memref<16x128x8xf32, #tpu.memory_space<vmem>> -> memref<1x128x8xf32, #tpu.memory_space<vmem>>
    %dma_start3A_23 = tpu.memref_squeeze %dma_start3A_22 : memref<1x128x8xf32, #tpu.memory_space<vmem>> -> memref<128x8xf32, #tpu.memory_space<vmem>>
    %dma_start3A_24 = arith.constant 0 : i32
    %dma_start3A_25 = tpu.memref_slice %arg7[%dma_start3A_18, %dma_start3A_24] : memref<80x128xi32, #tpu.memory_space<vmem>> -> memref<1x128xi32, #tpu.memory_space<vmem>>
    %dma_start3A_26 = tpu.memref_squeeze %dma_start3A_25 : memref<1x128xi32, #tpu.memory_space<vmem>> -> memref<128xi32, #tpu.memory_space<vmem>>
    %dma_start3A_27 = arith.constant 0 : i32
    %dma_start3A_28 = arith.constant 0 : i32
    %dma_start3A_29 = tpu.memref_slice %arg4[%dma_start3A_27, %dma_start3A_28] : memref<10000x8xf32, #tpu.memory_space<hbm>> -> memref<10000x8xf32, #tpu.memory_space<hbm>>
    tpu.enqueue_indirect_dma source(%dma_start3A_29 : memref<10000x8xf32, #tpu.memory_space<hbm>>) target(%dma_start3A_23 : memref<128x8xf32, #tpu.memory_space<vmem>>) offsets(%dma_start3A_26 : memref<128xi32, #tpu.memory_space<vmem>>) semaphore(%arg11 : memref<!tpu.dma_semaphore, #tpu.memory_space<semaphore_mem>>)
    %dma_start3A_30 = arith.constant 2 : i32
    %dma_start3A_31 = arith.constant 2 : i32
    %dma_start3A_32 = arith.constant 0 : i32
    %dma_start3A_33 = arith.constant 0 : i32
    %dma_start3A_34 = tpu.memref_slice %arg9[%dma_start3A_31, %dma_start3A_32, %dma_start3A_33] : memref<16x128x8xf32, #tpu.memory_space<vmem>> -> memref<1x128x8xf32, #tpu.memory_space<vmem>>
    %dma_start3A_35 = tpu.memref_squeeze %dma_start3A_34 : memref<1x128x8xf32, #tpu.memory_space<vmem>> -> memref<128x8xf32, #tpu.memory_space<vmem>>
    %dma_start3A_36 = arith.constant 0 : i32
    %dma_start3A_37 = tpu.memref_slice %arg7[%dma_start3A_30, %dma_start3A_36] : memref<80x128xi32, #tpu.memory_space<vmem>> -> memref<1x128xi32, #tpu.memory_space<vmem>>
    %dma_start3A_38 = tpu.memref_squeeze %dma_start3A_37 : memref<1x128xi32, #tpu.memory_space<vmem>> -> memref<128xi32, #tpu.memory_space<vmem>>
    %dma_start3A_39 = arith.constant 0 : i32
    %dma_start3A_40 = arith.constant 0 : i32
    %dma_start3A_41 = tpu.memref_slice %arg4[%dma_start3A_39, %dma_start3A_40] : memref<10000x8xf32, #tpu.memory_space<hbm>> -> memref<10000x8xf32, #tpu.memory_space<hbm>>
    tpu.enqueue_indirect_dma source(%dma_start3A_41 : memref<10000x8xf32, #tpu.memory_space<hbm>>) target(%dma_start3A_35 : memref<128x8xf32, #tpu.memory_space<vmem>>) offsets(%dma_start3A_38 : memref<128xi32, #tpu.memory_space<vmem>>) semaphore(%arg11 : memref<!tpu.dma_semaphore, #tpu.memory_space<semaphore_mem>>)
    %dma_start3A_42 = arith.constant 3 : i32
    %dma_start3A_43 = arith.constant 3 : i32
    %dma_start3A_44 = arith.constant 0 : i32
    %dma_start3A_45 = arith.constant 0 : i32
    %dma_start3A_46 = tpu.memref_slice %arg9[%dma_start3A_43, %dma_start3A_44, %dma_start3A_45] : memref<16x128x8xf32, #tpu.memory_space<vmem>> -> memref<1x128x8xf32, #tpu.memory_space<vmem>>
    %dma_start3A_47 = tpu.memref_squeeze %dma_start3A_46 : memref<1x128x8xf32, #tpu.memory_space<vmem>> -> memref<128x8xf32, #tpu.memory_space<vmem>>
    %dma_start3A_48 = arith.constant 0 : i32
    %dma_start3A_49 = tpu.memref_slice %arg7[%dma_start3A_42, %dma_start3A_48] : memref<80x128xi32, #tpu.memory_space<vmem>> -> memref<1x128xi32, #tpu.memory_space<vmem>>
    %dma_start3A_50 = tpu.memref_squeeze %dma_start3A_49 : memref<1x128xi32, #tpu.memory_space<vmem>> -> memref<128xi32, #tpu.memory_space<vmem>>
    %dma_start3A_51 = arith.constant 0 : i32
    %dma_start3A_52 = arith.constant 0 : i32
    %dma_start3A_53 = tpu.memref_slice %arg4[%dma_start3A_51, %dma_start3A_52] : memref<10000x8xf32, #tpu.memory_space<hbm>> -> memref<10000x8xf32, #tpu.memory_space<hbm>>
    tpu.enqueue_indirect_dma source(%dma_start3A_53 : memref<10000x8xf32, #tpu.memory_space<hbm>>) target(%dma_start3A_47 : memref<128x8xf32, #tpu.memory_space<vmem>>) offsets(%dma_start3A_50 : memref<128xi32, #tpu.memory_space<vmem>>) semaphore(%arg11 : memref<!tpu.dma_semaphore, #tpu.memory_space<semaphore_mem>>)
    %dma_start3A_54 = arith.constant 4 : i32
    %dma_start3A_55 = arith.constant 4 : i32
    %dma_start3A_56 = arith.constant 0 : i32
    %dma_start3A_57 = arith.constant 0 : i32
    %dma_start3A_58 = tpu.memref_slice %arg9[%dma_start3A_55, %dma_start3A_56, %dma_start3A_57] : memref<16x128x8xf32, #tpu.memory_space<vmem>> -> memref<1x128x8xf32, #tpu.memory_space<vmem>>
    %dma_start3A_59 = tpu.memref_squeeze %dma_start3A_58 : memref<1x128x8xf32, #tpu.memory_space<vmem>> -> memref<128x8xf32, #tpu.memory_space<vmem>>
    %dma_start3A_60 = arith.constant 0 : i32
    %dma_start3A_61 = tpu.memref_slice %arg7[%dma_start3A_54, %dma_start3A_60] : memref<80x128xi32, #tpu.memory_space<vmem>> -> memref<1x128xi32, #tpu.memory_space<vmem>>
    %dma_start3A_62 = tpu.memref_squeeze %dma_start3A_61 : memref<1x128xi32, #tpu.memory_space<vmem>> -> memref<128xi32, #tpu.memory_space<vmem>>
    %dma_start3A_63 = arith.constant 0 : i32
    %dma_start3A_64 = arith.constant 0 : i32
    %dma_start3A_65 = tpu.memref_slice %arg4[%dma_start3A_63, %dma_start3A_64] : memref<10000x8xf32, #tpu.memory_space<hbm>> -> memref<10000x8xf32, #tpu.memory_space<hbm>>
    tpu.enqueue_indirect_dma source(%dma_start3A_65 : memref<10000x8xf32, #tpu.memory_space<hbm>>) target(%dma_start3A_59 : memref<128x8xf32, #tpu.memory_space<vmem>>) offsets(%dma_start3A_62 : memref<128xi32, #tpu.memory_space<vmem>>) semaphore(%arg11 : memref<!tpu.dma_semaphore, #tpu.memory_space<semaphore_mem>>)
    %dma_start3A_66 = arith.constant 5 : i32
    %dma_start3A_67 = arith.constant 5 : i32
    %dma_start3A_68 = arith.constant 0 : i32
    %dma_start3A_69 = arith.constant 0 : i32
    %dma_start3A_70 = tpu.memref_slice %arg9[%dma_start3A_67, %dma_start3A_68, %dma_start3A_69] : memref<16x128x8xf32, #tpu.memory_space<vmem>> -> memref<1x128x8xf32, #tpu.memory_space<vmem>>
    %dma_start3A_71 = tpu.memref_squeeze %dma_start3A_70 : memref<1x128x8xf32, #tpu.memory_space<vmem>> -> memref<128x8xf32, #tpu.memory_space<vmem>>
    %dma_start3A_72 = arith.constant 0 : i32
    %dma_start3A_73 = tpu.memref_slice %arg7[%dma_start3A_66, %dma_start3A_72] : memref<80x128xi32, #tpu.memory_space<vmem>> -> memref<1x128xi32, #tpu.memory_space<vmem>>
    %dma_start3A_74 = tpu.memref_squeeze %dma_start3A_73 : memref<1x128xi32, #tpu.memory_space<vmem>> -> memref<128xi32, #tpu.memory_space<vmem>>
    %dma_start3A_75 = arith.constant 0 : i32
    %dma_start3A_76 = arith.constant 0 : i32
    %dma_start3A_77 = tpu.memref_slice %arg4[%dma_start3A_75, %dma_start3A_76] : memref<10000x8xf32, #tpu.memory_space<hbm>> -> memref<10000x8xf32, #tpu.memory_space<hbm>>
    tpu.enqueue_indirect_dma source(%dma_start3A_77 : memref<10000x8xf32, #tpu.memory_space<hbm>>) target(%dma_start3A_71 : memref<128x8xf32, #tpu.memory_space<vmem>>) offsets(%dma_start3A_74 : memref<128xi32, #tpu.memory_space<vmem>>) semaphore(%arg11 : memref<!tpu.dma_semaphore, #tpu.memory_space<semaphore_mem>>)
    %dma_start3A_78 = arith.constant 6 : i32
    %dma_start3A_79 = arith.constant 6 : i32
    %dma_start3A_80 = arith.constant 0 : i32
    %dma_start3A_81 = arith.constant 0 : i32
    %dma_start3A_82 = tpu.memref_slice %arg9[%dma_start3A_79, %dma_start3A_80, %dma_start3A_81] : memref<16x128x8xf32, #tpu.memory_space<vmem>> -> memref<1x128x8xf32, #tpu.memory_space<vmem>>
    %dma_start3A_83 = tpu.memref_squeeze %dma_start3A_82 : memref<1x128x8xf32, #tpu.memory_space<vmem>> -> memref<128x8xf32, #tpu.memory_space<vmem>>
    %dma_start3A_84 = arith.constant 0 : i32
    %dma_start3A_85 = tpu.memref_slice %arg7[%dma_start3A_78, %dma_start3A_84] : memref<80x128xi32, #tpu.memory_space<vmem>> -> memref<1x128xi32, #tpu.memory_space<vmem>>
    %dma_start3A_86 = tpu.memref_squeeze %dma_start3A_85 : memref<1x128xi32, #tpu.memory_space<vmem>> -> memref<128xi32, #tpu.memory_space<vmem>>
    %dma_start3A_87 = arith.constant 0 : i32
    %dma_start3A_88 = arith.constant 0 : i32
    %dma_start3A_89 = tpu.memref_slice %arg4[%dma_start3A_87, %dma_start3A_88] : memref<10000x8xf32, #tpu.memory_space<hbm>> -> memref<10000x8xf32, #tpu.memory_space<hbm>>
    tpu.enqueue_indirect_dma source(%dma_start3A_89 : memref<10000x8xf32, #tpu.memory_space<hbm>>) target(%dma_start3A_83 : memref<128x8xf32, #tpu.memory_space<vmem>>) offsets(%dma_start3A_86 : memref<128xi32, #tpu.memory_space<vmem>>) semaphore(%arg11 : memref<!tpu.dma_semaphore, #tpu.memory_space<semaphore_mem>>)
    %dma_start3A_90 = arith.constant 7 : i32
    %dma_start3A_91 = arith.constant 7 : i32
    %dma_start3A_92 = arith.constant 0 : i32
    %dma_start3A_93 = arith.constant 0 : i32
    %dma_start3A_94 = tpu.memref_slice %arg9[%dma_start3A_91, %dma_start3A_92, %dma_start3A_93] : memref<16x128x8xf32, #tpu.memory_space<vmem>> -> memref<1x128x8xf32, #tpu.memory_space<vmem>>
    %dma_start3A_95 = tpu.memref_squeeze %dma_start3A_94 : memref<1x128x8xf32, #tpu.memory_space<vmem>> -> memref<128x8xf32, #tpu.memory_space<vmem>>
    %dma_start3A_96 = arith.constant 0 : i32
    %dma_start3A_97 = tpu.memref_slice %arg7[%dma_start3A_90, %dma_start3A_96] : memref<80x128xi32, #tpu.memory_space<vmem>> -> memref<1x128xi32, #tpu.memory_space<vmem>>
    %dma_start3A_98 = tpu.memref_squeeze %dma_start3A_97 : memref<1x128xi32, #tpu.memory_space<vmem>> -> memref<128xi32, #tpu.memory_space<vmem>>
    %dma_start3A_99 = arith.constant 0 : i32
    %dma_start3A_100 = arith.constant 0 : i32
    %dma_start3A_101 = tpu.memref_slice %arg4[%dma_start3A_99, %dma_start3A_100] : memref<10000x8xf32, #tpu.memory_space<hbm>> -> memref<10000x8xf32, #tpu.memory_space<hbm>>
    tpu.enqueue_indirect_dma source(%dma_start3A_101 : memref<10000x8xf32, #tpu.memory_space<hbm>>) target(%dma_start3A_95 : memref<128x8xf32, #tpu.memory_space<vmem>>) offsets(%dma_start3A_98 : memref<128xi32, #tpu.memory_space<vmem>>) semaphore(%arg11 : memref<!tpu.dma_semaphore, #tpu.memory_space<semaphore_mem>>)
    %dma_start3A_102 = arith.constant 8 : i32
    %dma_start3A_103 = arith.constant 8 : i32
    %dma_start3A_104 = arith.constant 0 : i32
    %dma_start3A_105 = arith.constant 0 : i32
    %dma_start3A_106 = tpu.memref_slice %arg9[%dma_start3A_103, %dma_start3A_104, %dma_start3A_105] : memref<16x128x8xf32, #tpu.memory_space<vmem>> -> memref<1x128x8xf32, #tpu.memory_space<vmem>>
    %dma_start3A_107 = tpu.memref_squeeze %dma_start3A_106 : memref<1x128x8xf32, #tpu.memory_space<vmem>> -> memref<128x8xf32, #tpu.memory_space<vmem>>
    %dma_start3A_108 = arith.constant 0 : i32
    %dma_start3A_109 = tpu.memref_slice %arg7[%dma_start3A_102, %dma_start3A_108] : memref<80x128xi32, #tpu.memory_space<vmem>> -> memref<1x128xi32, #tpu.memory_space<vmem>>
    %dma_start3A_110 = tpu.memref_squeeze %dma_start3A_109 : memref<1x128xi32, #tpu.memory_space<vmem>> -> memref<128xi32, #tpu.memory_space<vmem>>
    %dma_start3A_111 = arith.constant 0 : i32
    %dma_start3A_112 = arith.constant 0 : i32
    %dma_start3A_113 = tpu.memref_slice %arg4[%dma_start3A_111, %dma_start3A_112] : memref<10000x8xf32, #tpu.memory_space<hbm>> -> memref<10000x8xf32, #tpu.memory_space<hbm>>
    tpu.enqueue_indirect_dma source(%dma_start3A_113 : memref<10000x8xf32, #tpu.memory_space<hbm>>) target(%dma_start3A_107 : memref<128x8xf32, #tpu.memory_space<vmem>>) offsets(%dma_start3A_110 : memref<128xi32, #tpu.memory_space<vmem>>) semaphore(%arg11 : memref<!tpu.dma_semaphore, #tpu.memory_space<semaphore_mem>>)
    %dma_start3A_114 = arith.constant 9 : i32
    %dma_start3A_115 = arith.constant 9 : i32
    %dma_start3A_116 = arith.constant 0 : i32
    %dma_start3A_117 = arith.constant 0 : i32
    %dma_start3A_118 = tpu.memref_slice %arg9[%dma_start3A_115, %dma_start3A_116, %dma_start3A_117] : memref<16x128x8xf32, #tpu.memory_space<vmem>> -> memref<1x128x8xf32, #tpu.memory_space<vmem>>
    %dma_start3A_119 = tpu.memref_squeeze %dma_start3A_118 : memref<1x128x8xf32, #tpu.memory_space<vmem>> -> memref<128x8xf32, #tpu.memory_space<vmem>>
    %dma_start3A_120 = arith.constant 0 : i32
    %dma_start3A_121 = tpu.memref_slice %arg7[%dma_start3A_114, %dma_start3A_120] : memref<80x128xi32, #tpu.memory_space<vmem>> -> memref<1x128xi32, #tpu.memory_space<vmem>>
    %dma_start3A_122 = tpu.memref_squeeze %dma_start3A_121 : memref<1x128xi32, #tpu.memory_space<vmem>> -> memref<128xi32, #tpu.memory_space<vmem>>
    %dma_start3A_123 = arith.constant 0 : i32
    %dma_start3A_124 = arith.constant 0 : i32
    %dma_start3A_125 = tpu.memref_slice %arg4[%dma_start3A_123, %dma_start3A_124] : memref<10000x8xf32, #tpu.memory_space<hbm>> -> memref<10000x8xf32, #tpu.memory_space<hbm>>
    tpu.enqueue_indirect_dma source(%dma_start3A_125 : memref<10000x8xf32, #tpu.memory_space<hbm>>) target(%dma_start3A_119 : memref<128x8xf32, #tpu.memory_space<vmem>>) offsets(%dma_start3A_122 : memref<128xi32, #tpu.memory_space<vmem>>) semaphore(%arg11 : memref<!tpu.dma_semaphore, #tpu.memory_space<semaphore_mem>>)
    %dma_start3A_126 = arith.constant 10 : i32
    %dma_start3A_127 = arith.constant 10 : i32
    %dma_start3A_128 = arith.constant 0 : i32
    %dma_start3A_129 = arith.constant 0 : i32
    %dma_start3A_130 = tpu.memref_slice %arg9[%dma_start3A_127, %dma_start3A_128, %dma_start3A_129] : memref<16x128x8xf32, #tpu.memory_space<vmem>> -> memref<1x128x8xf32, #tpu.memory_space<vmem>>
    %dma_start3A_131 = tpu.memref_squeeze %dma_start3A_130 : memref<1x128x8xf32, #tpu.memory_space<vmem>> -> memref<128x8xf32, #tpu.memory_space<vmem>>
    %dma_start3A_132 = arith.constant 0 : i32
    %dma_start3A_133 = tpu.memref_slice %arg7[%dma_start3A_126, %dma_start3A_132] : memref<80x128xi32, #tpu.memory_space<vmem>> -> memref<1x128xi32, #tpu.memory_space<vmem>>
    %dma_start3A_134 = tpu.memref_squeeze %dma_start3A_133 : memref<1x128xi32, #tpu.memory_space<vmem>> -> memref<128xi32, #tpu.memory_space<vmem>>
    %dma_start3A_135 = arith.constant 0 : i32
    %dma_start3A_136 = arith.constant 0 : i32
    %dma_start3A_137 = tpu.memref_slice %arg4[%dma_start3A_135, %dma_start3A_136] : memref<10000x8xf32, #tpu.memory_space<hbm>> -> memref<10000x8xf32, #tpu.memory_space<hbm>>
    tpu.enqueue_indirect_dma source(%dma_start3A_137 : memref<10000x8xf32, #tpu.memory_space<hbm>>) target(%dma_start3A_131 : memref<128x8xf32, #tpu.memory_space<vmem>>) offsets(%dma_start3A_134 : memref<128xi32, #tpu.memory_space<vmem>>) semaphore(%arg11 : memref<!tpu.dma_semaphore, #tpu.memory_space<semaphore_mem>>)
    %dma_start3A_138 = arith.constant 11 : i32
    %dma_start3A_139 = arith.constant 11 : i32
    %dma_start3A_140 = arith.constant 0 : i32
    %dma_start3A_141 = arith.constant 0 : i32
    %dma_start3A_142 = tpu.memref_slice %arg9[%dma_start3A_139, %dma_start3A_140, %dma_start3A_141] : memref<16x128x8xf32, #tpu.memory_space<vmem>> -> memref<1x128x8xf32, #tpu.memory_space<vmem>>
    %dma_start3A_143 = tpu.memref_squeeze %dma_start3A_142 : memref<1x128x8xf32, #tpu.memory_space<vmem>> -> memref<128x8xf32, #tpu.memory_space<vmem>>
    %dma_start3A_144 = arith.constant 0 : i32
    %dma_start3A_145 = tpu.memref_slice %arg7[%dma_start3A_138, %dma_start3A_144] : memref<80x128xi32, #tpu.memory_space<vmem>> -> memref<1x128xi32, #tpu.memory_space<vmem>>
    %dma_start3A_146 = tpu.memref_squeeze %dma_start3A_145 : memref<1x128xi32, #tpu.memory_space<vmem>> -> memref<128xi32, #tpu.memory_space<vmem>>
    %dma_start3A_147 = arith.constant 0 : i32
    %dma_start3A_148 = arith.constant 0 : i32
    %dma_start3A_149 = tpu.memref_slice %arg4[%dma_start3A_147, %dma_start3A_148] : memref<10000x8xf32, #tpu.memory_space<hbm>> -> memref<10000x8xf32, #tpu.memory_space<hbm>>
    tpu.enqueue_indirect_dma source(%dma_start3A_149 : memref<10000x8xf32, #tpu.memory_space<hbm>>) target(%dma_start3A_143 : memref<128x8xf32, #tpu.memory_space<vmem>>) offsets(%dma_start3A_146 : memref<128xi32, #tpu.memory_space<vmem>>) semaphore(%arg11 : memref<!tpu.dma_semaphore, #tpu.memory_space<semaphore_mem>>)
    %dma_start3A_150 = arith.constant 12 : i32
    %dma_start3A_151 = arith.constant 12 : i32
    %dma_start3A_152 = arith.constant 0 : i32
    %dma_start3A_153 = arith.constant 0 : i32
    %dma_start3A_154 = tpu.memref_slice %arg9[%dma_start3A_151, %dma_start3A_152, %dma_start3A_153] : memref<16x128x8xf32, #tpu.memory_space<vmem>> -> memref<1x128x8xf32, #tpu.memory_space<vmem>>
    %dma_start3A_155 = tpu.memref_squeeze %dma_start3A_154 : memref<1x128x8xf32, #tpu.memory_space<vmem>> -> memref<128x8xf32, #tpu.memory_space<vmem>>
    %dma_start3A_156 = arith.constant 0 : i32
    %dma_start3A_157 = tpu.memref_slice %arg7[%dma_start3A_150, %dma_start3A_156] : memref<80x128xi32, #tpu.memory_space<vmem>> -> memref<1x128xi32, #tpu.memory_space<vmem>>
    %dma_start3A_158 = tpu.memref_squeeze %dma_start3A_157 : memref<1x128xi32, #tpu.memory_space<vmem>> -> memref<128xi32, #tpu.memory_space<vmem>>
    %dma_start3A_159 = arith.constant 0 : i32
    %dma_start3A_160 = arith.constant 0 : i32
    %dma_start3A_161 = tpu.memref_slice %arg4[%dma_start3A_159, %dma_start3A_160] : memref<10000x8xf32, #tpu.memory_space<hbm>> -> memref<10000x8xf32, #tpu.memory_space<hbm>>
    tpu.enqueue_indirect_dma source(%dma_start3A_161 : memref<10000x8xf32, #tpu.memory_space<hbm>>) target(%dma_start3A_155 : memref<128x8xf32, #tpu.memory_space<vmem>>) offsets(%dma_start3A_158 : memref<128xi32, #tpu.memory_space<vmem>>) semaphore(%arg11 : memref<!tpu.dma_semaphore, #tpu.memory_space<semaphore_mem>>)
    %dma_start3A_162 = arith.constant 13 : i32
    %dma_start3A_163 = arith.constant 13 : i32
    %dma_start3A_164 = arith.constant 0 : i32
    %dma_start3A_165 = arith.constant 0 : i32
    %dma_start3A_166 = tpu.memref_slice %arg9[%dma_start3A_163, %dma_start3A_164, %dma_start3A_165] : memref<16x128x8xf32, #tpu.memory_space<vmem>> -> memref<1x128x8xf32, #tpu.memory_space<vmem>>
    %dma_start3A_167 = tpu.memref_squeeze %dma_start3A_166 : memref<1x128x8xf32, #tpu.memory_space<vmem>> -> memref<128x8xf32, #tpu.memory_space<vmem>>
    %dma_start3A_168 = arith.constant 0 : i32
    %dma_start3A_169 = tpu.memref_slice %arg7[%dma_start3A_162, %dma_start3A_168] : memref<80x128xi32, #tpu.memory_space<vmem>> -> memref<1x128xi32, #tpu.memory_space<vmem>>
    %dma_start3A_170 = tpu.memref_squeeze %dma_start3A_169 : memref<1x128xi32, #tpu.memory_space<vmem>> -> memref<128xi32, #tpu.memory_space<vmem>>
    %dma_start3A_171 = arith.constant 0 : i32
    %dma_start3A_172 = arith.constant 0 : i32
    %dma_start3A_173 = tpu.memref_slice %arg4[%dma_start3A_171, %dma_start3A_172] : memref<10000x8xf32, #tpu.memory_space<hbm>> -> memref<10000x8xf32, #tpu.memory_space<hbm>>
    tpu.enqueue_indirect_dma source(%dma_start3A_173 : memref<10000x8xf32, #tpu.memory_space<hbm>>) target(%dma_start3A_167 : memref<128x8xf32, #tpu.memory_space<vmem>>) offsets(%dma_start3A_170 : memref<128xi32, #tpu.memory_space<vmem>>) semaphore(%arg11 : memref<!tpu.dma_semaphore, #tpu.memory_space<semaphore_mem>>)
    %dma_start3A_174 = arith.constant 14 : i32
    %dma_start3A_175 = arith.constant 14 : i32
    %dma_start3A_176 = arith.constant 0 : i32
    %dma_start3A_177 = arith.constant 0 : i32
    %dma_start3A_178 = tpu.memref_slice %arg9[%dma_start3A_175, %dma_start3A_176, %dma_start3A_177] : memref<16x128x8xf32, #tpu.memory_space<vmem>> -> memref<1x128x8xf32, #tpu.memory_space<vmem>>
    %dma_start3A_179 = tpu.memref_squeeze %dma_start3A_178 : memref<1x128x8xf32, #tpu.memory_space<vmem>> -> memref<128x8xf32, #tpu.memory_space<vmem>>
    %dma_start3A_180 = arith.constant 0 : i32
    %dma_start3A_181 = tpu.memref_slice %arg7[%dma_start3A_174, %dma_start3A_180] : memref<80x128xi32, #tpu.memory_space<vmem>> -> memref<1x128xi32, #tpu.memory_space<vmem>>
    %dma_start3A_182 = tpu.memref_squeeze %dma_start3A_181 : memref<1x128xi32, #tpu.memory_space<vmem>> -> memref<128xi32, #tpu.memory_space<vmem>>
    %dma_start3A_183 = arith.constant 0 : i32
    %dma_start3A_184 = arith.constant 0 : i32
    %dma_start3A_185 = tpu.memref_slice %arg4[%dma_start3A_183, %dma_start3A_184] : memref<10000x8xf32, #tpu.memory_space<hbm>> -> memref<10000x8xf32, #tpu.memory_space<hbm>>
    tpu.enqueue_indirect_dma source(%dma_start3A_185 : memref<10000x8xf32, #tpu.memory_space<hbm>>) target(%dma_start3A_179 : memref<128x8xf32, #tpu.memory_space<vmem>>) offsets(%dma_start3A_182 : memref<128xi32, #tpu.memory_space<vmem>>) semaphore(%arg11 : memref<!tpu.dma_semaphore, #tpu.memory_space<semaphore_mem>>)
    %dma_start3A_186 = arith.constant 15 : i32
    %dma_start3A_187 = arith.constant 15 : i32
    %dma_start3A_188 = arith.constant 0 : i32
    %dma_start3A_189 = arith.constant 0 : i32
    %dma_start3A_190 = tpu.memref_slice %arg9[%dma_start3A_187, %dma_start3A_188, %dma_start3A_189] : memref<16x128x8xf32, #tpu.memory_space<vmem>> -> memref<1x128x8xf32, #tpu.memory_space<vmem>>
    %dma_start3A_191 = tpu.memref_squeeze %dma_start3A_190 : memref<1x128x8xf32, #tpu.memory_space<vmem>> -> memref<128x8xf32, #tpu.memory_space<vmem>>
    %dma_start3A_192 = arith.constant 0 : i32
    %dma_start3A_193 = tpu.memref_slice %arg7[%dma_start3A_186, %dma_start3A_192] : memref<80x128xi32, #tpu.memory_space<vmem>> -> memref<1x128xi32, #tpu.memory_space<vmem>>
    %dma_start3A_194 = tpu.memref_squeeze %dma_start3A_193 : memref<1x128xi32, #tpu.memory_space<vmem>> -> memref<128xi32, #tpu.memory_space<vmem>>
    %dma_start3A_195 = arith.constant 0 : i32
    %dma_start3A_196 = arith.constant 0 : i32
    %dma_start3A_197 = tpu.memref_slice %arg4[%dma_start3A_195, %dma_start3A_196] : memref<10000x8xf32, #tpu.memory_space<hbm>> -> memref<10000x8xf32, #tpu.memory_space<hbm>>
    tpu.enqueue_indirect_dma source(%dma_start3A_197 : memref<10000x8xf32, #tpu.memory_space<hbm>>) target(%dma_start3A_191 : memref<128x8xf32, #tpu.memory_space<vmem>>) offsets(%dma_start3A_194 : memref<128xi32, #tpu.memory_space<vmem>>) semaphore(%arg11 : memref<!tpu.dma_semaphore, #tpu.memory_space<semaphore_mem>>)
    %barrier3A = arith.constant 0 : index
    tpu.barrier barrier_id(%barrier3A)
    %scan3A = arith.constant 0 : i32
    %scan3A_198 = arith.constant 5 : i32
    %scan3A_199 = arith.addi %scan3A, %scan3A_198 : i32
    %scan3A_200 = arith.constant 1 : i32
    scf.for %scan3A_398 = %scan3A to %scan3A_199 step %scan3A_200  : i32 {
      %mul3A_399 = arith.constant 1 : i32
      %mul3A_400 = arith.muli %scan3A_398, %mul3A_399 : i32
      %add3A_401 = arith.constant 0 : i32
      %add3A_402 = arith.addi %add3A_401, %mul3A_400 : i32
      %mul3A_403 = arith.constant 16 : i32
      %mul3A_404 = arith.muli %add3A_402, %mul3A_403 : i32
      %add3A_405 = arith.constant 0 : i32
      %add3A_406 = arith.addi %mul3A_404, %add3A_405 : i32
      %dma_wait3A_407 = arith.constant 0 : i32
      %dma_wait3A_408 = arith.constant 0 : i32
      %dma_wait3A_409 = arith.constant 0 : i32
      %dma_wait3A_410 = tpu.memref_slice %arg9[%dma_wait3A_407, %dma_wait3A_408, %dma_wait3A_409] : memref<16x128x8xf32, #tpu.memory_space<vmem>> -> memref<1x128x8xf32, #tpu.memory_space<vmem>>
      %dma_wait3A_411 = tpu.memref_squeeze %dma_wait3A_410 : memref<1x128x8xf32, #tpu.memory_space<vmem>> -> memref<128x8xf32, #tpu.memory_space<vmem>>
      %dma_wait3A_412 = arith.constant 0 : i32
      %dma_wait3A_413 = tpu.memref_slice %arg7[%add3A_406, %dma_wait3A_412] : memref<80x128xi32, #tpu.memory_space<vmem>> -> memref<1x128xi32, #tpu.memory_space<vmem>>
      %dma_wait3A_414 = tpu.memref_squeeze %dma_wait3A_413 : memref<1x128xi32, #tpu.memory_space<vmem>> -> memref<128xi32, #tpu.memory_space<vmem>>
      %dma_wait3A_415 = arith.constant 0 : i32
      %dma_wait3A_416 = arith.constant 0 : i32
      %dma_wait3A_417 = tpu.memref_slice %arg4[%dma_wait3A_415, %dma_wait3A_416] : memref<10000x8xf32, #tpu.memory_space<hbm>> -> memref<10000x8xf32, #tpu.memory_space<hbm>>
      tpu.wait_indirect_dma semaphore(%arg11 : memref<!tpu.dma_semaphore, #tpu.memory_space<semaphore_mem>>) src(%dma_wait3A_417 : memref<10000x8xf32, #tpu.memory_space<hbm>>) dst(%dma_wait3A_411 : memref<128x8xf32, #tpu.memory_space<vmem>>)
      %dma_start3A_418 = arith.constant 0 : i32
      %dma_start3A_419 = arith.constant 0 : i32
      %dma_start3A_420 = arith.constant 0 : i32
      %dma_start3A_421 = tpu.memref_slice %arg9[%dma_start3A_418, %dma_start3A_419, %dma_start3A_420] : memref<16x128x8xf32, #tpu.memory_space<vmem>> -> memref<1x128x8xf32, #tpu.memory_space<vmem>>
      %dma_start3A_422 = tpu.memref_squeeze %dma_start3A_421 : memref<1x128x8xf32, #tpu.memory_space<vmem>> -> memref<128x8xf32, #tpu.memory_space<vmem>>
      %dma_start3A_423 = arith.constant 0 : i32
      %dma_start3A_424 = tpu.memref_slice %arg8[%add3A_406, %dma_start3A_423] : memref<80x128xi32, #tpu.memory_space<vmem>> -> memref<1x128xi32, #tpu.memory_space<vmem>>
      %dma_start3A_425 = tpu.memref_squeeze %dma_start3A_424 : memref<1x128xi32, #tpu.memory_space<vmem>> -> memref<128xi32, #tpu.memory_space<vmem>>
      %dma_start3A_426 = arith.constant 0 : i32
      %dma_start3A_427 = arith.constant 0 : i32
      %dma_start3A_428 = tpu.memref_slice %arg10[%dma_start3A_426, %dma_start3A_427] : memref<10240x8xf32, #tpu.memory_space<vmem_shared>> -> memref<10240x8xf32, #tpu.memory_space<vmem_shared>>
      tpu.enqueue_indirect_dma source(%dma_start3A_422 : memref<128x8xf32, #tpu.memory_space<vmem>>) target(%dma_start3A_428 : memref<10240x8xf32, #tpu.memory_space<vmem_shared>>) offsets(%dma_start3A_425 : memref<128xi32, #tpu.memory_space<vmem>>) semaphore(%arg12 : memref<!tpu.dma_semaphore, #tpu.memory_space<semaphore_mem>>) {add = true}
      %add3A_429 = arith.constant 1 : i32
      %add3A_430 = arith.addi %mul3A_404, %add3A_429 : i32
      %dma_wait3A_431 = arith.constant 1 : i32
      %dma_wait3A_432 = arith.constant 0 : i32
      %dma_wait3A_433 = arith.constant 0 : i32
      %dma_wait3A_434 = tpu.memref_slice %arg9[%dma_wait3A_431, %dma_wait3A_432, %dma_wait3A_433] : memref<16x128x8xf32, #tpu.memory_space<vmem>> -> memref<1x128x8xf32, #tpu.memory_space<vmem>>
      %dma_wait3A_435 = tpu.memref_squeeze %dma_wait3A_434 : memref<1x128x8xf32, #tpu.memory_space<vmem>> -> memref<128x8xf32, #tpu.memory_space<vmem>>
      %dma_wait3A_436 = arith.constant 0 : i32
      %dma_wait3A_437 = tpu.memref_slice %arg7[%add3A_430, %dma_wait3A_436] : memref<80x128xi32, #tpu.memory_space<vmem>> -> memref<1x128xi32, #tpu.memory_space<vmem>>
      %dma_wait3A_438 = tpu.memref_squeeze %dma_wait3A_437 : memref<1x128xi32, #tpu.memory_space<vmem>> -> memref<128xi32, #tpu.memory_space<vmem>>
      %dma_wait3A_439 = arith.constant 0 : i32
      %dma_wait3A_440 = arith.constant 0 : i32
      %dma_wait3A_441 = tpu.memref_slice %arg4[%dma_wait3A_439, %dma_wait3A_440] : memref<10000x8xf32, #tpu.memory_space<hbm>> -> memref<10000x8xf32, #tpu.memory_space<hbm>>
      tpu.wait_indirect_dma semaphore(%arg11 : memref<!tpu.dma_semaphore, #tpu.memory_space<semaphore_mem>>) src(%dma_wait3A_441 : memref<10000x8xf32, #tpu.memory_space<hbm>>) dst(%dma_wait3A_435 : memref<128x8xf32, #tpu.memory_space<vmem>>)
      %dma_start3A_442 = arith.constant 1 : i32
      %dma_start3A_443 = arith.constant 0 : i32
      %dma_start3A_444 = arith.constant 0 : i32
      %dma_start3A_445 = tpu.memref_slice %arg9[%dma_start3A_442, %dma_start3A_443, %dma_start3A_444] : memref<16x128x8xf32, #tpu.memory_space<vmem>> -> memref<1x128x8xf32, #tpu.memory_space<vmem>>
      %dma_start3A_446 = tpu.memref_squeeze %dma_start3A_445 : memref<1x128x8xf32, #tpu.memory_space<vmem>> -> memref<128x8xf32, #tpu.memory_space<vmem>>
      %dma_start3A_447 = arith.constant 0 : i32
      %dma_start3A_448 = tpu.memref_slice %arg8[%add3A_430, %dma_start3A_447] : memref<80x128xi32, #tpu.memory_space<vmem>> -> memref<1x128xi32, #tpu.memory_space<vmem>>
      %dma_start3A_449 = tpu.memref_squeeze %dma_start3A_448 : memref<1x128xi32, #tpu.memory_space<vmem>> -> memref<128xi32, #tpu.memory_space<vmem>>
      %dma_start3A_450 = arith.constant 0 : i32
      %dma_start3A_451 = arith.constant 0 : i32
      %dma_start3A_452 = tpu.memref_slice %arg10[%dma_start3A_450, %dma_start3A_451] : memref<10240x8xf32, #tpu.memory_space<vmem_shared>> -> memref<10240x8xf32, #tpu.memory_space<vmem_shared>>
      tpu.enqueue_indirect_dma source(%dma_start3A_446 : memref<128x8xf32, #tpu.memory_space<vmem>>) target(%dma_start3A_452 : memref<10240x8xf32, #tpu.memory_space<vmem_shared>>) offsets(%dma_start3A_449 : memref<128xi32, #tpu.memory_space<vmem>>) semaphore(%arg12 : memref<!tpu.dma_semaphore, #tpu.memory_space<semaphore_mem>>) {add = true}
      %add3A_453 = arith.constant 2 : i32
      %add3A_454 = arith.addi %mul3A_404, %add3A_453 : i32
      %dma_wait3A_455 = arith.constant 2 : i32
      %dma_wait3A_456 = arith.constant 0 : i32
      %dma_wait3A_457 = arith.constant 0 : i32
      %dma_wait3A_458 = tpu.memref_slice %arg9[%dma_wait3A_455, %dma_wait3A_456, %dma_wait3A_457] : memref<16x128x8xf32, #tpu.memory_space<vmem>> -> memref<1x128x8xf32, #tpu.memory_space<vmem>>
      %dma_wait3A_459 = tpu.memref_squeeze %dma_wait3A_458 : memref<1x128x8xf32, #tpu.memory_space<vmem>> -> memref<128x8xf32, #tpu.memory_space<vmem>>
      %dma_wait3A_460 = arith.constant 0 : i32
      %dma_wait3A_461 = tpu.memref_slice %arg7[%add3A_454, %dma_wait3A_460] : memref<80x128xi32, #tpu.memory_space<vmem>> -> memref<1x128xi32, #tpu.memory_space<vmem>>
      %dma_wait3A_462 = tpu.memref_squeeze %dma_wait3A_461 : memref<1x128xi32, #tpu.memory_space<vmem>> -> memref<128xi32, #tpu.memory_space<vmem>>
      %dma_wait3A_463 = arith.constant 0 : i32
      %dma_wait3A_464 = arith.constant 0 : i32
      %dma_wait3A_465 = tpu.memref_slice %arg4[%dma_wait3A_463, %dma_wait3A_464] : memref<10000x8xf32, #tpu.memory_space<hbm>> -> memref<10000x8xf32, #tpu.memory_space<hbm>>
      tpu.wait_indirect_dma semaphore(%arg11 : memref<!tpu.dma_semaphore, #tpu.memory_space<semaphore_mem>>) src(%dma_wait3A_465 : memref<10000x8xf32, #tpu.memory_space<hbm>>) dst(%dma_wait3A_459 : memref<128x8xf32, #tpu.memory_space<vmem>>)
      %dma_start3A_466 = arith.constant 2 : i32
      %dma_start3A_467 = arith.constant 0 : i32
      %dma_start3A_468 = arith.constant 0 : i32
      %dma_start3A_469 = tpu.memref_slice %arg9[%dma_start3A_466, %dma_start3A_467, %dma_start3A_468] : memref<16x128x8xf32, #tpu.memory_space<vmem>> -> memref<1x128x8xf32, #tpu.memory_space<vmem>>
      %dma_start3A_470 = tpu.memref_squeeze %dma_start3A_469 : memref<1x128x8xf32, #tpu.memory_space<vmem>> -> memref<128x8xf32, #tpu.memory_space<vmem>>
      %dma_start3A_471 = arith.constant 0 : i32
      %dma_start3A_472 = tpu.memref_slice %arg8[%add3A_454, %dma_start3A_471] : memref<80x128xi32, #tpu.memory_space<vmem>> -> memref<1x128xi32, #tpu.memory_space<vmem>>
      %dma_start3A_473 = tpu.memref_squeeze %dma_start3A_472 : memref<1x128xi32, #tpu.memory_space<vmem>> -> memref<128xi32, #tpu.memory_space<vmem>>
      %dma_start3A_474 = arith.constant 0 : i32
      %dma_start3A_475 = arith.constant 0 : i32
      %dma_start3A_476 = tpu.memref_slice %arg10[%dma_start3A_474, %dma_start3A_475] : memref<10240x8xf32, #tpu.memory_space<vmem_shared>> -> memref<10240x8xf32, #tpu.memory_space<vmem_shared>>
      tpu.enqueue_indirect_dma source(%dma_start3A_470 : memref<128x8xf32, #tpu.memory_space<vmem>>) target(%dma_start3A_476 : memref<10240x8xf32, #tpu.memory_space<vmem_shared>>) offsets(%dma_start3A_473 : memref<128xi32, #tpu.memory_space<vmem>>) semaphore(%arg12 : memref<!tpu.dma_semaphore, #tpu.memory_space<semaphore_mem>>) {add = true}
      %add3A_477 = arith.constant 3 : i32
      %add3A_478 = arith.addi %mul3A_404, %add3A_477 : i32
      %dma_wait3A_479 = arith.constant 3 : i32
      %dma_wait3A_480 = arith.constant 0 : i32
      %dma_wait3A_481 = arith.constant 0 : i32
      %dma_wait3A_482 = tpu.memref_slice %arg9[%dma_wait3A_479, %dma_wait3A_480, %dma_wait3A_481] : memref<16x128x8xf32, #tpu.memory_space<vmem>> -> memref<1x128x8xf32, #tpu.memory_space<vmem>>
      %dma_wait3A_483 = tpu.memref_squeeze %dma_wait3A_482 : memref<1x128x8xf32, #tpu.memory_space<vmem>> -> memref<128x8xf32, #tpu.memory_space<vmem>>
      %dma_wait3A_484 = arith.constant 0 : i32
      %dma_wait3A_485 = tpu.memref_slice %arg7[%add3A_478, %dma_wait3A_484] : memref<80x128xi32, #tpu.memory_space<vmem>> -> memref<1x128xi32, #tpu.memory_space<vmem>>
      %dma_wait3A_486 = tpu.memref_squeeze %dma_wait3A_485 : memref<1x128xi32, #tpu.memory_space<vmem>> -> memref<128xi32, #tpu.memory_space<vmem>>
      %dma_wait3A_487 = arith.constant 0 : i32
      %dma_wait3A_488 = arith.constant 0 : i32
      %dma_wait3A_489 = tpu.memref_slice %arg4[%dma_wait3A_487, %dma_wait3A_488] : memref<10000x8xf32, #tpu.memory_space<hbm>> -> memref<10000x8xf32, #tpu.memory_space<hbm>>
      tpu.wait_indirect_dma semaphore(%arg11 : memref<!tpu.dma_semaphore, #tpu.memory_space<semaphore_mem>>) src(%dma_wait3A_489 : memref<10000x8xf32, #tpu.memory_space<hbm>>) dst(%dma_wait3A_483 : memref<128x8xf32, #tpu.memory_space<vmem>>)
      %dma_start3A_490 = arith.constant 3 : i32
      %dma_start3A_491 = arith.constant 0 : i32
      %dma_start3A_492 = arith.constant 0 : i32
      %dma_start3A_493 = tpu.memref_slice %arg9[%dma_start3A_490, %dma_start3A_491, %dma_start3A_492] : memref<16x128x8xf32, #tpu.memory_space<vmem>> -> memref<1x128x8xf32, #tpu.memory_space<vmem>>
      %dma_start3A_494 = tpu.memref_squeeze %dma_start3A_493 : memref<1x128x8xf32, #tpu.memory_space<vmem>> -> memref<128x8xf32, #tpu.memory_space<vmem>>
      %dma_start3A_495 = arith.constant 0 : i32
      %dma_start3A_496 = tpu.memref_slice %arg8[%add3A_478, %dma_start3A_495] : memref<80x128xi32, #tpu.memory_space<vmem>> -> memref<1x128xi32, #tpu.memory_space<vmem>>
      %dma_start3A_497 = tpu.memref_squeeze %dma_start3A_496 : memref<1x128xi32, #tpu.memory_space<vmem>> -> memref<128xi32, #tpu.memory_space<vmem>>
      %dma_start3A_498 = arith.constant 0 : i32
      %dma_start3A_499 = arith.constant 0 : i32
      %dma_start3A_500 = tpu.memref_slice %arg10[%dma_start3A_498, %dma_start3A_499] : memref<10240x8xf32, #tpu.memory_space<vmem_shared>> -> memref<10240x8xf32, #tpu.memory_space<vmem_shared>>
      tpu.enqueue_indirect_dma source(%dma_start3A_494 : memref<128x8xf32, #tpu.memory_space<vmem>>) target(%dma_start3A_500 : memref<10240x8xf32, #tpu.memory_space<vmem_shared>>) offsets(%dma_start3A_497 : memref<128xi32, #tpu.memory_space<vmem>>) semaphore(%arg12 : memref<!tpu.dma_semaphore, #tpu.memory_space<semaphore_mem>>) {add = true}
      %add3A_501 = arith.constant 4 : i32
      %add3A_502 = arith.addi %mul3A_404, %add3A_501 : i32
      %dma_wait3A_503 = arith.constant 4 : i32
      %dma_wait3A_504 = arith.constant 0 : i32
      %dma_wait3A_505 = arith.constant 0 : i32
      %dma_wait3A_506 = tpu.memref_slice %arg9[%dma_wait3A_503, %dma_wait3A_504, %dma_wait3A_505] : memref<16x128x8xf32, #tpu.memory_space<vmem>> -> memref<1x128x8xf32, #tpu.memory_space<vmem>>
      %dma_wait3A_507 = tpu.memref_squeeze %dma_wait3A_506 : memref<1x128x8xf32, #tpu.memory_space<vmem>> -> memref<128x8xf32, #tpu.memory_space<vmem>>
      %dma_wait3A_508 = arith.constant 0 : i32
      %dma_wait3A_509 = tpu.memref_slice %arg7[%add3A_502, %dma_wait3A_508] : memref<80x128xi32, #tpu.memory_space<vmem>> -> memref<1x128xi32, #tpu.memory_space<vmem>>
      %dma_wait3A_510 = tpu.memref_squeeze %dma_wait3A_509 : memref<1x128xi32, #tpu.memory_space<vmem>> -> memref<128xi32, #tpu.memory_space<vmem>>
      %dma_wait3A_511 = arith.constant 0 : i32
      %dma_wait3A_512 = arith.constant 0 : i32
      %dma_wait3A_513 = tpu.memref_slice %arg4[%dma_wait3A_511, %dma_wait3A_512] : memref<10000x8xf32, #tpu.memory_space<hbm>> -> memref<10000x8xf32, #tpu.memory_space<hbm>>
      tpu.wait_indirect_dma semaphore(%arg11 : memref<!tpu.dma_semaphore, #tpu.memory_space<semaphore_mem>>) src(%dma_wait3A_513 : memref<10000x8xf32, #tpu.memory_space<hbm>>) dst(%dma_wait3A_507 : memref<128x8xf32, #tpu.memory_space<vmem>>)
      %dma_start3A_514 = arith.constant 4 : i32
      %dma_start3A_515 = arith.constant 0 : i32
      %dma_start3A_516 = arith.constant 0 : i32
      %dma_start3A_517 = tpu.memref_slice %arg9[%dma_start3A_514, %dma_start3A_515, %dma_start3A_516] : memref<16x128x8xf32, #tpu.memory_space<vmem>> -> memref<1x128x8xf32, #tpu.memory_space<vmem>>
      %dma_start3A_518 = tpu.memref_squeeze %dma_start3A_517 : memref<1x128x8xf32, #tpu.memory_space<vmem>> -> memref<128x8xf32, #tpu.memory_space<vmem>>
      %dma_start3A_519 = arith.constant 0 : i32
      %dma_start3A_520 = tpu.memref_slice %arg8[%add3A_502, %dma_start3A_519] : memref<80x128xi32, #tpu.memory_space<vmem>> -> memref<1x128xi32, #tpu.memory_space<vmem>>
      %dma_start3A_521 = tpu.memref_squeeze %dma_start3A_520 : memref<1x128xi32, #tpu.memory_space<vmem>> -> memref<128xi32, #tpu.memory_space<vmem>>
      %dma_start3A_522 = arith.constant 0 : i32
      %dma_start3A_523 = arith.constant 0 : i32
      %dma_start3A_524 = tpu.memref_slice %arg10[%dma_start3A_522, %dma_start3A_523] : memref<10240x8xf32, #tpu.memory_space<vmem_shared>> -> memref<10240x8xf32, #tpu.memory_space<vmem_shared>>
      tpu.enqueue_indirect_dma source(%dma_start3A_518 : memref<128x8xf32, #tpu.memory_space<vmem>>) target(%dma_start3A_524 : memref<10240x8xf32, #tpu.memory_space<vmem_shared>>) offsets(%dma_start3A_521 : memref<128xi32, #tpu.memory_space<vmem>>) semaphore(%arg12 : memref<!tpu.dma_semaphore, #tpu.memory_space<semaphore_mem>>) {add = true}
      %add3A_525 = arith.constant 5 : i32
      %add3A_526 = arith.addi %mul3A_404, %add3A_525 : i32
      %dma_wait3A_527 = arith.constant 5 : i32
      %dma_wait3A_528 = arith.constant 0 : i32
      %dma_wait3A_529 = arith.constant 0 : i32
      %dma_wait3A_530 = tpu.memref_slice %arg9[%dma_wait3A_527, %dma_wait3A_528, %dma_wait3A_529] : memref<16x128x8xf32, #tpu.memory_space<vmem>> -> memref<1x128x8xf32, #tpu.memory_space<vmem>>
      %dma_wait3A_531 = tpu.memref_squeeze %dma_wait3A_530 : memref<1x128x8xf32, #tpu.memory_space<vmem>> -> memref<128x8xf32, #tpu.memory_space<vmem>>
      %dma_wait3A_532 = arith.constant 0 : i32
      %dma_wait3A_533 = tpu.memref_slice %arg7[%add3A_526, %dma_wait3A_532] : memref<80x128xi32, #tpu.memory_space<vmem>> -> memref<1x128xi32, #tpu.memory_space<vmem>>
      %dma_wait3A_534 = tpu.memref_squeeze %dma_wait3A_533 : memref<1x128xi32, #tpu.memory_space<vmem>> -> memref<128xi32, #tpu.memory_space<vmem>>
      %dma_wait3A_535 = arith.constant 0 : i32
      %dma_wait3A_536 = arith.constant 0 : i32
      %dma_wait3A_537 = tpu.memref_slice %arg4[%dma_wait3A_535, %dma_wait3A_536] : memref<10000x8xf32, #tpu.memory_space<hbm>> -> memref<10000x8xf32, #tpu.memory_space<hbm>>
      tpu.wait_indirect_dma semaphore(%arg11 : memref<!tpu.dma_semaphore, #tpu.memory_space<semaphore_mem>>) src(%dma_wait3A_537 : memref<10000x8xf32, #tpu.memory_space<hbm>>) dst(%dma_wait3A_531 : memref<128x8xf32, #tpu.memory_space<vmem>>)
      %dma_start3A_538 = arith.constant 5 : i32
      %dma_start3A_539 = arith.constant 0 : i32
      %dma_start3A_540 = arith.constant 0 : i32
      %dma_start3A_541 = tpu.memref_slice %arg9[%dma_start3A_538, %dma_start3A_539, %dma_start3A_540] : memref<16x128x8xf32, #tpu.memory_space<vmem>> -> memref<1x128x8xf32, #tpu.memory_space<vmem>>
      %dma_start3A_542 = tpu.memref_squeeze %dma_start3A_541 : memref<1x128x8xf32, #tpu.memory_space<vmem>> -> memref<128x8xf32, #tpu.memory_space<vmem>>
      %dma_start3A_543 = arith.constant 0 : i32
      %dma_start3A_544 = tpu.memref_slice %arg8[%add3A_526, %dma_start3A_543] : memref<80x128xi32, #tpu.memory_space<vmem>> -> memref<1x128xi32, #tpu.memory_space<vmem>>
      %dma_start3A_545 = tpu.memref_squeeze %dma_start3A_544 : memref<1x128xi32, #tpu.memory_space<vmem>> -> memref<128xi32, #tpu.memory_space<vmem>>
      %dma_start3A_546 = arith.constant 0 : i32
      %dma_start3A_547 = arith.constant 0 : i32
      %dma_start3A_548 = tpu.memref_slice %arg10[%dma_start3A_546, %dma_start3A_547] : memref<10240x8xf32, #tpu.memory_space<vmem_shared>> -> memref<10240x8xf32, #tpu.memory_space<vmem_shared>>
      tpu.enqueue_indirect_dma source(%dma_start3A_542 : memref<128x8xf32, #tpu.memory_space<vmem>>) target(%dma_start3A_548 : memref<10240x8xf32, #tpu.memory_space<vmem_shared>>) offsets(%dma_start3A_545 : memref<128xi32, #tpu.memory_space<vmem>>) semaphore(%arg12 : memref<!tpu.dma_semaphore, #tpu.memory_space<semaphore_mem>>) {add = true}
      %add3A_549 = arith.constant 6 : i32
      %add3A_550 = arith.addi %mul3A_404, %add3A_549 : i32
      %dma_wait3A_551 = arith.constant 6 : i32
      %dma_wait3A_552 = arith.constant 0 : i32
      %dma_wait3A_553 = arith.constant 0 : i32
      %dma_wait3A_554 = tpu.memref_slice %arg9[%dma_wait3A_551, %dma_wait3A_552, %dma_wait3A_553] : memref<16x128x8xf32, #tpu.memory_space<vmem>> -> memref<1x128x8xf32, #tpu.memory_space<vmem>>
      %dma_wait3A_555 = tpu.memref_squeeze %dma_wait3A_554 : memref<1x128x8xf32, #tpu.memory_space<vmem>> -> memref<128x8xf32, #tpu.memory_space<vmem>>
      %dma_wait3A_556 = arith.constant 0 : i32
      %dma_wait3A_557 = tpu.memref_slice %arg7[%add3A_550, %dma_wait3A_556] : memref<80x128xi32, #tpu.memory_space<vmem>> -> memref<1x128xi32, #tpu.memory_space<vmem>>
      %dma_wait3A_558 = tpu.memref_squeeze %dma_wait3A_557 : memref<1x128xi32, #tpu.memory_space<vmem>> -> memref<128xi32, #tpu.memory_space<vmem>>
      %dma_wait3A_559 = arith.constant 0 : i32
      %dma_wait3A_560 = arith.constant 0 : i32
      %dma_wait3A_561 = tpu.memref_slice %arg4[%dma_wait3A_559, %dma_wait3A_560] : memref<10000x8xf32, #tpu.memory_space<hbm>> -> memref<10000x8xf32, #tpu.memory_space<hbm>>
      tpu.wait_indirect_dma semaphore(%arg11 : memref<!tpu.dma_semaphore, #tpu.memory_space<semaphore_mem>>) src(%dma_wait3A_561 : memref<10000x8xf32, #tpu.memory_space<hbm>>) dst(%dma_wait3A_555 : memref<128x8xf32, #tpu.memory_space<vmem>>)
      %dma_start3A_562 = arith.constant 6 : i32
      %dma_start3A_563 = arith.constant 0 : i32
      %dma_start3A_564 = arith.constant 0 : i32
      %dma_start3A_565 = tpu.memref_slice %arg9[%dma_start3A_562, %dma_start3A_563, %dma_start3A_564] : memref<16x128x8xf32, #tpu.memory_space<vmem>> -> memref<1x128x8xf32, #tpu.memory_space<vmem>>
      %dma_start3A_566 = tpu.memref_squeeze %dma_start3A_565 : memref<1x128x8xf32, #tpu.memory_space<vmem>> -> memref<128x8xf32, #tpu.memory_space<vmem>>
      %dma_start3A_567 = arith.constant 0 : i32
      %dma_start3A_568 = tpu.memref_slice %arg8[%add3A_550, %dma_start3A_567] : memref<80x128xi32, #tpu.memory_space<vmem>> -> memref<1x128xi32, #tpu.memory_space<vmem>>
      %dma_start3A_569 = tpu.memref_squeeze %dma_start3A_568 : memref<1x128xi32, #tpu.memory_space<vmem>> -> memref<128xi32, #tpu.memory_space<vmem>>
      %dma_start3A_570 = arith.constant 0 : i32
      %dma_start3A_571 = arith.constant 0 : i32
      %dma_start3A_572 = tpu.memref_slice %arg10[%dma_start3A_570, %dma_start3A_571] : memref<10240x8xf32, #tpu.memory_space<vmem_shared>> -> memref<10240x8xf32, #tpu.memory_space<vmem_shared>>
      tpu.enqueue_indirect_dma source(%dma_start3A_566 : memref<128x8xf32, #tpu.memory_space<vmem>>) target(%dma_start3A_572 : memref<10240x8xf32, #tpu.memory_space<vmem_shared>>) offsets(%dma_start3A_569 : memref<128xi32, #tpu.memory_space<vmem>>) semaphore(%arg12 : memref<!tpu.dma_semaphore, #tpu.memory_space<semaphore_mem>>) {add = true}
      %add3A_573 = arith.constant 7 : i32
      %add3A_574 = arith.addi %mul3A_404, %add3A_573 : i32
      %dma_wait3A_575 = arith.constant 7 : i32
      %dma_wait3A_576 = arith.constant 0 : i32
      %dma_wait3A_577 = arith.constant 0 : i32
      %dma_wait3A_578 = tpu.memref_slice %arg9[%dma_wait3A_575, %dma_wait3A_576, %dma_wait3A_577] : memref<16x128x8xf32, #tpu.memory_space<vmem>> -> memref<1x128x8xf32, #tpu.memory_space<vmem>>
      %dma_wait3A_579 = tpu.memref_squeeze %dma_wait3A_578 : memref<1x128x8xf32, #tpu.memory_space<vmem>> -> memref<128x8xf32, #tpu.memory_space<vmem>>
      %dma_wait3A_580 = arith.constant 0 : i32
      %dma_wait3A_581 = tpu.memref_slice %arg7[%add3A_574, %dma_wait3A_580] : memref<80x128xi32, #tpu.memory_space<vmem>> -> memref<1x128xi32, #tpu.memory_space<vmem>>
      %dma_wait3A_582 = tpu.memref_squeeze %dma_wait3A_581 : memref<1x128xi32, #tpu.memory_space<vmem>> -> memref<128xi32, #tpu.memory_space<vmem>>
      %dma_wait3A_583 = arith.constant 0 : i32
      %dma_wait3A_584 = arith.constant 0 : i32
      %dma_wait3A_585 = tpu.memref_slice %arg4[%dma_wait3A_583, %dma_wait3A_584] : memref<10000x8xf32, #tpu.memory_space<hbm>> -> memref<10000x8xf32, #tpu.memory_space<hbm>>
      tpu.wait_indirect_dma semaphore(%arg11 : memref<!tpu.dma_semaphore, #tpu.memory_space<semaphore_mem>>) src(%dma_wait3A_585 : memref<10000x8xf32, #tpu.memory_space<hbm>>) dst(%dma_wait3A_579 : memref<128x8xf32, #tpu.memory_space<vmem>>)
      %dma_start3A_586 = arith.constant 7 : i32
      %dma_start3A_587 = arith.constant 0 : i32
      %dma_start3A_588 = arith.constant 0 : i32
      %dma_start3A_589 = tpu.memref_slice %arg9[%dma_start3A_586, %dma_start3A_587, %dma_start3A_588] : memref<16x128x8xf32, #tpu.memory_space<vmem>> -> memref<1x128x8xf32, #tpu.memory_space<vmem>>
      %dma_start3A_590 = tpu.memref_squeeze %dma_start3A_589 : memref<1x128x8xf32, #tpu.memory_space<vmem>> -> memref<128x8xf32, #tpu.memory_space<vmem>>
      %dma_start3A_591 = arith.constant 0 : i32
      %dma_start3A_592 = tpu.memref_slice %arg8[%add3A_574, %dma_start3A_591] : memref<80x128xi32, #tpu.memory_space<vmem>> -> memref<1x128xi32, #tpu.memory_space<vmem>>
      %dma_start3A_593 = tpu.memref_squeeze %dma_start3A_592 : memref<1x128xi32, #tpu.memory_space<vmem>> -> memref<128xi32, #tpu.memory_space<vmem>>
      %dma_start3A_594 = arith.constant 0 : i32
      %dma_start3A_595 = arith.constant 0 : i32
      %dma_start3A_596 = tpu.memref_slice %arg10[%dma_start3A_594, %dma_start3A_595] : memref<10240x8xf32, #tpu.memory_space<vmem_shared>> -> memref<10240x8xf32, #tpu.memory_space<vmem_shared>>
      tpu.enqueue_indirect_dma source(%dma_start3A_590 : memref<128x8xf32, #tpu.memory_space<vmem>>) target(%dma_start3A_596 : memref<10240x8xf32, #tpu.memory_space<vmem_shared>>) offsets(%dma_start3A_593 : memref<128xi32, #tpu.memory_space<vmem>>) semaphore(%arg12 : memref<!tpu.dma_semaphore, #tpu.memory_space<semaphore_mem>>) {add = true}
      %add3A_597 = arith.constant 8 : i32
      %add3A_598 = arith.addi %mul3A_404, %add3A_597 : i32
      %dma_wait3A_599 = arith.constant 8 : i32
      %dma_wait3A_600 = arith.constant 0 : i32
      %dma_wait3A_601 = arith.constant 0 : i32
      %dma_wait3A_602 = tpu.memref_slice %arg9[%dma_wait3A_599, %dma_wait3A_600, %dma_wait3A_601] : memref<16x128x8xf32, #tpu.memory_space<vmem>> -> memref<1x128x8xf32, #tpu.memory_space<vmem>>
      %dma_wait3A_603 = tpu.memref_squeeze %dma_wait3A_602 : memref<1x128x8xf32, #tpu.memory_space<vmem>> -> memref<128x8xf32, #tpu.memory_space<vmem>>
      %dma_wait3A_604 = arith.constant 0 : i32
      %dma_wait3A_605 = tpu.memref_slice %arg7[%add3A_598, %dma_wait3A_604] : memref<80x128xi32, #tpu.memory_space<vmem>> -> memref<1x128xi32, #tpu.memory_space<vmem>>
      %dma_wait3A_606 = tpu.memref_squeeze %dma_wait3A_605 : memref<1x128xi32, #tpu.memory_space<vmem>> -> memref<128xi32, #tpu.memory_space<vmem>>
      %dma_wait3A_607 = arith.constant 0 : i32
      %dma_wait3A_608 = arith.constant 0 : i32
      %dma_wait3A_609 = tpu.memref_slice %arg4[%dma_wait3A_607, %dma_wait3A_608] : memref<10000x8xf32, #tpu.memory_space<hbm>> -> memref<10000x8xf32, #tpu.memory_space<hbm>>
      tpu.wait_indirect_dma semaphore(%arg11 : memref<!tpu.dma_semaphore, #tpu.memory_space<semaphore_mem>>) src(%dma_wait3A_609 : memref<10000x8xf32, #tpu.memory_space<hbm>>) dst(%dma_wait3A_603 : memref<128x8xf32, #tpu.memory_space<vmem>>)
      %dma_start3A_610 = arith.constant 8 : i32
      %dma_start3A_611 = arith.constant 0 : i32
      %dma_start3A_612 = arith.constant 0 : i32
      %dma_start3A_613 = tpu.memref_slice %arg9[%dma_start3A_610, %dma_start3A_611, %dma_start3A_612] : memref<16x128x8xf32, #tpu.memory_space<vmem>> -> memref<1x128x8xf32, #tpu.memory_space<vmem>>
      %dma_start3A_614 = tpu.memref_squeeze %dma_start3A_613 : memref<1x128x8xf32, #tpu.memory_space<vmem>> -> memref<128x8xf32, #tpu.memory_space<vmem>>
      %dma_start3A_615 = arith.constant 0 : i32
      %dma_start3A_616 = tpu.memref_slice %arg8[%add3A_598, %dma_start3A_615] : memref<80x128xi32, #tpu.memory_space<vmem>> -> memref<1x128xi32, #tpu.memory_space<vmem>>
      %dma_start3A_617 = tpu.memref_squeeze %dma_start3A_616 : memref<1x128xi32, #tpu.memory_space<vmem>> -> memref<128xi32, #tpu.memory_space<vmem>>
      %dma_start3A_618 = arith.constant 0 : i32
      %dma_start3A_619 = arith.constant 0 : i32
      %dma_start3A_620 = tpu.memref_slice %arg10[%dma_start3A_618, %dma_start3A_619] : memref<10240x8xf32, #tpu.memory_space<vmem_shared>> -> memref<10240x8xf32, #tpu.memory_space<vmem_shared>>
      tpu.enqueue_indirect_dma source(%dma_start3A_614 : memref<128x8xf32, #tpu.memory_space<vmem>>) target(%dma_start3A_620 : memref<10240x8xf32, #tpu.memory_space<vmem_shared>>) offsets(%dma_start3A_617 : memref<128xi32, #tpu.memory_space<vmem>>) semaphore(%arg12 : memref<!tpu.dma_semaphore, #tpu.memory_space<semaphore_mem>>) {add = true}
      %add3A_621 = arith.constant 9 : i32
      %add3A_622 = arith.addi %mul3A_404, %add3A_621 : i32
      %dma_wait3A_623 = arith.constant 9 : i32
      %dma_wait3A_624 = arith.constant 0 : i32
      %dma_wait3A_625 = arith.constant 0 : i32
      %dma_wait3A_626 = tpu.memref_slice %arg9[%dma_wait3A_623, %dma_wait3A_624, %dma_wait3A_625] : memref<16x128x8xf32, #tpu.memory_space<vmem>> -> memref<1x128x8xf32, #tpu.memory_space<vmem>>
      %dma_wait3A_627 = tpu.memref_squeeze %dma_wait3A_626 : memref<1x128x8xf32, #tpu.memory_space<vmem>> -> memref<128x8xf32, #tpu.memory_space<vmem>>
      %dma_wait3A_628 = arith.constant 0 : i32
      %dma_wait3A_629 = tpu.memref_slice %arg7[%add3A_622, %dma_wait3A_628] : memref<80x128xi32, #tpu.memory_space<vmem>> -> memref<1x128xi32, #tpu.memory_space<vmem>>
      %dma_wait3A_630 = tpu.memref_squeeze %dma_wait3A_629 : memref<1x128xi32, #tpu.memory_space<vmem>> -> memref<128xi32, #tpu.memory_space<vmem>>
      %dma_wait3A_631 = arith.constant 0 : i32
      %dma_wait3A_632 = arith.constant 0 : i32
      %dma_wait3A_633 = tpu.memref_slice %arg4[%dma_wait3A_631, %dma_wait3A_632] : memref<10000x8xf32, #tpu.memory_space<hbm>> -> memref<10000x8xf32, #tpu.memory_space<hbm>>
      tpu.wait_indirect_dma semaphore(%arg11 : memref<!tpu.dma_semaphore, #tpu.memory_space<semaphore_mem>>) src(%dma_wait3A_633 : memref<10000x8xf32, #tpu.memory_space<hbm>>) dst(%dma_wait3A_627 : memref<128x8xf32, #tpu.memory_space<vmem>>)
      %dma_start3A_634 = arith.constant 9 : i32
      %dma_start3A_635 = arith.constant 0 : i32
      %dma_start3A_636 = arith.constant 0 : i32
      %dma_start3A_637 = tpu.memref_slice %arg9[%dma_start3A_634, %dma_start3A_635, %dma_start3A_636] : memref<16x128x8xf32, #tpu.memory_space<vmem>> -> memref<1x128x8xf32, #tpu.memory_space<vmem>>
      %dma_start3A_638 = tpu.memref_squeeze %dma_start3A_637 : memref<1x128x8xf32, #tpu.memory_space<vmem>> -> memref<128x8xf32, #tpu.memory_space<vmem>>
      %dma_start3A_639 = arith.constant 0 : i32
      %dma_start3A_640 = tpu.memref_slice %arg8[%add3A_622, %dma_start3A_639] : memref<80x128xi32, #tpu.memory_space<vmem>> -> memref<1x128xi32, #tpu.memory_space<vmem>>
      %dma_start3A_641 = tpu.memref_squeeze %dma_start3A_640 : memref<1x128xi32, #tpu.memory_space<vmem>> -> memref<128xi32, #tpu.memory_space<vmem>>
      %dma_start3A_642 = arith.constant 0 : i32
      %dma_start3A_643 = arith.constant 0 : i32
      %dma_start3A_644 = tpu.memref_slice %arg10[%dma_start3A_642, %dma_start3A_643] : memref<10240x8xf32, #tpu.memory_space<vmem_shared>> -> memref<10240x8xf32, #tpu.memory_space<vmem_shared>>
      tpu.enqueue_indirect_dma source(%dma_start3A_638 : memref<128x8xf32, #tpu.memory_space<vmem>>) target(%dma_start3A_644 : memref<10240x8xf32, #tpu.memory_space<vmem_shared>>) offsets(%dma_start3A_641 : memref<128xi32, #tpu.memory_space<vmem>>) semaphore(%arg12 : memref<!tpu.dma_semaphore, #tpu.memory_space<semaphore_mem>>) {add = true}
      %add3A_645 = arith.constant 10 : i32
      %add3A_646 = arith.addi %mul3A_404, %add3A_645 : i32
      %dma_wait3A_647 = arith.constant 10 : i32
      %dma_wait3A_648 = arith.constant 0 : i32
      %dma_wait3A_649 = arith.constant 0 : i32
      %dma_wait3A_650 = tpu.memref_slice %arg9[%dma_wait3A_647, %dma_wait3A_648, %dma_wait3A_649] : memref<16x128x8xf32, #tpu.memory_space<vmem>> -> memref<1x128x8xf32, #tpu.memory_space<vmem>>
      %dma_wait3A_651 = tpu.memref_squeeze %dma_wait3A_650 : memref<1x128x8xf32, #tpu.memory_space<vmem>> -> memref<128x8xf32, #tpu.memory_space<vmem>>
      %dma_wait3A_652 = arith.constant 0 : i32
      %dma_wait3A_653 = tpu.memref_slice %arg7[%add3A_646, %dma_wait3A_652] : memref<80x128xi32, #tpu.memory_space<vmem>> -> memref<1x128xi32, #tpu.memory_space<vmem>>
      %dma_wait3A_654 = tpu.memref_squeeze %dma_wait3A_653 : memref<1x128xi32, #tpu.memory_space<vmem>> -> memref<128xi32, #tpu.memory_space<vmem>>
      %dma_wait3A_655 = arith.constant 0 : i32
      %dma_wait3A_656 = arith.constant 0 : i32
      %dma_wait3A_657 = tpu.memref_slice %arg4[%dma_wait3A_655, %dma_wait3A_656] : memref<10000x8xf32, #tpu.memory_space<hbm>> -> memref<10000x8xf32, #tpu.memory_space<hbm>>
      tpu.wait_indirect_dma semaphore(%arg11 : memref<!tpu.dma_semaphore, #tpu.memory_space<semaphore_mem>>) src(%dma_wait3A_657 : memref<10000x8xf32, #tpu.memory_space<hbm>>) dst(%dma_wait3A_651 : memref<128x8xf32, #tpu.memory_space<vmem>>)
      %dma_start3A_658 = arith.constant 10 : i32
      %dma_start3A_659 = arith.constant 0 : i32
      %dma_start3A_660 = arith.constant 0 : i32
      %dma_start3A_661 = tpu.memref_slice %arg9[%dma_start3A_658, %dma_start3A_659, %dma_start3A_660] : memref<16x128x8xf32, #tpu.memory_space<vmem>> -> memref<1x128x8xf32, #tpu.memory_space<vmem>>
      %dma_start3A_662 = tpu.memref_squeeze %dma_start3A_661 : memref<1x128x8xf32, #tpu.memory_space<vmem>> -> memref<128x8xf32, #tpu.memory_space<vmem>>
      %dma_start3A_663 = arith.constant 0 : i32
      %dma_start3A_664 = tpu.memref_slice %arg8[%add3A_646, %dma_start3A_663] : memref<80x128xi32, #tpu.memory_space<vmem>> -> memref<1x128xi32, #tpu.memory_space<vmem>>
      %dma_start3A_665 = tpu.memref_squeeze %dma_start3A_664 : memref<1x128xi32, #tpu.memory_space<vmem>> -> memref<128xi32, #tpu.memory_space<vmem>>
      %dma_start3A_666 = arith.constant 0 : i32
      %dma_start3A_667 = arith.constant 0 : i32
      %dma_start3A_668 = tpu.memref_slice %arg10[%dma_start3A_666, %dma_start3A_667] : memref<10240x8xf32, #tpu.memory_space<vmem_shared>> -> memref<10240x8xf32, #tpu.memory_space<vmem_shared>>
      tpu.enqueue_indirect_dma source(%dma_start3A_662 : memref<128x8xf32, #tpu.memory_space<vmem>>) target(%dma_start3A_668 : memref<10240x8xf32, #tpu.memory_space<vmem_shared>>) offsets(%dma_start3A_665 : memref<128xi32, #tpu.memory_space<vmem>>) semaphore(%arg12 : memref<!tpu.dma_semaphore, #tpu.memory_space<semaphore_mem>>) {add = true}
      %add3A_669 = arith.constant 11 : i32
      %add3A_670 = arith.addi %mul3A_404, %add3A_669 : i32
      %dma_wait3A_671 = arith.constant 11 : i32
      %dma_wait3A_672 = arith.constant 0 : i32
      %dma_wait3A_673 = arith.constant 0 : i32
      %dma_wait3A_674 = tpu.memref_slice %arg9[%dma_wait3A_671, %dma_wait3A_672, %dma_wait3A_673] : memref<16x128x8xf32, #tpu.memory_space<vmem>> -> memref<1x128x8xf32, #tpu.memory_space<vmem>>
      %dma_wait3A_675 = tpu.memref_squeeze %dma_wait3A_674 : memref<1x128x8xf32, #tpu.memory_space<vmem>> -> memref<128x8xf32, #tpu.memory_space<vmem>>
      %dma_wait3A_676 = arith.constant 0 : i32
      %dma_wait3A_677 = tpu.memref_slice %arg7[%add3A_670, %dma_wait3A_676] : memref<80x128xi32, #tpu.memory_space<vmem>> -> memref<1x128xi32, #tpu.memory_space<vmem>>
      %dma_wait3A_678 = tpu.memref_squeeze %dma_wait3A_677 : memref<1x128xi32, #tpu.memory_space<vmem>> -> memref<128xi32, #tpu.memory_space<vmem>>
      %dma_wait3A_679 = arith.constant 0 : i32
      %dma_wait3A_680 = arith.constant 0 : i32
      %dma_wait3A_681 = tpu.memref_slice %arg4[%dma_wait3A_679, %dma_wait3A_680] : memref<10000x8xf32, #tpu.memory_space<hbm>> -> memref<10000x8xf32, #tpu.memory_space<hbm>>
      tpu.wait_indirect_dma semaphore(%arg11 : memref<!tpu.dma_semaphore, #tpu.memory_space<semaphore_mem>>) src(%dma_wait3A_681 : memref<10000x8xf32, #tpu.memory_space<hbm>>) dst(%dma_wait3A_675 : memref<128x8xf32, #tpu.memory_space<vmem>>)
      %dma_start3A_682 = arith.constant 11 : i32
      %dma_start3A_683 = arith.constant 0 : i32
      %dma_start3A_684 = arith.constant 0 : i32
      %dma_start3A_685 = tpu.memref_slice %arg9[%dma_start3A_682, %dma_start3A_683, %dma_start3A_684] : memref<16x128x8xf32, #tpu.memory_space<vmem>> -> memref<1x128x8xf32, #tpu.memory_space<vmem>>
      %dma_start3A_686 = tpu.memref_squeeze %dma_start3A_685 : memref<1x128x8xf32, #tpu.memory_space<vmem>> -> memref<128x8xf32, #tpu.memory_space<vmem>>
      %dma_start3A_687 = arith.constant 0 : i32
      %dma_start3A_688 = tpu.memref_slice %arg8[%add3A_670, %dma_start3A_687] : memref<80x128xi32, #tpu.memory_space<vmem>> -> memref<1x128xi32, #tpu.memory_space<vmem>>
      %dma_start3A_689 = tpu.memref_squeeze %dma_start3A_688 : memref<1x128xi32, #tpu.memory_space<vmem>> -> memref<128xi32, #tpu.memory_space<vmem>>
      %dma_start3A_690 = arith.constant 0 : i32
      %dma_start3A_691 = arith.constant 0 : i32
      %dma_start3A_692 = tpu.memref_slice %arg10[%dma_start3A_690, %dma_start3A_691] : memref<10240x8xf32, #tpu.memory_space<vmem_shared>> -> memref<10240x8xf32, #tpu.memory_space<vmem_shared>>
      tpu.enqueue_indirect_dma source(%dma_start3A_686 : memref<128x8xf32, #tpu.memory_space<vmem>>) target(%dma_start3A_692 : memref<10240x8xf32, #tpu.memory_space<vmem_shared>>) offsets(%dma_start3A_689 : memref<128xi32, #tpu.memory_space<vmem>>) semaphore(%arg12 : memref<!tpu.dma_semaphore, #tpu.memory_space<semaphore_mem>>) {add = true}
      %add3A_693 = arith.constant 12 : i32
      %add3A_694 = arith.addi %mul3A_404, %add3A_693 : i32
      %dma_wait3A_695 = arith.constant 12 : i32
      %dma_wait3A_696 = arith.constant 0 : i32
      %dma_wait3A_697 = arith.constant 0 : i32
      %dma_wait3A_698 = tpu.memref_slice %arg9[%dma_wait3A_695, %dma_wait3A_696, %dma_wait3A_697] : memref<16x128x8xf32, #tpu.memory_space<vmem>> -> memref<1x128x8xf32, #tpu.memory_space<vmem>>
      %dma_wait3A_699 = tpu.memref_squeeze %dma_wait3A_698 : memref<1x128x8xf32, #tpu.memory_space<vmem>> -> memref<128x8xf32, #tpu.memory_space<vmem>>
      %dma_wait3A_700 = arith.constant 0 : i32
      %dma_wait3A_701 = tpu.memref_slice %arg7[%add3A_694, %dma_wait3A_700] : memref<80x128xi32, #tpu.memory_space<vmem>> -> memref<1x128xi32, #tpu.memory_space<vmem>>
      %dma_wait3A_702 = tpu.memref_squeeze %dma_wait3A_701 : memref<1x128xi32, #tpu.memory_space<vmem>> -> memref<128xi32, #tpu.memory_space<vmem>>
      %dma_wait3A_703 = arith.constant 0 : i32
      %dma_wait3A_704 = arith.constant 0 : i32
      %dma_wait3A_705 = tpu.memref_slice %arg4[%dma_wait3A_703, %dma_wait3A_704] : memref<10000x8xf32, #tpu.memory_space<hbm>> -> memref<10000x8xf32, #tpu.memory_space<hbm>>
      tpu.wait_indirect_dma semaphore(%arg11 : memref<!tpu.dma_semaphore, #tpu.memory_space<semaphore_mem>>) src(%dma_wait3A_705 : memref<10000x8xf32, #tpu.memory_space<hbm>>) dst(%dma_wait3A_699 : memref<128x8xf32, #tpu.memory_space<vmem>>)
      %dma_start3A_706 = arith.constant 12 : i32
      %dma_start3A_707 = arith.constant 0 : i32
      %dma_start3A_708 = arith.constant 0 : i32
      %dma_start3A_709 = tpu.memref_slice %arg9[%dma_start3A_706, %dma_start3A_707, %dma_start3A_708] : memref<16x128x8xf32, #tpu.memory_space<vmem>> -> memref<1x128x8xf32, #tpu.memory_space<vmem>>
      %dma_start3A_710 = tpu.memref_squeeze %dma_start3A_709 : memref<1x128x8xf32, #tpu.memory_space<vmem>> -> memref<128x8xf32, #tpu.memory_space<vmem>>
      %dma_start3A_711 = arith.constant 0 : i32
      %dma_start3A_712 = tpu.memref_slice %arg8[%add3A_694, %dma_start3A_711] : memref<80x128xi32, #tpu.memory_space<vmem>> -> memref<1x128xi32, #tpu.memory_space<vmem>>
      %dma_start3A_713 = tpu.memref_squeeze %dma_start3A_712 : memref<1x128xi32, #tpu.memory_space<vmem>> -> memref<128xi32, #tpu.memory_space<vmem>>
      %dma_start3A_714 = arith.constant 0 : i32
      %dma_start3A_715 = arith.constant 0 : i32
      %dma_start3A_716 = tpu.memref_slice %arg10[%dma_start3A_714, %dma_start3A_715] : memref<10240x8xf32, #tpu.memory_space<vmem_shared>> -> memref<10240x8xf32, #tpu.memory_space<vmem_shared>>
      tpu.enqueue_indirect_dma source(%dma_start3A_710 : memref<128x8xf32, #tpu.memory_space<vmem>>) target(%dma_start3A_716 : memref<10240x8xf32, #tpu.memory_space<vmem_shared>>) offsets(%dma_start3A_713 : memref<128xi32, #tpu.memory_space<vmem>>) semaphore(%arg12 : memref<!tpu.dma_semaphore, #tpu.memory_space<semaphore_mem>>) {add = true}
      %add3A_717 = arith.constant 13 : i32
      %add3A_718 = arith.addi %mul3A_404, %add3A_717 : i32
      %dma_wait3A_719 = arith.constant 13 : i32
      %dma_wait3A_720 = arith.constant 0 : i32
      %dma_wait3A_721 = arith.constant 0 : i32
      %dma_wait3A_722 = tpu.memref_slice %arg9[%dma_wait3A_719, %dma_wait3A_720, %dma_wait3A_721] : memref<16x128x8xf32, #tpu.memory_space<vmem>> -> memref<1x128x8xf32, #tpu.memory_space<vmem>>
      %dma_wait3A_723 = tpu.memref_squeeze %dma_wait3A_722 : memref<1x128x8xf32, #tpu.memory_space<vmem>> -> memref<128x8xf32, #tpu.memory_space<vmem>>
      %dma_wait3A_724 = arith.constant 0 : i32
      %dma_wait3A_725 = tpu.memref_slice %arg7[%add3A_718, %dma_wait3A_724] : memref<80x128xi32, #tpu.memory_space<vmem>> -> memref<1x128xi32, #tpu.memory_space<vmem>>
      %dma_wait3A_726 = tpu.memref_squeeze %dma_wait3A_725 : memref<1x128xi32, #tpu.memory_space<vmem>> -> memref<128xi32, #tpu.memory_space<vmem>>
      %dma_wait3A_727 = arith.constant 0 : i32
      %dma_wait3A_728 = arith.constant 0 : i32
      %dma_wait3A_729 = tpu.memref_slice %arg4[%dma_wait3A_727, %dma_wait3A_728] : memref<10000x8xf32, #tpu.memory_space<hbm>> -> memref<10000x8xf32, #tpu.memory_space<hbm>>
      tpu.wait_indirect_dma semaphore(%arg11 : memref<!tpu.dma_semaphore, #tpu.memory_space<semaphore_mem>>) src(%dma_wait3A_729 : memref<10000x8xf32, #tpu.memory_space<hbm>>) dst(%dma_wait3A_723 : memref<128x8xf32, #tpu.memory_space<vmem>>)
      %dma_start3A_730 = arith.constant 13 : i32
      %dma_start3A_731 = arith.constant 0 : i32
      %dma_start3A_732 = arith.constant 0 : i32
      %dma_start3A_733 = tpu.memref_slice %arg9[%dma_start3A_730, %dma_start3A_731, %dma_start3A_732] : memref<16x128x8xf32, #tpu.memory_space<vmem>> -> memref<1x128x8xf32, #tpu.memory_space<vmem>>
      %dma_start3A_734 = tpu.memref_squeeze %dma_start3A_733 : memref<1x128x8xf32, #tpu.memory_space<vmem>> -> memref<128x8xf32, #tpu.memory_space<vmem>>
      %dma_start3A_735 = arith.constant 0 : i32
      %dma_start3A_736 = tpu.memref_slice %arg8[%add3A_718, %dma_start3A_735] : memref<80x128xi32, #tpu.memory_space<vmem>> -> memref<1x128xi32, #tpu.memory_space<vmem>>
      %dma_start3A_737 = tpu.memref_squeeze %dma_start3A_736 : memref<1x128xi32, #tpu.memory_space<vmem>> -> memref<128xi32, #tpu.memory_space<vmem>>
      %dma_start3A_738 = arith.constant 0 : i32
      %dma_start3A_739 = arith.constant 0 : i32
      %dma_start3A_740 = tpu.memref_slice %arg10[%dma_start3A_738, %dma_start3A_739] : memref<10240x8xf32, #tpu.memory_space<vmem_shared>> -> memref<10240x8xf32, #tpu.memory_space<vmem_shared>>
      tpu.enqueue_indirect_dma source(%dma_start3A_734 : memref<128x8xf32, #tpu.memory_space<vmem>>) target(%dma_start3A_740 : memref<10240x8xf32, #tpu.memory_space<vmem_shared>>) offsets(%dma_start3A_737 : memref<128xi32, #tpu.memory_space<vmem>>) semaphore(%arg12 : memref<!tpu.dma_semaphore, #tpu.memory_space<semaphore_mem>>) {add = true}
      %add3A_741 = arith.constant 14 : i32
      %add3A_742 = arith.addi %mul3A_404, %add3A_741 : i32
      %dma_wait3A_743 = arith.constant 14 : i32
      %dma_wait3A_744 = arith.constant 0 : i32
      %dma_wait3A_745 = arith.constant 0 : i32
      %dma_wait3A_746 = tpu.memref_slice %arg9[%dma_wait3A_743, %dma_wait3A_744, %dma_wait3A_745] : memref<16x128x8xf32, #tpu.memory_space<vmem>> -> memref<1x128x8xf32, #tpu.memory_space<vmem>>
      %dma_wait3A_747 = tpu.memref_squeeze %dma_wait3A_746 : memref<1x128x8xf32, #tpu.memory_space<vmem>> -> memref<128x8xf32, #tpu.memory_space<vmem>>
      %dma_wait3A_748 = arith.constant 0 : i32
      %dma_wait3A_749 = tpu.memref_slice %arg7[%add3A_742, %dma_wait3A_748] : memref<80x128xi32, #tpu.memory_space<vmem>> -> memref<1x128xi32, #tpu.memory_space<vmem>>
      %dma_wait3A_750 = tpu.memref_squeeze %dma_wait3A_749 : memref<1x128xi32, #tpu.memory_space<vmem>> -> memref<128xi32, #tpu.memory_space<vmem>>
      %dma_wait3A_751 = arith.constant 0 : i32
      %dma_wait3A_752 = arith.constant 0 : i32
      %dma_wait3A_753 = tpu.memref_slice %arg4[%dma_wait3A_751, %dma_wait3A_752] : memref<10000x8xf32, #tpu.memory_space<hbm>> -> memref<10000x8xf32, #tpu.memory_space<hbm>>
      tpu.wait_indirect_dma semaphore(%arg11 : memref<!tpu.dma_semaphore, #tpu.memory_space<semaphore_mem>>) src(%dma_wait3A_753 : memref<10000x8xf32, #tpu.memory_space<hbm>>) dst(%dma_wait3A_747 : memref<128x8xf32, #tpu.memory_space<vmem>>)
      %dma_start3A_754 = arith.constant 14 : i32
      %dma_start3A_755 = arith.constant 0 : i32
      %dma_start3A_756 = arith.constant 0 : i32
      %dma_start3A_757 = tpu.memref_slice %arg9[%dma_start3A_754, %dma_start3A_755, %dma_start3A_756] : memref<16x128x8xf32, #tpu.memory_space<vmem>> -> memref<1x128x8xf32, #tpu.memory_space<vmem>>
      %dma_start3A_758 = tpu.memref_squeeze %dma_start3A_757 : memref<1x128x8xf32, #tpu.memory_space<vmem>> -> memref<128x8xf32, #tpu.memory_space<vmem>>
      %dma_start3A_759 = arith.constant 0 : i32
      %dma_start3A_760 = tpu.memref_slice %arg8[%add3A_742, %dma_start3A_759] : memref<80x128xi32, #tpu.memory_space<vmem>> -> memref<1x128xi32, #tpu.memory_space<vmem>>
      %dma_start3A_761 = tpu.memref_squeeze %dma_start3A_760 : memref<1x128xi32, #tpu.memory_space<vmem>> -> memref<128xi32, #tpu.memory_space<vmem>>
      %dma_start3A_762 = arith.constant 0 : i32
      %dma_start3A_763 = arith.constant 0 : i32
      %dma_start3A_764 = tpu.memref_slice %arg10[%dma_start3A_762, %dma_start3A_763] : memref<10240x8xf32, #tpu.memory_space<vmem_shared>> -> memref<10240x8xf32, #tpu.memory_space<vmem_shared>>
      tpu.enqueue_indirect_dma source(%dma_start3A_758 : memref<128x8xf32, #tpu.memory_space<vmem>>) target(%dma_start3A_764 : memref<10240x8xf32, #tpu.memory_space<vmem_shared>>) offsets(%dma_start3A_761 : memref<128xi32, #tpu.memory_space<vmem>>) semaphore(%arg12 : memref<!tpu.dma_semaphore, #tpu.memory_space<semaphore_mem>>) {add = true}
      %add3A_765 = arith.constant 15 : i32
      %add3A_766 = arith.addi %mul3A_404, %add3A_765 : i32
      %dma_wait3A_767 = arith.constant 15 : i32
      %dma_wait3A_768 = arith.constant 0 : i32
      %dma_wait3A_769 = arith.constant 0 : i32
      %dma_wait3A_770 = tpu.memref_slice %arg9[%dma_wait3A_767, %dma_wait3A_768, %dma_wait3A_769] : memref<16x128x8xf32, #tpu.memory_space<vmem>> -> memref<1x128x8xf32, #tpu.memory_space<vmem>>
      %dma_wait3A_771 = tpu.memref_squeeze %dma_wait3A_770 : memref<1x128x8xf32, #tpu.memory_space<vmem>> -> memref<128x8xf32, #tpu.memory_space<vmem>>
      %dma_wait3A_772 = arith.constant 0 : i32
      %dma_wait3A_773 = tpu.memref_slice %arg7[%add3A_766, %dma_wait3A_772] : memref<80x128xi32, #tpu.memory_space<vmem>> -> memref<1x128xi32, #tpu.memory_space<vmem>>
      %dma_wait3A_774 = tpu.memref_squeeze %dma_wait3A_773 : memref<1x128xi32, #tpu.memory_space<vmem>> -> memref<128xi32, #tpu.memory_space<vmem>>
      %dma_wait3A_775 = arith.constant 0 : i32
      %dma_wait3A_776 = arith.constant 0 : i32
      %dma_wait3A_777 = tpu.memref_slice %arg4[%dma_wait3A_775, %dma_wait3A_776] : memref<10000x8xf32, #tpu.memory_space<hbm>> -> memref<10000x8xf32, #tpu.memory_space<hbm>>
      tpu.wait_indirect_dma semaphore(%arg11 : memref<!tpu.dma_semaphore, #tpu.memory_space<semaphore_mem>>) src(%dma_wait3A_777 : memref<10000x8xf32, #tpu.memory_space<hbm>>) dst(%dma_wait3A_771 : memref<128x8xf32, #tpu.memory_space<vmem>>)
      %dma_start3A_778 = arith.constant 15 : i32
      %dma_start3A_779 = arith.constant 0 : i32
      %dma_start3A_780 = arith.constant 0 : i32
      %dma_start3A_781 = tpu.memref_slice %arg9[%dma_start3A_778, %dma_start3A_779, %dma_start3A_780] : memref<16x128x8xf32, #tpu.memory_space<vmem>> -> memref<1x128x8xf32, #tpu.memory_space<vmem>>
      %dma_start3A_782 = tpu.memref_squeeze %dma_start3A_781 : memref<1x128x8xf32, #tpu.memory_space<vmem>> -> memref<128x8xf32, #tpu.memory_space<vmem>>
      %dma_start3A_783 = arith.constant 0 : i32
      %dma_start3A_784 = tpu.memref_slice %arg8[%add3A_766, %dma_start3A_783] : memref<80x128xi32, #tpu.memory_space<vmem>> -> memref<1x128xi32, #tpu.memory_space<vmem>>
      %dma_start3A_785 = tpu.memref_squeeze %dma_start3A_784 : memref<1x128xi32, #tpu.memory_space<vmem>> -> memref<128xi32, #tpu.memory_space<vmem>>
      %dma_start3A_786 = arith.constant 0 : i32
      %dma_start3A_787 = arith.constant 0 : i32
      %dma_start3A_788 = tpu.memref_slice %arg10[%dma_start3A_786, %dma_start3A_787] : memref<10240x8xf32, #tpu.memory_space<vmem_shared>> -> memref<10240x8xf32, #tpu.memory_space<vmem_shared>>
      tpu.enqueue_indirect_dma source(%dma_start3A_782 : memref<128x8xf32, #tpu.memory_space<vmem>>) target(%dma_start3A_788 : memref<10240x8xf32, #tpu.memory_space<vmem_shared>>) offsets(%dma_start3A_785 : memref<128xi32, #tpu.memory_space<vmem>>) semaphore(%arg12 : memref<!tpu.dma_semaphore, #tpu.memory_space<semaphore_mem>>) {add = true}
      %dma_wait3A_789 = arith.constant 0 : i32
      %dma_wait3A_790 = arith.constant 0 : i32
      %dma_wait3A_791 = arith.constant 0 : i32
      %dma_wait3A_792 = tpu.memref_slice %arg9[%dma_wait3A_789, %dma_wait3A_790, %dma_wait3A_791] : memref<16x128x8xf32, #tpu.memory_space<vmem>> -> memref<1x128x8xf32, #tpu.memory_space<vmem>>
      %dma_wait3A_793 = tpu.memref_squeeze %dma_wait3A_792 : memref<1x128x8xf32, #tpu.memory_space<vmem>> -> memref<128x8xf32, #tpu.memory_space<vmem>>
      %dma_wait3A_794 = arith.constant 0 : i32
      %dma_wait3A_795 = tpu.memref_slice %arg8[%add3A_406, %dma_wait3A_794] : memref<80x128xi32, #tpu.memory_space<vmem>> -> memref<1x128xi32, #tpu.memory_space<vmem>>
      %dma_wait3A_796 = tpu.memref_squeeze %dma_wait3A_795 : memref<1x128xi32, #tpu.memory_space<vmem>> -> memref<128xi32, #tpu.memory_space<vmem>>
      %dma_wait3A_797 = arith.constant 0 : i32
      %dma_wait3A_798 = arith.constant 0 : i32
      %dma_wait3A_799 = tpu.memref_slice %arg10[%dma_wait3A_797, %dma_wait3A_798] : memref<10240x8xf32, #tpu.memory_space<vmem_shared>> -> memref<10240x8xf32, #tpu.memory_space<vmem_shared>>
      tpu.wait_indirect_dma semaphore(%arg12 : memref<!tpu.dma_semaphore, #tpu.memory_space<semaphore_mem>>) src(%dma_wait3A_793 : memref<128x8xf32, #tpu.memory_space<vmem>>) dst(%dma_wait3A_799 : memref<10240x8xf32, #tpu.memory_space<vmem_shared>>)
      %add3A_800 = arith.constant 16 : i32
      %add3A_801 = arith.addi %mul3A_404, %add3A_800 : i32
      %add3A_802 = arith.constant 0 : i32
      %add3A_803 = arith.addi %add3A_801, %add3A_802 : i32
      %ge3A = arith.constant 80 : i32
      %ge3A_804 = arith.cmpi sge, %add3A_803, %ge3A : i32
      %sub3A = arith.constant 80 : i32
      %sub3A_805 = arith.subi %add3A_803, %sub3A : i32
      %select_n3A = arith.select %ge3A_804, %sub3A_805, %add3A_803 : i32
      %dma_start3A_806 = arith.constant 0 : i32
      %dma_start3A_807 = arith.constant 0 : i32
      %dma_start3A_808 = arith.constant 0 : i32
      %dma_start3A_809 = tpu.memref_slice %arg9[%dma_start3A_806, %dma_start3A_807, %dma_start3A_808] : memref<16x128x8xf32, #tpu.memory_space<vmem>> -> memref<1x128x8xf32, #tpu.memory_space<vmem>>
      %dma_start3A_810 = tpu.memref_squeeze %dma_start3A_809 : memref<1x128x8xf32, #tpu.memory_space<vmem>> -> memref<128x8xf32, #tpu.memory_space<vmem>>
      %dma_start3A_811 = arith.constant 0 : i32
      %dma_start3A_812 = tpu.memref_slice %arg7[%select_n3A, %dma_start3A_811] : memref<80x128xi32, #tpu.memory_space<vmem>> -> memref<1x128xi32, #tpu.memory_space<vmem>>
      %dma_start3A_813 = tpu.memref_squeeze %dma_start3A_812 : memref<1x128xi32, #tpu.memory_space<vmem>> -> memref<128xi32, #tpu.memory_space<vmem>>
      %dma_start3A_814 = arith.constant 0 : i32
      %dma_start3A_815 = arith.constant 0 : i32
      %dma_start3A_816 = tpu.memref_slice %arg4[%dma_start3A_814, %dma_start3A_815] : memref<10000x8xf32, #tpu.memory_space<hbm>> -> memref<10000x8xf32, #tpu.memory_space<hbm>>
      tpu.enqueue_indirect_dma source(%dma_start3A_816 : memref<10000x8xf32, #tpu.memory_space<hbm>>) target(%dma_start3A_810 : memref<128x8xf32, #tpu.memory_space<vmem>>) offsets(%dma_start3A_813 : memref<128xi32, #tpu.memory_space<vmem>>) semaphore(%arg11 : memref<!tpu.dma_semaphore, #tpu.memory_space<semaphore_mem>>)
      %dma_wait3A_817 = arith.constant 1 : i32
      %dma_wait3A_818 = arith.constant 0 : i32
      %dma_wait3A_819 = arith.constant 0 : i32
      %dma_wait3A_820 = tpu.memref_slice %arg9[%dma_wait3A_817, %dma_wait3A_818, %dma_wait3A_819] : memref<16x128x8xf32, #tpu.memory_space<vmem>> -> memref<1x128x8xf32, #tpu.memory_space<vmem>>
      %dma_wait3A_821 = tpu.memref_squeeze %dma_wait3A_820 : memref<1x128x8xf32, #tpu.memory_space<vmem>> -> memref<128x8xf32, #tpu.memory_space<vmem>>
      %dma_wait3A_822 = arith.constant 0 : i32
      %dma_wait3A_823 = tpu.memref_slice %arg8[%add3A_430, %dma_wait3A_822] : memref<80x128xi32, #tpu.memory_space<vmem>> -> memref<1x128xi32, #tpu.memory_space<vmem>>
      %dma_wait3A_824 = tpu.memref_squeeze %dma_wait3A_823 : memref<1x128xi32, #tpu.memory_space<vmem>> -> memref<128xi32, #tpu.memory_space<vmem>>
      %dma_wait3A_825 = arith.constant 0 : i32
      %dma_wait3A_826 = arith.constant 0 : i32
      %dma_wait3A_827 = tpu.memref_slice %arg10[%dma_wait3A_825, %dma_wait3A_826] : memref<10240x8xf32, #tpu.memory_space<vmem_shared>> -> memref<10240x8xf32, #tpu.memory_space<vmem_shared>>
      tpu.wait_indirect_dma semaphore(%arg12 : memref<!tpu.dma_semaphore, #tpu.memory_space<semaphore_mem>>) src(%dma_wait3A_821 : memref<128x8xf32, #tpu.memory_space<vmem>>) dst(%dma_wait3A_827 : memref<10240x8xf32, #tpu.memory_space<vmem_shared>>)
      %add3A_828 = arith.constant 16 : i32
      %add3A_829 = arith.addi %mul3A_404, %add3A_828 : i32
      %add3A_830 = arith.constant 1 : i32
      %add3A_831 = arith.addi %add3A_829, %add3A_830 : i32
      %ge3A_832 = arith.constant 80 : i32
      %ge3A_833 = arith.cmpi sge, %add3A_831, %ge3A_832 : i32
      %sub3A_834 = arith.constant 80 : i32
      %sub3A_835 = arith.subi %add3A_831, %sub3A_834 : i32
      %select_n3A_836 = arith.select %ge3A_833, %sub3A_835, %add3A_831 : i32
      %dma_start3A_837 = arith.constant 1 : i32
      %dma_start3A_838 = arith.constant 0 : i32
      %dma_start3A_839 = arith.constant 0 : i32
      %dma_start3A_840 = tpu.memref_slice %arg9[%dma_start3A_837, %dma_start3A_838, %dma_start3A_839] : memref<16x128x8xf32, #tpu.memory_space<vmem>> -> memref<1x128x8xf32, #tpu.memory_space<vmem>>
      %dma_start3A_841 = tpu.memref_squeeze %dma_start3A_840 : memref<1x128x8xf32, #tpu.memory_space<vmem>> -> memref<128x8xf32, #tpu.memory_space<vmem>>
      %dma_start3A_842 = arith.constant 0 : i32
      %dma_start3A_843 = tpu.memref_slice %arg7[%select_n3A_836, %dma_start3A_842] : memref<80x128xi32, #tpu.memory_space<vmem>> -> memref<1x128xi32, #tpu.memory_space<vmem>>
      %dma_start3A_844 = tpu.memref_squeeze %dma_start3A_843 : memref<1x128xi32, #tpu.memory_space<vmem>> -> memref<128xi32, #tpu.memory_space<vmem>>
      %dma_start3A_845 = arith.constant 0 : i32
      %dma_start3A_846 = arith.constant 0 : i32
      %dma_start3A_847 = tpu.memref_slice %arg4[%dma_start3A_845, %dma_start3A_846] : memref<10000x8xf32, #tpu.memory_space<hbm>> -> memref<10000x8xf32, #tpu.memory_space<hbm>>
      tpu.enqueue_indirect_dma source(%dma_start3A_847 : memref<10000x8xf32, #tpu.memory_space<hbm>>) target(%dma_start3A_841 : memref<128x8xf32, #tpu.memory_space<vmem>>) offsets(%dma_start3A_844 : memref<128xi32, #tpu.memory_space<vmem>>) semaphore(%arg11 : memref<!tpu.dma_semaphore, #tpu.memory_space<semaphore_mem>>)
      %dma_wait3A_848 = arith.constant 2 : i32
      %dma_wait3A_849 = arith.constant 0 : i32
      %dma_wait3A_850 = arith.constant 0 : i32
      %dma_wait3A_851 = tpu.memref_slice %arg9[%dma_wait3A_848, %dma_wait3A_849, %dma_wait3A_850] : memref<16x128x8xf32, #tpu.memory_space<vmem>> -> memref<1x128x8xf32, #tpu.memory_space<vmem>>
      %dma_wait3A_852 = tpu.memref_squeeze %dma_wait3A_851 : memref<1x128x8xf32, #tpu.memory_space<vmem>> -> memref<128x8xf32, #tpu.memory_space<vmem>>
      %dma_wait3A_853 = arith.constant 0 : i32
      %dma_wait3A_854 = tpu.memref_slice %arg8[%add3A_454, %dma_wait3A_853] : memref<80x128xi32, #tpu.memory_space<vmem>> -> memref<1x128xi32, #tpu.memory_space<vmem>>
      %dma_wait3A_855 = tpu.memref_squeeze %dma_wait3A_854 : memref<1x128xi32, #tpu.memory_space<vmem>> -> memref<128xi32, #tpu.memory_space<vmem>>
      %dma_wait3A_856 = arith.constant 0 : i32
      %dma_wait3A_857 = arith.constant 0 : i32
      %dma_wait3A_858 = tpu.memref_slice %arg10[%dma_wait3A_856, %dma_wait3A_857] : memref<10240x8xf32, #tpu.memory_space<vmem_shared>> -> memref<10240x8xf32, #tpu.memory_space<vmem_shared>>
      tpu.wait_indirect_dma semaphore(%arg12 : memref<!tpu.dma_semaphore, #tpu.memory_space<semaphore_mem>>) src(%dma_wait3A_852 : memref<128x8xf32, #tpu.memory_space<vmem>>) dst(%dma_wait3A_858 : memref<10240x8xf32, #tpu.memory_space<vmem_shared>>)
      %add3A_859 = arith.constant 16 : i32
      %add3A_860 = arith.addi %mul3A_404, %add3A_859 : i32
      %add3A_861 = arith.constant 2 : i32
      %add3A_862 = arith.addi %add3A_860, %add3A_861 : i32
      %ge3A_863 = arith.constant 80 : i32
      %ge3A_864 = arith.cmpi sge, %add3A_862, %ge3A_863 : i32
      %sub3A_865 = arith.constant 80 : i32
      %sub3A_866 = arith.subi %add3A_862, %sub3A_865 : i32
      %select_n3A_867 = arith.select %ge3A_864, %sub3A_866, %add3A_862 : i32
      %dma_start3A_868 = arith.constant 2 : i32
      %dma_start3A_869 = arith.constant 0 : i32
      %dma_start3A_870 = arith.constant 0 : i32
      %dma_start3A_871 = tpu.memref_slice %arg9[%dma_start3A_868, %dma_start3A_869, %dma_start3A_870] : memref<16x128x8xf32, #tpu.memory_space<vmem>> -> memref<1x128x8xf32, #tpu.memory_space<vmem>>
      %dma_start3A_872 = tpu.memref_squeeze %dma_start3A_871 : memref<1x128x8xf32, #tpu.memory_space<vmem>> -> memref<128x8xf32, #tpu.memory_space<vmem>>
      %dma_start3A_873 = arith.constant 0 : i32
      %dma_start3A_874 = tpu.memref_slice %arg7[%select_n3A_867, %dma_start3A_873] : memref<80x128xi32, #tpu.memory_space<vmem>> -> memref<1x128xi32, #tpu.memory_space<vmem>>
      %dma_start3A_875 = tpu.memref_squeeze %dma_start3A_874 : memref<1x128xi32, #tpu.memory_space<vmem>> -> memref<128xi32, #tpu.memory_space<vmem>>
      %dma_start3A_876 = arith.constant 0 : i32
      %dma_start3A_877 = arith.constant 0 : i32
      %dma_start3A_878 = tpu.memref_slice %arg4[%dma_start3A_876, %dma_start3A_877] : memref<10000x8xf32, #tpu.memory_space<hbm>> -> memref<10000x8xf32, #tpu.memory_space<hbm>>
      tpu.enqueue_indirect_dma source(%dma_start3A_878 : memref<10000x8xf32, #tpu.memory_space<hbm>>) target(%dma_start3A_872 : memref<128x8xf32, #tpu.memory_space<vmem>>) offsets(%dma_start3A_875 : memref<128xi32, #tpu.memory_space<vmem>>) semaphore(%arg11 : memref<!tpu.dma_semaphore, #tpu.memory_space<semaphore_mem>>)
      %dma_wait3A_879 = arith.constant 3 : i32
      %dma_wait3A_880 = arith.constant 0 : i32
      %dma_wait3A_881 = arith.constant 0 : i32
      %dma_wait3A_882 = tpu.memref_slice %arg9[%dma_wait3A_879, %dma_wait3A_880, %dma_wait3A_881] : memref<16x128x8xf32, #tpu.memory_space<vmem>> -> memref<1x128x8xf32, #tpu.memory_space<vmem>>
      %dma_wait3A_883 = tpu.memref_squeeze %dma_wait3A_882 : memref<1x128x8xf32, #tpu.memory_space<vmem>> -> memref<128x8xf32, #tpu.memory_space<vmem>>
      %dma_wait3A_884 = arith.constant 0 : i32
      %dma_wait3A_885 = tpu.memref_slice %arg8[%add3A_478, %dma_wait3A_884] : memref<80x128xi32, #tpu.memory_space<vmem>> -> memref<1x128xi32, #tpu.memory_space<vmem>>
      %dma_wait3A_886 = tpu.memref_squeeze %dma_wait3A_885 : memref<1x128xi32, #tpu.memory_space<vmem>> -> memref<128xi32, #tpu.memory_space<vmem>>
      %dma_wait3A_887 = arith.constant 0 : i32
      %dma_wait3A_888 = arith.constant 0 : i32
      %dma_wait3A_889 = tpu.memref_slice %arg10[%dma_wait3A_887, %dma_wait3A_888] : memref<10240x8xf32, #tpu.memory_space<vmem_shared>> -> memref<10240x8xf32, #tpu.memory_space<vmem_shared>>
      tpu.wait_indirect_dma semaphore(%arg12 : memref<!tpu.dma_semaphore, #tpu.memory_space<semaphore_mem>>) src(%dma_wait3A_883 : memref<128x8xf32, #tpu.memory_space<vmem>>) dst(%dma_wait3A_889 : memref<10240x8xf32, #tpu.memory_space<vmem_shared>>)
      %add3A_890 = arith.constant 16 : i32
      %add3A_891 = arith.addi %mul3A_404, %add3A_890 : i32
      %add3A_892 = arith.constant 3 : i32
      %add3A_893 = arith.addi %add3A_891, %add3A_892 : i32
      %ge3A_894 = arith.constant 80 : i32
      %ge3A_895 = arith.cmpi sge, %add3A_893, %ge3A_894 : i32
      %sub3A_896 = arith.constant 80 : i32
      %sub3A_897 = arith.subi %add3A_893, %sub3A_896 : i32
      %select_n3A_898 = arith.select %ge3A_895, %sub3A_897, %add3A_893 : i32
      %dma_start3A_899 = arith.constant 3 : i32
      %dma_start3A_900 = arith.constant 0 : i32
      %dma_start3A_901 = arith.constant 0 : i32
      %dma_start3A_902 = tpu.memref_slice %arg9[%dma_start3A_899, %dma_start3A_900, %dma_start3A_901] : memref<16x128x8xf32, #tpu.memory_space<vmem>> -> memref<1x128x8xf32, #tpu.memory_space<vmem>>
      %dma_start3A_903 = tpu.memref_squeeze %dma_start3A_902 : memref<1x128x8xf32, #tpu.memory_space<vmem>> -> memref<128x8xf32, #tpu.memory_space<vmem>>
      %dma_start3A_904 = arith.constant 0 : i32
      %dma_start3A_905 = tpu.memref_slice %arg7[%select_n3A_898, %dma_start3A_904] : memref<80x128xi32, #tpu.memory_space<vmem>> -> memref<1x128xi32, #tpu.memory_space<vmem>>
      %dma_start3A_906 = tpu.memref_squeeze %dma_start3A_905 : memref<1x128xi32, #tpu.memory_space<vmem>> -> memref<128xi32, #tpu.memory_space<vmem>>
      %dma_start3A_907 = arith.constant 0 : i32
      %dma_start3A_908 = arith.constant 0 : i32
      %dma_start3A_909 = tpu.memref_slice %arg4[%dma_start3A_907, %dma_start3A_908] : memref<10000x8xf32, #tpu.memory_space<hbm>> -> memref<10000x8xf32, #tpu.memory_space<hbm>>
      tpu.enqueue_indirect_dma source(%dma_start3A_909 : memref<10000x8xf32, #tpu.memory_space<hbm>>) target(%dma_start3A_903 : memref<128x8xf32, #tpu.memory_space<vmem>>) offsets(%dma_start3A_906 : memref<128xi32, #tpu.memory_space<vmem>>) semaphore(%arg11 : memref<!tpu.dma_semaphore, #tpu.memory_space<semaphore_mem>>)
      %dma_wait3A_910 = arith.constant 4 : i32
      %dma_wait3A_911 = arith.constant 0 : i32
      %dma_wait3A_912 = arith.constant 0 : i32
      %dma_wait3A_913 = tpu.memref_slice %arg9[%dma_wait3A_910, %dma_wait3A_911, %dma_wait3A_912] : memref<16x128x8xf32, #tpu.memory_space<vmem>> -> memref<1x128x8xf32, #tpu.memory_space<vmem>>
      %dma_wait3A_914 = tpu.memref_squeeze %dma_wait3A_913 : memref<1x128x8xf32, #tpu.memory_space<vmem>> -> memref<128x8xf32, #tpu.memory_space<vmem>>
      %dma_wait3A_915 = arith.constant 0 : i32
      %dma_wait3A_916 = tpu.memref_slice %arg8[%add3A_502, %dma_wait3A_915] : memref<80x128xi32, #tpu.memory_space<vmem>> -> memref<1x128xi32, #tpu.memory_space<vmem>>
      %dma_wait3A_917 = tpu.memref_squeeze %dma_wait3A_916 : memref<1x128xi32, #tpu.memory_space<vmem>> -> memref<128xi32, #tpu.memory_space<vmem>>
      %dma_wait3A_918 = arith.constant 0 : i32
      %dma_wait3A_919 = arith.constant 0 : i32
      %dma_wait3A_920 = tpu.memref_slice %arg10[%dma_wait3A_918, %dma_wait3A_919] : memref<10240x8xf32, #tpu.memory_space<vmem_shared>> -> memref<10240x8xf32, #tpu.memory_space<vmem_shared>>
      tpu.wait_indirect_dma semaphore(%arg12 : memref<!tpu.dma_semaphore, #tpu.memory_space<semaphore_mem>>) src(%dma_wait3A_914 : memref<128x8xf32, #tpu.memory_space<vmem>>) dst(%dma_wait3A_920 : memref<10240x8xf32, #tpu.memory_space<vmem_shared>>)
      %add3A_921 = arith.constant 16 : i32
      %add3A_922 = arith.addi %mul3A_404, %add3A_921 : i32
      %add3A_923 = arith.constant 4 : i32
      %add3A_924 = arith.addi %add3A_922, %add3A_923 : i32
      %ge3A_925 = arith.constant 80 : i32
      %ge3A_926 = arith.cmpi sge, %add3A_924, %ge3A_925 : i32
      %sub3A_927 = arith.constant 80 : i32
      %sub3A_928 = arith.subi %add3A_924, %sub3A_927 : i32
      %select_n3A_929 = arith.select %ge3A_926, %sub3A_928, %add3A_924 : i32
      %dma_start3A_930 = arith.constant 4 : i32
      %dma_start3A_931 = arith.constant 0 : i32
      %dma_start3A_932 = arith.constant 0 : i32
      %dma_start3A_933 = tpu.memref_slice %arg9[%dma_start3A_930, %dma_start3A_931, %dma_start3A_932] : memref<16x128x8xf32, #tpu.memory_space<vmem>> -> memref<1x128x8xf32, #tpu.memory_space<vmem>>
      %dma_start3A_934 = tpu.memref_squeeze %dma_start3A_933 : memref<1x128x8xf32, #tpu.memory_space<vmem>> -> memref<128x8xf32, #tpu.memory_space<vmem>>
      %dma_start3A_935 = arith.constant 0 : i32
      %dma_start3A_936 = tpu.memref_slice %arg7[%select_n3A_929, %dma_start3A_935] : memref<80x128xi32, #tpu.memory_space<vmem>> -> memref<1x128xi32, #tpu.memory_space<vmem>>
      %dma_start3A_937 = tpu.memref_squeeze %dma_start3A_936 : memref<1x128xi32, #tpu.memory_space<vmem>> -> memref<128xi32, #tpu.memory_space<vmem>>
      %dma_start3A_938 = arith.constant 0 : i32
      %dma_start3A_939 = arith.constant 0 : i32
      %dma_start3A_940 = tpu.memref_slice %arg4[%dma_start3A_938, %dma_start3A_939] : memref<10000x8xf32, #tpu.memory_space<hbm>> -> memref<10000x8xf32, #tpu.memory_space<hbm>>
      tpu.enqueue_indirect_dma source(%dma_start3A_940 : memref<10000x8xf32, #tpu.memory_space<hbm>>) target(%dma_start3A_934 : memref<128x8xf32, #tpu.memory_space<vmem>>) offsets(%dma_start3A_937 : memref<128xi32, #tpu.memory_space<vmem>>) semaphore(%arg11 : memref<!tpu.dma_semaphore, #tpu.memory_space<semaphore_mem>>)
      %dma_wait3A_941 = arith.constant 5 : i32
      %dma_wait3A_942 = arith.constant 0 : i32
      %dma_wait3A_943 = arith.constant 0 : i32
      %dma_wait3A_944 = tpu.memref_slice %arg9[%dma_wait3A_941, %dma_wait3A_942, %dma_wait3A_943] : memref<16x128x8xf32, #tpu.memory_space<vmem>> -> memref<1x128x8xf32, #tpu.memory_space<vmem>>
      %dma_wait3A_945 = tpu.memref_squeeze %dma_wait3A_944 : memref<1x128x8xf32, #tpu.memory_space<vmem>> -> memref<128x8xf32, #tpu.memory_space<vmem>>
      %dma_wait3A_946 = arith.constant 0 : i32
      %dma_wait3A_947 = tpu.memref_slice %arg8[%add3A_526, %dma_wait3A_946] : memref<80x128xi32, #tpu.memory_space<vmem>> -> memref<1x128xi32, #tpu.memory_space<vmem>>
      %dma_wait3A_948 = tpu.memref_squeeze %dma_wait3A_947 : memref<1x128xi32, #tpu.memory_space<vmem>> -> memref<128xi32, #tpu.memory_space<vmem>>
      %dma_wait3A_949 = arith.constant 0 : i32
      %dma_wait3A_950 = arith.constant 0 : i32
      %dma_wait3A_951 = tpu.memref_slice %arg10[%dma_wait3A_949, %dma_wait3A_950] : memref<10240x8xf32, #tpu.memory_space<vmem_shared>> -> memref<10240x8xf32, #tpu.memory_space<vmem_shared>>
      tpu.wait_indirect_dma semaphore(%arg12 : memref<!tpu.dma_semaphore, #tpu.memory_space<semaphore_mem>>) src(%dma_wait3A_945 : memref<128x8xf32, #tpu.memory_space<vmem>>) dst(%dma_wait3A_951 : memref<10240x8xf32, #tpu.memory_space<vmem_shared>>)
      %add3A_952 = arith.constant 16 : i32
      %add3A_953 = arith.addi %mul3A_404, %add3A_952 : i32
      %add3A_954 = arith.constant 5 : i32
      %add3A_955 = arith.addi %add3A_953, %add3A_954 : i32
      %ge3A_956 = arith.constant 80 : i32
      %ge3A_957 = arith.cmpi sge, %add3A_955, %ge3A_956 : i32
      %sub3A_958 = arith.constant 80 : i32
      %sub3A_959 = arith.subi %add3A_955, %sub3A_958 : i32
      %select_n3A_960 = arith.select %ge3A_957, %sub3A_959, %add3A_955 : i32
      %dma_start3A_961 = arith.constant 5 : i32
      %dma_start3A_962 = arith.constant 0 : i32
      %dma_start3A_963 = arith.constant 0 : i32
      %dma_start3A_964 = tpu.memref_slice %arg9[%dma_start3A_961, %dma_start3A_962, %dma_start3A_963] : memref<16x128x8xf32, #tpu.memory_space<vmem>> -> memref<1x128x8xf32, #tpu.memory_space<vmem>>
      %dma_start3A_965 = tpu.memref_squeeze %dma_start3A_964 : memref<1x128x8xf32, #tpu.memory_space<vmem>> -> memref<128x8xf32, #tpu.memory_space<vmem>>
      %dma_start3A_966 = arith.constant 0 : i32
      %dma_start3A_967 = tpu.memref_slice %arg7[%select_n3A_960, %dma_start3A_966] : memref<80x128xi32, #tpu.memory_space<vmem>> -> memref<1x128xi32, #tpu.memory_space<vmem>>
      %dma_start3A_968 = tpu.memref_squeeze %dma_start3A_967 : memref<1x128xi32, #tpu.memory_space<vmem>> -> memref<128xi32, #tpu.memory_space<vmem>>
      %dma_start3A_969 = arith.constant 0 : i32
      %dma_start3A_970 = arith.constant 0 : i32
      %dma_start3A_971 = tpu.memref_slice %arg4[%dma_start3A_969, %dma_start3A_970] : memref<10000x8xf32, #tpu.memory_space<hbm>> -> memref<10000x8xf32, #tpu.memory_space<hbm>>
      tpu.enqueue_indirect_dma source(%dma_start3A_971 : memref<10000x8xf32, #tpu.memory_space<hbm>>) target(%dma_start3A_965 : memref<128x8xf32, #tpu.memory_space<vmem>>) offsets(%dma_start3A_968 : memref<128xi32, #tpu.memory_space<vmem>>) semaphore(%arg11 : memref<!tpu.dma_semaphore, #tpu.memory_space<semaphore_mem>>)
      %dma_wait3A_972 = arith.constant 6 : i32
      %dma_wait3A_973 = arith.constant 0 : i32
      %dma_wait3A_974 = arith.constant 0 : i32
      %dma_wait3A_975 = tpu.memref_slice %arg9[%dma_wait3A_972, %dma_wait3A_973, %dma_wait3A_974] : memref<16x128x8xf32, #tpu.memory_space<vmem>> -> memref<1x128x8xf32, #tpu.memory_space<vmem>>
      %dma_wait3A_976 = tpu.memref_squeeze %dma_wait3A_975 : memref<1x128x8xf32, #tpu.memory_space<vmem>> -> memref<128x8xf32, #tpu.memory_space<vmem>>
      %dma_wait3A_977 = arith.constant 0 : i32
      %dma_wait3A_978 = tpu.memref_slice %arg8[%add3A_550, %dma_wait3A_977] : memref<80x128xi32, #tpu.memory_space<vmem>> -> memref<1x128xi32, #tpu.memory_space<vmem>>
      %dma_wait3A_979 = tpu.memref_squeeze %dma_wait3A_978 : memref<1x128xi32, #tpu.memory_space<vmem>> -> memref<128xi32, #tpu.memory_space<vmem>>
      %dma_wait3A_980 = arith.constant 0 : i32
      %dma_wait3A_981 = arith.constant 0 : i32
      %dma_wait3A_982 = tpu.memref_slice %arg10[%dma_wait3A_980, %dma_wait3A_981] : memref<10240x8xf32, #tpu.memory_space<vmem_shared>> -> memref<10240x8xf32, #tpu.memory_space<vmem_shared>>
      tpu.wait_indirect_dma semaphore(%arg12 : memref<!tpu.dma_semaphore, #tpu.memory_space<semaphore_mem>>) src(%dma_wait3A_976 : memref<128x8xf32, #tpu.memory_space<vmem>>) dst(%dma_wait3A_982 : memref<10240x8xf32, #tpu.memory_space<vmem_shared>>)
      %add3A_983 = arith.constant 16 : i32
      %add3A_984 = arith.addi %mul3A_404, %add3A_983 : i32
      %add3A_985 = arith.constant 6 : i32
      %add3A_986 = arith.addi %add3A_984, %add3A_985 : i32
      %ge3A_987 = arith.constant 80 : i32
      %ge3A_988 = arith.cmpi sge, %add3A_986, %ge3A_987 : i32
      %sub3A_989 = arith.constant 80 : i32
      %sub3A_990 = arith.subi %add3A_986, %sub3A_989 : i32
      %select_n3A_991 = arith.select %ge3A_988, %sub3A_990, %add3A_986 : i32
      %dma_start3A_992 = arith.constant 6 : i32
      %dma_start3A_993 = arith.constant 0 : i32
      %dma_start3A_994 = arith.constant 0 : i32
      %dma_start3A_995 = tpu.memref_slice %arg9[%dma_start3A_992, %dma_start3A_993, %dma_start3A_994] : memref<16x128x8xf32, #tpu.memory_space<vmem>> -> memref<1x128x8xf32, #tpu.memory_space<vmem>>
      %dma_start3A_996 = tpu.memref_squeeze %dma_start3A_995 : memref<1x128x8xf32, #tpu.memory_space<vmem>> -> memref<128x8xf32, #tpu.memory_space<vmem>>
      %dma_start3A_997 = arith.constant 0 : i32
      %dma_start3A_998 = tpu.memref_slice %arg7[%select_n3A_991, %dma_start3A_997] : memref<80x128xi32, #tpu.memory_space<vmem>> -> memref<1x128xi32, #tpu.memory_space<vmem>>
      %dma_start3A_999 = tpu.memref_squeeze %dma_start3A_998 : memref<1x128xi32, #tpu.memory_space<vmem>> -> memref<128xi32, #tpu.memory_space<vmem>>
      %dma_start3A_1000 = arith.constant 0 : i32
      %dma_start3A_1001 = arith.constant 0 : i32
      %dma_start3A_1002 = tpu.memref_slice %arg4[%dma_start3A_1000, %dma_start3A_1001] : memref<10000x8xf32, #tpu.memory_space<hbm>> -> memref<10000x8xf32, #tpu.memory_space<hbm>>
      tpu.enqueue_indirect_dma source(%dma_start3A_1002 : memref<10000x8xf32, #tpu.memory_space<hbm>>) target(%dma_start3A_996 : memref<128x8xf32, #tpu.memory_space<vmem>>) offsets(%dma_start3A_999 : memref<128xi32, #tpu.memory_space<vmem>>) semaphore(%arg11 : memref<!tpu.dma_semaphore, #tpu.memory_space<semaphore_mem>>)
      %dma_wait3A_1003 = arith.constant 7 : i32
      %dma_wait3A_1004 = arith.constant 0 : i32
      %dma_wait3A_1005 = arith.constant 0 : i32
      %dma_wait3A_1006 = tpu.memref_slice %arg9[%dma_wait3A_1003, %dma_wait3A_1004, %dma_wait3A_1005] : memref<16x128x8xf32, #tpu.memory_space<vmem>> -> memref<1x128x8xf32, #tpu.memory_space<vmem>>
      %dma_wait3A_1007 = tpu.memref_squeeze %dma_wait3A_1006 : memref<1x128x8xf32, #tpu.memory_space<vmem>> -> memref<128x8xf32, #tpu.memory_space<vmem>>
      %dma_wait3A_1008 = arith.constant 0 : i32
      %dma_wait3A_1009 = tpu.memref_slice %arg8[%add3A_574, %dma_wait3A_1008] : memref<80x128xi32, #tpu.memory_space<vmem>> -> memref<1x128xi32, #tpu.memory_space<vmem>>
      %dma_wait3A_1010 = tpu.memref_squeeze %dma_wait3A_1009 : memref<1x128xi32, #tpu.memory_space<vmem>> -> memref<128xi32, #tpu.memory_space<vmem>>
      %dma_wait3A_1011 = arith.constant 0 : i32
      %dma_wait3A_1012 = arith.constant 0 : i32
      %dma_wait3A_1013 = tpu.memref_slice %arg10[%dma_wait3A_1011, %dma_wait3A_1012] : memref<10240x8xf32, #tpu.memory_space<vmem_shared>> -> memref<10240x8xf32, #tpu.memory_space<vmem_shared>>
      tpu.wait_indirect_dma semaphore(%arg12 : memref<!tpu.dma_semaphore, #tpu.memory_space<semaphore_mem>>) src(%dma_wait3A_1007 : memref<128x8xf32, #tpu.memory_space<vmem>>) dst(%dma_wait3A_1013 : memref<10240x8xf32, #tpu.memory_space<vmem_shared>>)
      %add3A_1014 = arith.constant 16 : i32
      %add3A_1015 = arith.addi %mul3A_404, %add3A_1014 : i32
      %add3A_1016 = arith.constant 7 : i32
      %add3A_1017 = arith.addi %add3A_1015, %add3A_1016 : i32
      %ge3A_1018 = arith.constant 80 : i32
      %ge3A_1019 = arith.cmpi sge, %add3A_1017, %ge3A_1018 : i32
      %sub3A_1020 = arith.constant 80 : i32
      %sub3A_1021 = arith.subi %add3A_1017, %sub3A_1020 : i32
      %select_n3A_1022 = arith.select %ge3A_1019, %sub3A_1021, %add3A_1017 : i32
      %dma_start3A_1023 = arith.constant 7 : i32
      %dma_start3A_1024 = arith.constant 0 : i32
      %dma_start3A_1025 = arith.constant 0 : i32
      %dma_start3A_1026 = tpu.memref_slice %arg9[%dma_start3A_1023, %dma_start3A_1024, %dma_start3A_1025] : memref<16x128x8xf32, #tpu.memory_space<vmem>> -> memref<1x128x8xf32, #tpu.memory_space<vmem>>
      %dma_start3A_1027 = tpu.memref_squeeze %dma_start3A_1026 : memref<1x128x8xf32, #tpu.memory_space<vmem>> -> memref<128x8xf32, #tpu.memory_space<vmem>>
      %dma_start3A_1028 = arith.constant 0 : i32
      %dma_start3A_1029 = tpu.memref_slice %arg7[%select_n3A_1022, %dma_start3A_1028] : memref<80x128xi32, #tpu.memory_space<vmem>> -> memref<1x128xi32, #tpu.memory_space<vmem>>
      %dma_start3A_1030 = tpu.memref_squeeze %dma_start3A_1029 : memref<1x128xi32, #tpu.memory_space<vmem>> -> memref<128xi32, #tpu.memory_space<vmem>>
      %dma_start3A_1031 = arith.constant 0 : i32
      %dma_start3A_1032 = arith.constant 0 : i32
      %dma_start3A_1033 = tpu.memref_slice %arg4[%dma_start3A_1031, %dma_start3A_1032] : memref<10000x8xf32, #tpu.memory_space<hbm>> -> memref<10000x8xf32, #tpu.memory_space<hbm>>
      tpu.enqueue_indirect_dma source(%dma_start3A_1033 : memref<10000x8xf32, #tpu.memory_space<hbm>>) target(%dma_start3A_1027 : memref<128x8xf32, #tpu.memory_space<vmem>>) offsets(%dma_start3A_1030 : memref<128xi32, #tpu.memory_space<vmem>>) semaphore(%arg11 : memref<!tpu.dma_semaphore, #tpu.memory_space<semaphore_mem>>)
      %dma_wait3A_1034 = arith.constant 8 : i32
      %dma_wait3A_1035 = arith.constant 0 : i32
      %dma_wait3A_1036 = arith.constant 0 : i32
      %dma_wait3A_1037 = tpu.memref_slice %arg9[%dma_wait3A_1034, %dma_wait3A_1035, %dma_wait3A_1036] : memref<16x128x8xf32, #tpu.memory_space<vmem>> -> memref<1x128x8xf32, #tpu.memory_space<vmem>>
      %dma_wait3A_1038 = tpu.memref_squeeze %dma_wait3A_1037 : memref<1x128x8xf32, #tpu.memory_space<vmem>> -> memref<128x8xf32, #tpu.memory_space<vmem>>
      %dma_wait3A_1039 = arith.constant 0 : i32
      %dma_wait3A_1040 = tpu.memref_slice %arg8[%add3A_598, %dma_wait3A_1039] : memref<80x128xi32, #tpu.memory_space<vmem>> -> memref<1x128xi32, #tpu.memory_space<vmem>>
      %dma_wait3A_1041 = tpu.memref_squeeze %dma_wait3A_1040 : memref<1x128xi32, #tpu.memory_space<vmem>> -> memref<128xi32, #tpu.memory_space<vmem>>
      %dma_wait3A_1042 = arith.constant 0 : i32
      %dma_wait3A_1043 = arith.constant 0 : i32
      %dma_wait3A_1044 = tpu.memref_slice %arg10[%dma_wait3A_1042, %dma_wait3A_1043] : memref<10240x8xf32, #tpu.memory_space<vmem_shared>> -> memref<10240x8xf32, #tpu.memory_space<vmem_shared>>
      tpu.wait_indirect_dma semaphore(%arg12 : memref<!tpu.dma_semaphore, #tpu.memory_space<semaphore_mem>>) src(%dma_wait3A_1038 : memref<128x8xf32, #tpu.memory_space<vmem>>) dst(%dma_wait3A_1044 : memref<10240x8xf32, #tpu.memory_space<vmem_shared>>)
      %add3A_1045 = arith.constant 16 : i32
      %add3A_1046 = arith.addi %mul3A_404, %add3A_1045 : i32
      %add3A_1047 = arith.constant 8 : i32
      %add3A_1048 = arith.addi %add3A_1046, %add3A_1047 : i32
      %ge3A_1049 = arith.constant 80 : i32
      %ge3A_1050 = arith.cmpi sge, %add3A_1048, %ge3A_1049 : i32
      %sub3A_1051 = arith.constant 80 : i32
      %sub3A_1052 = arith.subi %add3A_1048, %sub3A_1051 : i32
      %select_n3A_1053 = arith.select %ge3A_1050, %sub3A_1052, %add3A_1048 : i32
      %dma_start3A_1054 = arith.constant 8 : i32
      %dma_start3A_1055 = arith.constant 0 : i32
      %dma_start3A_1056 = arith.constant 0 : i32
      %dma_start3A_1057 = tpu.memref_slice %arg9[%dma_start3A_1054, %dma_start3A_1055, %dma_start3A_1056] : memref<16x128x8xf32, #tpu.memory_space<vmem>> -> memref<1x128x8xf32, #tpu.memory_space<vmem>>
      %dma_start3A_1058 = tpu.memref_squeeze %dma_start3A_1057 : memref<1x128x8xf32, #tpu.memory_space<vmem>> -> memref<128x8xf32, #tpu.memory_space<vmem>>
      %dma_start3A_1059 = arith.constant 0 : i32
      %dma_start3A_1060 = tpu.memref_slice %arg7[%select_n3A_1053, %dma_start3A_1059] : memref<80x128xi32, #tpu.memory_space<vmem>> -> memref<1x128xi32, #tpu.memory_space<vmem>>
      %dma_start3A_1061 = tpu.memref_squeeze %dma_start3A_1060 : memref<1x128xi32, #tpu.memory_space<vmem>> -> memref<128xi32, #tpu.memory_space<vmem>>
      %dma_start3A_1062 = arith.constant 0 : i32
      %dma_start3A_1063 = arith.constant 0 : i32
      %dma_start3A_1064 = tpu.memref_slice %arg4[%dma_start3A_1062, %dma_start3A_1063] : memref<10000x8xf32, #tpu.memory_space<hbm>> -> memref<10000x8xf32, #tpu.memory_space<hbm>>
      tpu.enqueue_indirect_dma source(%dma_start3A_1064 : memref<10000x8xf32, #tpu.memory_space<hbm>>) target(%dma_start3A_1058 : memref<128x8xf32, #tpu.memory_space<vmem>>) offsets(%dma_start3A_1061 : memref<128xi32, #tpu.memory_space<vmem>>) semaphore(%arg11 : memref<!tpu.dma_semaphore, #tpu.memory_space<semaphore_mem>>)
      %dma_wait3A_1065 = arith.constant 9 : i32
      %dma_wait3A_1066 = arith.constant 0 : i32
      %dma_wait3A_1067 = arith.constant 0 : i32
      %dma_wait3A_1068 = tpu.memref_slice %arg9[%dma_wait3A_1065, %dma_wait3A_1066, %dma_wait3A_1067] : memref<16x128x8xf32, #tpu.memory_space<vmem>> -> memref<1x128x8xf32, #tpu.memory_space<vmem>>
      %dma_wait3A_1069 = tpu.memref_squeeze %dma_wait3A_1068 : memref<1x128x8xf32, #tpu.memory_space<vmem>> -> memref<128x8xf32, #tpu.memory_space<vmem>>
      %dma_wait3A_1070 = arith.constant 0 : i32
      %dma_wait3A_1071 = tpu.memref_slice %arg8[%add3A_622, %dma_wait3A_1070] : memref<80x128xi32, #tpu.memory_space<vmem>> -> memref<1x128xi32, #tpu.memory_space<vmem>>
      %dma_wait3A_1072 = tpu.memref_squeeze %dma_wait3A_1071 : memref<1x128xi32, #tpu.memory_space<vmem>> -> memref<128xi32, #tpu.memory_space<vmem>>
      %dma_wait3A_1073 = arith.constant 0 : i32
      %dma_wait3A_1074 = arith.constant 0 : i32
      %dma_wait3A_1075 = tpu.memref_slice %arg10[%dma_wait3A_1073, %dma_wait3A_1074] : memref<10240x8xf32, #tpu.memory_space<vmem_shared>> -> memref<10240x8xf32, #tpu.memory_space<vmem_shared>>
      tpu.wait_indirect_dma semaphore(%arg12 : memref<!tpu.dma_semaphore, #tpu.memory_space<semaphore_mem>>) src(%dma_wait3A_1069 : memref<128x8xf32, #tpu.memory_space<vmem>>) dst(%dma_wait3A_1075 : memref<10240x8xf32, #tpu.memory_space<vmem_shared>>)
      %add3A_1076 = arith.constant 16 : i32
      %add3A_1077 = arith.addi %mul3A_404, %add3A_1076 : i32
      %add3A_1078 = arith.constant 9 : i32
      %add3A_1079 = arith.addi %add3A_1077, %add3A_1078 : i32
      %ge3A_1080 = arith.constant 80 : i32
      %ge3A_1081 = arith.cmpi sge, %add3A_1079, %ge3A_1080 : i32
      %sub3A_1082 = arith.constant 80 : i32
      %sub3A_1083 = arith.subi %add3A_1079, %sub3A_1082 : i32
      %select_n3A_1084 = arith.select %ge3A_1081, %sub3A_1083, %add3A_1079 : i32
      %dma_start3A_1085 = arith.constant 9 : i32
      %dma_start3A_1086 = arith.constant 0 : i32
      %dma_start3A_1087 = arith.constant 0 : i32
      %dma_start3A_1088 = tpu.memref_slice %arg9[%dma_start3A_1085, %dma_start3A_1086, %dma_start3A_1087] : memref<16x128x8xf32, #tpu.memory_space<vmem>> -> memref<1x128x8xf32, #tpu.memory_space<vmem>>
      %dma_start3A_1089 = tpu.memref_squeeze %dma_start3A_1088 : memref<1x128x8xf32, #tpu.memory_space<vmem>> -> memref<128x8xf32, #tpu.memory_space<vmem>>
      %dma_start3A_1090 = arith.constant 0 : i32
      %dma_start3A_1091 = tpu.memref_slice %arg7[%select_n3A_1084, %dma_start3A_1090] : memref<80x128xi32, #tpu.memory_space<vmem>> -> memref<1x128xi32, #tpu.memory_space<vmem>>
      %dma_start3A_1092 = tpu.memref_squeeze %dma_start3A_1091 : memref<1x128xi32, #tpu.memory_space<vmem>> -> memref<128xi32, #tpu.memory_space<vmem>>
      %dma_start3A_1093 = arith.constant 0 : i32
      %dma_start3A_1094 = arith.constant 0 : i32
      %dma_start3A_1095 = tpu.memref_slice %arg4[%dma_start3A_1093, %dma_start3A_1094] : memref<10000x8xf32, #tpu.memory_space<hbm>> -> memref<10000x8xf32, #tpu.memory_space<hbm>>
      tpu.enqueue_indirect_dma source(%dma_start3A_1095 : memref<10000x8xf32, #tpu.memory_space<hbm>>) target(%dma_start3A_1089 : memref<128x8xf32, #tpu.memory_space<vmem>>) offsets(%dma_start3A_1092 : memref<128xi32, #tpu.memory_space<vmem>>) semaphore(%arg11 : memref<!tpu.dma_semaphore, #tpu.memory_space<semaphore_mem>>)
      %dma_wait3A_1096 = arith.constant 10 : i32
      %dma_wait3A_1097 = arith.constant 0 : i32
      %dma_wait3A_1098 = arith.constant 0 : i32
      %dma_wait3A_1099 = tpu.memref_slice %arg9[%dma_wait3A_1096, %dma_wait3A_1097, %dma_wait3A_1098] : memref<16x128x8xf32, #tpu.memory_space<vmem>> -> memref<1x128x8xf32, #tpu.memory_space<vmem>>
      %dma_wait3A_1100 = tpu.memref_squeeze %dma_wait3A_1099 : memref<1x128x8xf32, #tpu.memory_space<vmem>> -> memref<128x8xf32, #tpu.memory_space<vmem>>
      %dma_wait3A_1101 = arith.constant 0 : i32
      %dma_wait3A_1102 = tpu.memref_slice %arg8[%add3A_646, %dma_wait3A_1101] : memref<80x128xi32, #tpu.memory_space<vmem>> -> memref<1x128xi32, #tpu.memory_space<vmem>>
      %dma_wait3A_1103 = tpu.memref_squeeze %dma_wait3A_1102 : memref<1x128xi32, #tpu.memory_space<vmem>> -> memref<128xi32, #tpu.memory_space<vmem>>
      %dma_wait3A_1104 = arith.constant 0 : i32
      %dma_wait3A_1105 = arith.constant 0 : i32
      %dma_wait3A_1106 = tpu.memref_slice %arg10[%dma_wait3A_1104, %dma_wait3A_1105] : memref<10240x8xf32, #tpu.memory_space<vmem_shared>> -> memref<10240x8xf32, #tpu.memory_space<vmem_shared>>
      tpu.wait_indirect_dma semaphore(%arg12 : memref<!tpu.dma_semaphore, #tpu.memory_space<semaphore_mem>>) src(%dma_wait3A_1100 : memref<128x8xf32, #tpu.memory_space<vmem>>) dst(%dma_wait3A_1106 : memref<10240x8xf32, #tpu.memory_space<vmem_shared>>)
      %add3A_1107 = arith.constant 16 : i32
      %add3A_1108 = arith.addi %mul3A_404, %add3A_1107 : i32
      %add3A_1109 = arith.constant 10 : i32
      %add3A_1110 = arith.addi %add3A_1108, %add3A_1109 : i32
      %ge3A_1111 = arith.constant 80 : i32
      %ge3A_1112 = arith.cmpi sge, %add3A_1110, %ge3A_1111 : i32
      %sub3A_1113 = arith.constant 80 : i32
      %sub3A_1114 = arith.subi %add3A_1110, %sub3A_1113 : i32
      %select_n3A_1115 = arith.select %ge3A_1112, %sub3A_1114, %add3A_1110 : i32
      %dma_start3A_1116 = arith.constant 10 : i32
      %dma_start3A_1117 = arith.constant 0 : i32
      %dma_start3A_1118 = arith.constant 0 : i32
      %dma_start3A_1119 = tpu.memref_slice %arg9[%dma_start3A_1116, %dma_start3A_1117, %dma_start3A_1118] : memref<16x128x8xf32, #tpu.memory_space<vmem>> -> memref<1x128x8xf32, #tpu.memory_space<vmem>>
      %dma_start3A_1120 = tpu.memref_squeeze %dma_start3A_1119 : memref<1x128x8xf32, #tpu.memory_space<vmem>> -> memref<128x8xf32, #tpu.memory_space<vmem>>
      %dma_start3A_1121 = arith.constant 0 : i32
      %dma_start3A_1122 = tpu.memref_slice %arg7[%select_n3A_1115, %dma_start3A_1121] : memref<80x128xi32, #tpu.memory_space<vmem>> -> memref<1x128xi32, #tpu.memory_space<vmem>>
      %dma_start3A_1123 = tpu.memref_squeeze %dma_start3A_1122 : memref<1x128xi32, #tpu.memory_space<vmem>> -> memref<128xi32, #tpu.memory_space<vmem>>
      %dma_start3A_1124 = arith.constant 0 : i32
      %dma_start3A_1125 = arith.constant 0 : i32
      %dma_start3A_1126 = tpu.memref_slice %arg4[%dma_start3A_1124, %dma_start3A_1125] : memref<10000x8xf32, #tpu.memory_space<hbm>> -> memref<10000x8xf32, #tpu.memory_space<hbm>>
      tpu.enqueue_indirect_dma source(%dma_start3A_1126 : memref<10000x8xf32, #tpu.memory_space<hbm>>) target(%dma_start3A_1120 : memref<128x8xf32, #tpu.memory_space<vmem>>) offsets(%dma_start3A_1123 : memref<128xi32, #tpu.memory_space<vmem>>) semaphore(%arg11 : memref<!tpu.dma_semaphore, #tpu.memory_space<semaphore_mem>>)
      %dma_wait3A_1127 = arith.constant 11 : i32
      %dma_wait3A_1128 = arith.constant 0 : i32
      %dma_wait3A_1129 = arith.constant 0 : i32
      %dma_wait3A_1130 = tpu.memref_slice %arg9[%dma_wait3A_1127, %dma_wait3A_1128, %dma_wait3A_1129] : memref<16x128x8xf32, #tpu.memory_space<vmem>> -> memref<1x128x8xf32, #tpu.memory_space<vmem>>
      %dma_wait3A_1131 = tpu.memref_squeeze %dma_wait3A_1130 : memref<1x128x8xf32, #tpu.memory_space<vmem>> -> memref<128x8xf32, #tpu.memory_space<vmem>>
      %dma_wait3A_1132 = arith.constant 0 : i32
      %dma_wait3A_1133 = tpu.memref_slice %arg8[%add3A_670, %dma_wait3A_1132] : memref<80x128xi32, #tpu.memory_space<vmem>> -> memref<1x128xi32, #tpu.memory_space<vmem>>
      %dma_wait3A_1134 = tpu.memref_squeeze %dma_wait3A_1133 : memref<1x128xi32, #tpu.memory_space<vmem>> -> memref<128xi32, #tpu.memory_space<vmem>>
      %dma_wait3A_1135 = arith.constant 0 : i32
      %dma_wait3A_1136 = arith.constant 0 : i32
      %dma_wait3A_1137 = tpu.memref_slice %arg10[%dma_wait3A_1135, %dma_wait3A_1136] : memref<10240x8xf32, #tpu.memory_space<vmem_shared>> -> memref<10240x8xf32, #tpu.memory_space<vmem_shared>>
      tpu.wait_indirect_dma semaphore(%arg12 : memref<!tpu.dma_semaphore, #tpu.memory_space<semaphore_mem>>) src(%dma_wait3A_1131 : memref<128x8xf32, #tpu.memory_space<vmem>>) dst(%dma_wait3A_1137 : memref<10240x8xf32, #tpu.memory_space<vmem_shared>>)
      %add3A_1138 = arith.constant 16 : i32
      %add3A_1139 = arith.addi %mul3A_404, %add3A_1138 : i32
      %add3A_1140 = arith.constant 11 : i32
      %add3A_1141 = arith.addi %add3A_1139, %add3A_1140 : i32
      %ge3A_1142 = arith.constant 80 : i32
      %ge3A_1143 = arith.cmpi sge, %add3A_1141, %ge3A_1142 : i32
      %sub3A_1144 = arith.constant 80 : i32
      %sub3A_1145 = arith.subi %add3A_1141, %sub3A_1144 : i32
      %select_n3A_1146 = arith.select %ge3A_1143, %sub3A_1145, %add3A_1141 : i32
      %dma_start3A_1147 = arith.constant 11 : i32
      %dma_start3A_1148 = arith.constant 0 : i32
      %dma_start3A_1149 = arith.constant 0 : i32
      %dma_start3A_1150 = tpu.memref_slice %arg9[%dma_start3A_1147, %dma_start3A_1148, %dma_start3A_1149] : memref<16x128x8xf32, #tpu.memory_space<vmem>> -> memref<1x128x8xf32, #tpu.memory_space<vmem>>
      %dma_start3A_1151 = tpu.memref_squeeze %dma_start3A_1150 : memref<1x128x8xf32, #tpu.memory_space<vmem>> -> memref<128x8xf32, #tpu.memory_space<vmem>>
      %dma_start3A_1152 = arith.constant 0 : i32
      %dma_start3A_1153 = tpu.memref_slice %arg7[%select_n3A_1146, %dma_start3A_1152] : memref<80x128xi32, #tpu.memory_space<vmem>> -> memref<1x128xi32, #tpu.memory_space<vmem>>
      %dma_start3A_1154 = tpu.memref_squeeze %dma_start3A_1153 : memref<1x128xi32, #tpu.memory_space<vmem>> -> memref<128xi32, #tpu.memory_space<vmem>>
      %dma_start3A_1155 = arith.constant 0 : i32
      %dma_start3A_1156 = arith.constant 0 : i32
      %dma_start3A_1157 = tpu.memref_slice %arg4[%dma_start3A_1155, %dma_start3A_1156] : memref<10000x8xf32, #tpu.memory_space<hbm>> -> memref<10000x8xf32, #tpu.memory_space<hbm>>
      tpu.enqueue_indirect_dma source(%dma_start3A_1157 : memref<10000x8xf32, #tpu.memory_space<hbm>>) target(%dma_start3A_1151 : memref<128x8xf32, #tpu.memory_space<vmem>>) offsets(%dma_start3A_1154 : memref<128xi32, #tpu.memory_space<vmem>>) semaphore(%arg11 : memref<!tpu.dma_semaphore, #tpu.memory_space<semaphore_mem>>)
      %dma_wait3A_1158 = arith.constant 12 : i32
      %dma_wait3A_1159 = arith.constant 0 : i32
      %dma_wait3A_1160 = arith.constant 0 : i32
      %dma_wait3A_1161 = tpu.memref_slice %arg9[%dma_wait3A_1158, %dma_wait3A_1159, %dma_wait3A_1160] : memref<16x128x8xf32, #tpu.memory_space<vmem>> -> memref<1x128x8xf32, #tpu.memory_space<vmem>>
      %dma_wait3A_1162 = tpu.memref_squeeze %dma_wait3A_1161 : memref<1x128x8xf32, #tpu.memory_space<vmem>> -> memref<128x8xf32, #tpu.memory_space<vmem>>
      %dma_wait3A_1163 = arith.constant 0 : i32
      %dma_wait3A_1164 = tpu.memref_slice %arg8[%add3A_694, %dma_wait3A_1163] : memref<80x128xi32, #tpu.memory_space<vmem>> -> memref<1x128xi32, #tpu.memory_space<vmem>>
      %dma_wait3A_1165 = tpu.memref_squeeze %dma_wait3A_1164 : memref<1x128xi32, #tpu.memory_space<vmem>> -> memref<128xi32, #tpu.memory_space<vmem>>
      %dma_wait3A_1166 = arith.constant 0 : i32
      %dma_wait3A_1167 = arith.constant 0 : i32
      %dma_wait3A_1168 = tpu.memref_slice %arg10[%dma_wait3A_1166, %dma_wait3A_1167] : memref<10240x8xf32, #tpu.memory_space<vmem_shared>> -> memref<10240x8xf32, #tpu.memory_space<vmem_shared>>
      tpu.wait_indirect_dma semaphore(%arg12 : memref<!tpu.dma_semaphore, #tpu.memory_space<semaphore_mem>>) src(%dma_wait3A_1162 : memref<128x8xf32, #tpu.memory_space<vmem>>) dst(%dma_wait3A_1168 : memref<10240x8xf32, #tpu.memory_space<vmem_shared>>)
      %add3A_1169 = arith.constant 16 : i32
      %add3A_1170 = arith.addi %mul3A_404, %add3A_1169 : i32
      %add3A_1171 = arith.constant 12 : i32
      %add3A_1172 = arith.addi %add3A_1170, %add3A_1171 : i32
      %ge3A_1173 = arith.constant 80 : i32
      %ge3A_1174 = arith.cmpi sge, %add3A_1172, %ge3A_1173 : i32
      %sub3A_1175 = arith.constant 80 : i32
      %sub3A_1176 = arith.subi %add3A_1172, %sub3A_1175 : i32
      %select_n3A_1177 = arith.select %ge3A_1174, %sub3A_1176, %add3A_1172 : i32
      %dma_start3A_1178 = arith.constant 12 : i32
      %dma_start3A_1179 = arith.constant 0 : i32
      %dma_start3A_1180 = arith.constant 0 : i32
      %dma_start3A_1181 = tpu.memref_slice %arg9[%dma_start3A_1178, %dma_start3A_1179, %dma_start3A_1180] : memref<16x128x8xf32, #tpu.memory_space<vmem>> -> memref<1x128x8xf32, #tpu.memory_space<vmem>>
      %dma_start3A_1182 = tpu.memref_squeeze %dma_start3A_1181 : memref<1x128x8xf32, #tpu.memory_space<vmem>> -> memref<128x8xf32, #tpu.memory_space<vmem>>
      %dma_start3A_1183 = arith.constant 0 : i32
      %dma_start3A_1184 = tpu.memref_slice %arg7[%select_n3A_1177, %dma_start3A_1183] : memref<80x128xi32, #tpu.memory_space<vmem>> -> memref<1x128xi32, #tpu.memory_space<vmem>>
      %dma_start3A_1185 = tpu.memref_squeeze %dma_start3A_1184 : memref<1x128xi32, #tpu.memory_space<vmem>> -> memref<128xi32, #tpu.memory_space<vmem>>
      %dma_start3A_1186 = arith.constant 0 : i32
      %dma_start3A_1187 = arith.constant 0 : i32
      %dma_start3A_1188 = tpu.memref_slice %arg4[%dma_start3A_1186, %dma_start3A_1187] : memref<10000x8xf32, #tpu.memory_space<hbm>> -> memref<10000x8xf32, #tpu.memory_space<hbm>>
      tpu.enqueue_indirect_dma source(%dma_start3A_1188 : memref<10000x8xf32, #tpu.memory_space<hbm>>) target(%dma_start3A_1182 : memref<128x8xf32, #tpu.memory_space<vmem>>) offsets(%dma_start3A_1185 : memref<128xi32, #tpu.memory_space<vmem>>) semaphore(%arg11 : memref<!tpu.dma_semaphore, #tpu.memory_space<semaphore_mem>>)
      %dma_wait3A_1189 = arith.constant 13 : i32
      %dma_wait3A_1190 = arith.constant 0 : i32
      %dma_wait3A_1191 = arith.constant 0 : i32
      %dma_wait3A_1192 = tpu.memref_slice %arg9[%dma_wait3A_1189, %dma_wait3A_1190, %dma_wait3A_1191] : memref<16x128x8xf32, #tpu.memory_space<vmem>> -> memref<1x128x8xf32, #tpu.memory_space<vmem>>
      %dma_wait3A_1193 = tpu.memref_squeeze %dma_wait3A_1192 : memref<1x128x8xf32, #tpu.memory_space<vmem>> -> memref<128x8xf32, #tpu.memory_space<vmem>>
      %dma_wait3A_1194 = arith.constant 0 : i32
      %dma_wait3A_1195 = tpu.memref_slice %arg8[%add3A_718, %dma_wait3A_1194] : memref<80x128xi32, #tpu.memory_space<vmem>> -> memref<1x128xi32, #tpu.memory_space<vmem>>
      %dma_wait3A_1196 = tpu.memref_squeeze %dma_wait3A_1195 : memref<1x128xi32, #tpu.memory_space<vmem>> -> memref<128xi32, #tpu.memory_space<vmem>>
      %dma_wait3A_1197 = arith.constant 0 : i32
      %dma_wait3A_1198 = arith.constant 0 : i32
      %dma_wait3A_1199 = tpu.memref_slice %arg10[%dma_wait3A_1197, %dma_wait3A_1198] : memref<10240x8xf32, #tpu.memory_space<vmem_shared>> -> memref<10240x8xf32, #tpu.memory_space<vmem_shared>>
      tpu.wait_indirect_dma semaphore(%arg12 : memref<!tpu.dma_semaphore, #tpu.memory_space<semaphore_mem>>) src(%dma_wait3A_1193 : memref<128x8xf32, #tpu.memory_space<vmem>>) dst(%dma_wait3A_1199 : memref<10240x8xf32, #tpu.memory_space<vmem_shared>>)
      %add3A_1200 = arith.constant 16 : i32
      %add3A_1201 = arith.addi %mul3A_404, %add3A_1200 : i32
      %add3A_1202 = arith.constant 13 : i32
      %add3A_1203 = arith.addi %add3A_1201, %add3A_1202 : i32
      %ge3A_1204 = arith.constant 80 : i32
      %ge3A_1205 = arith.cmpi sge, %add3A_1203, %ge3A_1204 : i32
      %sub3A_1206 = arith.constant 80 : i32
      %sub3A_1207 = arith.subi %add3A_1203, %sub3A_1206 : i32
      %select_n3A_1208 = arith.select %ge3A_1205, %sub3A_1207, %add3A_1203 : i32
      %dma_start3A_1209 = arith.constant 13 : i32
      %dma_start3A_1210 = arith.constant 0 : i32
      %dma_start3A_1211 = arith.constant 0 : i32
      %dma_start3A_1212 = tpu.memref_slice %arg9[%dma_start3A_1209, %dma_start3A_1210, %dma_start3A_1211] : memref<16x128x8xf32, #tpu.memory_space<vmem>> -> memref<1x128x8xf32, #tpu.memory_space<vmem>>
      %dma_start3A_1213 = tpu.memref_squeeze %dma_start3A_1212 : memref<1x128x8xf32, #tpu.memory_space<vmem>> -> memref<128x8xf32, #tpu.memory_space<vmem>>
      %dma_start3A_1214 = arith.constant 0 : i32
      %dma_start3A_1215 = tpu.memref_slice %arg7[%select_n3A_1208, %dma_start3A_1214] : memref<80x128xi32, #tpu.memory_space<vmem>> -> memref<1x128xi32, #tpu.memory_space<vmem>>
      %dma_start3A_1216 = tpu.memref_squeeze %dma_start3A_1215 : memref<1x128xi32, #tpu.memory_space<vmem>> -> memref<128xi32, #tpu.memory_space<vmem>>
      %dma_start3A_1217 = arith.constant 0 : i32
      %dma_start3A_1218 = arith.constant 0 : i32
      %dma_start3A_1219 = tpu.memref_slice %arg4[%dma_start3A_1217, %dma_start3A_1218] : memref<10000x8xf32, #tpu.memory_space<hbm>> -> memref<10000x8xf32, #tpu.memory_space<hbm>>
      tpu.enqueue_indirect_dma source(%dma_start3A_1219 : memref<10000x8xf32, #tpu.memory_space<hbm>>) target(%dma_start3A_1213 : memref<128x8xf32, #tpu.memory_space<vmem>>) offsets(%dma_start3A_1216 : memref<128xi32, #tpu.memory_space<vmem>>) semaphore(%arg11 : memref<!tpu.dma_semaphore, #tpu.memory_space<semaphore_mem>>)
      %dma_wait3A_1220 = arith.constant 14 : i32
      %dma_wait3A_1221 = arith.constant 0 : i32
      %dma_wait3A_1222 = arith.constant 0 : i32
      %dma_wait3A_1223 = tpu.memref_slice %arg9[%dma_wait3A_1220, %dma_wait3A_1221, %dma_wait3A_1222] : memref<16x128x8xf32, #tpu.memory_space<vmem>> -> memref<1x128x8xf32, #tpu.memory_space<vmem>>
      %dma_wait3A_1224 = tpu.memref_squeeze %dma_wait3A_1223 : memref<1x128x8xf32, #tpu.memory_space<vmem>> -> memref<128x8xf32, #tpu.memory_space<vmem>>
      %dma_wait3A_1225 = arith.constant 0 : i32
      %dma_wait3A_1226 = tpu.memref_slice %arg8[%add3A_742, %dma_wait3A_1225] : memref<80x128xi32, #tpu.memory_space<vmem>> -> memref<1x128xi32, #tpu.memory_space<vmem>>
      %dma_wait3A_1227 = tpu.memref_squeeze %dma_wait3A_1226 : memref<1x128xi32, #tpu.memory_space<vmem>> -> memref<128xi32, #tpu.memory_space<vmem>>
      %dma_wait3A_1228 = arith.constant 0 : i32
      %dma_wait3A_1229 = arith.constant 0 : i32
      %dma_wait3A_1230 = tpu.memref_slice %arg10[%dma_wait3A_1228, %dma_wait3A_1229] : memref<10240x8xf32, #tpu.memory_space<vmem_shared>> -> memref<10240x8xf32, #tpu.memory_space<vmem_shared>>
      tpu.wait_indirect_dma semaphore(%arg12 : memref<!tpu.dma_semaphore, #tpu.memory_space<semaphore_mem>>) src(%dma_wait3A_1224 : memref<128x8xf32, #tpu.memory_space<vmem>>) dst(%dma_wait3A_1230 : memref<10240x8xf32, #tpu.memory_space<vmem_shared>>)
      %add3A_1231 = arith.constant 16 : i32
      %add3A_1232 = arith.addi %mul3A_404, %add3A_1231 : i32
      %add3A_1233 = arith.constant 14 : i32
      %add3A_1234 = arith.addi %add3A_1232, %add3A_1233 : i32
      %ge3A_1235 = arith.constant 80 : i32
      %ge3A_1236 = arith.cmpi sge, %add3A_1234, %ge3A_1235 : i32
      %sub3A_1237 = arith.constant 80 : i32
      %sub3A_1238 = arith.subi %add3A_1234, %sub3A_1237 : i32
      %select_n3A_1239 = arith.select %ge3A_1236, %sub3A_1238, %add3A_1234 : i32
      %dma_start3A_1240 = arith.constant 14 : i32
      %dma_start3A_1241 = arith.constant 0 : i32
      %dma_start3A_1242 = arith.constant 0 : i32
      %dma_start3A_1243 = tpu.memref_slice %arg9[%dma_start3A_1240, %dma_start3A_1241, %dma_start3A_1242] : memref<16x128x8xf32, #tpu.memory_space<vmem>> -> memref<1x128x8xf32, #tpu.memory_space<vmem>>
      %dma_start3A_1244 = tpu.memref_squeeze %dma_start3A_1243 : memref<1x128x8xf32, #tpu.memory_space<vmem>> -> memref<128x8xf32, #tpu.memory_space<vmem>>
      %dma_start3A_1245 = arith.constant 0 : i32
      %dma_start3A_1246 = tpu.memref_slice %arg7[%select_n3A_1239, %dma_start3A_1245] : memref<80x128xi32, #tpu.memory_space<vmem>> -> memref<1x128xi32, #tpu.memory_space<vmem>>
      %dma_start3A_1247 = tpu.memref_squeeze %dma_start3A_1246 : memref<1x128xi32, #tpu.memory_space<vmem>> -> memref<128xi32, #tpu.memory_space<vmem>>
      %dma_start3A_1248 = arith.constant 0 : i32
      %dma_start3A_1249 = arith.constant 0 : i32
      %dma_start3A_1250 = tpu.memref_slice %arg4[%dma_start3A_1248, %dma_start3A_1249] : memref<10000x8xf32, #tpu.memory_space<hbm>> -> memref<10000x8xf32, #tpu.memory_space<hbm>>
      tpu.enqueue_indirect_dma source(%dma_start3A_1250 : memref<10000x8xf32, #tpu.memory_space<hbm>>) target(%dma_start3A_1244 : memref<128x8xf32, #tpu.memory_space<vmem>>) offsets(%dma_start3A_1247 : memref<128xi32, #tpu.memory_space<vmem>>) semaphore(%arg11 : memref<!tpu.dma_semaphore, #tpu.memory_space<semaphore_mem>>)
      %dma_wait3A_1251 = arith.constant 15 : i32
      %dma_wait3A_1252 = arith.constant 0 : i32
      %dma_wait3A_1253 = arith.constant 0 : i32
      %dma_wait3A_1254 = tpu.memref_slice %arg9[%dma_wait3A_1251, %dma_wait3A_1252, %dma_wait3A_1253] : memref<16x128x8xf32, #tpu.memory_space<vmem>> -> memref<1x128x8xf32, #tpu.memory_space<vmem>>
      %dma_wait3A_1255 = tpu.memref_squeeze %dma_wait3A_1254 : memref<1x128x8xf32, #tpu.memory_space<vmem>> -> memref<128x8xf32, #tpu.memory_space<vmem>>
      %dma_wait3A_1256 = arith.constant 0 : i32
      %dma_wait3A_1257 = tpu.memref_slice %arg8[%add3A_766, %dma_wait3A_1256] : memref<80x128xi32, #tpu.memory_space<vmem>> -> memref<1x128xi32, #tpu.memory_space<vmem>>
      %dma_wait3A_1258 = tpu.memref_squeeze %dma_wait3A_1257 : memref<1x128xi32, #tpu.memory_space<vmem>> -> memref<128xi32, #tpu.memory_space<vmem>>
      %dma_wait3A_1259 = arith.constant 0 : i32
      %dma_wait3A_1260 = arith.constant 0 : i32
      %dma_wait3A_1261 = tpu.memref_slice %arg10[%dma_wait3A_1259, %dma_wait3A_1260] : memref<10240x8xf32, #tpu.memory_space<vmem_shared>> -> memref<10240x8xf32, #tpu.memory_space<vmem_shared>>
      tpu.wait_indirect_dma semaphore(%arg12 : memref<!tpu.dma_semaphore, #tpu.memory_space<semaphore_mem>>) src(%dma_wait3A_1255 : memref<128x8xf32, #tpu.memory_space<vmem>>) dst(%dma_wait3A_1261 : memref<10240x8xf32, #tpu.memory_space<vmem_shared>>)
      %add3A_1262 = arith.constant 16 : i32
      %add3A_1263 = arith.addi %mul3A_404, %add3A_1262 : i32
      %add3A_1264 = arith.constant 15 : i32
      %add3A_1265 = arith.addi %add3A_1263, %add3A_1264 : i32
      %ge3A_1266 = arith.constant 80 : i32
      %ge3A_1267 = arith.cmpi sge, %add3A_1265, %ge3A_1266 : i32
      %sub3A_1268 = arith.constant 80 : i32
      %sub3A_1269 = arith.subi %add3A_1265, %sub3A_1268 : i32
      %select_n3A_1270 = arith.select %ge3A_1267, %sub3A_1269, %add3A_1265 : i32
      %dma_start3A_1271 = arith.constant 15 : i32
      %dma_start3A_1272 = arith.constant 0 : i32
      %dma_start3A_1273 = arith.constant 0 : i32
      %dma_start3A_1274 = tpu.memref_slice %arg9[%dma_start3A_1271, %dma_start3A_1272, %dma_start3A_1273] : memref<16x128x8xf32, #tpu.memory_space<vmem>> -> memref<1x128x8xf32, #tpu.memory_space<vmem>>
      %dma_start3A_1275 = tpu.memref_squeeze %dma_start3A_1274 : memref<1x128x8xf32, #tpu.memory_space<vmem>> -> memref<128x8xf32, #tpu.memory_space<vmem>>
      %dma_start3A_1276 = arith.constant 0 : i32
      %dma_start3A_1277 = tpu.memref_slice %arg7[%select_n3A_1270, %dma_start3A_1276] : memref<80x128xi32, #tpu.memory_space<vmem>> -> memref<1x128xi32, #tpu.memory_space<vmem>>
      %dma_start3A_1278 = tpu.memref_squeeze %dma_start3A_1277 : memref<1x128xi32, #tpu.memory_space<vmem>> -> memref<128xi32, #tpu.memory_space<vmem>>
      %dma_start3A_1279 = arith.constant 0 : i32
      %dma_start3A_1280 = arith.constant 0 : i32
      %dma_start3A_1281 = tpu.memref_slice %arg4[%dma_start3A_1279, %dma_start3A_1280] : memref<10000x8xf32, #tpu.memory_space<hbm>> -> memref<10000x8xf32, #tpu.memory_space<hbm>>
      tpu.enqueue_indirect_dma source(%dma_start3A_1281 : memref<10000x8xf32, #tpu.memory_space<hbm>>) target(%dma_start3A_1275 : memref<128x8xf32, #tpu.memory_space<vmem>>) offsets(%dma_start3A_1278 : memref<128xi32, #tpu.memory_space<vmem>>) semaphore(%arg11 : memref<!tpu.dma_semaphore, #tpu.memory_space<semaphore_mem>>)
    }
    %scan3A_201 = arith.constant 5 : i32
    %dma_wait3A = arith.constant 0 : i32
    %dma_wait3A_202 = arith.constant 0 : i32
    %dma_wait3A_203 = arith.constant 0 : i32
    %dma_wait3A_204 = arith.constant 0 : i32
    %dma_wait3A_205 = tpu.memref_slice %arg9[%dma_wait3A_202, %dma_wait3A_203, %dma_wait3A_204] : memref<16x128x8xf32, #tpu.memory_space<vmem>> -> memref<1x128x8xf32, #tpu.memory_space<vmem>>
    %dma_wait3A_206 = tpu.memref_squeeze %dma_wait3A_205 : memref<1x128x8xf32, #tpu.memory_space<vmem>> -> memref<128x8xf32, #tpu.memory_space<vmem>>
    %dma_wait3A_207 = arith.constant 0 : i32
    %dma_wait3A_208 = tpu.memref_slice %arg7[%dma_wait3A, %dma_wait3A_207] : memref<80x128xi32, #tpu.memory_space<vmem>> -> memref<1x128xi32, #tpu.memory_space<vmem>>
    %dma_wait3A_209 = tpu.memref_squeeze %dma_wait3A_208 : memref<1x128xi32, #tpu.memory_space<vmem>> -> memref<128xi32, #tpu.memory_space<vmem>>
    %dma_wait3A_210 = arith.constant 0 : i32
    %dma_wait3A_211 = arith.constant 0 : i32
    %dma_wait3A_212 = tpu.memref_slice %arg4[%dma_wait3A_210, %dma_wait3A_211] : memref<10000x8xf32, #tpu.memory_space<hbm>> -> memref<10000x8xf32, #tpu.memory_space<hbm>>
    tpu.wait_indirect_dma semaphore(%arg11 : memref<!tpu.dma_semaphore, #tpu.memory_space<semaphore_mem>>) src(%dma_wait3A_212 : memref<10000x8xf32, #tpu.memory_space<hbm>>) dst(%dma_wait3A_206 : memref<128x8xf32, #tpu.memory_space<vmem>>)
    %dma_wait3A_213 = arith.constant 1 : i32
    %dma_wait3A_214 = arith.constant 1 : i32
    %dma_wait3A_215 = arith.constant 0 : i32
    %dma_wait3A_216 = arith.constant 0 : i32
    %dma_wait3A_217 = tpu.memref_slice %arg9[%dma_wait3A_214, %dma_wait3A_215, %dma_wait3A_216] : memref<16x128x8xf32, #tpu.memory_space<vmem>> -> memref<1x128x8xf32, #tpu.memory_space<vmem>>
    %dma_wait3A_218 = tpu.memref_squeeze %dma_wait3A_217 : memref<1x128x8xf32, #tpu.memory_space<vmem>> -> memref<128x8xf32, #tpu.memory_space<vmem>>
    %dma_wait3A_219 = arith.constant 0 : i32
    %dma_wait3A_220 = tpu.memref_slice %arg7[%dma_wait3A_213, %dma_wait3A_219] : memref<80x128xi32, #tpu.memory_space<vmem>> -> memref<1x128xi32, #tpu.memory_space<vmem>>
    %dma_wait3A_221 = tpu.memref_squeeze %dma_wait3A_220 : memref<1x128xi32, #tpu.memory_space<vmem>> -> memref<128xi32, #tpu.memory_space<vmem>>
    %dma_wait3A_222 = arith.constant 0 : i32
    %dma_wait3A_223 = arith.constant 0 : i32
    %dma_wait3A_224 = tpu.memref_slice %arg4[%dma_wait3A_222, %dma_wait3A_223] : memref<10000x8xf32, #tpu.memory_space<hbm>> -> memref<10000x8xf32, #tpu.memory_space<hbm>>
    tpu.wait_indirect_dma semaphore(%arg11 : memref<!tpu.dma_semaphore, #tpu.memory_space<semaphore_mem>>) src(%dma_wait3A_224 : memref<10000x8xf32, #tpu.memory_space<hbm>>) dst(%dma_wait3A_218 : memref<128x8xf32, #tpu.memory_space<vmem>>)
    %dma_wait3A_225 = arith.constant 2 : i32
    %dma_wait3A_226 = arith.constant 2 : i32
    %dma_wait3A_227 = arith.constant 0 : i32
    %dma_wait3A_228 = arith.constant 0 : i32
    %dma_wait3A_229 = tpu.memref_slice %arg9[%dma_wait3A_226, %dma_wait3A_227, %dma_wait3A_228] : memref<16x128x8xf32, #tpu.memory_space<vmem>> -> memref<1x128x8xf32, #tpu.memory_space<vmem>>
    %dma_wait3A_230 = tpu.memref_squeeze %dma_wait3A_229 : memref<1x128x8xf32, #tpu.memory_space<vmem>> -> memref<128x8xf32, #tpu.memory_space<vmem>>
    %dma_wait3A_231 = arith.constant 0 : i32
    %dma_wait3A_232 = tpu.memref_slice %arg7[%dma_wait3A_225, %dma_wait3A_231] : memref<80x128xi32, #tpu.memory_space<vmem>> -> memref<1x128xi32, #tpu.memory_space<vmem>>
    %dma_wait3A_233 = tpu.memref_squeeze %dma_wait3A_232 : memref<1x128xi32, #tpu.memory_space<vmem>> -> memref<128xi32, #tpu.memory_space<vmem>>
    %dma_wait3A_234 = arith.constant 0 : i32
    %dma_wait3A_235 = arith.constant 0 : i32
    %dma_wait3A_236 = tpu.memref_slice %arg4[%dma_wait3A_234, %dma_wait3A_235] : memref<10000x8xf32, #tpu.memory_space<hbm>> -> memref<10000x8xf32, #tpu.memory_space<hbm>>
    tpu.wait_indirect_dma semaphore(%arg11 : memref<!tpu.dma_semaphore, #tpu.memory_space<semaphore_mem>>) src(%dma_wait3A_236 : memref<10000x8xf32, #tpu.memory_space<hbm>>) dst(%dma_wait3A_230 : memref<128x8xf32, #tpu.memory_space<vmem>>)
    %dma_wait3A_237 = arith.constant 3 : i32
    %dma_wait3A_238 = arith.constant 3 : i32
    %dma_wait3A_239 = arith.constant 0 : i32
    %dma_wait3A_240 = arith.constant 0 : i32
    %dma_wait3A_241 = tpu.memref_slice %arg9[%dma_wait3A_238, %dma_wait3A_239, %dma_wait3A_240] : memref<16x128x8xf32, #tpu.memory_space<vmem>> -> memref<1x128x8xf32, #tpu.memory_space<vmem>>
    %dma_wait3A_242 = tpu.memref_squeeze %dma_wait3A_241 : memref<1x128x8xf32, #tpu.memory_space<vmem>> -> memref<128x8xf32, #tpu.memory_space<vmem>>
    %dma_wait3A_243 = arith.constant 0 : i32
    %dma_wait3A_244 = tpu.memref_slice %arg7[%dma_wait3A_237, %dma_wait3A_243] : memref<80x128xi32, #tpu.memory_space<vmem>> -> memref<1x128xi32, #tpu.memory_space<vmem>>
    %dma_wait3A_245 = tpu.memref_squeeze %dma_wait3A_244 : memref<1x128xi32, #tpu.memory_space<vmem>> -> memref<128xi32, #tpu.memory_space<vmem>>
    %dma_wait3A_246 = arith.constant 0 : i32
    %dma_wait3A_247 = arith.constant 0 : i32
    %dma_wait3A_248 = tpu.memref_slice %arg4[%dma_wait3A_246, %dma_wait3A_247] : memref<10000x8xf32, #tpu.memory_space<hbm>> -> memref<10000x8xf32, #tpu.memory_space<hbm>>
    tpu.wait_indirect_dma semaphore(%arg11 : memref<!tpu.dma_semaphore, #tpu.memory_space<semaphore_mem>>) src(%dma_wait3A_248 : memref<10000x8xf32, #tpu.memory_space<hbm>>) dst(%dma_wait3A_242 : memref<128x8xf32, #tpu.memory_space<vmem>>)
    %dma_wait3A_249 = arith.constant 4 : i32
    %dma_wait3A_250 = arith.constant 4 : i32
    %dma_wait3A_251 = arith.constant 0 : i32
    %dma_wait3A_252 = arith.constant 0 : i32
    %dma_wait3A_253 = tpu.memref_slice %arg9[%dma_wait3A_250, %dma_wait3A_251, %dma_wait3A_252] : memref<16x128x8xf32, #tpu.memory_space<vmem>> -> memref<1x128x8xf32, #tpu.memory_space<vmem>>
    %dma_wait3A_254 = tpu.memref_squeeze %dma_wait3A_253 : memref<1x128x8xf32, #tpu.memory_space<vmem>> -> memref<128x8xf32, #tpu.memory_space<vmem>>
    %dma_wait3A_255 = arith.constant 0 : i32
    %dma_wait3A_256 = tpu.memref_slice %arg7[%dma_wait3A_249, %dma_wait3A_255] : memref<80x128xi32, #tpu.memory_space<vmem>> -> memref<1x128xi32, #tpu.memory_space<vmem>>
    %dma_wait3A_257 = tpu.memref_squeeze %dma_wait3A_256 : memref<1x128xi32, #tpu.memory_space<vmem>> -> memref<128xi32, #tpu.memory_space<vmem>>
    %dma_wait3A_258 = arith.constant 0 : i32
    %dma_wait3A_259 = arith.constant 0 : i32
    %dma_wait3A_260 = tpu.memref_slice %arg4[%dma_wait3A_258, %dma_wait3A_259] : memref<10000x8xf32, #tpu.memory_space<hbm>> -> memref<10000x8xf32, #tpu.memory_space<hbm>>
    tpu.wait_indirect_dma semaphore(%arg11 : memref<!tpu.dma_semaphore, #tpu.memory_space<semaphore_mem>>) src(%dma_wait3A_260 : memref<10000x8xf32, #tpu.memory_space<hbm>>) dst(%dma_wait3A_254 : memref<128x8xf32, #tpu.memory_space<vmem>>)
    %dma_wait3A_261 = arith.constant 5 : i32
    %dma_wait3A_262 = arith.constant 5 : i32
    %dma_wait3A_263 = arith.constant 0 : i32
    %dma_wait3A_264 = arith.constant 0 : i32
    %dma_wait3A_265 = tpu.memref_slice %arg9[%dma_wait3A_262, %dma_wait3A_263, %dma_wait3A_264] : memref<16x128x8xf32, #tpu.memory_space<vmem>> -> memref<1x128x8xf32, #tpu.memory_space<vmem>>
    %dma_wait3A_266 = tpu.memref_squeeze %dma_wait3A_265 : memref<1x128x8xf32, #tpu.memory_space<vmem>> -> memref<128x8xf32, #tpu.memory_space<vmem>>
    %dma_wait3A_267 = arith.constant 0 : i32
    %dma_wait3A_268 = tpu.memref_slice %arg7[%dma_wait3A_261, %dma_wait3A_267] : memref<80x128xi32, #tpu.memory_space<vmem>> -> memref<1x128xi32, #tpu.memory_space<vmem>>
    %dma_wait3A_269 = tpu.memref_squeeze %dma_wait3A_268 : memref<1x128xi32, #tpu.memory_space<vmem>> -> memref<128xi32, #tpu.memory_space<vmem>>
    %dma_wait3A_270 = arith.constant 0 : i32
    %dma_wait3A_271 = arith.constant 0 : i32
    %dma_wait3A_272 = tpu.memref_slice %arg4[%dma_wait3A_270, %dma_wait3A_271] : memref<10000x8xf32, #tpu.memory_space<hbm>> -> memref<10000x8xf32, #tpu.memory_space<hbm>>
    tpu.wait_indirect_dma semaphore(%arg11 : memref<!tpu.dma_semaphore, #tpu.memory_space<semaphore_mem>>) src(%dma_wait3A_272 : memref<10000x8xf32, #tpu.memory_space<hbm>>) dst(%dma_wait3A_266 : memref<128x8xf32, #tpu.memory_space<vmem>>)
    %dma_wait3A_273 = arith.constant 6 : i32
    %dma_wait3A_274 = arith.constant 6 : i32
    %dma_wait3A_275 = arith.constant 0 : i32
    %dma_wait3A_276 = arith.constant 0 : i32
    %dma_wait3A_277 = tpu.memref_slice %arg9[%dma_wait3A_274, %dma_wait3A_275, %dma_wait3A_276] : memref<16x128x8xf32, #tpu.memory_space<vmem>> -> memref<1x128x8xf32, #tpu.memory_space<vmem>>
    %dma_wait3A_278 = tpu.memref_squeeze %dma_wait3A_277 : memref<1x128x8xf32, #tpu.memory_space<vmem>> -> memref<128x8xf32, #tpu.memory_space<vmem>>
    %dma_wait3A_279 = arith.constant 0 : i32
    %dma_wait3A_280 = tpu.memref_slice %arg7[%dma_wait3A_273, %dma_wait3A_279] : memref<80x128xi32, #tpu.memory_space<vmem>> -> memref<1x128xi32, #tpu.memory_space<vmem>>
    %dma_wait3A_281 = tpu.memref_squeeze %dma_wait3A_280 : memref<1x128xi32, #tpu.memory_space<vmem>> -> memref<128xi32, #tpu.memory_space<vmem>>
    %dma_wait3A_282 = arith.constant 0 : i32
    %dma_wait3A_283 = arith.constant 0 : i32
    %dma_wait3A_284 = tpu.memref_slice %arg4[%dma_wait3A_282, %dma_wait3A_283] : memref<10000x8xf32, #tpu.memory_space<hbm>> -> memref<10000x8xf32, #tpu.memory_space<hbm>>
    tpu.wait_indirect_dma semaphore(%arg11 : memref<!tpu.dma_semaphore, #tpu.memory_space<semaphore_mem>>) src(%dma_wait3A_284 : memref<10000x8xf32, #tpu.memory_space<hbm>>) dst(%dma_wait3A_278 : memref<128x8xf32, #tpu.memory_space<vmem>>)
    %dma_wait3A_285 = arith.constant 7 : i32
    %dma_wait3A_286 = arith.constant 7 : i32
    %dma_wait3A_287 = arith.constant 0 : i32
    %dma_wait3A_288 = arith.constant 0 : i32
    %dma_wait3A_289 = tpu.memref_slice %arg9[%dma_wait3A_286, %dma_wait3A_287, %dma_wait3A_288] : memref<16x128x8xf32, #tpu.memory_space<vmem>> -> memref<1x128x8xf32, #tpu.memory_space<vmem>>
    %dma_wait3A_290 = tpu.memref_squeeze %dma_wait3A_289 : memref<1x128x8xf32, #tpu.memory_space<vmem>> -> memref<128x8xf32, #tpu.memory_space<vmem>>
    %dma_wait3A_291 = arith.constant 0 : i32
    %dma_wait3A_292 = tpu.memref_slice %arg7[%dma_wait3A_285, %dma_wait3A_291] : memref<80x128xi32, #tpu.memory_space<vmem>> -> memref<1x128xi32, #tpu.memory_space<vmem>>
    %dma_wait3A_293 = tpu.memref_squeeze %dma_wait3A_292 : memref<1x128xi32, #tpu.memory_space<vmem>> -> memref<128xi32, #tpu.memory_space<vmem>>
    %dma_wait3A_294 = arith.constant 0 : i32
    %dma_wait3A_295 = arith.constant 0 : i32
    %dma_wait3A_296 = tpu.memref_slice %arg4[%dma_wait3A_294, %dma_wait3A_295] : memref<10000x8xf32, #tpu.memory_space<hbm>> -> memref<10000x8xf32, #tpu.memory_space<hbm>>
    tpu.wait_indirect_dma semaphore(%arg11 : memref<!tpu.dma_semaphore, #tpu.memory_space<semaphore_mem>>) src(%dma_wait3A_296 : memref<10000x8xf32, #tpu.memory_space<hbm>>) dst(%dma_wait3A_290 : memref<128x8xf32, #tpu.memory_space<vmem>>)
    %dma_wait3A_297 = arith.constant 8 : i32
    %dma_wait3A_298 = arith.constant 8 : i32
    %dma_wait3A_299 = arith.constant 0 : i32
    %dma_wait3A_300 = arith.constant 0 : i32
    %dma_wait3A_301 = tpu.memref_slice %arg9[%dma_wait3A_298, %dma_wait3A_299, %dma_wait3A_300] : memref<16x128x8xf32, #tpu.memory_space<vmem>> -> memref<1x128x8xf32, #tpu.memory_space<vmem>>
    %dma_wait3A_302 = tpu.memref_squeeze %dma_wait3A_301 : memref<1x128x8xf32, #tpu.memory_space<vmem>> -> memref<128x8xf32, #tpu.memory_space<vmem>>
    %dma_wait3A_303 = arith.constant 0 : i32
    %dma_wait3A_304 = tpu.memref_slice %arg7[%dma_wait3A_297, %dma_wait3A_303] : memref<80x128xi32, #tpu.memory_space<vmem>> -> memref<1x128xi32, #tpu.memory_space<vmem>>
    %dma_wait3A_305 = tpu.memref_squeeze %dma_wait3A_304 : memref<1x128xi32, #tpu.memory_space<vmem>> -> memref<128xi32, #tpu.memory_space<vmem>>
    %dma_wait3A_306 = arith.constant 0 : i32
    %dma_wait3A_307 = arith.constant 0 : i32
    %dma_wait3A_308 = tpu.memref_slice %arg4[%dma_wait3A_306, %dma_wait3A_307] : memref<10000x8xf32, #tpu.memory_space<hbm>> -> memref<10000x8xf32, #tpu.memory_space<hbm>>
    tpu.wait_indirect_dma semaphore(%arg11 : memref<!tpu.dma_semaphore, #tpu.memory_space<semaphore_mem>>) src(%dma_wait3A_308 : memref<10000x8xf32, #tpu.memory_space<hbm>>) dst(%dma_wait3A_302 : memref<128x8xf32, #tpu.memory_space<vmem>>)
    %dma_wait3A_309 = arith.constant 9 : i32
    %dma_wait3A_310 = arith.constant 9 : i32
    %dma_wait3A_311 = arith.constant 0 : i32
    %dma_wait3A_312 = arith.constant 0 : i32
    %dma_wait3A_313 = tpu.memref_slice %arg9[%dma_wait3A_310, %dma_wait3A_311, %dma_wait3A_312] : memref<16x128x8xf32, #tpu.memory_space<vmem>> -> memref<1x128x8xf32, #tpu.memory_space<vmem>>
    %dma_wait3A_314 = tpu.memref_squeeze %dma_wait3A_313 : memref<1x128x8xf32, #tpu.memory_space<vmem>> -> memref<128x8xf32, #tpu.memory_space<vmem>>
    %dma_wait3A_315 = arith.constant 0 : i32
    %dma_wait3A_316 = tpu.memref_slice %arg7[%dma_wait3A_309, %dma_wait3A_315] : memref<80x128xi32, #tpu.memory_space<vmem>> -> memref<1x128xi32, #tpu.memory_space<vmem>>
    %dma_wait3A_317 = tpu.memref_squeeze %dma_wait3A_316 : memref<1x128xi32, #tpu.memory_space<vmem>> -> memref<128xi32, #tpu.memory_space<vmem>>
    %dma_wait3A_318 = arith.constant 0 : i32
    %dma_wait3A_319 = arith.constant 0 : i32
    %dma_wait3A_320 = tpu.memref_slice %arg4[%dma_wait3A_318, %dma_wait3A_319] : memref<10000x8xf32, #tpu.memory_space<hbm>> -> memref<10000x8xf32, #tpu.memory_space<hbm>>
    tpu.wait_indirect_dma semaphore(%arg11 : memref<!tpu.dma_semaphore, #tpu.memory_space<semaphore_mem>>) src(%dma_wait3A_320 : memref<10000x8xf32, #tpu.memory_space<hbm>>) dst(%dma_wait3A_314 : memref<128x8xf32, #tpu.memory_space<vmem>>)
    %dma_wait3A_321 = arith.constant 10 : i32
    %dma_wait3A_322 = arith.constant 10 : i32
    %dma_wait3A_323 = arith.constant 0 : i32
    %dma_wait3A_324 = arith.constant 0 : i32
    %dma_wait3A_325 = tpu.memref_slice %arg9[%dma_wait3A_322, %dma_wait3A_323, %dma_wait3A_324] : memref<16x128x8xf32, #tpu.memory_space<vmem>> -> memref<1x128x8xf32, #tpu.memory_space<vmem>>
    %dma_wait3A_326 = tpu.memref_squeeze %dma_wait3A_325 : memref<1x128x8xf32, #tpu.memory_space<vmem>> -> memref<128x8xf32, #tpu.memory_space<vmem>>
    %dma_wait3A_327 = arith.constant 0 : i32
    %dma_wait3A_328 = tpu.memref_slice %arg7[%dma_wait3A_321, %dma_wait3A_327] : memref<80x128xi32, #tpu.memory_space<vmem>> -> memref<1x128xi32, #tpu.memory_space<vmem>>
    %dma_wait3A_329 = tpu.memref_squeeze %dma_wait3A_328 : memref<1x128xi32, #tpu.memory_space<vmem>> -> memref<128xi32, #tpu.memory_space<vmem>>
    %dma_wait3A_330 = arith.constant 0 : i32
    %dma_wait3A_331 = arith.constant 0 : i32
    %dma_wait3A_332 = tpu.memref_slice %arg4[%dma_wait3A_330, %dma_wait3A_331] : memref<10000x8xf32, #tpu.memory_space<hbm>> -> memref<10000x8xf32, #tpu.memory_space<hbm>>
    tpu.wait_indirect_dma semaphore(%arg11 : memref<!tpu.dma_semaphore, #tpu.memory_space<semaphore_mem>>) src(%dma_wait3A_332 : memref<10000x8xf32, #tpu.memory_space<hbm>>) dst(%dma_wait3A_326 : memref<128x8xf32, #tpu.memory_space<vmem>>)
    %dma_wait3A_333 = arith.constant 11 : i32
    %dma_wait3A_334 = arith.constant 11 : i32
    %dma_wait3A_335 = arith.constant 0 : i32
    %dma_wait3A_336 = arith.constant 0 : i32
    %dma_wait3A_337 = tpu.memref_slice %arg9[%dma_wait3A_334, %dma_wait3A_335, %dma_wait3A_336] : memref<16x128x8xf32, #tpu.memory_space<vmem>> -> memref<1x128x8xf32, #tpu.memory_space<vmem>>
    %dma_wait3A_338 = tpu.memref_squeeze %dma_wait3A_337 : memref<1x128x8xf32, #tpu.memory_space<vmem>> -> memref<128x8xf32, #tpu.memory_space<vmem>>
    %dma_wait3A_339 = arith.constant 0 : i32
    %dma_wait3A_340 = tpu.memref_slice %arg7[%dma_wait3A_333, %dma_wait3A_339] : memref<80x128xi32, #tpu.memory_space<vmem>> -> memref<1x128xi32, #tpu.memory_space<vmem>>
    %dma_wait3A_341 = tpu.memref_squeeze %dma_wait3A_340 : memref<1x128xi32, #tpu.memory_space<vmem>> -> memref<128xi32, #tpu.memory_space<vmem>>
    %dma_wait3A_342 = arith.constant 0 : i32
    %dma_wait3A_343 = arith.constant 0 : i32
    %dma_wait3A_344 = tpu.memref_slice %arg4[%dma_wait3A_342, %dma_wait3A_343] : memref<10000x8xf32, #tpu.memory_space<hbm>> -> memref<10000x8xf32, #tpu.memory_space<hbm>>
    tpu.wait_indirect_dma semaphore(%arg11 : memref<!tpu.dma_semaphore, #tpu.memory_space<semaphore_mem>>) src(%dma_wait3A_344 : memref<10000x8xf32, #tpu.memory_space<hbm>>) dst(%dma_wait3A_338 : memref<128x8xf32, #tpu.memory_space<vmem>>)
    %dma_wait3A_345 = arith.constant 12 : i32
    %dma_wait3A_346 = arith.constant 12 : i32
    %dma_wait3A_347 = arith.constant 0 : i32
    %dma_wait3A_348 = arith.constant 0 : i32
    %dma_wait3A_349 = tpu.memref_slice %arg9[%dma_wait3A_346, %dma_wait3A_347, %dma_wait3A_348] : memref<16x128x8xf32, #tpu.memory_space<vmem>> -> memref<1x128x8xf32, #tpu.memory_space<vmem>>
    %dma_wait3A_350 = tpu.memref_squeeze %dma_wait3A_349 : memref<1x128x8xf32, #tpu.memory_space<vmem>> -> memref<128x8xf32, #tpu.memory_space<vmem>>
    %dma_wait3A_351 = arith.constant 0 : i32
    %dma_wait3A_352 = tpu.memref_slice %arg7[%dma_wait3A_345, %dma_wait3A_351] : memref<80x128xi32, #tpu.memory_space<vmem>> -> memref<1x128xi32, #tpu.memory_space<vmem>>
    %dma_wait3A_353 = tpu.memref_squeeze %dma_wait3A_352 : memref<1x128xi32, #tpu.memory_space<vmem>> -> memref<128xi32, #tpu.memory_space<vmem>>
    %dma_wait3A_354 = arith.constant 0 : i32
    %dma_wait3A_355 = arith.constant 0 : i32
    %dma_wait3A_356 = tpu.memref_slice %arg4[%dma_wait3A_354, %dma_wait3A_355] : memref<10000x8xf32, #tpu.memory_space<hbm>> -> memref<10000x8xf32, #tpu.memory_space<hbm>>
    tpu.wait_indirect_dma semaphore(%arg11 : memref<!tpu.dma_semaphore, #tpu.memory_space<semaphore_mem>>) src(%dma_wait3A_356 : memref<10000x8xf32, #tpu.memory_space<hbm>>) dst(%dma_wait3A_350 : memref<128x8xf32, #tpu.memory_space<vmem>>)
    %dma_wait3A_357 = arith.constant 13 : i32
    %dma_wait3A_358 = arith.constant 13 : i32
    %dma_wait3A_359 = arith.constant 0 : i32
    %dma_wait3A_360 = arith.constant 0 : i32
    %dma_wait3A_361 = tpu.memref_slice %arg9[%dma_wait3A_358, %dma_wait3A_359, %dma_wait3A_360] : memref<16x128x8xf32, #tpu.memory_space<vmem>> -> memref<1x128x8xf32, #tpu.memory_space<vmem>>
    %dma_wait3A_362 = tpu.memref_squeeze %dma_wait3A_361 : memref<1x128x8xf32, #tpu.memory_space<vmem>> -> memref<128x8xf32, #tpu.memory_space<vmem>>
    %dma_wait3A_363 = arith.constant 0 : i32
    %dma_wait3A_364 = tpu.memref_slice %arg7[%dma_wait3A_357, %dma_wait3A_363] : memref<80x128xi32, #tpu.memory_space<vmem>> -> memref<1x128xi32, #tpu.memory_space<vmem>>
    %dma_wait3A_365 = tpu.memref_squeeze %dma_wait3A_364 : memref<1x128xi32, #tpu.memory_space<vmem>> -> memref<128xi32, #tpu.memory_space<vmem>>
    %dma_wait3A_366 = arith.constant 0 : i32
    %dma_wait3A_367 = arith.constant 0 : i32
    %dma_wait3A_368 = tpu.memref_slice %arg4[%dma_wait3A_366, %dma_wait3A_367] : memref<10000x8xf32, #tpu.memory_space<hbm>> -> memref<10000x8xf32, #tpu.memory_space<hbm>>
    tpu.wait_indirect_dma semaphore(%arg11 : memref<!tpu.dma_semaphore, #tpu.memory_space<semaphore_mem>>) src(%dma_wait3A_368 : memref<10000x8xf32, #tpu.memory_space<hbm>>) dst(%dma_wait3A_362 : memref<128x8xf32, #tpu.memory_space<vmem>>)
    %dma_wait3A_369 = arith.constant 14 : i32
    %dma_wait3A_370 = arith.constant 14 : i32
    %dma_wait3A_371 = arith.constant 0 : i32
    %dma_wait3A_372 = arith.constant 0 : i32
    %dma_wait3A_373 = tpu.memref_slice %arg9[%dma_wait3A_370, %dma_wait3A_371, %dma_wait3A_372] : memref<16x128x8xf32, #tpu.memory_space<vmem>> -> memref<1x128x8xf32, #tpu.memory_space<vmem>>
    %dma_wait3A_374 = tpu.memref_squeeze %dma_wait3A_373 : memref<1x128x8xf32, #tpu.memory_space<vmem>> -> memref<128x8xf32, #tpu.memory_space<vmem>>
    %dma_wait3A_375 = arith.constant 0 : i32
    %dma_wait3A_376 = tpu.memref_slice %arg7[%dma_wait3A_369, %dma_wait3A_375] : memref<80x128xi32, #tpu.memory_space<vmem>> -> memref<1x128xi32, #tpu.memory_space<vmem>>
    %dma_wait3A_377 = tpu.memref_squeeze %dma_wait3A_376 : memref<1x128xi32, #tpu.memory_space<vmem>> -> memref<128xi32, #tpu.memory_space<vmem>>
    %dma_wait3A_378 = arith.constant 0 : i32
    %dma_wait3A_379 = arith.constant 0 : i32
    %dma_wait3A_380 = tpu.memref_slice %arg4[%dma_wait3A_378, %dma_wait3A_379] : memref<10000x8xf32, #tpu.memory_space<hbm>> -> memref<10000x8xf32, #tpu.memory_space<hbm>>
    tpu.wait_indirect_dma semaphore(%arg11 : memref<!tpu.dma_semaphore, #tpu.memory_space<semaphore_mem>>) src(%dma_wait3A_380 : memref<10000x8xf32, #tpu.memory_space<hbm>>) dst(%dma_wait3A_374 : memref<128x8xf32, #tpu.memory_space<vmem>>)
    %dma_wait3A_381 = arith.constant 15 : i32
    %dma_wait3A_382 = arith.constant 15 : i32
    %dma_wait3A_383 = arith.constant 0 : i32
    %dma_wait3A_384 = arith.constant 0 : i32
    %dma_wait3A_385 = tpu.memref_slice %arg9[%dma_wait3A_382, %dma_wait3A_383, %dma_wait3A_384] : memref<16x128x8xf32, #tpu.memory_space<vmem>> -> memref<1x128x8xf32, #tpu.memory_space<vmem>>
    %dma_wait3A_386 = tpu.memref_squeeze %dma_wait3A_385 : memref<1x128x8xf32, #tpu.memory_space<vmem>> -> memref<128x8xf32, #tpu.memory_space<vmem>>
    %dma_wait3A_387 = arith.constant 0 : i32
    %dma_wait3A_388 = tpu.memref_slice %arg7[%dma_wait3A_381, %dma_wait3A_387] : memref<80x128xi32, #tpu.memory_space<vmem>> -> memref<1x128xi32, #tpu.memory_space<vmem>>
    %dma_wait3A_389 = tpu.memref_squeeze %dma_wait3A_388 : memref<1x128xi32, #tpu.memory_space<vmem>> -> memref<128xi32, #tpu.memory_space<vmem>>
    %dma_wait3A_390 = arith.constant 0 : i32
    %dma_wait3A_391 = arith.constant 0 : i32
    %dma_wait3A_392 = tpu.memref_slice %arg4[%dma_wait3A_390, %dma_wait3A_391] : memref<10000x8xf32, #tpu.memory_space<hbm>> -> memref<10000x8xf32, #tpu.memory_space<hbm>>
    tpu.wait_indirect_dma semaphore(%arg11 : memref<!tpu.dma_semaphore, #tpu.memory_space<semaphore_mem>>) src(%dma_wait3A_392 : memref<10000x8xf32, #tpu.memory_space<hbm>>) dst(%dma_wait3A_386 : memref<128x8xf32, #tpu.memory_space<vmem>>)
    %barrier3A_393 = arith.constant 0 : index
    tpu.barrier barrier_id(%barrier3A_393)
    %mul3A_394 = arith.constant 640 : i32
    %mul3A_395 = arith.muli %arg1, %mul3A_394 : i32
    %mul3A_396 = arith.constant 640 : i32
    %mul3A_397 = arith.muli %arg1, %mul3A_396 : i32
    "tpu.region"() ({
      %run_scoped3A = tpu.sem_alloc : memref<!tpu.dma_semaphore, #tpu.memory_space<semaphore_mem>>
      %dma_start3A_398 = arith.constant 0 : i32
      %dma_start3A_399 = tpu.memref_slice %arg6[%arg0, %mul3A_397, %dma_start3A_398] : memref<2x10240x8xf32, #tpu.memory_space<hbm>> -> memref<1x640x8xf32, #tpu.memory_space<hbm>>
      %dma_start3A_400 = tpu.memref_squeeze %dma_start3A_399 : memref<1x640x8xf32, #tpu.memory_space<hbm>> -> memref<640x8xf32, #tpu.memory_space<hbm>>
      %dma_start3A_401 = arith.constant 0 : i32
      %dma_start3A_402 = tpu.memref_slice %arg10[%mul3A_395, %dma_start3A_401] : memref<10240x8xf32, #tpu.memory_space<vmem_shared>> -> memref<640x8xf32, #tpu.memory_space<vmem_shared>>
      tpu.enqueue_dma source(%dma_start3A_402 : memref<640x8xf32, #tpu.memory_space<vmem_shared>>) target(%dma_start3A_400 : memref<640x8xf32, #tpu.memory_space<hbm>>) target_semaphore(%run_scoped3A : memref<!tpu.dma_semaphore, #tpu.memory_space<semaphore_mem>>)
      %dma_wait3A_403 = arith.constant 0 : i32
      %dma_wait3A_404 = tpu.memref_slice %arg6[%arg0, %mul3A_397, %dma_wait3A_403] : memref<2x10240x8xf32, #tpu.memory_space<hbm>> -> memref<1x640x8xf32, #tpu.memory_space<hbm>>
      %dma_wait3A_405 = tpu.memref_squeeze %dma_wait3A_404 : memref<1x640x8xf32, #tpu.memory_space<hbm>> -> memref<640x8xf32, #tpu.memory_space<hbm>>
      %dma_wait3A_406 = arith.constant 0 : i32
      %dma_wait3A_407 = tpu.memref_slice %arg10[%mul3A_395, %dma_wait3A_406] : memref<10240x8xf32, #tpu.memory_space<vmem_shared>> -> memref<640x8xf32, #tpu.memory_space<vmem_shared>>
      tpu.wait_dma2 semaphore(%run_scoped3A : memref<!tpu.dma_semaphore, #tpu.memory_space<semaphore_mem>>) src(%dma_wait3A_407 : memref<640x8xf32, #tpu.memory_space<vmem_shared>>) dst(%dma_wait3A_405 : memref<640x8xf32, #tpu.memory_space<hbm>>)
      tpu.yield
    }) : () -> ()
    return
  }
}

#map = affine_map<(d0, d1) -> (0, 0)>
module attributes {stable_mosaic.version = 14 : i64} {
  func.func @_deg_kernel(%arg0: i32, %arg1: i32, %arg2: memref<2560x128xi32, #tpu.memory_space<hbm>>, %arg3: memref<2x10240xf32, #tpu.memory_space<hbm>>, %arg4: memref<80x128xi32, #tpu.memory_space<vmem>>, %arg5: memref<128xf32, #tpu.memory_space<vmem>>, %arg6: memref<128xf32, #tpu.memory_space<vmem>>, %arg7: memref<10240xf32, #tpu.memory_space<vmem_shared>>, %arg8: memref<!tpu.dma_semaphore, #tpu.memory_space<semaphore_mem>>) attributes {dimension_semantics = [#tpu.dimension_semantics<core_parallel>, #tpu.dimension_semantics<subcore_parallel>], iteration_bounds = array<i64: 2, 16>, scalar_prefetch = 0 : i64, scratch_operands = 5 : i64, tpu.core_type = #tpu.core_type<sc_vector_subcore>, window_params = [{transform_indices = #map}, {transform_indices = #map}]} {
    %broadcast_in_dim3A = arith.constant 1.000000e+00 : f32
    %broadcast_in_dim3A_0 = vector.broadcast %broadcast_in_dim3A : f32 to vector<16xf32>
    %swap3A = arith.constant 0 : index
    %swap3A_1 = tpu.vector_load %arg5[%swap3A] {strides = array<i32>} : memref<128xf32, #tpu.memory_space<vmem>>, vector<16xf32>,
    %swap3A_2 = vector.shape_cast %swap3A_1 : vector<16xf32> to vector<16xf32>
    %swap3A_3 = vector.shape_cast %broadcast_in_dim3A_0 : vector<16xf32> to vector<16xf32>
    tpu.vector_store %arg5[%swap3A], %swap3A_3 {strides = array<i32>} : memref<128xf32, #tpu.memory_space<vmem>>, vector<16xf32>,
    %broadcast_in_dim3A_4 = arith.constant 0.000000e+00 : f32
    %broadcast_in_dim3A_5 = vector.broadcast %broadcast_in_dim3A_4 : f32 to vector<16xf32>
    %swap3A_6 = arith.constant 0 : index
    %swap3A_7 = tpu.vector_load %arg6[%swap3A_6] {strides = array<i32>} : memref<128xf32, #tpu.memory_space<vmem>>, vector<16xf32>,
    %swap3A_8 = vector.shape_cast %swap3A_7 : vector<16xf32> to vector<16xf32>
    %swap3A_9 = vector.shape_cast %broadcast_in_dim3A_5 : vector<16xf32> to vector<16xf32>
    tpu.vector_store %arg6[%swap3A_6], %swap3A_9 {strides = array<i32>} : memref<128xf32, #tpu.memory_space<vmem>>, vector<16xf32>,
    %broadcast_in_dim3A_10 = arith.constant 1.000000e+00 : f32
    %broadcast_in_dim3A_11 = vector.broadcast %broadcast_in_dim3A_10 : f32 to vector<16xf32>
    %swap3A_12 = arith.constant 16 : index
    %swap3A_13 = tpu.vector_load %arg5[%swap3A_12] {strides = array<i32>} : memref<128xf32, #tpu.memory_space<vmem>>, vector<16xf32>,
    %swap3A_14 = vector.shape_cast %swap3A_13 : vector<16xf32> to vector<16xf32>
    %swap3A_15 = vector.shape_cast %broadcast_in_dim3A_11 : vector<16xf32> to vector<16xf32>
    tpu.vector_store %arg5[%swap3A_12], %swap3A_15 {strides = array<i32>} : memref<128xf32, #tpu.memory_space<vmem>>, vector<16xf32>,
    %broadcast_in_dim3A_16 = arith.constant 0.000000e+00 : f32
    %broadcast_in_dim3A_17 = vector.broadcast %broadcast_in_dim3A_16 : f32 to vector<16xf32>
    %swap3A_18 = arith.constant 16 : index
    %swap3A_19 = tpu.vector_load %arg6[%swap3A_18] {strides = array<i32>} : memref<128xf32, #tpu.memory_space<vmem>>, vector<16xf32>,
    %swap3A_20 = vector.shape_cast %swap3A_19 : vector<16xf32> to vector<16xf32>
    %swap3A_21 = vector.shape_cast %broadcast_in_dim3A_17 : vector<16xf32> to vector<16xf32>
    tpu.vector_store %arg6[%swap3A_18], %swap3A_21 {strides = array<i32>} : memref<128xf32, #tpu.memory_space<vmem>>, vector<16xf32>,
    %broadcast_in_dim3A_22 = arith.constant 1.000000e+00 : f32
    %broadcast_in_dim3A_23 = vector.broadcast %broadcast_in_dim3A_22 : f32 to vector<16xf32>
    %swap3A_24 = arith.constant 32 : index
    %swap3A_25 = tpu.vector_load %arg5[%swap3A_24] {strides = array<i32>} : memref<128xf32, #tpu.memory_space<vmem>>, vector<16xf32>,
    %swap3A_26 = vector.shape_cast %swap3A_25 : vector<16xf32> to vector<16xf32>
    %swap3A_27 = vector.shape_cast %broadcast_in_dim3A_23 : vector<16xf32> to vector<16xf32>
    tpu.vector_store %arg5[%swap3A_24], %swap3A_27 {strides = array<i32>} : memref<128xf32, #tpu.memory_space<vmem>>, vector<16xf32>,
    %broadcast_in_dim3A_28 = arith.constant 0.000000e+00 : f32
    %broadcast_in_dim3A_29 = vector.broadcast %broadcast_in_dim3A_28 : f32 to vector<16xf32>
    %swap3A_30 = arith.constant 32 : index
    %swap3A_31 = tpu.vector_load %arg6[%swap3A_30] {strides = array<i32>} : memref<128xf32, #tpu.memory_space<vmem>>, vector<16xf32>,
    %swap3A_32 = vector.shape_cast %swap3A_31 : vector<16xf32> to vector<16xf32>
    %swap3A_33 = vector.shape_cast %broadcast_in_dim3A_29 : vector<16xf32> to vector<16xf32>
    tpu.vector_store %arg6[%swap3A_30], %swap3A_33 {strides = array<i32>} : memref<128xf32, #tpu.memory_space<vmem>>, vector<16xf32>,
    %broadcast_in_dim3A_34 = arith.constant 1.000000e+00 : f32
    %broadcast_in_dim3A_35 = vector.broadcast %broadcast_in_dim3A_34 : f32 to vector<16xf32>
    %swap3A_36 = arith.constant 48 : index
    %swap3A_37 = tpu.vector_load %arg5[%swap3A_36] {strides = array<i32>} : memref<128xf32, #tpu.memory_space<vmem>>, vector<16xf32>,
    %swap3A_38 = vector.shape_cast %swap3A_37 : vector<16xf32> to vector<16xf32>
    %swap3A_39 = vector.shape_cast %broadcast_in_dim3A_35 : vector<16xf32> to vector<16xf32>
    tpu.vector_store %arg5[%swap3A_36], %swap3A_39 {strides = array<i32>} : memref<128xf32, #tpu.memory_space<vmem>>, vector<16xf32>,
    %broadcast_in_dim3A_40 = arith.constant 0.000000e+00 : f32
    %broadcast_in_dim3A_41 = vector.broadcast %broadcast_in_dim3A_40 : f32 to vector<16xf32>
    %swap3A_42 = arith.constant 48 : index
    %swap3A_43 = tpu.vector_load %arg6[%swap3A_42] {strides = array<i32>} : memref<128xf32, #tpu.memory_space<vmem>>, vector<16xf32>,
    %swap3A_44 = vector.shape_cast %swap3A_43 : vector<16xf32> to vector<16xf32>
    %swap3A_45 = vector.shape_cast %broadcast_in_dim3A_41 : vector<16xf32> to vector<16xf32>
    tpu.vector_store %arg6[%swap3A_42], %swap3A_45 {strides = array<i32>} : memref<128xf32, #tpu.memory_space<vmem>>, vector<16xf32>,
    %broadcast_in_dim3A_46 = arith.constant 1.000000e+00 : f32
    %broadcast_in_dim3A_47 = vector.broadcast %broadcast_in_dim3A_46 : f32 to vector<16xf32>
    %swap3A_48 = arith.constant 64 : index
    %swap3A_49 = tpu.vector_load %arg5[%swap3A_48] {strides = array<i32>} : memref<128xf32, #tpu.memory_space<vmem>>, vector<16xf32>,
    %swap3A_50 = vector.shape_cast %swap3A_49 : vector<16xf32> to vector<16xf32>
    %swap3A_51 = vector.shape_cast %broadcast_in_dim3A_47 : vector<16xf32> to vector<16xf32>
    tpu.vector_store %arg5[%swap3A_48], %swap3A_51 {strides = array<i32>} : memref<128xf32, #tpu.memory_space<vmem>>, vector<16xf32>,
    %broadcast_in_dim3A_52 = arith.constant 0.000000e+00 : f32
    %broadcast_in_dim3A_53 = vector.broadcast %broadcast_in_dim3A_52 : f32 to vector<16xf32>
    %swap3A_54 = arith.constant 64 : index
    %swap3A_55 = tpu.vector_load %arg6[%swap3A_54] {strides = array<i32>} : memref<128xf32, #tpu.memory_space<vmem>>, vector<16xf32>,
    %swap3A_56 = vector.shape_cast %swap3A_55 : vector<16xf32> to vector<16xf32>
    %swap3A_57 = vector.shape_cast %broadcast_in_dim3A_53 : vector<16xf32> to vector<16xf32>
    tpu.vector_store %arg6[%swap3A_54], %swap3A_57 {strides = array<i32>} : memref<128xf32, #tpu.memory_space<vmem>>, vector<16xf32>,
    %broadcast_in_dim3A_58 = arith.constant 1.000000e+00 : f32
    %broadcast_in_dim3A_59 = vector.broadcast %broadcast_in_dim3A_58 : f32 to vector<16xf32>
    %swap3A_60 = arith.constant 80 : index
    %swap3A_61 = tpu.vector_load %arg5[%swap3A_60] {strides = array<i32>} : memref<128xf32, #tpu.memory_space<vmem>>, vector<16xf32>,
    %swap3A_62 = vector.shape_cast %swap3A_61 : vector<16xf32> to vector<16xf32>
    %swap3A_63 = vector.shape_cast %broadcast_in_dim3A_59 : vector<16xf32> to vector<16xf32>
    tpu.vector_store %arg5[%swap3A_60], %swap3A_63 {strides = array<i32>} : memref<128xf32, #tpu.memory_space<vmem>>, vector<16xf32>,
    %broadcast_in_dim3A_64 = arith.constant 0.000000e+00 : f32
    %broadcast_in_dim3A_65 = vector.broadcast %broadcast_in_dim3A_64 : f32 to vector<16xf32>
    %swap3A_66 = arith.constant 80 : index
    %swap3A_67 = tpu.vector_load %arg6[%swap3A_66] {strides = array<i32>} : memref<128xf32, #tpu.memory_space<vmem>>, vector<16xf32>,
    %swap3A_68 = vector.shape_cast %swap3A_67 : vector<16xf32> to vector<16xf32>
    %swap3A_69 = vector.shape_cast %broadcast_in_dim3A_65 : vector<16xf32> to vector<16xf32>
    tpu.vector_store %arg6[%swap3A_66], %swap3A_69 {strides = array<i32>} : memref<128xf32, #tpu.memory_space<vmem>>, vector<16xf32>,
    %broadcast_in_dim3A_70 = arith.constant 1.000000e+00 : f32
    %broadcast_in_dim3A_71 = vector.broadcast %broadcast_in_dim3A_70 : f32 to vector<16xf32>
    %swap3A_72 = arith.constant 96 : index
    %swap3A_73 = tpu.vector_load %arg5[%swap3A_72] {strides = array<i32>} : memref<128xf32, #tpu.memory_space<vmem>>, vector<16xf32>,
    %swap3A_74 = vector.shape_cast %swap3A_73 : vector<16xf32> to vector<16xf32>
    %swap3A_75 = vector.shape_cast %broadcast_in_dim3A_71 : vector<16xf32> to vector<16xf32>
    tpu.vector_store %arg5[%swap3A_72], %swap3A_75 {strides = array<i32>} : memref<128xf32, #tpu.memory_space<vmem>>, vector<16xf32>,
    %broadcast_in_dim3A_76 = arith.constant 0.000000e+00 : f32
    %broadcast_in_dim3A_77 = vector.broadcast %broadcast_in_dim3A_76 : f32 to vector<16xf32>
    %swap3A_78 = arith.constant 96 : index
    %swap3A_79 = tpu.vector_load %arg6[%swap3A_78] {strides = array<i32>} : memref<128xf32, #tpu.memory_space<vmem>>, vector<16xf32>,
    %swap3A_80 = vector.shape_cast %swap3A_79 : vector<16xf32> to vector<16xf32>
    %swap3A_81 = vector.shape_cast %broadcast_in_dim3A_77 : vector<16xf32> to vector<16xf32>
    tpu.vector_store %arg6[%swap3A_78], %swap3A_81 {strides = array<i32>} : memref<128xf32, #tpu.memory_space<vmem>>, vector<16xf32>,
    %broadcast_in_dim3A_82 = arith.constant 1.000000e+00 : f32
    %broadcast_in_dim3A_83 = vector.broadcast %broadcast_in_dim3A_82 : f32 to vector<16xf32>
    %swap3A_84 = arith.constant 112 : index
    %swap3A_85 = tpu.vector_load %arg5[%swap3A_84] {strides = array<i32>} : memref<128xf32, #tpu.memory_space<vmem>>, vector<16xf32>,
    %swap3A_86 = vector.shape_cast %swap3A_85 : vector<16xf32> to vector<16xf32>
    %swap3A_87 = vector.shape_cast %broadcast_in_dim3A_83 : vector<16xf32> to vector<16xf32>
    tpu.vector_store %arg5[%swap3A_84], %swap3A_87 {strides = array<i32>} : memref<128xf32, #tpu.memory_space<vmem>>, vector<16xf32>,
    %broadcast_in_dim3A_88 = arith.constant 0.000000e+00 : f32
    %broadcast_in_dim3A_89 = vector.broadcast %broadcast_in_dim3A_88 : f32 to vector<16xf32>
    %swap3A_90 = arith.constant 112 : index
    %swap3A_91 = tpu.vector_load %arg6[%swap3A_90] {strides = array<i32>} : memref<128xf32, #tpu.memory_space<vmem>>, vector<16xf32>,
    %swap3A_92 = vector.shape_cast %swap3A_91 : vector<16xf32> to vector<16xf32>
    %swap3A_93 = vector.shape_cast %broadcast_in_dim3A_89 : vector<16xf32> to vector<16xf32>
    tpu.vector_store %arg6[%swap3A_90], %swap3A_93 {strides = array<i32>} : memref<128xf32, #tpu.memory_space<vmem>>, vector<16xf32>,
    %mul3A = arith.constant 640 : i32
    %mul3A_94 = arith.muli %arg1, %mul3A : i32
    %add3A = arith.constant 0 : i32
    %add3A_95 = arith.addi %mul3A_94, %add3A : i32
    "tpu.region"() ({
      %run_scoped3A = tpu.sem_alloc : memref<!tpu.dma_semaphore, #tpu.memory_space<semaphore_mem>>
      %dma_start3A = tpu.memref_slice %arg7[%add3A_95] : memref<10240xf32, #tpu.memory_space<vmem_shared>> -> memref<128xf32, #tpu.memory_space<vmem_shared>>
      %dma_start3A_126 = tpu.memref_slice %arg7[%add3A_95] : memref<10240xf32, #tpu.memory_space<vmem_shared>> -> memref<128xf32, #tpu.memory_space<vmem_shared>>
      tpu.enqueue_dma source(%arg6 : memref<128xf32, #tpu.memory_space<vmem>>) target(%dma_start3A_126 : memref<128xf32, #tpu.memory_space<vmem_shared>>) target_semaphore(%run_scoped3A : memref<!tpu.dma_semaphore, #tpu.memory_space<semaphore_mem>>)
      %dma_wait3A = tpu.memref_slice %arg7[%add3A_95] : memref<10240xf32, #tpu.memory_space<vmem_shared>> -> memref<128xf32, #tpu.memory_space<vmem_shared>>
      %dma_wait3A_127 = tpu.memref_slice %arg7[%add3A_95] : memref<10240xf32, #tpu.memory_space<vmem_shared>> -> memref<128xf32, #tpu.memory_space<vmem_shared>>
      tpu.wait_dma2 semaphore(%run_scoped3A : memref<!tpu.dma_semaphore, #tpu.memory_space<semaphore_mem>>) src(%arg6 : memref<128xf32, #tpu.memory_space<vmem>>) dst(%dma_wait3A_127 : memref<128xf32, #tpu.memory_space<vmem_shared>>)
      tpu.yield
    }) : () -> ()
    %mul3A_96 = arith.constant 640 : i32
    %mul3A_97 = arith.muli %arg1, %mul3A_96 : i32
    %add3A_98 = arith.constant 128 : i32
    %add3A_99 = arith.addi %mul3A_97, %add3A_98 : i32
    "tpu.region"() ({
      %run_scoped3A = tpu.sem_alloc : memref<!tpu.dma_semaphore, #tpu.memory_space<semaphore_mem>>
      %dma_start3A = tpu.memref_slice %arg7[%add3A_99] : memref<10240xf32, #tpu.memory_space<vmem_shared>> -> memref<128xf32, #tpu.memory_space<vmem_shared>>
      %dma_start3A_126 = tpu.memref_slice %arg7[%add3A_99] : memref<10240xf32, #tpu.memory_space<vmem_shared>> -> memref<128xf32, #tpu.memory_space<vmem_shared>>
      tpu.enqueue_dma source(%arg6 : memref<128xf32, #tpu.memory_space<vmem>>) target(%dma_start3A_126 : memref<128xf32, #tpu.memory_space<vmem_shared>>) target_semaphore(%run_scoped3A : memref<!tpu.dma_semaphore, #tpu.memory_space<semaphore_mem>>)
      %dma_wait3A = tpu.memref_slice %arg7[%add3A_99] : memref<10240xf32, #tpu.memory_space<vmem_shared>> -> memref<128xf32, #tpu.memory_space<vmem_shared>>
      %dma_wait3A_127 = tpu.memref_slice %arg7[%add3A_99] : memref<10240xf32, #tpu.memory_space<vmem_shared>> -> memref<128xf32, #tpu.memory_space<vmem_shared>>
      tpu.wait_dma2 semaphore(%run_scoped3A : memref<!tpu.dma_semaphore, #tpu.memory_space<semaphore_mem>>) src(%arg6 : memref<128xf32, #tpu.memory_space<vmem>>) dst(%dma_wait3A_127 : memref<128xf32, #tpu.memory_space<vmem_shared>>)
      tpu.yield
    }) : () -> ()
    %mul3A_100 = arith.constant 640 : i32
    %mul3A_101 = arith.muli %arg1, %mul3A_100 : i32
    %add3A_102 = arith.constant 256 : i32
    %add3A_103 = arith.addi %mul3A_101, %add3A_102 : i32
    "tpu.region"() ({
      %run_scoped3A = tpu.sem_alloc : memref<!tpu.dma_semaphore, #tpu.memory_space<semaphore_mem>>
      %dma_start3A = tpu.memref_slice %arg7[%add3A_103] : memref<10240xf32, #tpu.memory_space<vmem_shared>> -> memref<128xf32, #tpu.memory_space<vmem_shared>>
      %dma_start3A_126 = tpu.memref_slice %arg7[%add3A_103] : memref<10240xf32, #tpu.memory_space<vmem_shared>> -> memref<128xf32, #tpu.memory_space<vmem_shared>>
      tpu.enqueue_dma source(%arg6 : memref<128xf32, #tpu.memory_space<vmem>>) target(%dma_start3A_126 : memref<128xf32, #tpu.memory_space<vmem_shared>>) target_semaphore(%run_scoped3A : memref<!tpu.dma_semaphore, #tpu.memory_space<semaphore_mem>>)
      %dma_wait3A = tpu.memref_slice %arg7[%add3A_103] : memref<10240xf32, #tpu.memory_space<vmem_shared>> -> memref<128xf32, #tpu.memory_space<vmem_shared>>
      %dma_wait3A_127 = tpu.memref_slice %arg7[%add3A_103] : memref<10240xf32, #tpu.memory_space<vmem_shared>> -> memref<128xf32, #tpu.memory_space<vmem_shared>>
      tpu.wait_dma2 semaphore(%run_scoped3A : memref<!tpu.dma_semaphore, #tpu.memory_space<semaphore_mem>>) src(%arg6 : memref<128xf32, #tpu.memory_space<vmem>>) dst(%dma_wait3A_127 : memref<128xf32, #tpu.memory_space<vmem_shared>>)
      tpu.yield
    }) : () -> ()
    %mul3A_104 = arith.constant 640 : i32
    %mul3A_105 = arith.muli %arg1, %mul3A_104 : i32
    %add3A_106 = arith.constant 384 : i32
    %add3A_107 = arith.addi %mul3A_105, %add3A_106 : i32
    "tpu.region"() ({
      %run_scoped3A = tpu.sem_alloc : memref<!tpu.dma_semaphore, #tpu.memory_space<semaphore_mem>>
      %dma_start3A = tpu.memref_slice %arg7[%add3A_107] : memref<10240xf32, #tpu.memory_space<vmem_shared>> -> memref<128xf32, #tpu.memory_space<vmem_shared>>
      %dma_start3A_126 = tpu.memref_slice %arg7[%add3A_107] : memref<10240xf32, #tpu.memory_space<vmem_shared>> -> memref<128xf32, #tpu.memory_space<vmem_shared>>
      tpu.enqueue_dma source(%arg6 : memref<128xf32, #tpu.memory_space<vmem>>) target(%dma_start3A_126 : memref<128xf32, #tpu.memory_space<vmem_shared>>) target_semaphore(%run_scoped3A : memref<!tpu.dma_semaphore, #tpu.memory_space<semaphore_mem>>)
      %dma_wait3A = tpu.memref_slice %arg7[%add3A_107] : memref<10240xf32, #tpu.memory_space<vmem_shared>> -> memref<128xf32, #tpu.memory_space<vmem_shared>>
      %dma_wait3A_127 = tpu.memref_slice %arg7[%add3A_107] : memref<10240xf32, #tpu.memory_space<vmem_shared>> -> memref<128xf32, #tpu.memory_space<vmem_shared>>
      tpu.wait_dma2 semaphore(%run_scoped3A : memref<!tpu.dma_semaphore, #tpu.memory_space<semaphore_mem>>) src(%arg6 : memref<128xf32, #tpu.memory_space<vmem>>) dst(%dma_wait3A_127 : memref<128xf32, #tpu.memory_space<vmem_shared>>)
      tpu.yield
    }) : () -> ()
    %mul3A_108 = arith.constant 640 : i32
    %mul3A_109 = arith.muli %arg1, %mul3A_108 : i32
    %add3A_110 = arith.constant 512 : i32
    %add3A_111 = arith.addi %mul3A_109, %add3A_110 : i32
    "tpu.region"() ({
      %run_scoped3A = tpu.sem_alloc : memref<!tpu.dma_semaphore, #tpu.memory_space<semaphore_mem>>
      %dma_start3A = tpu.memref_slice %arg7[%add3A_111] : memref<10240xf32, #tpu.memory_space<vmem_shared>> -> memref<128xf32, #tpu.memory_space<vmem_shared>>
      %dma_start3A_126 = tpu.memref_slice %arg7[%add3A_111] : memref<10240xf32, #tpu.memory_space<vmem_shared>> -> memref<128xf32, #tpu.memory_space<vmem_shared>>
      tpu.enqueue_dma source(%arg6 : memref<128xf32, #tpu.memory_space<vmem>>) target(%dma_start3A_126 : memref<128xf32, #tpu.memory_space<vmem_shared>>) target_semaphore(%run_scoped3A : memref<!tpu.dma_semaphore, #tpu.memory_space<semaphore_mem>>)
      %dma_wait3A = tpu.memref_slice %arg7[%add3A_111] : memref<10240xf32, #tpu.memory_space<vmem_shared>> -> memref<128xf32, #tpu.memory_space<vmem_shared>>
      %dma_wait3A_127 = tpu.memref_slice %arg7[%add3A_111] : memref<10240xf32, #tpu.memory_space<vmem_shared>> -> memref<128xf32, #tpu.memory_space<vmem_shared>>
      tpu.wait_dma2 semaphore(%run_scoped3A : memref<!tpu.dma_semaphore, #tpu.memory_space<semaphore_mem>>) src(%arg6 : memref<128xf32, #tpu.memory_space<vmem>>) dst(%dma_wait3A_127 : memref<128xf32, #tpu.memory_space<vmem_shared>>)
      tpu.yield
    }) : () -> ()
    %mul3A_112 = arith.constant 16 : i32
    %mul3A_113 = arith.muli %arg0, %mul3A_112 : i32
    %add3A_114 = arith.addi %mul3A_113, %arg1 : i32
    %mul3A_115 = arith.constant 80 : i32
    %mul3A_116 = arith.muli %add3A_114, %mul3A_115 : i32
    "tpu.region"() ({
      %run_scoped3A = tpu.sem_alloc : memref<!tpu.dma_semaphore, #tpu.memory_space<semaphore_mem>>
      %dma_start3A = arith.constant 0 : i32
      %dma_start3A_126 = tpu.memref_slice %arg2[%mul3A_116, %dma_start3A] : memref<2560x128xi32, #tpu.memory_space<hbm>> -> memref<80x128xi32, #tpu.memory_space<hbm>>
      %dma_start3A_127 = arith.constant 0 : i32
      %dma_start3A_128 = tpu.memref_slice %arg2[%mul3A_116, %dma_start3A_127] : memref<2560x128xi32, #tpu.memory_space<hbm>> -> memref<80x128xi32, #tpu.memory_space<hbm>>
      tpu.enqueue_dma source(%dma_start3A_128 : memref<80x128xi32, #tpu.memory_space<hbm>>) target(%arg4 : memref<80x128xi32, #tpu.memory_space<vmem>>) target_semaphore(%run_scoped3A : memref<!tpu.dma_semaphore, #tpu.memory_space<semaphore_mem>>)
      %dma_wait3A = arith.constant 0 : i32
      %dma_wait3A_129 = tpu.memref_slice %arg2[%mul3A_116, %dma_wait3A] : memref<2560x128xi32, #tpu.memory_space<hbm>> -> memref<80x128xi32, #tpu.memory_space<hbm>>
      %dma_wait3A_130 = arith.constant 0 : i32
      %dma_wait3A_131 = tpu.memref_slice %arg2[%mul3A_116, %dma_wait3A_130] : memref<2560x128xi32, #tpu.memory_space<hbm>> -> memref<80x128xi32, #tpu.memory_space<hbm>>
      tpu.wait_dma2 semaphore(%run_scoped3A : memref<!tpu.dma_semaphore, #tpu.memory_space<semaphore_mem>>) src(%dma_wait3A_131 : memref<80x128xi32, #tpu.memory_space<hbm>>) dst(%arg4 : memref<80x128xi32, #tpu.memory_space<vmem>>)
      tpu.yield
    }) : () -> ()
    %barrier3A = arith.constant 0 : index
    tpu.barrier barrier_id(%barrier3A)
    %scan3A = arith.constant 0 : i32
    %scan3A_117 = arith.constant 5 : i32
    %scan3A_118 = arith.addi %scan3A, %scan3A_117 : i32
    %scan3A_119 = arith.constant 1 : i32
    scf.for %scan3A_126 = %scan3A to %scan3A_118 step %scan3A_119  : i32 {
      %mul3A_127 = arith.constant 1 : i32
      %mul3A_128 = arith.muli %scan3A_126, %mul3A_127 : i32
      %add3A_129 = arith.constant 0 : i32
      %add3A_130 = arith.addi %add3A_129, %mul3A_128 : i32
      %mul3A_131 = arith.constant 16 : i32
      %mul3A_132 = arith.muli %add3A_130, %mul3A_131 : i32
      %add3A_133 = arith.constant 0 : i32
      %add3A_134 = arith.addi %mul3A_132, %add3A_133 : i32
      %dma_start3A = arith.constant 0 : i32
      %dma_start3A_135 = tpu.memref_slice %arg4[%add3A_134, %dma_start3A] : memref<80x128xi32, #tpu.memory_space<vmem>> -> memref<1x128xi32, #tpu.memory_space<vmem>>
      %dma_start3A_136 = tpu.memref_squeeze %dma_start3A_135 : memref<1x128xi32, #tpu.memory_space<vmem>> -> memref<128xi32, #tpu.memory_space<vmem>>
      %dma_start3A_137 = arith.constant 0 : i32
      %dma_start3A_138 = tpu.memref_slice %arg7[%dma_start3A_137] : memref<10240xf32, #tpu.memory_space<vmem_shared>> -> memref<10240xf32, #tpu.memory_space<vmem_shared>>
      tpu.enqueue_indirect_dma source(%arg5 : memref<128xf32, #tpu.memory_space<vmem>>) target(%dma_start3A_138 : memref<10240xf32, #tpu.memory_space<vmem_shared>>) offsets(%dma_start3A_136 : memref<128xi32, #tpu.memory_space<vmem>>) semaphore(%arg8 : memref<!tpu.dma_semaphore, #tpu.memory_space<semaphore_mem>>) {add = true}
      %mul3A_139 = arith.constant 16 : i32
      %mul3A_140 = arith.muli %add3A_130, %mul3A_139 : i32
      %add3A_141 = arith.constant 1 : i32
      %add3A_142 = arith.addi %mul3A_140, %add3A_141 : i32
      %dma_start3A_143 = arith.constant 0 : i32
      %dma_start3A_144 = tpu.memref_slice %arg4[%add3A_142, %dma_start3A_143] : memref<80x128xi32, #tpu.memory_space<vmem>> -> memref<1x128xi32, #tpu.memory_space<vmem>>
      %dma_start3A_145 = tpu.memref_squeeze %dma_start3A_144 : memref<1x128xi32, #tpu.memory_space<vmem>> -> memref<128xi32, #tpu.memory_space<vmem>>
      %dma_start3A_146 = arith.constant 0 : i32
      %dma_start3A_147 = tpu.memref_slice %arg7[%dma_start3A_146] : memref<10240xf32, #tpu.memory_space<vmem_shared>> -> memref<10240xf32, #tpu.memory_space<vmem_shared>>
      tpu.enqueue_indirect_dma source(%arg5 : memref<128xf32, #tpu.memory_space<vmem>>) target(%dma_start3A_147 : memref<10240xf32, #tpu.memory_space<vmem_shared>>) offsets(%dma_start3A_145 : memref<128xi32, #tpu.memory_space<vmem>>) semaphore(%arg8 : memref<!tpu.dma_semaphore, #tpu.memory_space<semaphore_mem>>) {add = true}
      %mul3A_148 = arith.constant 16 : i32
      %mul3A_149 = arith.muli %add3A_130, %mul3A_148 : i32
      %add3A_150 = arith.constant 2 : i32
      %add3A_151 = arith.addi %mul3A_149, %add3A_150 : i32
      %dma_start3A_152 = arith.constant 0 : i32
      %dma_start3A_153 = tpu.memref_slice %arg4[%add3A_151, %dma_start3A_152] : memref<80x128xi32, #tpu.memory_space<vmem>> -> memref<1x128xi32, #tpu.memory_space<vmem>>
      %dma_start3A_154 = tpu.memref_squeeze %dma_start3A_153 : memref<1x128xi32, #tpu.memory_space<vmem>> -> memref<128xi32, #tpu.memory_space<vmem>>
      %dma_start3A_155 = arith.constant 0 : i32
      %dma_start3A_156 = tpu.memref_slice %arg7[%dma_start3A_155] : memref<10240xf32, #tpu.memory_space<vmem_shared>> -> memref<10240xf32, #tpu.memory_space<vmem_shared>>
      tpu.enqueue_indirect_dma source(%arg5 : memref<128xf32, #tpu.memory_space<vmem>>) target(%dma_start3A_156 : memref<10240xf32, #tpu.memory_space<vmem_shared>>) offsets(%dma_start3A_154 : memref<128xi32, #tpu.memory_space<vmem>>) semaphore(%arg8 : memref<!tpu.dma_semaphore, #tpu.memory_space<semaphore_mem>>) {add = true}
      %mul3A_157 = arith.constant 16 : i32
      %mul3A_158 = arith.muli %add3A_130, %mul3A_157 : i32
      %add3A_159 = arith.constant 3 : i32
      %add3A_160 = arith.addi %mul3A_158, %add3A_159 : i32
      %dma_start3A_161 = arith.constant 0 : i32
      %dma_start3A_162 = tpu.memref_slice %arg4[%add3A_160, %dma_start3A_161] : memref<80x128xi32, #tpu.memory_space<vmem>> -> memref<1x128xi32, #tpu.memory_space<vmem>>
      %dma_start3A_163 = tpu.memref_squeeze %dma_start3A_162 : memref<1x128xi32, #tpu.memory_space<vmem>> -> memref<128xi32, #tpu.memory_space<vmem>>
      %dma_start3A_164 = arith.constant 0 : i32
      %dma_start3A_165 = tpu.memref_slice %arg7[%dma_start3A_164] : memref<10240xf32, #tpu.memory_space<vmem_shared>> -> memref<10240xf32, #tpu.memory_space<vmem_shared>>
      tpu.enqueue_indirect_dma source(%arg5 : memref<128xf32, #tpu.memory_space<vmem>>) target(%dma_start3A_165 : memref<10240xf32, #tpu.memory_space<vmem_shared>>) offsets(%dma_start3A_163 : memref<128xi32, #tpu.memory_space<vmem>>) semaphore(%arg8 : memref<!tpu.dma_semaphore, #tpu.memory_space<semaphore_mem>>) {add = true}
      %mul3A_166 = arith.constant 16 : i32
      %mul3A_167 = arith.muli %add3A_130, %mul3A_166 : i32
      %add3A_168 = arith.constant 4 : i32
      %add3A_169 = arith.addi %mul3A_167, %add3A_168 : i32
      %dma_start3A_170 = arith.constant 0 : i32
      %dma_start3A_171 = tpu.memref_slice %arg4[%add3A_169, %dma_start3A_170] : memref<80x128xi32, #tpu.memory_space<vmem>> -> memref<1x128xi32, #tpu.memory_space<vmem>>
      %dma_start3A_172 = tpu.memref_squeeze %dma_start3A_171 : memref<1x128xi32, #tpu.memory_space<vmem>> -> memref<128xi32, #tpu.memory_space<vmem>>
      %dma_start3A_173 = arith.constant 0 : i32
      %dma_start3A_174 = tpu.memref_slice %arg7[%dma_start3A_173] : memref<10240xf32, #tpu.memory_space<vmem_shared>> -> memref<10240xf32, #tpu.memory_space<vmem_shared>>
      tpu.enqueue_indirect_dma source(%arg5 : memref<128xf32, #tpu.memory_space<vmem>>) target(%dma_start3A_174 : memref<10240xf32, #tpu.memory_space<vmem_shared>>) offsets(%dma_start3A_172 : memref<128xi32, #tpu.memory_space<vmem>>) semaphore(%arg8 : memref<!tpu.dma_semaphore, #tpu.memory_space<semaphore_mem>>) {add = true}
      %mul3A_175 = arith.constant 16 : i32
      %mul3A_176 = arith.muli %add3A_130, %mul3A_175 : i32
      %add3A_177 = arith.constant 5 : i32
      %add3A_178 = arith.addi %mul3A_176, %add3A_177 : i32
      %dma_start3A_179 = arith.constant 0 : i32
      %dma_start3A_180 = tpu.memref_slice %arg4[%add3A_178, %dma_start3A_179] : memref<80x128xi32, #tpu.memory_space<vmem>> -> memref<1x128xi32, #tpu.memory_space<vmem>>
      %dma_start3A_181 = tpu.memref_squeeze %dma_start3A_180 : memref<1x128xi32, #tpu.memory_space<vmem>> -> memref<128xi32, #tpu.memory_space<vmem>>
      %dma_start3A_182 = arith.constant 0 : i32
      %dma_start3A_183 = tpu.memref_slice %arg7[%dma_start3A_182] : memref<10240xf32, #tpu.memory_space<vmem_shared>> -> memref<10240xf32, #tpu.memory_space<vmem_shared>>
      tpu.enqueue_indirect_dma source(%arg5 : memref<128xf32, #tpu.memory_space<vmem>>) target(%dma_start3A_183 : memref<10240xf32, #tpu.memory_space<vmem_shared>>) offsets(%dma_start3A_181 : memref<128xi32, #tpu.memory_space<vmem>>) semaphore(%arg8 : memref<!tpu.dma_semaphore, #tpu.memory_space<semaphore_mem>>) {add = true}
      %mul3A_184 = arith.constant 16 : i32
      %mul3A_185 = arith.muli %add3A_130, %mul3A_184 : i32
      %add3A_186 = arith.constant 6 : i32
      %add3A_187 = arith.addi %mul3A_185, %add3A_186 : i32
      %dma_start3A_188 = arith.constant 0 : i32
      %dma_start3A_189 = tpu.memref_slice %arg4[%add3A_187, %dma_start3A_188] : memref<80x128xi32, #tpu.memory_space<vmem>> -> memref<1x128xi32, #tpu.memory_space<vmem>>
      %dma_start3A_190 = tpu.memref_squeeze %dma_start3A_189 : memref<1x128xi32, #tpu.memory_space<vmem>> -> memref<128xi32, #tpu.memory_space<vmem>>
      %dma_start3A_191 = arith.constant 0 : i32
      %dma_start3A_192 = tpu.memref_slice %arg7[%dma_start3A_191] : memref<10240xf32, #tpu.memory_space<vmem_shared>> -> memref<10240xf32, #tpu.memory_space<vmem_shared>>
      tpu.enqueue_indirect_dma source(%arg5 : memref<128xf32, #tpu.memory_space<vmem>>) target(%dma_start3A_192 : memref<10240xf32, #tpu.memory_space<vmem_shared>>) offsets(%dma_start3A_190 : memref<128xi32, #tpu.memory_space<vmem>>) semaphore(%arg8 : memref<!tpu.dma_semaphore, #tpu.memory_space<semaphore_mem>>) {add = true}
      %mul3A_193 = arith.constant 16 : i32
      %mul3A_194 = arith.muli %add3A_130, %mul3A_193 : i32
      %add3A_195 = arith.constant 7 : i32
      %add3A_196 = arith.addi %mul3A_194, %add3A_195 : i32
      %dma_start3A_197 = arith.constant 0 : i32
      %dma_start3A_198 = tpu.memref_slice %arg4[%add3A_196, %dma_start3A_197] : memref<80x128xi32, #tpu.memory_space<vmem>> -> memref<1x128xi32, #tpu.memory_space<vmem>>
      %dma_start3A_199 = tpu.memref_squeeze %dma_start3A_198 : memref<1x128xi32, #tpu.memory_space<vmem>> -> memref<128xi32, #tpu.memory_space<vmem>>
      %dma_start3A_200 = arith.constant 0 : i32
      %dma_start3A_201 = tpu.memref_slice %arg7[%dma_start3A_200] : memref<10240xf32, #tpu.memory_space<vmem_shared>> -> memref<10240xf32, #tpu.memory_space<vmem_shared>>
      tpu.enqueue_indirect_dma source(%arg5 : memref<128xf32, #tpu.memory_space<vmem>>) target(%dma_start3A_201 : memref<10240xf32, #tpu.memory_space<vmem_shared>>) offsets(%dma_start3A_199 : memref<128xi32, #tpu.memory_space<vmem>>) semaphore(%arg8 : memref<!tpu.dma_semaphore, #tpu.memory_space<semaphore_mem>>) {add = true}
      %mul3A_202 = arith.constant 16 : i32
      %mul3A_203 = arith.muli %add3A_130, %mul3A_202 : i32
      %add3A_204 = arith.constant 8 : i32
      %add3A_205 = arith.addi %mul3A_203, %add3A_204 : i32
      %dma_start3A_206 = arith.constant 0 : i32
      %dma_start3A_207 = tpu.memref_slice %arg4[%add3A_205, %dma_start3A_206] : memref<80x128xi32, #tpu.memory_space<vmem>> -> memref<1x128xi32, #tpu.memory_space<vmem>>
      %dma_start3A_208 = tpu.memref_squeeze %dma_start3A_207 : memref<1x128xi32, #tpu.memory_space<vmem>> -> memref<128xi32, #tpu.memory_space<vmem>>
      %dma_start3A_209 = arith.constant 0 : i32
      %dma_start3A_210 = tpu.memref_slice %arg7[%dma_start3A_209] : memref<10240xf32, #tpu.memory_space<vmem_shared>> -> memref<10240xf32, #tpu.memory_space<vmem_shared>>
      tpu.enqueue_indirect_dma source(%arg5 : memref<128xf32, #tpu.memory_space<vmem>>) target(%dma_start3A_210 : memref<10240xf32, #tpu.memory_space<vmem_shared>>) offsets(%dma_start3A_208 : memref<128xi32, #tpu.memory_space<vmem>>) semaphore(%arg8 : memref<!tpu.dma_semaphore, #tpu.memory_space<semaphore_mem>>) {add = true}
      %mul3A_211 = arith.constant 16 : i32
      %mul3A_212 = arith.muli %add3A_130, %mul3A_211 : i32
      %add3A_213 = arith.constant 9 : i32
      %add3A_214 = arith.addi %mul3A_212, %add3A_213 : i32
      %dma_start3A_215 = arith.constant 0 : i32
      %dma_start3A_216 = tpu.memref_slice %arg4[%add3A_214, %dma_start3A_215] : memref<80x128xi32, #tpu.memory_space<vmem>> -> memref<1x128xi32, #tpu.memory_space<vmem>>
      %dma_start3A_217 = tpu.memref_squeeze %dma_start3A_216 : memref<1x128xi32, #tpu.memory_space<vmem>> -> memref<128xi32, #tpu.memory_space<vmem>>
      %dma_start3A_218 = arith.constant 0 : i32
      %dma_start3A_219 = tpu.memref_slice %arg7[%dma_start3A_218] : memref<10240xf32, #tpu.memory_space<vmem_shared>> -> memref<10240xf32, #tpu.memory_space<vmem_shared>>
      tpu.enqueue_indirect_dma source(%arg5 : memref<128xf32, #tpu.memory_space<vmem>>) target(%dma_start3A_219 : memref<10240xf32, #tpu.memory_space<vmem_shared>>) offsets(%dma_start3A_217 : memref<128xi32, #tpu.memory_space<vmem>>) semaphore(%arg8 : memref<!tpu.dma_semaphore, #tpu.memory_space<semaphore_mem>>) {add = true}
      %mul3A_220 = arith.constant 16 : i32
      %mul3A_221 = arith.muli %add3A_130, %mul3A_220 : i32
      %add3A_222 = arith.constant 10 : i32
      %add3A_223 = arith.addi %mul3A_221, %add3A_222 : i32
      %dma_start3A_224 = arith.constant 0 : i32
      %dma_start3A_225 = tpu.memref_slice %arg4[%add3A_223, %dma_start3A_224] : memref<80x128xi32, #tpu.memory_space<vmem>> -> memref<1x128xi32, #tpu.memory_space<vmem>>
      %dma_start3A_226 = tpu.memref_squeeze %dma_start3A_225 : memref<1x128xi32, #tpu.memory_space<vmem>> -> memref<128xi32, #tpu.memory_space<vmem>>
      %dma_start3A_227 = arith.constant 0 : i32
      %dma_start3A_228 = tpu.memref_slice %arg7[%dma_start3A_227] : memref<10240xf32, #tpu.memory_space<vmem_shared>> -> memref<10240xf32, #tpu.memory_space<vmem_shared>>
      tpu.enqueue_indirect_dma source(%arg5 : memref<128xf32, #tpu.memory_space<vmem>>) target(%dma_start3A_228 : memref<10240xf32, #tpu.memory_space<vmem_shared>>) offsets(%dma_start3A_226 : memref<128xi32, #tpu.memory_space<vmem>>) semaphore(%arg8 : memref<!tpu.dma_semaphore, #tpu.memory_space<semaphore_mem>>) {add = true}
      %mul3A_229 = arith.constant 16 : i32
      %mul3A_230 = arith.muli %add3A_130, %mul3A_229 : i32
      %add3A_231 = arith.constant 11 : i32
      %add3A_232 = arith.addi %mul3A_230, %add3A_231 : i32
      %dma_start3A_233 = arith.constant 0 : i32
      %dma_start3A_234 = tpu.memref_slice %arg4[%add3A_232, %dma_start3A_233] : memref<80x128xi32, #tpu.memory_space<vmem>> -> memref<1x128xi32, #tpu.memory_space<vmem>>
      %dma_start3A_235 = tpu.memref_squeeze %dma_start3A_234 : memref<1x128xi32, #tpu.memory_space<vmem>> -> memref<128xi32, #tpu.memory_space<vmem>>
      %dma_start3A_236 = arith.constant 0 : i32
      %dma_start3A_237 = tpu.memref_slice %arg7[%dma_start3A_236] : memref<10240xf32, #tpu.memory_space<vmem_shared>> -> memref<10240xf32, #tpu.memory_space<vmem_shared>>
      tpu.enqueue_indirect_dma source(%arg5 : memref<128xf32, #tpu.memory_space<vmem>>) target(%dma_start3A_237 : memref<10240xf32, #tpu.memory_space<vmem_shared>>) offsets(%dma_start3A_235 : memref<128xi32, #tpu.memory_space<vmem>>) semaphore(%arg8 : memref<!tpu.dma_semaphore, #tpu.memory_space<semaphore_mem>>) {add = true}
      %mul3A_238 = arith.constant 16 : i32
      %mul3A_239 = arith.muli %add3A_130, %mul3A_238 : i32
      %add3A_240 = arith.constant 12 : i32
      %add3A_241 = arith.addi %mul3A_239, %add3A_240 : i32
      %dma_start3A_242 = arith.constant 0 : i32
      %dma_start3A_243 = tpu.memref_slice %arg4[%add3A_241, %dma_start3A_242] : memref<80x128xi32, #tpu.memory_space<vmem>> -> memref<1x128xi32, #tpu.memory_space<vmem>>
      %dma_start3A_244 = tpu.memref_squeeze %dma_start3A_243 : memref<1x128xi32, #tpu.memory_space<vmem>> -> memref<128xi32, #tpu.memory_space<vmem>>
      %dma_start3A_245 = arith.constant 0 : i32
      %dma_start3A_246 = tpu.memref_slice %arg7[%dma_start3A_245] : memref<10240xf32, #tpu.memory_space<vmem_shared>> -> memref<10240xf32, #tpu.memory_space<vmem_shared>>
      tpu.enqueue_indirect_dma source(%arg5 : memref<128xf32, #tpu.memory_space<vmem>>) target(%dma_start3A_246 : memref<10240xf32, #tpu.memory_space<vmem_shared>>) offsets(%dma_start3A_244 : memref<128xi32, #tpu.memory_space<vmem>>) semaphore(%arg8 : memref<!tpu.dma_semaphore, #tpu.memory_space<semaphore_mem>>) {add = true}
      %mul3A_247 = arith.constant 16 : i32
      %mul3A_248 = arith.muli %add3A_130, %mul3A_247 : i32
      %add3A_249 = arith.constant 13 : i32
      %add3A_250 = arith.addi %mul3A_248, %add3A_249 : i32
      %dma_start3A_251 = arith.constant 0 : i32
      %dma_start3A_252 = tpu.memref_slice %arg4[%add3A_250, %dma_start3A_251] : memref<80x128xi32, #tpu.memory_space<vmem>> -> memref<1x128xi32, #tpu.memory_space<vmem>>
      %dma_start3A_253 = tpu.memref_squeeze %dma_start3A_252 : memref<1x128xi32, #tpu.memory_space<vmem>> -> memref<128xi32, #tpu.memory_space<vmem>>
      %dma_start3A_254 = arith.constant 0 : i32
      %dma_start3A_255 = tpu.memref_slice %arg7[%dma_start3A_254] : memref<10240xf32, #tpu.memory_space<vmem_shared>> -> memref<10240xf32, #tpu.memory_space<vmem_shared>>
      tpu.enqueue_indirect_dma source(%arg5 : memref<128xf32, #tpu.memory_space<vmem>>) target(%dma_start3A_255 : memref<10240xf32, #tpu.memory_space<vmem_shared>>) offsets(%dma_start3A_253 : memref<128xi32, #tpu.memory_space<vmem>>) semaphore(%arg8 : memref<!tpu.dma_semaphore, #tpu.memory_space<semaphore_mem>>) {add = true}
      %mul3A_256 = arith.constant 16 : i32
      %mul3A_257 = arith.muli %add3A_130, %mul3A_256 : i32
      %add3A_258 = arith.constant 14 : i32
      %add3A_259 = arith.addi %mul3A_257, %add3A_258 : i32
      %dma_start3A_260 = arith.constant 0 : i32
      %dma_start3A_261 = tpu.memref_slice %arg4[%add3A_259, %dma_start3A_260] : memref<80x128xi32, #tpu.memory_space<vmem>> -> memref<1x128xi32, #tpu.memory_space<vmem>>
      %dma_start3A_262 = tpu.memref_squeeze %dma_start3A_261 : memref<1x128xi32, #tpu.memory_space<vmem>> -> memref<128xi32, #tpu.memory_space<vmem>>
      %dma_start3A_263 = arith.constant 0 : i32
      %dma_start3A_264 = tpu.memref_slice %arg7[%dma_start3A_263] : memref<10240xf32, #tpu.memory_space<vmem_shared>> -> memref<10240xf32, #tpu.memory_space<vmem_shared>>
      tpu.enqueue_indirect_dma source(%arg5 : memref<128xf32, #tpu.memory_space<vmem>>) target(%dma_start3A_264 : memref<10240xf32, #tpu.memory_space<vmem_shared>>) offsets(%dma_start3A_262 : memref<128xi32, #tpu.memory_space<vmem>>) semaphore(%arg8 : memref<!tpu.dma_semaphore, #tpu.memory_space<semaphore_mem>>) {add = true}
      %mul3A_265 = arith.constant 16 : i32
      %mul3A_266 = arith.muli %add3A_130, %mul3A_265 : i32
      %add3A_267 = arith.constant 15 : i32
      %add3A_268 = arith.addi %mul3A_266, %add3A_267 : i32
      %dma_start3A_269 = arith.constant 0 : i32
      %dma_start3A_270 = tpu.memref_slice %arg4[%add3A_268, %dma_start3A_269] : memref<80x128xi32, #tpu.memory_space<vmem>> -> memref<1x128xi32, #tpu.memory_space<vmem>>
      %dma_start3A_271 = tpu.memref_squeeze %dma_start3A_270 : memref<1x128xi32, #tpu.memory_space<vmem>> -> memref<128xi32, #tpu.memory_space<vmem>>
      %dma_start3A_272 = arith.constant 0 : i32
      %dma_start3A_273 = tpu.memref_slice %arg7[%dma_start3A_272] : memref<10240xf32, #tpu.memory_space<vmem_shared>> -> memref<10240xf32, #tpu.memory_space<vmem_shared>>
      tpu.enqueue_indirect_dma source(%arg5 : memref<128xf32, #tpu.memory_space<vmem>>) target(%dma_start3A_273 : memref<10240xf32, #tpu.memory_space<vmem_shared>>) offsets(%dma_start3A_271 : memref<128xi32, #tpu.memory_space<vmem>>) semaphore(%arg8 : memref<!tpu.dma_semaphore, #tpu.memory_space<semaphore_mem>>) {add = true}
      %dma_wait3A = arith.constant 0 : i32
      %dma_wait3A_274 = tpu.memref_slice %arg4[%add3A_134, %dma_wait3A] : memref<80x128xi32, #tpu.memory_space<vmem>> -> memref<1x128xi32, #tpu.memory_space<vmem>>
      %dma_wait3A_275 = tpu.memref_squeeze %dma_wait3A_274 : memref<1x128xi32, #tpu.memory_space<vmem>> -> memref<128xi32, #tpu.memory_space<vmem>>
      %dma_wait3A_276 = arith.constant 0 : i32
      %dma_wait3A_277 = tpu.memref_slice %arg7[%dma_wait3A_276] : memref<10240xf32, #tpu.memory_space<vmem_shared>> -> memref<10240xf32, #tpu.memory_space<vmem_shared>>
      tpu.wait_indirect_dma semaphore(%arg8 : memref<!tpu.dma_semaphore, #tpu.memory_space<semaphore_mem>>) src(%arg5 : memref<128xf32, #tpu.memory_space<vmem>>) dst(%dma_wait3A_277 : memref<10240xf32, #tpu.memory_space<vmem_shared>>)
      %dma_wait3A_278 = arith.constant 0 : i32
      %dma_wait3A_279 = tpu.memref_slice %arg4[%add3A_142, %dma_wait3A_278] : memref<80x128xi32, #tpu.memory_space<vmem>> -> memref<1x128xi32, #tpu.memory_space<vmem>>
      %dma_wait3A_280 = tpu.memref_squeeze %dma_wait3A_279 : memref<1x128xi32, #tpu.memory_space<vmem>> -> memref<128xi32, #tpu.memory_space<vmem>>
      %dma_wait3A_281 = arith.constant 0 : i32
      %dma_wait3A_282 = tpu.memref_slice %arg7[%dma_wait3A_281] : memref<10240xf32, #tpu.memory_space<vmem_shared>> -> memref<10240xf32, #tpu.memory_space<vmem_shared>>
      tpu.wait_indirect_dma semaphore(%arg8 : memref<!tpu.dma_semaphore, #tpu.memory_space<semaphore_mem>>) src(%arg5 : memref<128xf32, #tpu.memory_space<vmem>>) dst(%dma_wait3A_282 : memref<10240xf32, #tpu.memory_space<vmem_shared>>)
      %dma_wait3A_283 = arith.constant 0 : i32
      %dma_wait3A_284 = tpu.memref_slice %arg4[%add3A_151, %dma_wait3A_283] : memref<80x128xi32, #tpu.memory_space<vmem>> -> memref<1x128xi32, #tpu.memory_space<vmem>>
      %dma_wait3A_285 = tpu.memref_squeeze %dma_wait3A_284 : memref<1x128xi32, #tpu.memory_space<vmem>> -> memref<128xi32, #tpu.memory_space<vmem>>
      %dma_wait3A_286 = arith.constant 0 : i32
      %dma_wait3A_287 = tpu.memref_slice %arg7[%dma_wait3A_286] : memref<10240xf32, #tpu.memory_space<vmem_shared>> -> memref<10240xf32, #tpu.memory_space<vmem_shared>>
      tpu.wait_indirect_dma semaphore(%arg8 : memref<!tpu.dma_semaphore, #tpu.memory_space<semaphore_mem>>) src(%arg5 : memref<128xf32, #tpu.memory_space<vmem>>) dst(%dma_wait3A_287 : memref<10240xf32, #tpu.memory_space<vmem_shared>>)
      %dma_wait3A_288 = arith.constant 0 : i32
      %dma_wait3A_289 = tpu.memref_slice %arg4[%add3A_160, %dma_wait3A_288] : memref<80x128xi32, #tpu.memory_space<vmem>> -> memref<1x128xi32, #tpu.memory_space<vmem>>
      %dma_wait3A_290 = tpu.memref_squeeze %dma_wait3A_289 : memref<1x128xi32, #tpu.memory_space<vmem>> -> memref<128xi32, #tpu.memory_space<vmem>>
      %dma_wait3A_291 = arith.constant 0 : i32
      %dma_wait3A_292 = tpu.memref_slice %arg7[%dma_wait3A_291] : memref<10240xf32, #tpu.memory_space<vmem_shared>> -> memref<10240xf32, #tpu.memory_space<vmem_shared>>
      tpu.wait_indirect_dma semaphore(%arg8 : memref<!tpu.dma_semaphore, #tpu.memory_space<semaphore_mem>>) src(%arg5 : memref<128xf32, #tpu.memory_space<vmem>>) dst(%dma_wait3A_292 : memref<10240xf32, #tpu.memory_space<vmem_shared>>)
      %dma_wait3A_293 = arith.constant 0 : i32
      %dma_wait3A_294 = tpu.memref_slice %arg4[%add3A_169, %dma_wait3A_293] : memref<80x128xi32, #tpu.memory_space<vmem>> -> memref<1x128xi32, #tpu.memory_space<vmem>>
      %dma_wait3A_295 = tpu.memref_squeeze %dma_wait3A_294 : memref<1x128xi32, #tpu.memory_space<vmem>> -> memref<128xi32, #tpu.memory_space<vmem>>
      %dma_wait3A_296 = arith.constant 0 : i32
      %dma_wait3A_297 = tpu.memref_slice %arg7[%dma_wait3A_296] : memref<10240xf32, #tpu.memory_space<vmem_shared>> -> memref<10240xf32, #tpu.memory_space<vmem_shared>>
      tpu.wait_indirect_dma semaphore(%arg8 : memref<!tpu.dma_semaphore, #tpu.memory_space<semaphore_mem>>) src(%arg5 : memref<128xf32, #tpu.memory_space<vmem>>) dst(%dma_wait3A_297 : memref<10240xf32, #tpu.memory_space<vmem_shared>>)
      %dma_wait3A_298 = arith.constant 0 : i32
      %dma_wait3A_299 = tpu.memref_slice %arg4[%add3A_178, %dma_wait3A_298] : memref<80x128xi32, #tpu.memory_space<vmem>> -> memref<1x128xi32, #tpu.memory_space<vmem>>
      %dma_wait3A_300 = tpu.memref_squeeze %dma_wait3A_299 : memref<1x128xi32, #tpu.memory_space<vmem>> -> memref<128xi32, #tpu.memory_space<vmem>>
      %dma_wait3A_301 = arith.constant 0 : i32
      %dma_wait3A_302 = tpu.memref_slice %arg7[%dma_wait3A_301] : memref<10240xf32, #tpu.memory_space<vmem_shared>> -> memref<10240xf32, #tpu.memory_space<vmem_shared>>
      tpu.wait_indirect_dma semaphore(%arg8 : memref<!tpu.dma_semaphore, #tpu.memory_space<semaphore_mem>>) src(%arg5 : memref<128xf32, #tpu.memory_space<vmem>>) dst(%dma_wait3A_302 : memref<10240xf32, #tpu.memory_space<vmem_shared>>)
      %dma_wait3A_303 = arith.constant 0 : i32
      %dma_wait3A_304 = tpu.memref_slice %arg4[%add3A_187, %dma_wait3A_303] : memref<80x128xi32, #tpu.memory_space<vmem>> -> memref<1x128xi32, #tpu.memory_space<vmem>>
      %dma_wait3A_305 = tpu.memref_squeeze %dma_wait3A_304 : memref<1x128xi32, #tpu.memory_space<vmem>> -> memref<128xi32, #tpu.memory_space<vmem>>
      %dma_wait3A_306 = arith.constant 0 : i32
      %dma_wait3A_307 = tpu.memref_slice %arg7[%dma_wait3A_306] : memref<10240xf32, #tpu.memory_space<vmem_shared>> -> memref<10240xf32, #tpu.memory_space<vmem_shared>>
      tpu.wait_indirect_dma semaphore(%arg8 : memref<!tpu.dma_semaphore, #tpu.memory_space<semaphore_mem>>) src(%arg5 : memref<128xf32, #tpu.memory_space<vmem>>) dst(%dma_wait3A_307 : memref<10240xf32, #tpu.memory_space<vmem_shared>>)
      %dma_wait3A_308 = arith.constant 0 : i32
      %dma_wait3A_309 = tpu.memref_slice %arg4[%add3A_196, %dma_wait3A_308] : memref<80x128xi32, #tpu.memory_space<vmem>> -> memref<1x128xi32, #tpu.memory_space<vmem>>
      %dma_wait3A_310 = tpu.memref_squeeze %dma_wait3A_309 : memref<1x128xi32, #tpu.memory_space<vmem>> -> memref<128xi32, #tpu.memory_space<vmem>>
      %dma_wait3A_311 = arith.constant 0 : i32
      %dma_wait3A_312 = tpu.memref_slice %arg7[%dma_wait3A_311] : memref<10240xf32, #tpu.memory_space<vmem_shared>> -> memref<10240xf32, #tpu.memory_space<vmem_shared>>
      tpu.wait_indirect_dma semaphore(%arg8 : memref<!tpu.dma_semaphore, #tpu.memory_space<semaphore_mem>>) src(%arg5 : memref<128xf32, #tpu.memory_space<vmem>>) dst(%dma_wait3A_312 : memref<10240xf32, #tpu.memory_space<vmem_shared>>)
      %dma_wait3A_313 = arith.constant 0 : i32
      %dma_wait3A_314 = tpu.memref_slice %arg4[%add3A_205, %dma_wait3A_313] : memref<80x128xi32, #tpu.memory_space<vmem>> -> memref<1x128xi32, #tpu.memory_space<vmem>>
      %dma_wait3A_315 = tpu.memref_squeeze %dma_wait3A_314 : memref<1x128xi32, #tpu.memory_space<vmem>> -> memref<128xi32, #tpu.memory_space<vmem>>
      %dma_wait3A_316 = arith.constant 0 : i32
      %dma_wait3A_317 = tpu.memref_slice %arg7[%dma_wait3A_316] : memref<10240xf32, #tpu.memory_space<vmem_shared>> -> memref<10240xf32, #tpu.memory_space<vmem_shared>>
      tpu.wait_indirect_dma semaphore(%arg8 : memref<!tpu.dma_semaphore, #tpu.memory_space<semaphore_mem>>) src(%arg5 : memref<128xf32, #tpu.memory_space<vmem>>) dst(%dma_wait3A_317 : memref<10240xf32, #tpu.memory_space<vmem_shared>>)
      %dma_wait3A_318 = arith.constant 0 : i32
      %dma_wait3A_319 = tpu.memref_slice %arg4[%add3A_214, %dma_wait3A_318] : memref<80x128xi32, #tpu.memory_space<vmem>> -> memref<1x128xi32, #tpu.memory_space<vmem>>
      %dma_wait3A_320 = tpu.memref_squeeze %dma_wait3A_319 : memref<1x128xi32, #tpu.memory_space<vmem>> -> memref<128xi32, #tpu.memory_space<vmem>>
      %dma_wait3A_321 = arith.constant 0 : i32
      %dma_wait3A_322 = tpu.memref_slice %arg7[%dma_wait3A_321] : memref<10240xf32, #tpu.memory_space<vmem_shared>> -> memref<10240xf32, #tpu.memory_space<vmem_shared>>
      tpu.wait_indirect_dma semaphore(%arg8 : memref<!tpu.dma_semaphore, #tpu.memory_space<semaphore_mem>>) src(%arg5 : memref<128xf32, #tpu.memory_space<vmem>>) dst(%dma_wait3A_322 : memref<10240xf32, #tpu.memory_space<vmem_shared>>)
      %dma_wait3A_323 = arith.constant 0 : i32
      %dma_wait3A_324 = tpu.memref_slice %arg4[%add3A_223, %dma_wait3A_323] : memref<80x128xi32, #tpu.memory_space<vmem>> -> memref<1x128xi32, #tpu.memory_space<vmem>>
      %dma_wait3A_325 = tpu.memref_squeeze %dma_wait3A_324 : memref<1x128xi32, #tpu.memory_space<vmem>> -> memref<128xi32, #tpu.memory_space<vmem>>
      %dma_wait3A_326 = arith.constant 0 : i32
      %dma_wait3A_327 = tpu.memref_slice %arg7[%dma_wait3A_326] : memref<10240xf32, #tpu.memory_space<vmem_shared>> -> memref<10240xf32, #tpu.memory_space<vmem_shared>>
      tpu.wait_indirect_dma semaphore(%arg8 : memref<!tpu.dma_semaphore, #tpu.memory_space<semaphore_mem>>) src(%arg5 : memref<128xf32, #tpu.memory_space<vmem>>) dst(%dma_wait3A_327 : memref<10240xf32, #tpu.memory_space<vmem_shared>>)
      %dma_wait3A_328 = arith.constant 0 : i32
      %dma_wait3A_329 = tpu.memref_slice %arg4[%add3A_232, %dma_wait3A_328] : memref<80x128xi32, #tpu.memory_space<vmem>> -> memref<1x128xi32, #tpu.memory_space<vmem>>
      %dma_wait3A_330 = tpu.memref_squeeze %dma_wait3A_329 : memref<1x128xi32, #tpu.memory_space<vmem>> -> memref<128xi32, #tpu.memory_space<vmem>>
      %dma_wait3A_331 = arith.constant 0 : i32
      %dma_wait3A_332 = tpu.memref_slice %arg7[%dma_wait3A_331] : memref<10240xf32, #tpu.memory_space<vmem_shared>> -> memref<10240xf32, #tpu.memory_space<vmem_shared>>
      tpu.wait_indirect_dma semaphore(%arg8 : memref<!tpu.dma_semaphore, #tpu.memory_space<semaphore_mem>>) src(%arg5 : memref<128xf32, #tpu.memory_space<vmem>>) dst(%dma_wait3A_332 : memref<10240xf32, #tpu.memory_space<vmem_shared>>)
      %dma_wait3A_333 = arith.constant 0 : i32
      %dma_wait3A_334 = tpu.memref_slice %arg4[%add3A_241, %dma_wait3A_333] : memref<80x128xi32, #tpu.memory_space<vmem>> -> memref<1x128xi32, #tpu.memory_space<vmem>>
      %dma_wait3A_335 = tpu.memref_squeeze %dma_wait3A_334 : memref<1x128xi32, #tpu.memory_space<vmem>> -> memref<128xi32, #tpu.memory_space<vmem>>
      %dma_wait3A_336 = arith.constant 0 : i32
      %dma_wait3A_337 = tpu.memref_slice %arg7[%dma_wait3A_336] : memref<10240xf32, #tpu.memory_space<vmem_shared>> -> memref<10240xf32, #tpu.memory_space<vmem_shared>>
      tpu.wait_indirect_dma semaphore(%arg8 : memref<!tpu.dma_semaphore, #tpu.memory_space<semaphore_mem>>) src(%arg5 : memref<128xf32, #tpu.memory_space<vmem>>) dst(%dma_wait3A_337 : memref<10240xf32, #tpu.memory_space<vmem_shared>>)
      %dma_wait3A_338 = arith.constant 0 : i32
      %dma_wait3A_339 = tpu.memref_slice %arg4[%add3A_250, %dma_wait3A_338] : memref<80x128xi32, #tpu.memory_space<vmem>> -> memref<1x128xi32, #tpu.memory_space<vmem>>
      %dma_wait3A_340 = tpu.memref_squeeze %dma_wait3A_339 : memref<1x128xi32, #tpu.memory_space<vmem>> -> memref<128xi32, #tpu.memory_space<vmem>>
      %dma_wait3A_341 = arith.constant 0 : i32
      %dma_wait3A_342 = tpu.memref_slice %arg7[%dma_wait3A_341] : memref<10240xf32, #tpu.memory_space<vmem_shared>> -> memref<10240xf32, #tpu.memory_space<vmem_shared>>
      tpu.wait_indirect_dma semaphore(%arg8 : memref<!tpu.dma_semaphore, #tpu.memory_space<semaphore_mem>>) src(%arg5 : memref<128xf32, #tpu.memory_space<vmem>>) dst(%dma_wait3A_342 : memref<10240xf32, #tpu.memory_space<vmem_shared>>)
      %dma_wait3A_343 = arith.constant 0 : i32
      %dma_wait3A_344 = tpu.memref_slice %arg4[%add3A_259, %dma_wait3A_343] : memref<80x128xi32, #tpu.memory_space<vmem>> -> memref<1x128xi32, #tpu.memory_space<vmem>>
      %dma_wait3A_345 = tpu.memref_squeeze %dma_wait3A_344 : memref<1x128xi32, #tpu.memory_space<vmem>> -> memref<128xi32, #tpu.memory_space<vmem>>
      %dma_wait3A_346 = arith.constant 0 : i32
      %dma_wait3A_347 = tpu.memref_slice %arg7[%dma_wait3A_346] : memref<10240xf32, #tpu.memory_space<vmem_shared>> -> memref<10240xf32, #tpu.memory_space<vmem_shared>>
      tpu.wait_indirect_dma semaphore(%arg8 : memref<!tpu.dma_semaphore, #tpu.memory_space<semaphore_mem>>) src(%arg5 : memref<128xf32, #tpu.memory_space<vmem>>) dst(%dma_wait3A_347 : memref<10240xf32, #tpu.memory_space<vmem_shared>>)
      %dma_wait3A_348 = arith.constant 0 : i32
      %dma_wait3A_349 = tpu.memref_slice %arg4[%add3A_268, %dma_wait3A_348] : memref<80x128xi32, #tpu.memory_space<vmem>> -> memref<1x128xi32, #tpu.memory_space<vmem>>
      %dma_wait3A_350 = tpu.memref_squeeze %dma_wait3A_349 : memref<1x128xi32, #tpu.memory_space<vmem>> -> memref<128xi32, #tpu.memory_space<vmem>>
      %dma_wait3A_351 = arith.constant 0 : i32
      %dma_wait3A_352 = tpu.memref_slice %arg7[%dma_wait3A_351] : memref<10240xf32, #tpu.memory_space<vmem_shared>> -> memref<10240xf32, #tpu.memory_space<vmem_shared>>
      tpu.wait_indirect_dma semaphore(%arg8 : memref<!tpu.dma_semaphore, #tpu.memory_space<semaphore_mem>>) src(%arg5 : memref<128xf32, #tpu.memory_space<vmem>>) dst(%dma_wait3A_352 : memref<10240xf32, #tpu.memory_space<vmem_shared>>)
    }
    %scan3A_120 = arith.constant 5 : i32
    %barrier3A_121 = arith.constant 0 : index
    tpu.barrier barrier_id(%barrier3A_121)
    %mul3A_122 = arith.constant 640 : i32
    %mul3A_123 = arith.muli %arg1, %mul3A_122 : i32
    %mul3A_124 = arith.constant 640 : i32
    %mul3A_125 = arith.muli %arg1, %mul3A_124 : i32
    "tpu.region"() ({
      %run_scoped3A = tpu.sem_alloc : memref<!tpu.dma_semaphore, #tpu.memory_space<semaphore_mem>>
      %dma_start3A = tpu.memref_slice %arg3[%arg0, %mul3A_125] : memref<2x10240xf32, #tpu.memory_space<hbm>> -> memref<1x640xf32, #tpu.memory_space<hbm>>
      %dma_start3A_126 = tpu.memref_squeeze %dma_start3A : memref<1x640xf32, #tpu.memory_space<hbm>> -> memref<640xf32, #tpu.memory_space<hbm>>
      %dma_start3A_127 = tpu.memref_slice %arg7[%mul3A_123] : memref<10240xf32, #tpu.memory_space<vmem_shared>> -> memref<640xf32, #tpu.memory_space<vmem_shared>>
      tpu.enqueue_dma source(%dma_start3A_127 : memref<640xf32, #tpu.memory_space<vmem_shared>>) target(%dma_start3A_126 : memref<640xf32, #tpu.memory_space<hbm>>) target_semaphore(%run_scoped3A : memref<!tpu.dma_semaphore, #tpu.memory_space<semaphore_mem>>)
      %dma_wait3A = tpu.memref_slice %arg3[%arg0, %mul3A_125] : memref<2x10240xf32, #tpu.memory_space<hbm>> -> memref<1x640xf32, #tpu.memory_space<hbm>>
      %dma_wait3A_128 = tpu.memref_squeeze %dma_wait3A : memref<1x640xf32, #tpu.memory_space<hbm>> -> memref<640xf32, #tpu.memory_space<hbm>>
      %dma_wait3A_129 = tpu.memref_slice %arg7[%mul3A_123] : memref<10240xf32, #tpu.memory_space<vmem_shared>> -> memref<640xf32, #tpu.memory_space<vmem_shared>>
      tpu.wait_dma2 semaphore(%run_scoped3A : memref<!tpu.dma_semaphore, #tpu.memory_space<semaphore_mem>>) src(%dma_wait3A_129 : memref<640xf32, #tpu.memory_space<vmem_shared>>) dst(%dma_wait3A_128 : memref<640xf32, #tpu.memory_space<hbm>>)
      tpu.yield
    }) : () -> ()
    return
  }
}

#map = affine_map<(d0, d1) -> (0, 0)>
#map1 = affine_map<(d0, d1) -> (0, 0, 0)>
module attributes {stable_mosaic.version = 14 : i64} {
  func.func @body(%arg0: i32, %arg1: i32, %arg2: memref<2560x128xi32, #tpu.memory_space<hbm>>, %arg3: memref<2560x128xi32, #tpu.memory_space<hbm>>, %arg4: memref<10000x64xf32, #tpu.memory_space<hbm>>, %arg5: memref<2x10240x64xf32, #tpu.memory_space<hbm>>, %arg6: memref<80x128xi32, #tpu.memory_space<vmem>>, %arg7: memref<80x128xi32, #tpu.memory_space<vmem>>, %arg8: memref<8x128x64xf32, #tpu.memory_space<vmem>>, %arg9: memref<10240x64xf32, #tpu.memory_space<vmem_shared>>, %arg10: memref<!tpu.dma_semaphore, #tpu.memory_space<semaphore_mem>>, %arg11: memref<!tpu.dma_semaphore, #tpu.memory_space<semaphore_mem>>) attributes {dimension_semantics = [#tpu.dimension_semantics<core_parallel>, #tpu.dimension_semantics<subcore_parallel>], iteration_bounds = array<i64: 2, 16>, scalar_prefetch = 0 : i64, scratch_operands = 6 : i64, tpu.core_type = #tpu.core_type<sc_vector_subcore>, window_params = [{transform_indices = #map}, {transform_indices = #map}, {transform_indices = #map}, {transform_indices = #map1}]} {
    %scan3A = arith.constant 0 : i32
    %scan3A_0 = arith.constant 0 : i32
    %scan3A_1 = arith.constant 128 : i32
    %scan3A_2 = arith.addi %scan3A_0, %scan3A_1 : i32
    %scan3A_3 = arith.constant 1 : i32
    scf.for %scan3A_232 = %scan3A_0 to %scan3A_2 step %scan3A_3  : i32 {
      %mul3A_233 = arith.constant 1 : i32
      %mul3A_234 = arith.muli %scan3A_232, %mul3A_233 : i32
      %add3A_235 = arith.constant 0 : i32
      %add3A_236 = arith.addi %add3A_235, %mul3A_234 : i32
      %broadcast_in_dim3A = arith.constant 0.000000e+00 : f32
      %broadcast_in_dim3A_237 = vector.broadcast %broadcast_in_dim3A : f32 to vector<16xf32>
      %swap3A = arith.constant 0 : i32
      %swap3A_238 = arith.constant 0 : i32
      %swap3A_239 = tpu.memref_slice %arg8[%scan3A, %swap3A, %swap3A_238] : memref<8x128x64xf32, #tpu.memory_space<vmem>> -> memref<1x128x64xf32, #tpu.memory_space<vmem>>
      %swap3A_240 = tpu.memref_squeeze %swap3A_239 : memref<1x128x64xf32, #tpu.memory_space<vmem>> -> memref<128x64xf32, #tpu.memory_space<vmem>>
      %swap3A_241 = arith.index_cast %add3A_236 : i32 to index
      %swap3A_242 = arith.constant 0 : index
      %swap3A_243 = tpu.vector_load %swap3A_240[%swap3A_241, %swap3A_242] {strides = array<i32>} : memref<128x64xf32, #tpu.memory_space<vmem>>, vector<1x16xf32>,
      %swap3A_244 = vector.shape_cast %swap3A_243 : vector<1x16xf32> to vector<16xf32>
      %swap3A_245 = vector.shape_cast %broadcast_in_dim3A_237 : vector<16xf32> to vector<1x16xf32>
      tpu.vector_store %swap3A_240[%swap3A_241, %swap3A_242], %swap3A_245 {strides = array<i32>} : memref<128x64xf32, #tpu.memory_space<vmem>>, vector<1x16xf32>,
      %broadcast_in_dim3A_246 = arith.constant 0.000000e+00 : f32
      %broadcast_in_dim3A_247 = vector.broadcast %broadcast_in_dim3A_246 : f32 to vector<16xf32>
      %swap3A_248 = arith.constant 0 : i32
      %swap3A_249 = arith.constant 0 : i32
      %swap3A_250 = tpu.memref_slice %arg8[%scan3A, %swap3A_248, %swap3A_249] : memref<8x128x64xf32, #tpu.memory_space<vmem>> -> memref<1x128x64xf32, #tpu.memory_space<vmem>>
      %swap3A_251 = tpu.memref_squeeze %swap3A_250 : memref<1x128x64xf32, #tpu.memory_space<vmem>> -> memref<128x64xf32, #tpu.memory_space<vmem>>
      %swap3A_252 = arith.index_cast %add3A_236 : i32 to index
      %swap3A_253 = arith.constant 16 : index
      %swap3A_254 = tpu.vector_load %swap3A_251[%swap3A_252, %swap3A_253] {strides = array<i32>} : memref<128x64xf32, #tpu.memory_space<vmem>>, vector<1x16xf32>,
      %swap3A_255 = vector.shape_cast %swap3A_254 : vector<1x16xf32> to vector<16xf32>
      %swap3A_256 = vector.shape_cast %broadcast_in_dim3A_247 : vector<16xf32> to vector<1x16xf32>
      tpu.vector_store %swap3A_251[%swap3A_252, %swap3A_253], %swap3A_256 {strides = array<i32>} : memref<128x64xf32, #tpu.memory_space<vmem>>, vector<1x16xf32>,
      %broadcast_in_dim3A_257 = arith.constant 0.000000e+00 : f32
      %broadcast_in_dim3A_258 = vector.broadcast %broadcast_in_dim3A_257 : f32 to vector<16xf32>
      %swap3A_259 = arith.constant 0 : i32
      %swap3A_260 = arith.constant 0 : i32
      %swap3A_261 = tpu.memref_slice %arg8[%scan3A, %swap3A_259, %swap3A_260] : memref<8x128x64xf32, #tpu.memory_space<vmem>> -> memref<1x128x64xf32, #tpu.memory_space<vmem>>
      %swap3A_262 = tpu.memref_squeeze %swap3A_261 : memref<1x128x64xf32, #tpu.memory_space<vmem>> -> memref<128x64xf32, #tpu.memory_space<vmem>>
      %swap3A_263 = arith.index_cast %add3A_236 : i32 to index
      %swap3A_264 = arith.constant 32 : index
      %swap3A_265 = tpu.vector_load %swap3A_262[%swap3A_263, %swap3A_264] {strides = array<i32>} : memref<128x64xf32, #tpu.memory_space<vmem>>, vector<1x16xf32>,
      %swap3A_266 = vector.shape_cast %swap3A_265 : vector<1x16xf32> to vector<16xf32>
      %swap3A_267 = vector.shape_cast %broadcast_in_dim3A_258 : vector<16xf32> to vector<1x16xf32>
      tpu.vector_store %swap3A_262[%swap3A_263, %swap3A_264], %swap3A_267 {strides = array<i32>} : memref<128x64xf32, #tpu.memory_space<vmem>>, vector<1x16xf32>,
      %broadcast_in_dim3A_268 = arith.constant 0.000000e+00 : f32
      %broadcast_in_dim3A_269 = vector.broadcast %broadcast_in_dim3A_268 : f32 to vector<16xf32>
      %swap3A_270 = arith.constant 0 : i32
      %swap3A_271 = arith.constant 0 : i32
      %swap3A_272 = tpu.memref_slice %arg8[%scan3A, %swap3A_270, %swap3A_271] : memref<8x128x64xf32, #tpu.memory_space<vmem>> -> memref<1x128x64xf32, #tpu.memory_space<vmem>>
      %swap3A_273 = tpu.memref_squeeze %swap3A_272 : memref<1x128x64xf32, #tpu.memory_space<vmem>> -> memref<128x64xf32, #tpu.memory_space<vmem>>
      %swap3A_274 = arith.index_cast %add3A_236 : i32 to index
      %swap3A_275 = arith.constant 48 : index
      %swap3A_276 = tpu.vector_load %swap3A_273[%swap3A_274, %swap3A_275] {strides = array<i32>} : memref<128x64xf32, #tpu.memory_space<vmem>>, vector<1x16xf32>,
      %swap3A_277 = vector.shape_cast %swap3A_276 : vector<1x16xf32> to vector<16xf32>
      %swap3A_278 = vector.shape_cast %broadcast_in_dim3A_269 : vector<16xf32> to vector<1x16xf32>
      tpu.vector_store %swap3A_273[%swap3A_274, %swap3A_275], %swap3A_278 {strides = array<i32>} : memref<128x64xf32, #tpu.memory_space<vmem>>, vector<1x16xf32>,
    }
    %scan3A_4 = arith.constant 128 : i32
    %mul3A = arith.constant 640 : i32
    %mul3A_5 = arith.muli %arg1, %mul3A : i32
    %add3A = arith.constant 0 : i32
    %add3A_6 = arith.addi %mul3A_5, %add3A : i32
    %run_scoped3A = arith.constant 0 : i32
    "tpu.region"() ({
      %run_scoped3A_232 = tpu.sem_alloc : memref<!tpu.dma_semaphore, #tpu.memory_space<semaphore_mem>>
      %dma_start3A_233 = arith.constant 0 : i32
      %dma_start3A_234 = arith.constant 0 : i32
      %dma_start3A_235 = tpu.memref_slice %arg8[%run_scoped3A, %dma_start3A_233, %dma_start3A_234] : memref<8x128x64xf32, #tpu.memory_space<vmem>> -> memref<1x128x64xf32, #tpu.memory_space<vmem>>
      %dma_start3A_236 = tpu.memref_squeeze %dma_start3A_235 : memref<1x128x64xf32, #tpu.memory_space<vmem>> -> memref<128x64xf32, #tpu.memory_space<vmem>>
      %dma_start3A_237 = arith.constant 0 : i32
      %dma_start3A_238 = tpu.memref_slice %arg9[%add3A_6, %dma_start3A_237] : memref<10240x64xf32, #tpu.memory_space<vmem_shared>> -> memref<128x64xf32, #tpu.memory_space<vmem_shared>>
      %dma_start3A_239 = arith.constant 0 : i32
      %dma_start3A_240 = tpu.memref_slice %arg9[%add3A_6, %dma_start3A_239] : memref<10240x64xf32, #tpu.memory_space<vmem_shared>> -> memref<128x64xf32, #tpu.memory_space<vmem_shared>>
      %dma_start3A_241 = arith.constant 0 : i32
      %dma_start3A_242 = arith.constant 0 : i32
      %dma_start3A_243 = tpu.memref_slice %arg8[%run_scoped3A, %dma_start3A_241, %dma_start3A_242] : memref<8x128x64xf32, #tpu.memory_space<vmem>> -> memref<1x128x64xf32, #tpu.memory_space<vmem>>
      %dma_start3A_244 = tpu.memref_squeeze %dma_start3A_243 : memref<1x128x64xf32, #tpu.memory_space<vmem>> -> memref<128x64xf32, #tpu.memory_space<vmem>>
      tpu.enqueue_dma source(%dma_start3A_244 : memref<128x64xf32, #tpu.memory_space<vmem>>) target(%dma_start3A_240 : memref<128x64xf32, #tpu.memory_space<vmem_shared>>) target_semaphore(%run_scoped3A_232 : memref<!tpu.dma_semaphore, #tpu.memory_space<semaphore_mem>>)
      %dma_wait3A_245 = arith.constant 0 : i32
      %dma_wait3A_246 = arith.constant 0 : i32
      %dma_wait3A_247 = tpu.memref_slice %arg8[%run_scoped3A, %dma_wait3A_245, %dma_wait3A_246] : memref<8x128x64xf32, #tpu.memory_space<vmem>> -> memref<1x128x64xf32, #tpu.memory_space<vmem>>
      %dma_wait3A_248 = tpu.memref_squeeze %dma_wait3A_247 : memref<1x128x64xf32, #tpu.memory_space<vmem>> -> memref<128x64xf32, #tpu.memory_space<vmem>>
      %dma_wait3A_249 = arith.constant 0 : i32
      %dma_wait3A_250 = tpu.memref_slice %arg9[%add3A_6, %dma_wait3A_249] : memref<10240x64xf32, #tpu.memory_space<vmem_shared>> -> memref<128x64xf32, #tpu.memory_space<vmem_shared>>
      %dma_wait3A_251 = arith.constant 0 : i32
      %dma_wait3A_252 = tpu.memref_slice %arg9[%add3A_6, %dma_wait3A_251] : memref<10240x64xf32, #tpu.memory_space<vmem_shared>> -> memref<128x64xf32, #tpu.memory_space<vmem_shared>>
      %dma_wait3A_253 = arith.constant 0 : i32
      %dma_wait3A_254 = arith.constant 0 : i32
      %dma_wait3A_255 = tpu.memref_slice %arg8[%run_scoped3A, %dma_wait3A_253, %dma_wait3A_254] : memref<8x128x64xf32, #tpu.memory_space<vmem>> -> memref<1x128x64xf32, #tpu.memory_space<vmem>>
      %dma_wait3A_256 = tpu.memref_squeeze %dma_wait3A_255 : memref<1x128x64xf32, #tpu.memory_space<vmem>> -> memref<128x64xf32, #tpu.memory_space<vmem>>
      tpu.wait_dma2 semaphore(%run_scoped3A_232 : memref<!tpu.dma_semaphore, #tpu.memory_space<semaphore_mem>>) src(%dma_wait3A_256 : memref<128x64xf32, #tpu.memory_space<vmem>>) dst(%dma_wait3A_252 : memref<128x64xf32, #tpu.memory_space<vmem_shared>>)
      tpu.yield
    }) : () -> ()
    %mul3A_7 = arith.constant 640 : i32
    %mul3A_8 = arith.muli %arg1, %mul3A_7 : i32
    %add3A_9 = arith.constant 128 : i32
    %add3A_10 = arith.addi %mul3A_8, %add3A_9 : i32
    %run_scoped3A_11 = arith.constant 0 : i32
    "tpu.region"() ({
      %run_scoped3A_232 = tpu.sem_alloc : memref<!tpu.dma_semaphore, #tpu.memory_space<semaphore_mem>>
      %dma_start3A_233 = arith.constant 0 : i32
      %dma_start3A_234 = arith.constant 0 : i32
      %dma_start3A_235 = tpu.memref_slice %arg8[%run_scoped3A_11, %dma_start3A_233, %dma_start3A_234] : memref<8x128x64xf32, #tpu.memory_space<vmem>> -> memref<1x128x64xf32, #tpu.memory_space<vmem>>
      %dma_start3A_236 = tpu.memref_squeeze %dma_start3A_235 : memref<1x128x64xf32, #tpu.memory_space<vmem>> -> memref<128x64xf32, #tpu.memory_space<vmem>>
      %dma_start3A_237 = arith.constant 0 : i32
      %dma_start3A_238 = tpu.memref_slice %arg9[%add3A_10, %dma_start3A_237] : memref<10240x64xf32, #tpu.memory_space<vmem_shared>> -> memref<128x64xf32, #tpu.memory_space<vmem_shared>>
      %dma_start3A_239 = arith.constant 0 : i32
      %dma_start3A_240 = tpu.memref_slice %arg9[%add3A_10, %dma_start3A_239] : memref<10240x64xf32, #tpu.memory_space<vmem_shared>> -> memref<128x64xf32, #tpu.memory_space<vmem_shared>>
      %dma_start3A_241 = arith.constant 0 : i32
      %dma_start3A_242 = arith.constant 0 : i32
      %dma_start3A_243 = tpu.memref_slice %arg8[%run_scoped3A_11, %dma_start3A_241, %dma_start3A_242] : memref<8x128x64xf32, #tpu.memory_space<vmem>> -> memref<1x128x64xf32, #tpu.memory_space<vmem>>
      %dma_start3A_244 = tpu.memref_squeeze %dma_start3A_243 : memref<1x128x64xf32, #tpu.memory_space<vmem>> -> memref<128x64xf32, #tpu.memory_space<vmem>>
      tpu.enqueue_dma source(%dma_start3A_244 : memref<128x64xf32, #tpu.memory_space<vmem>>) target(%dma_start3A_240 : memref<128x64xf32, #tpu.memory_space<vmem_shared>>) target_semaphore(%run_scoped3A_232 : memref<!tpu.dma_semaphore, #tpu.memory_space<semaphore_mem>>)
      %dma_wait3A_245 = arith.constant 0 : i32
      %dma_wait3A_246 = arith.constant 0 : i32
      %dma_wait3A_247 = tpu.memref_slice %arg8[%run_scoped3A_11, %dma_wait3A_245, %dma_wait3A_246] : memref<8x128x64xf32, #tpu.memory_space<vmem>> -> memref<1x128x64xf32, #tpu.memory_space<vmem>>
      %dma_wait3A_248 = tpu.memref_squeeze %dma_wait3A_247 : memref<1x128x64xf32, #tpu.memory_space<vmem>> -> memref<128x64xf32, #tpu.memory_space<vmem>>
      %dma_wait3A_249 = arith.constant 0 : i32
      %dma_wait3A_250 = tpu.memref_slice %arg9[%add3A_10, %dma_wait3A_249] : memref<10240x64xf32, #tpu.memory_space<vmem_shared>> -> memref<128x64xf32, #tpu.memory_space<vmem_shared>>
      %dma_wait3A_251 = arith.constant 0 : i32
      %dma_wait3A_252 = tpu.memref_slice %arg9[%add3A_10, %dma_wait3A_251] : memref<10240x64xf32, #tpu.memory_space<vmem_shared>> -> memref<128x64xf32, #tpu.memory_space<vmem_shared>>
      %dma_wait3A_253 = arith.constant 0 : i32
      %dma_wait3A_254 = arith.constant 0 : i32
      %dma_wait3A_255 = tpu.memref_slice %arg8[%run_scoped3A_11, %dma_wait3A_253, %dma_wait3A_254] : memref<8x128x64xf32, #tpu.memory_space<vmem>> -> memref<1x128x64xf32, #tpu.memory_space<vmem>>
      %dma_wait3A_256 = tpu.memref_squeeze %dma_wait3A_255 : memref<1x128x64xf32, #tpu.memory_space<vmem>> -> memref<128x64xf32, #tpu.memory_space<vmem>>
      tpu.wait_dma2 semaphore(%run_scoped3A_232 : memref<!tpu.dma_semaphore, #tpu.memory_space<semaphore_mem>>) src(%dma_wait3A_256 : memref<128x64xf32, #tpu.memory_space<vmem>>) dst(%dma_wait3A_252 : memref<128x64xf32, #tpu.memory_space<vmem_shared>>)
      tpu.yield
    }) : () -> ()
    %mul3A_12 = arith.constant 640 : i32
    %mul3A_13 = arith.muli %arg1, %mul3A_12 : i32
    %add3A_14 = arith.constant 256 : i32
    %add3A_15 = arith.addi %mul3A_13, %add3A_14 : i32
    %run_scoped3A_16 = arith.constant 0 : i32
    "tpu.region"() ({
      %run_scoped3A_232 = tpu.sem_alloc : memref<!tpu.dma_semaphore, #tpu.memory_space<semaphore_mem>>
      %dma_start3A_233 = arith.constant 0 : i32
      %dma_start3A_234 = arith.constant 0 : i32
      %dma_start3A_235 = tpu.memref_slice %arg8[%run_scoped3A_16, %dma_start3A_233, %dma_start3A_234] : memref<8x128x64xf32, #tpu.memory_space<vmem>> -> memref<1x128x64xf32, #tpu.memory_space<vmem>>
      %dma_start3A_236 = tpu.memref_squeeze %dma_start3A_235 : memref<1x128x64xf32, #tpu.memory_space<vmem>> -> memref<128x64xf32, #tpu.memory_space<vmem>>
      %dma_start3A_237 = arith.constant 0 : i32
      %dma_start3A_238 = tpu.memref_slice %arg9[%add3A_15, %dma_start3A_237] : memref<10240x64xf32, #tpu.memory_space<vmem_shared>> -> memref<128x64xf32, #tpu.memory_space<vmem_shared>>
      %dma_start3A_239 = arith.constant 0 : i32
      %dma_start3A_240 = tpu.memref_slice %arg9[%add3A_15, %dma_start3A_239] : memref<10240x64xf32, #tpu.memory_space<vmem_shared>> -> memref<128x64xf32, #tpu.memory_space<vmem_shared>>
      %dma_start3A_241 = arith.constant 0 : i32
      %dma_start3A_242 = arith.constant 0 : i32
      %dma_start3A_243 = tpu.memref_slice %arg8[%run_scoped3A_16, %dma_start3A_241, %dma_start3A_242] : memref<8x128x64xf32, #tpu.memory_space<vmem>> -> memref<1x128x64xf32, #tpu.memory_space<vmem>>
      %dma_start3A_244 = tpu.memref_squeeze %dma_start3A_243 : memref<1x128x64xf32, #tpu.memory_space<vmem>> -> memref<128x64xf32, #tpu.memory_space<vmem>>
      tpu.enqueue_dma source(%dma_start3A_244 : memref<128x64xf32, #tpu.memory_space<vmem>>) target(%dma_start3A_240 : memref<128x64xf32, #tpu.memory_space<vmem_shared>>) target_semaphore(%run_scoped3A_232 : memref<!tpu.dma_semaphore, #tpu.memory_space<semaphore_mem>>)
      %dma_wait3A_245 = arith.constant 0 : i32
      %dma_wait3A_246 = arith.constant 0 : i32
      %dma_wait3A_247 = tpu.memref_slice %arg8[%run_scoped3A_16, %dma_wait3A_245, %dma_wait3A_246] : memref<8x128x64xf32, #tpu.memory_space<vmem>> -> memref<1x128x64xf32, #tpu.memory_space<vmem>>
      %dma_wait3A_248 = tpu.memref_squeeze %dma_wait3A_247 : memref<1x128x64xf32, #tpu.memory_space<vmem>> -> memref<128x64xf32, #tpu.memory_space<vmem>>
      %dma_wait3A_249 = arith.constant 0 : i32
      %dma_wait3A_250 = tpu.memref_slice %arg9[%add3A_15, %dma_wait3A_249] : memref<10240x64xf32, #tpu.memory_space<vmem_shared>> -> memref<128x64xf32, #tpu.memory_space<vmem_shared>>
      %dma_wait3A_251 = arith.constant 0 : i32
      %dma_wait3A_252 = tpu.memref_slice %arg9[%add3A_15, %dma_wait3A_251] : memref<10240x64xf32, #tpu.memory_space<vmem_shared>> -> memref<128x64xf32, #tpu.memory_space<vmem_shared>>
      %dma_wait3A_253 = arith.constant 0 : i32
      %dma_wait3A_254 = arith.constant 0 : i32
      %dma_wait3A_255 = tpu.memref_slice %arg8[%run_scoped3A_16, %dma_wait3A_253, %dma_wait3A_254] : memref<8x128x64xf32, #tpu.memory_space<vmem>> -> memref<1x128x64xf32, #tpu.memory_space<vmem>>
      %dma_wait3A_256 = tpu.memref_squeeze %dma_wait3A_255 : memref<1x128x64xf32, #tpu.memory_space<vmem>> -> memref<128x64xf32, #tpu.memory_space<vmem>>
      tpu.wait_dma2 semaphore(%run_scoped3A_232 : memref<!tpu.dma_semaphore, #tpu.memory_space<semaphore_mem>>) src(%dma_wait3A_256 : memref<128x64xf32, #tpu.memory_space<vmem>>) dst(%dma_wait3A_252 : memref<128x64xf32, #tpu.memory_space<vmem_shared>>)
      tpu.yield
    }) : () -> ()
    %mul3A_17 = arith.constant 640 : i32
    %mul3A_18 = arith.muli %arg1, %mul3A_17 : i32
    %add3A_19 = arith.constant 384 : i32
    %add3A_20 = arith.addi %mul3A_18, %add3A_19 : i32
    %run_scoped3A_21 = arith.constant 0 : i32
    "tpu.region"() ({
      %run_scoped3A_232 = tpu.sem_alloc : memref<!tpu.dma_semaphore, #tpu.memory_space<semaphore_mem>>
      %dma_start3A_233 = arith.constant 0 : i32
      %dma_start3A_234 = arith.constant 0 : i32
      %dma_start3A_235 = tpu.memref_slice %arg8[%run_scoped3A_21, %dma_start3A_233, %dma_start3A_234] : memref<8x128x64xf32, #tpu.memory_space<vmem>> -> memref<1x128x64xf32, #tpu.memory_space<vmem>>
      %dma_start3A_236 = tpu.memref_squeeze %dma_start3A_235 : memref<1x128x64xf32, #tpu.memory_space<vmem>> -> memref<128x64xf32, #tpu.memory_space<vmem>>
      %dma_start3A_237 = arith.constant 0 : i32
      %dma_start3A_238 = tpu.memref_slice %arg9[%add3A_20, %dma_start3A_237] : memref<10240x64xf32, #tpu.memory_space<vmem_shared>> -> memref<128x64xf32, #tpu.memory_space<vmem_shared>>
      %dma_start3A_239 = arith.constant 0 : i32
      %dma_start3A_240 = tpu.memref_slice %arg9[%add3A_20, %dma_start3A_239] : memref<10240x64xf32, #tpu.memory_space<vmem_shared>> -> memref<128x64xf32, #tpu.memory_space<vmem_shared>>
      %dma_start3A_241 = arith.constant 0 : i32
      %dma_start3A_242 = arith.constant 0 : i32
      %dma_start3A_243 = tpu.memref_slice %arg8[%run_scoped3A_21, %dma_start3A_241, %dma_start3A_242] : memref<8x128x64xf32, #tpu.memory_space<vmem>> -> memref<1x128x64xf32, #tpu.memory_space<vmem>>
      %dma_start3A_244 = tpu.memref_squeeze %dma_start3A_243 : memref<1x128x64xf32, #tpu.memory_space<vmem>> -> memref<128x64xf32, #tpu.memory_space<vmem>>
      tpu.enqueue_dma source(%dma_start3A_244 : memref<128x64xf32, #tpu.memory_space<vmem>>) target(%dma_start3A_240 : memref<128x64xf32, #tpu.memory_space<vmem_shared>>) target_semaphore(%run_scoped3A_232 : memref<!tpu.dma_semaphore, #tpu.memory_space<semaphore_mem>>)
      %dma_wait3A_245 = arith.constant 0 : i32
      %dma_wait3A_246 = arith.constant 0 : i32
      %dma_wait3A_247 = tpu.memref_slice %arg8[%run_scoped3A_21, %dma_wait3A_245, %dma_wait3A_246] : memref<8x128x64xf32, #tpu.memory_space<vmem>> -> memref<1x128x64xf32, #tpu.memory_space<vmem>>
      %dma_wait3A_248 = tpu.memref_squeeze %dma_wait3A_247 : memref<1x128x64xf32, #tpu.memory_space<vmem>> -> memref<128x64xf32, #tpu.memory_space<vmem>>
      %dma_wait3A_249 = arith.constant 0 : i32
      %dma_wait3A_250 = tpu.memref_slice %arg9[%add3A_20, %dma_wait3A_249] : memref<10240x64xf32, #tpu.memory_space<vmem_shared>> -> memref<128x64xf32, #tpu.memory_space<vmem_shared>>
      %dma_wait3A_251 = arith.constant 0 : i32
      %dma_wait3A_252 = tpu.memref_slice %arg9[%add3A_20, %dma_wait3A_251] : memref<10240x64xf32, #tpu.memory_space<vmem_shared>> -> memref<128x64xf32, #tpu.memory_space<vmem_shared>>
      %dma_wait3A_253 = arith.constant 0 : i32
      %dma_wait3A_254 = arith.constant 0 : i32
      %dma_wait3A_255 = tpu.memref_slice %arg8[%run_scoped3A_21, %dma_wait3A_253, %dma_wait3A_254] : memref<8x128x64xf32, #tpu.memory_space<vmem>> -> memref<1x128x64xf32, #tpu.memory_space<vmem>>
      %dma_wait3A_256 = tpu.memref_squeeze %dma_wait3A_255 : memref<1x128x64xf32, #tpu.memory_space<vmem>> -> memref<128x64xf32, #tpu.memory_space<vmem>>
      tpu.wait_dma2 semaphore(%run_scoped3A_232 : memref<!tpu.dma_semaphore, #tpu.memory_space<semaphore_mem>>) src(%dma_wait3A_256 : memref<128x64xf32, #tpu.memory_space<vmem>>) dst(%dma_wait3A_252 : memref<128x64xf32, #tpu.memory_space<vmem_shared>>)
      tpu.yield
    }) : () -> ()
    %mul3A_22 = arith.constant 640 : i32
    %mul3A_23 = arith.muli %arg1, %mul3A_22 : i32
    %add3A_24 = arith.constant 512 : i32
    %add3A_25 = arith.addi %mul3A_23, %add3A_24 : i32
    %run_scoped3A_26 = arith.constant 0 : i32
    "tpu.region"() ({
      %run_scoped3A_232 = tpu.sem_alloc : memref<!tpu.dma_semaphore, #tpu.memory_space<semaphore_mem>>
      %dma_start3A_233 = arith.constant 0 : i32
      %dma_start3A_234 = arith.constant 0 : i32
      %dma_start3A_235 = tpu.memref_slice %arg8[%run_scoped3A_26, %dma_start3A_233, %dma_start3A_234] : memref<8x128x64xf32, #tpu.memory_space<vmem>> -> memref<1x128x64xf32, #tpu.memory_space<vmem>>
      %dma_start3A_236 = tpu.memref_squeeze %dma_start3A_235 : memref<1x128x64xf32, #tpu.memory_space<vmem>> -> memref<128x64xf32, #tpu.memory_space<vmem>>
      %dma_start3A_237 = arith.constant 0 : i32
      %dma_start3A_238 = tpu.memref_slice %arg9[%add3A_25, %dma_start3A_237] : memref<10240x64xf32, #tpu.memory_space<vmem_shared>> -> memref<128x64xf32, #tpu.memory_space<vmem_shared>>
      %dma_start3A_239 = arith.constant 0 : i32
      %dma_start3A_240 = tpu.memref_slice %arg9[%add3A_25, %dma_start3A_239] : memref<10240x64xf32, #tpu.memory_space<vmem_shared>> -> memref<128x64xf32, #tpu.memory_space<vmem_shared>>
      %dma_start3A_241 = arith.constant 0 : i32
      %dma_start3A_242 = arith.constant 0 : i32
      %dma_start3A_243 = tpu.memref_slice %arg8[%run_scoped3A_26, %dma_start3A_241, %dma_start3A_242] : memref<8x128x64xf32, #tpu.memory_space<vmem>> -> memref<1x128x64xf32, #tpu.memory_space<vmem>>
      %dma_start3A_244 = tpu.memref_squeeze %dma_start3A_243 : memref<1x128x64xf32, #tpu.memory_space<vmem>> -> memref<128x64xf32, #tpu.memory_space<vmem>>
      tpu.enqueue_dma source(%dma_start3A_244 : memref<128x64xf32, #tpu.memory_space<vmem>>) target(%dma_start3A_240 : memref<128x64xf32, #tpu.memory_space<vmem_shared>>) target_semaphore(%run_scoped3A_232 : memref<!tpu.dma_semaphore, #tpu.memory_space<semaphore_mem>>)
      %dma_wait3A_245 = arith.constant 0 : i32
      %dma_wait3A_246 = arith.constant 0 : i32
      %dma_wait3A_247 = tpu.memref_slice %arg8[%run_scoped3A_26, %dma_wait3A_245, %dma_wait3A_246] : memref<8x128x64xf32, #tpu.memory_space<vmem>> -> memref<1x128x64xf32, #tpu.memory_space<vmem>>
      %dma_wait3A_248 = tpu.memref_squeeze %dma_wait3A_247 : memref<1x128x64xf32, #tpu.memory_space<vmem>> -> memref<128x64xf32, #tpu.memory_space<vmem>>
      %dma_wait3A_249 = arith.constant 0 : i32
      %dma_wait3A_250 = tpu.memref_slice %arg9[%add3A_25, %dma_wait3A_249] : memref<10240x64xf32, #tpu.memory_space<vmem_shared>> -> memref<128x64xf32, #tpu.memory_space<vmem_shared>>
      %dma_wait3A_251 = arith.constant 0 : i32
      %dma_wait3A_252 = tpu.memref_slice %arg9[%add3A_25, %dma_wait3A_251] : memref<10240x64xf32, #tpu.memory_space<vmem_shared>> -> memref<128x64xf32, #tpu.memory_space<vmem_shared>>
      %dma_wait3A_253 = arith.constant 0 : i32
      %dma_wait3A_254 = arith.constant 0 : i32
      %dma_wait3A_255 = tpu.memref_slice %arg8[%run_scoped3A_26, %dma_wait3A_253, %dma_wait3A_254] : memref<8x128x64xf32, #tpu.memory_space<vmem>> -> memref<1x128x64xf32, #tpu.memory_space<vmem>>
      %dma_wait3A_256 = tpu.memref_squeeze %dma_wait3A_255 : memref<1x128x64xf32, #tpu.memory_space<vmem>> -> memref<128x64xf32, #tpu.memory_space<vmem>>
      tpu.wait_dma2 semaphore(%run_scoped3A_232 : memref<!tpu.dma_semaphore, #tpu.memory_space<semaphore_mem>>) src(%dma_wait3A_256 : memref<128x64xf32, #tpu.memory_space<vmem>>) dst(%dma_wait3A_252 : memref<128x64xf32, #tpu.memory_space<vmem_shared>>)
      tpu.yield
    }) : () -> ()
    %mul3A_27 = arith.constant 16 : i32
    %mul3A_28 = arith.muli %arg0, %mul3A_27 : i32
    %add3A_29 = arith.addi %mul3A_28, %arg1 : i32
    %mul3A_30 = arith.constant 80 : i32
    %mul3A_31 = arith.muli %add3A_29, %mul3A_30 : i32
    "tpu.region"() ({
      %run_scoped3A_232 = tpu.sem_alloc : memref<!tpu.dma_semaphore, #tpu.memory_space<semaphore_mem>>
      %dma_start3A_233 = arith.constant 0 : i32
      %dma_start3A_234 = tpu.memref_slice %arg2[%mul3A_31, %dma_start3A_233] : memref<2560x128xi32, #tpu.memory_space<hbm>> -> memref<80x128xi32, #tpu.memory_space<hbm>>
      %dma_start3A_235 = arith.constant 0 : i32
      %dma_start3A_236 = tpu.memref_slice %arg2[%mul3A_31, %dma_start3A_235] : memref<2560x128xi32, #tpu.memory_space<hbm>> -> memref<80x128xi32, #tpu.memory_space<hbm>>
      tpu.enqueue_dma source(%dma_start3A_236 : memref<80x128xi32, #tpu.memory_space<hbm>>) target(%arg6 : memref<80x128xi32, #tpu.memory_space<vmem>>) target_semaphore(%run_scoped3A_232 : memref<!tpu.dma_semaphore, #tpu.memory_space<semaphore_mem>>)
      %dma_wait3A_237 = arith.constant 0 : i32
      %dma_wait3A_238 = tpu.memref_slice %arg2[%mul3A_31, %dma_wait3A_237] : memref<2560x128xi32, #tpu.memory_space<hbm>> -> memref<80x128xi32, #tpu.memory_space<hbm>>
      %dma_wait3A_239 = arith.constant 0 : i32
      %dma_wait3A_240 = tpu.memref_slice %arg2[%mul3A_31, %dma_wait3A_239] : memref<2560x128xi32, #tpu.memory_space<hbm>> -> memref<80x128xi32, #tpu.memory_space<hbm>>
      tpu.wait_dma2 semaphore(%run_scoped3A_232 : memref<!tpu.dma_semaphore, #tpu.memory_space<semaphore_mem>>) src(%dma_wait3A_240 : memref<80x128xi32, #tpu.memory_space<hbm>>) dst(%arg6 : memref<80x128xi32, #tpu.memory_space<vmem>>)
      tpu.yield
    }) : () -> ()
    "tpu.region"() ({
      %run_scoped3A_232 = tpu.sem_alloc : memref<!tpu.dma_semaphore, #tpu.memory_space<semaphore_mem>>
      %dma_start3A_233 = arith.constant 0 : i32
      %dma_start3A_234 = tpu.memref_slice %arg3[%mul3A_31, %dma_start3A_233] : memref<2560x128xi32, #tpu.memory_space<hbm>> -> memref<80x128xi32, #tpu.memory_space<hbm>>
      %dma_start3A_235 = arith.constant 0 : i32
      %dma_start3A_236 = tpu.memref_slice %arg3[%mul3A_31, %dma_start3A_235] : memref<2560x128xi32, #tpu.memory_space<hbm>> -> memref<80x128xi32, #tpu.memory_space<hbm>>
      tpu.enqueue_dma source(%dma_start3A_236 : memref<80x128xi32, #tpu.memory_space<hbm>>) target(%arg7 : memref<80x128xi32, #tpu.memory_space<vmem>>) target_semaphore(%run_scoped3A_232 : memref<!tpu.dma_semaphore, #tpu.memory_space<semaphore_mem>>)
      %dma_wait3A_237 = arith.constant 0 : i32
      %dma_wait3A_238 = tpu.memref_slice %arg3[%mul3A_31, %dma_wait3A_237] : memref<2560x128xi32, #tpu.memory_space<hbm>> -> memref<80x128xi32, #tpu.memory_space<hbm>>
      %dma_wait3A_239 = arith.constant 0 : i32
      %dma_wait3A_240 = tpu.memref_slice %arg3[%mul3A_31, %dma_wait3A_239] : memref<2560x128xi32, #tpu.memory_space<hbm>> -> memref<80x128xi32, #tpu.memory_space<hbm>>
      tpu.wait_dma2 semaphore(%run_scoped3A_232 : memref<!tpu.dma_semaphore, #tpu.memory_space<semaphore_mem>>) src(%dma_wait3A_240 : memref<80x128xi32, #tpu.memory_space<hbm>>) dst(%arg7 : memref<80x128xi32, #tpu.memory_space<vmem>>)
      tpu.yield
    }) : () -> ()
    %dma_start3A = arith.constant 0 : i32
    %dma_start3A_32 = arith.constant 0 : i32
    %dma_start3A_33 = arith.constant 0 : i32
    %dma_start3A_34 = arith.constant 0 : i32
    %dma_start3A_35 = tpu.memref_slice %arg8[%dma_start3A_32, %dma_start3A_33, %dma_start3A_34] : memref<8x128x64xf32, #tpu.memory_space<vmem>> -> memref<1x128x64xf32, #tpu.memory_space<vmem>>
    %dma_start3A_36 = tpu.memref_squeeze %dma_start3A_35 : memref<1x128x64xf32, #tpu.memory_space<vmem>> -> memref<128x64xf32, #tpu.memory_space<vmem>>
    %dma_start3A_37 = arith.constant 0 : i32
    %dma_start3A_38 = tpu.memref_slice %arg6[%dma_start3A, %dma_start3A_37] : memref<80x128xi32, #tpu.memory_space<vmem>> -> memref<1x128xi32, #tpu.memory_space<vmem>>
    %dma_start3A_39 = tpu.memref_squeeze %dma_start3A_38 : memref<1x128xi32, #tpu.memory_space<vmem>> -> memref<128xi32, #tpu.memory_space<vmem>>
    %dma_start3A_40 = arith.constant 0 : i32
    %dma_start3A_41 = arith.constant 0 : i32
    %dma_start3A_42 = tpu.memref_slice %arg4[%dma_start3A_40, %dma_start3A_41] : memref<10000x64xf32, #tpu.memory_space<hbm>> -> memref<10000x64xf32, #tpu.memory_space<hbm>>
    tpu.enqueue_indirect_dma source(%dma_start3A_42 : memref<10000x64xf32, #tpu.memory_space<hbm>>) target(%dma_start3A_36 : memref<128x64xf32, #tpu.memory_space<vmem>>) offsets(%dma_start3A_39 : memref<128xi32, #tpu.memory_space<vmem>>) semaphore(%arg10 : memref<!tpu.dma_semaphore, #tpu.memory_space<semaphore_mem>>)
    %dma_start3A_43 = arith.constant 1 : i32
    %dma_start3A_44 = arith.constant 1 : i32
    %dma_start3A_45 = arith.constant 0 : i32
    %dma_start3A_46 = arith.constant 0 : i32
    %dma_start3A_47 = tpu.memref_slice %arg8[%dma_start3A_44, %dma_start3A_45, %dma_start3A_46] : memref<8x128x64xf32, #tpu.memory_space<vmem>> -> memref<1x128x64xf32, #tpu.memory_space<vmem>>
    %dma_start3A_48 = tpu.memref_squeeze %dma_start3A_47 : memref<1x128x64xf32, #tpu.memory_space<vmem>> -> memref<128x64xf32, #tpu.memory_space<vmem>>
    %dma_start3A_49 = arith.constant 0 : i32
    %dma_start3A_50 = tpu.memref_slice %arg6[%dma_start3A_43, %dma_start3A_49] : memref<80x128xi32, #tpu.memory_space<vmem>> -> memref<1x128xi32, #tpu.memory_space<vmem>>
    %dma_start3A_51 = tpu.memref_squeeze %dma_start3A_50 : memref<1x128xi32, #tpu.memory_space<vmem>> -> memref<128xi32, #tpu.memory_space<vmem>>
    %dma_start3A_52 = arith.constant 0 : i32
    %dma_start3A_53 = arith.constant 0 : i32
    %dma_start3A_54 = tpu.memref_slice %arg4[%dma_start3A_52, %dma_start3A_53] : memref<10000x64xf32, #tpu.memory_space<hbm>> -> memref<10000x64xf32, #tpu.memory_space<hbm>>
    tpu.enqueue_indirect_dma source(%dma_start3A_54 : memref<10000x64xf32, #tpu.memory_space<hbm>>) target(%dma_start3A_48 : memref<128x64xf32, #tpu.memory_space<vmem>>) offsets(%dma_start3A_51 : memref<128xi32, #tpu.memory_space<vmem>>) semaphore(%arg10 : memref<!tpu.dma_semaphore, #tpu.memory_space<semaphore_mem>>)
    %dma_start3A_55 = arith.constant 2 : i32
    %dma_start3A_56 = arith.constant 2 : i32
    %dma_start3A_57 = arith.constant 0 : i32
    %dma_start3A_58 = arith.constant 0 : i32
    %dma_start3A_59 = tpu.memref_slice %arg8[%dma_start3A_56, %dma_start3A_57, %dma_start3A_58] : memref<8x128x64xf32, #tpu.memory_space<vmem>> -> memref<1x128x64xf32, #tpu.memory_space<vmem>>
    %dma_start3A_60 = tpu.memref_squeeze %dma_start3A_59 : memref<1x128x64xf32, #tpu.memory_space<vmem>> -> memref<128x64xf32, #tpu.memory_space<vmem>>
    %dma_start3A_61 = arith.constant 0 : i32
    %dma_start3A_62 = tpu.memref_slice %arg6[%dma_start3A_55, %dma_start3A_61] : memref<80x128xi32, #tpu.memory_space<vmem>> -> memref<1x128xi32, #tpu.memory_space<vmem>>
    %dma_start3A_63 = tpu.memref_squeeze %dma_start3A_62 : memref<1x128xi32, #tpu.memory_space<vmem>> -> memref<128xi32, #tpu.memory_space<vmem>>
    %dma_start3A_64 = arith.constant 0 : i32
    %dma_start3A_65 = arith.constant 0 : i32
    %dma_start3A_66 = tpu.memref_slice %arg4[%dma_start3A_64, %dma_start3A_65] : memref<10000x64xf32, #tpu.memory_space<hbm>> -> memref<10000x64xf32, #tpu.memory_space<hbm>>
    tpu.enqueue_indirect_dma source(%dma_start3A_66 : memref<10000x64xf32, #tpu.memory_space<hbm>>) target(%dma_start3A_60 : memref<128x64xf32, #tpu.memory_space<vmem>>) offsets(%dma_start3A_63 : memref<128xi32, #tpu.memory_space<vmem>>) semaphore(%arg10 : memref<!tpu.dma_semaphore, #tpu.memory_space<semaphore_mem>>)
    %dma_start3A_67 = arith.constant 3 : i32
    %dma_start3A_68 = arith.constant 3 : i32
    %dma_start3A_69 = arith.constant 0 : i32
    %dma_start3A_70 = arith.constant 0 : i32
    %dma_start3A_71 = tpu.memref_slice %arg8[%dma_start3A_68, %dma_start3A_69, %dma_start3A_70] : memref<8x128x64xf32, #tpu.memory_space<vmem>> -> memref<1x128x64xf32, #tpu.memory_space<vmem>>
    %dma_start3A_72 = tpu.memref_squeeze %dma_start3A_71 : memref<1x128x64xf32, #tpu.memory_space<vmem>> -> memref<128x64xf32, #tpu.memory_space<vmem>>
    %dma_start3A_73 = arith.constant 0 : i32
    %dma_start3A_74 = tpu.memref_slice %arg6[%dma_start3A_67, %dma_start3A_73] : memref<80x128xi32, #tpu.memory_space<vmem>> -> memref<1x128xi32, #tpu.memory_space<vmem>>
    %dma_start3A_75 = tpu.memref_squeeze %dma_start3A_74 : memref<1x128xi32, #tpu.memory_space<vmem>> -> memref<128xi32, #tpu.memory_space<vmem>>
    %dma_start3A_76 = arith.constant 0 : i32
    %dma_start3A_77 = arith.constant 0 : i32
    %dma_start3A_78 = tpu.memref_slice %arg4[%dma_start3A_76, %dma_start3A_77] : memref<10000x64xf32, #tpu.memory_space<hbm>> -> memref<10000x64xf32, #tpu.memory_space<hbm>>
    tpu.enqueue_indirect_dma source(%dma_start3A_78 : memref<10000x64xf32, #tpu.memory_space<hbm>>) target(%dma_start3A_72 : memref<128x64xf32, #tpu.memory_space<vmem>>) offsets(%dma_start3A_75 : memref<128xi32, #tpu.memory_space<vmem>>) semaphore(%arg10 : memref<!tpu.dma_semaphore, #tpu.memory_space<semaphore_mem>>)
    %dma_start3A_79 = arith.constant 4 : i32
    %dma_start3A_80 = arith.constant 4 : i32
    %dma_start3A_81 = arith.constant 0 : i32
    %dma_start3A_82 = arith.constant 0 : i32
    %dma_start3A_83 = tpu.memref_slice %arg8[%dma_start3A_80, %dma_start3A_81, %dma_start3A_82] : memref<8x128x64xf32, #tpu.memory_space<vmem>> -> memref<1x128x64xf32, #tpu.memory_space<vmem>>
    %dma_start3A_84 = tpu.memref_squeeze %dma_start3A_83 : memref<1x128x64xf32, #tpu.memory_space<vmem>> -> memref<128x64xf32, #tpu.memory_space<vmem>>
    %dma_start3A_85 = arith.constant 0 : i32
    %dma_start3A_86 = tpu.memref_slice %arg6[%dma_start3A_79, %dma_start3A_85] : memref<80x128xi32, #tpu.memory_space<vmem>> -> memref<1x128xi32, #tpu.memory_space<vmem>>
    %dma_start3A_87 = tpu.memref_squeeze %dma_start3A_86 : memref<1x128xi32, #tpu.memory_space<vmem>> -> memref<128xi32, #tpu.memory_space<vmem>>
    %dma_start3A_88 = arith.constant 0 : i32
    %dma_start3A_89 = arith.constant 0 : i32
    %dma_start3A_90 = tpu.memref_slice %arg4[%dma_start3A_88, %dma_start3A_89] : memref<10000x64xf32, #tpu.memory_space<hbm>> -> memref<10000x64xf32, #tpu.memory_space<hbm>>
    tpu.enqueue_indirect_dma source(%dma_start3A_90 : memref<10000x64xf32, #tpu.memory_space<hbm>>) target(%dma_start3A_84 : memref<128x64xf32, #tpu.memory_space<vmem>>) offsets(%dma_start3A_87 : memref<128xi32, #tpu.memory_space<vmem>>) semaphore(%arg10 : memref<!tpu.dma_semaphore, #tpu.memory_space<semaphore_mem>>)
    %dma_start3A_91 = arith.constant 5 : i32
    %dma_start3A_92 = arith.constant 5 : i32
    %dma_start3A_93 = arith.constant 0 : i32
    %dma_start3A_94 = arith.constant 0 : i32
    %dma_start3A_95 = tpu.memref_slice %arg8[%dma_start3A_92, %dma_start3A_93, %dma_start3A_94] : memref<8x128x64xf32, #tpu.memory_space<vmem>> -> memref<1x128x64xf32, #tpu.memory_space<vmem>>
    %dma_start3A_96 = tpu.memref_squeeze %dma_start3A_95 : memref<1x128x64xf32, #tpu.memory_space<vmem>> -> memref<128x64xf32, #tpu.memory_space<vmem>>
    %dma_start3A_97 = arith.constant 0 : i32
    %dma_start3A_98 = tpu.memref_slice %arg6[%dma_start3A_91, %dma_start3A_97] : memref<80x128xi32, #tpu.memory_space<vmem>> -> memref<1x128xi32, #tpu.memory_space<vmem>>
    %dma_start3A_99 = tpu.memref_squeeze %dma_start3A_98 : memref<1x128xi32, #tpu.memory_space<vmem>> -> memref<128xi32, #tpu.memory_space<vmem>>
    %dma_start3A_100 = arith.constant 0 : i32
    %dma_start3A_101 = arith.constant 0 : i32
    %dma_start3A_102 = tpu.memref_slice %arg4[%dma_start3A_100, %dma_start3A_101] : memref<10000x64xf32, #tpu.memory_space<hbm>> -> memref<10000x64xf32, #tpu.memory_space<hbm>>
    tpu.enqueue_indirect_dma source(%dma_start3A_102 : memref<10000x64xf32, #tpu.memory_space<hbm>>) target(%dma_start3A_96 : memref<128x64xf32, #tpu.memory_space<vmem>>) offsets(%dma_start3A_99 : memref<128xi32, #tpu.memory_space<vmem>>) semaphore(%arg10 : memref<!tpu.dma_semaphore, #tpu.memory_space<semaphore_mem>>)
    %dma_start3A_103 = arith.constant 6 : i32
    %dma_start3A_104 = arith.constant 6 : i32
    %dma_start3A_105 = arith.constant 0 : i32
    %dma_start3A_106 = arith.constant 0 : i32
    %dma_start3A_107 = tpu.memref_slice %arg8[%dma_start3A_104, %dma_start3A_105, %dma_start3A_106] : memref<8x128x64xf32, #tpu.memory_space<vmem>> -> memref<1x128x64xf32, #tpu.memory_space<vmem>>
    %dma_start3A_108 = tpu.memref_squeeze %dma_start3A_107 : memref<1x128x64xf32, #tpu.memory_space<vmem>> -> memref<128x64xf32, #tpu.memory_space<vmem>>
    %dma_start3A_109 = arith.constant 0 : i32
    %dma_start3A_110 = tpu.memref_slice %arg6[%dma_start3A_103, %dma_start3A_109] : memref<80x128xi32, #tpu.memory_space<vmem>> -> memref<1x128xi32, #tpu.memory_space<vmem>>
    %dma_start3A_111 = tpu.memref_squeeze %dma_start3A_110 : memref<1x128xi32, #tpu.memory_space<vmem>> -> memref<128xi32, #tpu.memory_space<vmem>>
    %dma_start3A_112 = arith.constant 0 : i32
    %dma_start3A_113 = arith.constant 0 : i32
    %dma_start3A_114 = tpu.memref_slice %arg4[%dma_start3A_112, %dma_start3A_113] : memref<10000x64xf32, #tpu.memory_space<hbm>> -> memref<10000x64xf32, #tpu.memory_space<hbm>>
    tpu.enqueue_indirect_dma source(%dma_start3A_114 : memref<10000x64xf32, #tpu.memory_space<hbm>>) target(%dma_start3A_108 : memref<128x64xf32, #tpu.memory_space<vmem>>) offsets(%dma_start3A_111 : memref<128xi32, #tpu.memory_space<vmem>>) semaphore(%arg10 : memref<!tpu.dma_semaphore, #tpu.memory_space<semaphore_mem>>)
    %dma_start3A_115 = arith.constant 7 : i32
    %dma_start3A_116 = arith.constant 7 : i32
    %dma_start3A_117 = arith.constant 0 : i32
    %dma_start3A_118 = arith.constant 0 : i32
    %dma_start3A_119 = tpu.memref_slice %arg8[%dma_start3A_116, %dma_start3A_117, %dma_start3A_118] : memref<8x128x64xf32, #tpu.memory_space<vmem>> -> memref<1x128x64xf32, #tpu.memory_space<vmem>>
    %dma_start3A_120 = tpu.memref_squeeze %dma_start3A_119 : memref<1x128x64xf32, #tpu.memory_space<vmem>> -> memref<128x64xf32, #tpu.memory_space<vmem>>
    %dma_start3A_121 = arith.constant 0 : i32
    %dma_start3A_122 = tpu.memref_slice %arg6[%dma_start3A_115, %dma_start3A_121] : memref<80x128xi32, #tpu.memory_space<vmem>> -> memref<1x128xi32, #tpu.memory_space<vmem>>
    %dma_start3A_123 = tpu.memref_squeeze %dma_start3A_122 : memref<1x128xi32, #tpu.memory_space<vmem>> -> memref<128xi32, #tpu.memory_space<vmem>>
    %dma_start3A_124 = arith.constant 0 : i32
    %dma_start3A_125 = arith.constant 0 : i32
    %dma_start3A_126 = tpu.memref_slice %arg4[%dma_start3A_124, %dma_start3A_125] : memref<10000x64xf32, #tpu.memory_space<hbm>> -> memref<10000x64xf32, #tpu.memory_space<hbm>>
    tpu.enqueue_indirect_dma source(%dma_start3A_126 : memref<10000x64xf32, #tpu.memory_space<hbm>>) target(%dma_start3A_120 : memref<128x64xf32, #tpu.memory_space<vmem>>) offsets(%dma_start3A_123 : memref<128xi32, #tpu.memory_space<vmem>>) semaphore(%arg10 : memref<!tpu.dma_semaphore, #tpu.memory_space<semaphore_mem>>)
    %barrier3A = arith.constant 0 : index
    tpu.barrier barrier_id(%barrier3A)
    %scan3A_127 = arith.constant 0 : i32
    %scan3A_128 = arith.constant 10 : i32
    %scan3A_129 = arith.addi %scan3A_127, %scan3A_128 : i32
    %scan3A_130 = arith.constant 1 : i32
    scf.for %scan3A_232 = %scan3A_127 to %scan3A_129 step %scan3A_130  : i32 {
      %mul3A_233 = arith.constant 1 : i32
      %mul3A_234 = arith.muli %scan3A_232, %mul3A_233 : i32
      %add3A_235 = arith.constant 0 : i32
      %add3A_236 = arith.addi %add3A_235, %mul3A_234 : i32
      %mul3A_237 = arith.constant 8 : i32
      %mul3A_238 = arith.muli %add3A_236, %mul3A_237 : i32
      %add3A_239 = arith.constant 0 : i32
      %add3A_240 = arith.addi %mul3A_238, %add3A_239 : i32
      %dma_wait3A_241 = arith.constant 0 : i32
      %dma_wait3A_242 = arith.constant 0 : i32
      %dma_wait3A_243 = arith.constant 0 : i32
      %dma_wait3A_244 = tpu.memref_slice %arg8[%dma_wait3A_241, %dma_wait3A_242, %dma_wait3A_243] : memref<8x128x64xf32, #tpu.memory_space<vmem>> -> memref<1x128x64xf32, #tpu.memory_space<vmem>>
      %dma_wait3A_245 = tpu.memref_squeeze %dma_wait3A_244 : memref<1x128x64xf32, #tpu.memory_space<vmem>> -> memref<128x64xf32, #tpu.memory_space<vmem>>
      %dma_wait3A_246 = arith.constant 0 : i32
      %dma_wait3A_247 = tpu.memref_slice %arg6[%add3A_240, %dma_wait3A_246] : memref<80x128xi32, #tpu.memory_space<vmem>> -> memref<1x128xi32, #tpu.memory_space<vmem>>
      %dma_wait3A_248 = tpu.memref_squeeze %dma_wait3A_247 : memref<1x128xi32, #tpu.memory_space<vmem>> -> memref<128xi32, #tpu.memory_space<vmem>>
      %dma_wait3A_249 = arith.constant 0 : i32
      %dma_wait3A_250 = arith.constant 0 : i32
      %dma_wait3A_251 = tpu.memref_slice %arg4[%dma_wait3A_249, %dma_wait3A_250] : memref<10000x64xf32, #tpu.memory_space<hbm>> -> memref<10000x64xf32, #tpu.memory_space<hbm>>
      tpu.wait_indirect_dma semaphore(%arg10 : memref<!tpu.dma_semaphore, #tpu.memory_space<semaphore_mem>>) src(%dma_wait3A_251 : memref<10000x64xf32, #tpu.memory_space<hbm>>) dst(%dma_wait3A_245 : memref<128x64xf32, #tpu.memory_space<vmem>>)
      %dma_start3A_252 = arith.constant 0 : i32
      %dma_start3A_253 = arith.constant 0 : i32
      %dma_start3A_254 = arith.constant 0 : i32
      %dma_start3A_255 = tpu.memref_slice %arg8[%dma_start3A_252, %dma_start3A_253, %dma_start3A_254] : memref<8x128x64xf32, #tpu.memory_space<vmem>> -> memref<1x128x64xf32, #tpu.memory_space<vmem>>
      %dma_start3A_256 = tpu.memref_squeeze %dma_start3A_255 : memref<1x128x64xf32, #tpu.memory_space<vmem>> -> memref<128x64xf32, #tpu.memory_space<vmem>>
      %dma_start3A_257 = arith.constant 0 : i32
      %dma_start3A_258 = tpu.memref_slice %arg7[%add3A_240, %dma_start3A_257] : memref<80x128xi32, #tpu.memory_space<vmem>> -> memref<1x128xi32, #tpu.memory_space<vmem>>
      %dma_start3A_259 = tpu.memref_squeeze %dma_start3A_258 : memref<1x128xi32, #tpu.memory_space<vmem>> -> memref<128xi32, #tpu.memory_space<vmem>>
      %dma_start3A_260 = arith.constant 0 : i32
      %dma_start3A_261 = arith.constant 0 : i32
      %dma_start3A_262 = tpu.memref_slice %arg9[%dma_start3A_260, %dma_start3A_261] : memref<10240x64xf32, #tpu.memory_space<vmem_shared>> -> memref<10240x64xf32, #tpu.memory_space<vmem_shared>>
      tpu.enqueue_indirect_dma source(%dma_start3A_256 : memref<128x64xf32, #tpu.memory_space<vmem>>) target(%dma_start3A_262 : memref<10240x64xf32, #tpu.memory_space<vmem_shared>>) offsets(%dma_start3A_259 : memref<128xi32, #tpu.memory_space<vmem>>) semaphore(%arg11 : memref<!tpu.dma_semaphore, #tpu.memory_space<semaphore_mem>>) {add = true}
      %add3A_263 = arith.constant 1 : i32
      %add3A_264 = arith.addi %mul3A_238, %add3A_263 : i32
      %dma_wait3A_265 = arith.constant 1 : i32
      %dma_wait3A_266 = arith.constant 0 : i32
      %dma_wait3A_267 = arith.constant 0 : i32
      %dma_wait3A_268 = tpu.memref_slice %arg8[%dma_wait3A_265, %dma_wait3A_266, %dma_wait3A_267] : memref<8x128x64xf32, #tpu.memory_space<vmem>> -> memref<1x128x64xf32, #tpu.memory_space<vmem>>
      %dma_wait3A_269 = tpu.memref_squeeze %dma_wait3A_268 : memref<1x128x64xf32, #tpu.memory_space<vmem>> -> memref<128x64xf32, #tpu.memory_space<vmem>>
      %dma_wait3A_270 = arith.constant 0 : i32
      %dma_wait3A_271 = tpu.memref_slice %arg6[%add3A_264, %dma_wait3A_270] : memref<80x128xi32, #tpu.memory_space<vmem>> -> memref<1x128xi32, #tpu.memory_space<vmem>>
      %dma_wait3A_272 = tpu.memref_squeeze %dma_wait3A_271 : memref<1x128xi32, #tpu.memory_space<vmem>> -> memref<128xi32, #tpu.memory_space<vmem>>
      %dma_wait3A_273 = arith.constant 0 : i32
      %dma_wait3A_274 = arith.constant 0 : i32
      %dma_wait3A_275 = tpu.memref_slice %arg4[%dma_wait3A_273, %dma_wait3A_274] : memref<10000x64xf32, #tpu.memory_space<hbm>> -> memref<10000x64xf32, #tpu.memory_space<hbm>>
      tpu.wait_indirect_dma semaphore(%arg10 : memref<!tpu.dma_semaphore, #tpu.memory_space<semaphore_mem>>) src(%dma_wait3A_275 : memref<10000x64xf32, #tpu.memory_space<hbm>>) dst(%dma_wait3A_269 : memref<128x64xf32, #tpu.memory_space<vmem>>)
      %dma_start3A_276 = arith.constant 1 : i32
      %dma_start3A_277 = arith.constant 0 : i32
      %dma_start3A_278 = arith.constant 0 : i32
      %dma_start3A_279 = tpu.memref_slice %arg8[%dma_start3A_276, %dma_start3A_277, %dma_start3A_278] : memref<8x128x64xf32, #tpu.memory_space<vmem>> -> memref<1x128x64xf32, #tpu.memory_space<vmem>>
      %dma_start3A_280 = tpu.memref_squeeze %dma_start3A_279 : memref<1x128x64xf32, #tpu.memory_space<vmem>> -> memref<128x64xf32, #tpu.memory_space<vmem>>
      %dma_start3A_281 = arith.constant 0 : i32
      %dma_start3A_282 = tpu.memref_slice %arg7[%add3A_264, %dma_start3A_281] : memref<80x128xi32, #tpu.memory_space<vmem>> -> memref<1x128xi32, #tpu.memory_space<vmem>>
      %dma_start3A_283 = tpu.memref_squeeze %dma_start3A_282 : memref<1x128xi32, #tpu.memory_space<vmem>> -> memref<128xi32, #tpu.memory_space<vmem>>
      %dma_start3A_284 = arith.constant 0 : i32
      %dma_start3A_285 = arith.constant 0 : i32
      %dma_start3A_286 = tpu.memref_slice %arg9[%dma_start3A_284, %dma_start3A_285] : memref<10240x64xf32, #tpu.memory_space<vmem_shared>> -> memref<10240x64xf32, #tpu.memory_space<vmem_shared>>
      tpu.enqueue_indirect_dma source(%dma_start3A_280 : memref<128x64xf32, #tpu.memory_space<vmem>>) target(%dma_start3A_286 : memref<10240x64xf32, #tpu.memory_space<vmem_shared>>) offsets(%dma_start3A_283 : memref<128xi32, #tpu.memory_space<vmem>>) semaphore(%arg11 : memref<!tpu.dma_semaphore, #tpu.memory_space<semaphore_mem>>) {add = true}
      %add3A_287 = arith.constant 2 : i32
      %add3A_288 = arith.addi %mul3A_238, %add3A_287 : i32
      %dma_wait3A_289 = arith.constant 2 : i32
      %dma_wait3A_290 = arith.constant 0 : i32
      %dma_wait3A_291 = arith.constant 0 : i32
      %dma_wait3A_292 = tpu.memref_slice %arg8[%dma_wait3A_289, %dma_wait3A_290, %dma_wait3A_291] : memref<8x128x64xf32, #tpu.memory_space<vmem>> -> memref<1x128x64xf32, #tpu.memory_space<vmem>>
      %dma_wait3A_293 = tpu.memref_squeeze %dma_wait3A_292 : memref<1x128x64xf32, #tpu.memory_space<vmem>> -> memref<128x64xf32, #tpu.memory_space<vmem>>
      %dma_wait3A_294 = arith.constant 0 : i32
      %dma_wait3A_295 = tpu.memref_slice %arg6[%add3A_288, %dma_wait3A_294] : memref<80x128xi32, #tpu.memory_space<vmem>> -> memref<1x128xi32, #tpu.memory_space<vmem>>
      %dma_wait3A_296 = tpu.memref_squeeze %dma_wait3A_295 : memref<1x128xi32, #tpu.memory_space<vmem>> -> memref<128xi32, #tpu.memory_space<vmem>>
      %dma_wait3A_297 = arith.constant 0 : i32
      %dma_wait3A_298 = arith.constant 0 : i32
      %dma_wait3A_299 = tpu.memref_slice %arg4[%dma_wait3A_297, %dma_wait3A_298] : memref<10000x64xf32, #tpu.memory_space<hbm>> -> memref<10000x64xf32, #tpu.memory_space<hbm>>
      tpu.wait_indirect_dma semaphore(%arg10 : memref<!tpu.dma_semaphore, #tpu.memory_space<semaphore_mem>>) src(%dma_wait3A_299 : memref<10000x64xf32, #tpu.memory_space<hbm>>) dst(%dma_wait3A_293 : memref<128x64xf32, #tpu.memory_space<vmem>>)
      %dma_start3A_300 = arith.constant 2 : i32
      %dma_start3A_301 = arith.constant 0 : i32
      %dma_start3A_302 = arith.constant 0 : i32
      %dma_start3A_303 = tpu.memref_slice %arg8[%dma_start3A_300, %dma_start3A_301, %dma_start3A_302] : memref<8x128x64xf32, #tpu.memory_space<vmem>> -> memref<1x128x64xf32, #tpu.memory_space<vmem>>
      %dma_start3A_304 = tpu.memref_squeeze %dma_start3A_303 : memref<1x128x64xf32, #tpu.memory_space<vmem>> -> memref<128x64xf32, #tpu.memory_space<vmem>>
      %dma_start3A_305 = arith.constant 0 : i32
      %dma_start3A_306 = tpu.memref_slice %arg7[%add3A_288, %dma_start3A_305] : memref<80x128xi32, #tpu.memory_space<vmem>> -> memref<1x128xi32, #tpu.memory_space<vmem>>
      %dma_start3A_307 = tpu.memref_squeeze %dma_start3A_306 : memref<1x128xi32, #tpu.memory_space<vmem>> -> memref<128xi32, #tpu.memory_space<vmem>>
      %dma_start3A_308 = arith.constant 0 : i32
      %dma_start3A_309 = arith.constant 0 : i32
      %dma_start3A_310 = tpu.memref_slice %arg9[%dma_start3A_308, %dma_start3A_309] : memref<10240x64xf32, #tpu.memory_space<vmem_shared>> -> memref<10240x64xf32, #tpu.memory_space<vmem_shared>>
      tpu.enqueue_indirect_dma source(%dma_start3A_304 : memref<128x64xf32, #tpu.memory_space<vmem>>) target(%dma_start3A_310 : memref<10240x64xf32, #tpu.memory_space<vmem_shared>>) offsets(%dma_start3A_307 : memref<128xi32, #tpu.memory_space<vmem>>) semaphore(%arg11 : memref<!tpu.dma_semaphore, #tpu.memory_space<semaphore_mem>>) {add = true}
      %add3A_311 = arith.constant 3 : i32
      %add3A_312 = arith.addi %mul3A_238, %add3A_311 : i32
      %dma_wait3A_313 = arith.constant 3 : i32
      %dma_wait3A_314 = arith.constant 0 : i32
      %dma_wait3A_315 = arith.constant 0 : i32
      %dma_wait3A_316 = tpu.memref_slice %arg8[%dma_wait3A_313, %dma_wait3A_314, %dma_wait3A_315] : memref<8x128x64xf32, #tpu.memory_space<vmem>> -> memref<1x128x64xf32, #tpu.memory_space<vmem>>
      %dma_wait3A_317 = tpu.memref_squeeze %dma_wait3A_316 : memref<1x128x64xf32, #tpu.memory_space<vmem>> -> memref<128x64xf32, #tpu.memory_space<vmem>>
      %dma_wait3A_318 = arith.constant 0 : i32
      %dma_wait3A_319 = tpu.memref_slice %arg6[%add3A_312, %dma_wait3A_318] : memref<80x128xi32, #tpu.memory_space<vmem>> -> memref<1x128xi32, #tpu.memory_space<vmem>>
      %dma_wait3A_320 = tpu.memref_squeeze %dma_wait3A_319 : memref<1x128xi32, #tpu.memory_space<vmem>> -> memref<128xi32, #tpu.memory_space<vmem>>
      %dma_wait3A_321 = arith.constant 0 : i32
      %dma_wait3A_322 = arith.constant 0 : i32
      %dma_wait3A_323 = tpu.memref_slice %arg4[%dma_wait3A_321, %dma_wait3A_322] : memref<10000x64xf32, #tpu.memory_space<hbm>> -> memref<10000x64xf32, #tpu.memory_space<hbm>>
      tpu.wait_indirect_dma semaphore(%arg10 : memref<!tpu.dma_semaphore, #tpu.memory_space<semaphore_mem>>) src(%dma_wait3A_323 : memref<10000x64xf32, #tpu.memory_space<hbm>>) dst(%dma_wait3A_317 : memref<128x64xf32, #tpu.memory_space<vmem>>)
      %dma_start3A_324 = arith.constant 3 : i32
      %dma_start3A_325 = arith.constant 0 : i32
      %dma_start3A_326 = arith.constant 0 : i32
      %dma_start3A_327 = tpu.memref_slice %arg8[%dma_start3A_324, %dma_start3A_325, %dma_start3A_326] : memref<8x128x64xf32, #tpu.memory_space<vmem>> -> memref<1x128x64xf32, #tpu.memory_space<vmem>>
      %dma_start3A_328 = tpu.memref_squeeze %dma_start3A_327 : memref<1x128x64xf32, #tpu.memory_space<vmem>> -> memref<128x64xf32, #tpu.memory_space<vmem>>
      %dma_start3A_329 = arith.constant 0 : i32
      %dma_start3A_330 = tpu.memref_slice %arg7[%add3A_312, %dma_start3A_329] : memref<80x128xi32, #tpu.memory_space<vmem>> -> memref<1x128xi32, #tpu.memory_space<vmem>>
      %dma_start3A_331 = tpu.memref_squeeze %dma_start3A_330 : memref<1x128xi32, #tpu.memory_space<vmem>> -> memref<128xi32, #tpu.memory_space<vmem>>
      %dma_start3A_332 = arith.constant 0 : i32
      %dma_start3A_333 = arith.constant 0 : i32
      %dma_start3A_334 = tpu.memref_slice %arg9[%dma_start3A_332, %dma_start3A_333] : memref<10240x64xf32, #tpu.memory_space<vmem_shared>> -> memref<10240x64xf32, #tpu.memory_space<vmem_shared>>
      tpu.enqueue_indirect_dma source(%dma_start3A_328 : memref<128x64xf32, #tpu.memory_space<vmem>>) target(%dma_start3A_334 : memref<10240x64xf32, #tpu.memory_space<vmem_shared>>) offsets(%dma_start3A_331 : memref<128xi32, #tpu.memory_space<vmem>>) semaphore(%arg11 : memref<!tpu.dma_semaphore, #tpu.memory_space<semaphore_mem>>) {add = true}
      %add3A_335 = arith.constant 4 : i32
      %add3A_336 = arith.addi %mul3A_238, %add3A_335 : i32
      %dma_wait3A_337 = arith.constant 4 : i32
      %dma_wait3A_338 = arith.constant 0 : i32
      %dma_wait3A_339 = arith.constant 0 : i32
      %dma_wait3A_340 = tpu.memref_slice %arg8[%dma_wait3A_337, %dma_wait3A_338, %dma_wait3A_339] : memref<8x128x64xf32, #tpu.memory_space<vmem>> -> memref<1x128x64xf32, #tpu.memory_space<vmem>>
      %dma_wait3A_341 = tpu.memref_squeeze %dma_wait3A_340 : memref<1x128x64xf32, #tpu.memory_space<vmem>> -> memref<128x64xf32, #tpu.memory_space<vmem>>
      %dma_wait3A_342 = arith.constant 0 : i32
      %dma_wait3A_343 = tpu.memref_slice %arg6[%add3A_336, %dma_wait3A_342] : memref<80x128xi32, #tpu.memory_space<vmem>> -> memref<1x128xi32, #tpu.memory_space<vmem>>
      %dma_wait3A_344 = tpu.memref_squeeze %dma_wait3A_343 : memref<1x128xi32, #tpu.memory_space<vmem>> -> memref<128xi32, #tpu.memory_space<vmem>>
      %dma_wait3A_345 = arith.constant 0 : i32
      %dma_wait3A_346 = arith.constant 0 : i32
      %dma_wait3A_347 = tpu.memref_slice %arg4[%dma_wait3A_345, %dma_wait3A_346] : memref<10000x64xf32, #tpu.memory_space<hbm>> -> memref<10000x64xf32, #tpu.memory_space<hbm>>
      tpu.wait_indirect_dma semaphore(%arg10 : memref<!tpu.dma_semaphore, #tpu.memory_space<semaphore_mem>>) src(%dma_wait3A_347 : memref<10000x64xf32, #tpu.memory_space<hbm>>) dst(%dma_wait3A_341 : memref<128x64xf32, #tpu.memory_space<vmem>>)
      %dma_start3A_348 = arith.constant 4 : i32
      %dma_start3A_349 = arith.constant 0 : i32
      %dma_start3A_350 = arith.constant 0 : i32
      %dma_start3A_351 = tpu.memref_slice %arg8[%dma_start3A_348, %dma_start3A_349, %dma_start3A_350] : memref<8x128x64xf32, #tpu.memory_space<vmem>> -> memref<1x128x64xf32, #tpu.memory_space<vmem>>
      %dma_start3A_352 = tpu.memref_squeeze %dma_start3A_351 : memref<1x128x64xf32, #tpu.memory_space<vmem>> -> memref<128x64xf32, #tpu.memory_space<vmem>>
      %dma_start3A_353 = arith.constant 0 : i32
      %dma_start3A_354 = tpu.memref_slice %arg7[%add3A_336, %dma_start3A_353] : memref<80x128xi32, #tpu.memory_space<vmem>> -> memref<1x128xi32, #tpu.memory_space<vmem>>
      %dma_start3A_355 = tpu.memref_squeeze %dma_start3A_354 : memref<1x128xi32, #tpu.memory_space<vmem>> -> memref<128xi32, #tpu.memory_space<vmem>>
      %dma_start3A_356 = arith.constant 0 : i32
      %dma_start3A_357 = arith.constant 0 : i32
      %dma_start3A_358 = tpu.memref_slice %arg9[%dma_start3A_356, %dma_start3A_357] : memref<10240x64xf32, #tpu.memory_space<vmem_shared>> -> memref<10240x64xf32, #tpu.memory_space<vmem_shared>>
      tpu.enqueue_indirect_dma source(%dma_start3A_352 : memref<128x64xf32, #tpu.memory_space<vmem>>) target(%dma_start3A_358 : memref<10240x64xf32, #tpu.memory_space<vmem_shared>>) offsets(%dma_start3A_355 : memref<128xi32, #tpu.memory_space<vmem>>) semaphore(%arg11 : memref<!tpu.dma_semaphore, #tpu.memory_space<semaphore_mem>>) {add = true}
      %add3A_359 = arith.constant 5 : i32
      %add3A_360 = arith.addi %mul3A_238, %add3A_359 : i32
      %dma_wait3A_361 = arith.constant 5 : i32
      %dma_wait3A_362 = arith.constant 0 : i32
      %dma_wait3A_363 = arith.constant 0 : i32
      %dma_wait3A_364 = tpu.memref_slice %arg8[%dma_wait3A_361, %dma_wait3A_362, %dma_wait3A_363] : memref<8x128x64xf32, #tpu.memory_space<vmem>> -> memref<1x128x64xf32, #tpu.memory_space<vmem>>
      %dma_wait3A_365 = tpu.memref_squeeze %dma_wait3A_364 : memref<1x128x64xf32, #tpu.memory_space<vmem>> -> memref<128x64xf32, #tpu.memory_space<vmem>>
      %dma_wait3A_366 = arith.constant 0 : i32
      %dma_wait3A_367 = tpu.memref_slice %arg6[%add3A_360, %dma_wait3A_366] : memref<80x128xi32, #tpu.memory_space<vmem>> -> memref<1x128xi32, #tpu.memory_space<vmem>>
      %dma_wait3A_368 = tpu.memref_squeeze %dma_wait3A_367 : memref<1x128xi32, #tpu.memory_space<vmem>> -> memref<128xi32, #tpu.memory_space<vmem>>
      %dma_wait3A_369 = arith.constant 0 : i32
      %dma_wait3A_370 = arith.constant 0 : i32
      %dma_wait3A_371 = tpu.memref_slice %arg4[%dma_wait3A_369, %dma_wait3A_370] : memref<10000x64xf32, #tpu.memory_space<hbm>> -> memref<10000x64xf32, #tpu.memory_space<hbm>>
      tpu.wait_indirect_dma semaphore(%arg10 : memref<!tpu.dma_semaphore, #tpu.memory_space<semaphore_mem>>) src(%dma_wait3A_371 : memref<10000x64xf32, #tpu.memory_space<hbm>>) dst(%dma_wait3A_365 : memref<128x64xf32, #tpu.memory_space<vmem>>)
      %dma_start3A_372 = arith.constant 5 : i32
      %dma_start3A_373 = arith.constant 0 : i32
      %dma_start3A_374 = arith.constant 0 : i32
      %dma_start3A_375 = tpu.memref_slice %arg8[%dma_start3A_372, %dma_start3A_373, %dma_start3A_374] : memref<8x128x64xf32, #tpu.memory_space<vmem>> -> memref<1x128x64xf32, #tpu.memory_space<vmem>>
      %dma_start3A_376 = tpu.memref_squeeze %dma_start3A_375 : memref<1x128x64xf32, #tpu.memory_space<vmem>> -> memref<128x64xf32, #tpu.memory_space<vmem>>
      %dma_start3A_377 = arith.constant 0 : i32
      %dma_start3A_378 = tpu.memref_slice %arg7[%add3A_360, %dma_start3A_377] : memref<80x128xi32, #tpu.memory_space<vmem>> -> memref<1x128xi32, #tpu.memory_space<vmem>>
      %dma_start3A_379 = tpu.memref_squeeze %dma_start3A_378 : memref<1x128xi32, #tpu.memory_space<vmem>> -> memref<128xi32, #tpu.memory_space<vmem>>
      %dma_start3A_380 = arith.constant 0 : i32
      %dma_start3A_381 = arith.constant 0 : i32
      %dma_start3A_382 = tpu.memref_slice %arg9[%dma_start3A_380, %dma_start3A_381] : memref<10240x64xf32, #tpu.memory_space<vmem_shared>> -> memref<10240x64xf32, #tpu.memory_space<vmem_shared>>
      tpu.enqueue_indirect_dma source(%dma_start3A_376 : memref<128x64xf32, #tpu.memory_space<vmem>>) target(%dma_start3A_382 : memref<10240x64xf32, #tpu.memory_space<vmem_shared>>) offsets(%dma_start3A_379 : memref<128xi32, #tpu.memory_space<vmem>>) semaphore(%arg11 : memref<!tpu.dma_semaphore, #tpu.memory_space<semaphore_mem>>) {add = true}
      %add3A_383 = arith.constant 6 : i32
      %add3A_384 = arith.addi %mul3A_238, %add3A_383 : i32
      %dma_wait3A_385 = arith.constant 6 : i32
      %dma_wait3A_386 = arith.constant 0 : i32
      %dma_wait3A_387 = arith.constant 0 : i32
      %dma_wait3A_388 = tpu.memref_slice %arg8[%dma_wait3A_385, %dma_wait3A_386, %dma_wait3A_387] : memref<8x128x64xf32, #tpu.memory_space<vmem>> -> memref<1x128x64xf32, #tpu.memory_space<vmem>>
      %dma_wait3A_389 = tpu.memref_squeeze %dma_wait3A_388 : memref<1x128x64xf32, #tpu.memory_space<vmem>> -> memref<128x64xf32, #tpu.memory_space<vmem>>
      %dma_wait3A_390 = arith.constant 0 : i32
      %dma_wait3A_391 = tpu.memref_slice %arg6[%add3A_384, %dma_wait3A_390] : memref<80x128xi32, #tpu.memory_space<vmem>> -> memref<1x128xi32, #tpu.memory_space<vmem>>
      %dma_wait3A_392 = tpu.memref_squeeze %dma_wait3A_391 : memref<1x128xi32, #tpu.memory_space<vmem>> -> memref<128xi32, #tpu.memory_space<vmem>>
      %dma_wait3A_393 = arith.constant 0 : i32
      %dma_wait3A_394 = arith.constant 0 : i32
      %dma_wait3A_395 = tpu.memref_slice %arg4[%dma_wait3A_393, %dma_wait3A_394] : memref<10000x64xf32, #tpu.memory_space<hbm>> -> memref<10000x64xf32, #tpu.memory_space<hbm>>
      tpu.wait_indirect_dma semaphore(%arg10 : memref<!tpu.dma_semaphore, #tpu.memory_space<semaphore_mem>>) src(%dma_wait3A_395 : memref<10000x64xf32, #tpu.memory_space<hbm>>) dst(%dma_wait3A_389 : memref<128x64xf32, #tpu.memory_space<vmem>>)
      %dma_start3A_396 = arith.constant 6 : i32
      %dma_start3A_397 = arith.constant 0 : i32
      %dma_start3A_398 = arith.constant 0 : i32
      %dma_start3A_399 = tpu.memref_slice %arg8[%dma_start3A_396, %dma_start3A_397, %dma_start3A_398] : memref<8x128x64xf32, #tpu.memory_space<vmem>> -> memref<1x128x64xf32, #tpu.memory_space<vmem>>
      %dma_start3A_400 = tpu.memref_squeeze %dma_start3A_399 : memref<1x128x64xf32, #tpu.memory_space<vmem>> -> memref<128x64xf32, #tpu.memory_space<vmem>>
      %dma_start3A_401 = arith.constant 0 : i32
      %dma_start3A_402 = tpu.memref_slice %arg7[%add3A_384, %dma_start3A_401] : memref<80x128xi32, #tpu.memory_space<vmem>> -> memref<1x128xi32, #tpu.memory_space<vmem>>
      %dma_start3A_403 = tpu.memref_squeeze %dma_start3A_402 : memref<1x128xi32, #tpu.memory_space<vmem>> -> memref<128xi32, #tpu.memory_space<vmem>>
      %dma_start3A_404 = arith.constant 0 : i32
      %dma_start3A_405 = arith.constant 0 : i32
      %dma_start3A_406 = tpu.memref_slice %arg9[%dma_start3A_404, %dma_start3A_405] : memref<10240x64xf32, #tpu.memory_space<vmem_shared>> -> memref<10240x64xf32, #tpu.memory_space<vmem_shared>>
      tpu.enqueue_indirect_dma source(%dma_start3A_400 : memref<128x64xf32, #tpu.memory_space<vmem>>) target(%dma_start3A_406 : memref<10240x64xf32, #tpu.memory_space<vmem_shared>>) offsets(%dma_start3A_403 : memref<128xi32, #tpu.memory_space<vmem>>) semaphore(%arg11 : memref<!tpu.dma_semaphore, #tpu.memory_space<semaphore_mem>>) {add = true}
      %add3A_407 = arith.constant 7 : i32
      %add3A_408 = arith.addi %mul3A_238, %add3A_407 : i32
      %dma_wait3A_409 = arith.constant 7 : i32
      %dma_wait3A_410 = arith.constant 0 : i32
      %dma_wait3A_411 = arith.constant 0 : i32
      %dma_wait3A_412 = tpu.memref_slice %arg8[%dma_wait3A_409, %dma_wait3A_410, %dma_wait3A_411] : memref<8x128x64xf32, #tpu.memory_space<vmem>> -> memref<1x128x64xf32, #tpu.memory_space<vmem>>
      %dma_wait3A_413 = tpu.memref_squeeze %dma_wait3A_412 : memref<1x128x64xf32, #tpu.memory_space<vmem>> -> memref<128x64xf32, #tpu.memory_space<vmem>>
      %dma_wait3A_414 = arith.constant 0 : i32
      %dma_wait3A_415 = tpu.memref_slice %arg6[%add3A_408, %dma_wait3A_414] : memref<80x128xi32, #tpu.memory_space<vmem>> -> memref<1x128xi32, #tpu.memory_space<vmem>>
      %dma_wait3A_416 = tpu.memref_squeeze %dma_wait3A_415 : memref<1x128xi32, #tpu.memory_space<vmem>> -> memref<128xi32, #tpu.memory_space<vmem>>
      %dma_wait3A_417 = arith.constant 0 : i32
      %dma_wait3A_418 = arith.constant 0 : i32
      %dma_wait3A_419 = tpu.memref_slice %arg4[%dma_wait3A_417, %dma_wait3A_418] : memref<10000x64xf32, #tpu.memory_space<hbm>> -> memref<10000x64xf32, #tpu.memory_space<hbm>>
      tpu.wait_indirect_dma semaphore(%arg10 : memref<!tpu.dma_semaphore, #tpu.memory_space<semaphore_mem>>) src(%dma_wait3A_419 : memref<10000x64xf32, #tpu.memory_space<hbm>>) dst(%dma_wait3A_413 : memref<128x64xf32, #tpu.memory_space<vmem>>)
      %dma_start3A_420 = arith.constant 7 : i32
      %dma_start3A_421 = arith.constant 0 : i32
      %dma_start3A_422 = arith.constant 0 : i32
      %dma_start3A_423 = tpu.memref_slice %arg8[%dma_start3A_420, %dma_start3A_421, %dma_start3A_422] : memref<8x128x64xf32, #tpu.memory_space<vmem>> -> memref<1x128x64xf32, #tpu.memory_space<vmem>>
      %dma_start3A_424 = tpu.memref_squeeze %dma_start3A_423 : memref<1x128x64xf32, #tpu.memory_space<vmem>> -> memref<128x64xf32, #tpu.memory_space<vmem>>
      %dma_start3A_425 = arith.constant 0 : i32
      %dma_start3A_426 = tpu.memref_slice %arg7[%add3A_408, %dma_start3A_425] : memref<80x128xi32, #tpu.memory_space<vmem>> -> memref<1x128xi32, #tpu.memory_space<vmem>>
      %dma_start3A_427 = tpu.memref_squeeze %dma_start3A_426 : memref<1x128xi32, #tpu.memory_space<vmem>> -> memref<128xi32, #tpu.memory_space<vmem>>
      %dma_start3A_428 = arith.constant 0 : i32
      %dma_start3A_429 = arith.constant 0 : i32
      %dma_start3A_430 = tpu.memref_slice %arg9[%dma_start3A_428, %dma_start3A_429] : memref<10240x64xf32, #tpu.memory_space<vmem_shared>> -> memref<10240x64xf32, #tpu.memory_space<vmem_shared>>
      tpu.enqueue_indirect_dma source(%dma_start3A_424 : memref<128x64xf32, #tpu.memory_space<vmem>>) target(%dma_start3A_430 : memref<10240x64xf32, #tpu.memory_space<vmem_shared>>) offsets(%dma_start3A_427 : memref<128xi32, #tpu.memory_space<vmem>>) semaphore(%arg11 : memref<!tpu.dma_semaphore, #tpu.memory_space<semaphore_mem>>) {add = true}
      %dma_wait3A_431 = arith.constant 0 : i32
      %dma_wait3A_432 = arith.constant 0 : i32
      %dma_wait3A_433 = arith.constant 0 : i32
      %dma_wait3A_434 = tpu.memref_slice %arg8[%dma_wait3A_431, %dma_wait3A_432, %dma_wait3A_433] : memref<8x128x64xf32, #tpu.memory_space<vmem>> -> memref<1x128x64xf32, #tpu.memory_space<vmem>>
      %dma_wait3A_435 = tpu.memref_squeeze %dma_wait3A_434 : memref<1x128x64xf32, #tpu.memory_space<vmem>> -> memref<128x64xf32, #tpu.memory_space<vmem>>
      %dma_wait3A_436 = arith.constant 0 : i32
      %dma_wait3A_437 = tpu.memref_slice %arg7[%add3A_240, %dma_wait3A_436] : memref<80x128xi32, #tpu.memory_space<vmem>> -> memref<1x128xi32, #tpu.memory_space<vmem>>
      %dma_wait3A_438 = tpu.memref_squeeze %dma_wait3A_437 : memref<1x128xi32, #tpu.memory_space<vmem>> -> memref<128xi32, #tpu.memory_space<vmem>>
      %dma_wait3A_439 = arith.constant 0 : i32
      %dma_wait3A_440 = arith.constant 0 : i32
      %dma_wait3A_441 = tpu.memref_slice %arg9[%dma_wait3A_439, %dma_wait3A_440] : memref<10240x64xf32, #tpu.memory_space<vmem_shared>> -> memref<10240x64xf32, #tpu.memory_space<vmem_shared>>
      tpu.wait_indirect_dma semaphore(%arg11 : memref<!tpu.dma_semaphore, #tpu.memory_space<semaphore_mem>>) src(%dma_wait3A_435 : memref<128x64xf32, #tpu.memory_space<vmem>>) dst(%dma_wait3A_441 : memref<10240x64xf32, #tpu.memory_space<vmem_shared>>)
      %add3A_442 = arith.constant 8 : i32
      %add3A_443 = arith.addi %mul3A_238, %add3A_442 : i32
      %add3A_444 = arith.constant 0 : i32
      %add3A_445 = arith.addi %add3A_443, %add3A_444 : i32
      %ge3A = arith.constant 80 : i32
      %ge3A_446 = arith.cmpi sge, %add3A_445, %ge3A : i32
      %sub3A = arith.constant 80 : i32
      %sub3A_447 = arith.subi %add3A_445, %sub3A : i32
      %select_n3A = arith.select %ge3A_446, %sub3A_447, %add3A_445 : i32
      %dma_start3A_448 = arith.constant 0 : i32
      %dma_start3A_449 = arith.constant 0 : i32
      %dma_start3A_450 = arith.constant 0 : i32
      %dma_start3A_451 = tpu.memref_slice %arg8[%dma_start3A_448, %dma_start3A_449, %dma_start3A_450] : memref<8x128x64xf32, #tpu.memory_space<vmem>> -> memref<1x128x64xf32, #tpu.memory_space<vmem>>
      %dma_start3A_452 = tpu.memref_squeeze %dma_start3A_451 : memref<1x128x64xf32, #tpu.memory_space<vmem>> -> memref<128x64xf32, #tpu.memory_space<vmem>>
      %dma_start3A_453 = arith.constant 0 : i32
      %dma_start3A_454 = tpu.memref_slice %arg6[%select_n3A, %dma_start3A_453] : memref<80x128xi32, #tpu.memory_space<vmem>> -> memref<1x128xi32, #tpu.memory_space<vmem>>
      %dma_start3A_455 = tpu.memref_squeeze %dma_start3A_454 : memref<1x128xi32, #tpu.memory_space<vmem>> -> memref<128xi32, #tpu.memory_space<vmem>>
      %dma_start3A_456 = arith.constant 0 : i32
      %dma_start3A_457 = arith.constant 0 : i32
      %dma_start3A_458 = tpu.memref_slice %arg4[%dma_start3A_456, %dma_start3A_457] : memref<10000x64xf32, #tpu.memory_space<hbm>> -> memref<10000x64xf32, #tpu.memory_space<hbm>>
      tpu.enqueue_indirect_dma source(%dma_start3A_458 : memref<10000x64xf32, #tpu.memory_space<hbm>>) target(%dma_start3A_452 : memref<128x64xf32, #tpu.memory_space<vmem>>) offsets(%dma_start3A_455 : memref<128xi32, #tpu.memory_space<vmem>>) semaphore(%arg10 : memref<!tpu.dma_semaphore, #tpu.memory_space<semaphore_mem>>)
      %dma_wait3A_459 = arith.constant 1 : i32
      %dma_wait3A_460 = arith.constant 0 : i32
      %dma_wait3A_461 = arith.constant 0 : i32
      %dma_wait3A_462 = tpu.memref_slice %arg8[%dma_wait3A_459, %dma_wait3A_460, %dma_wait3A_461] : memref<8x128x64xf32, #tpu.memory_space<vmem>> -> memref<1x128x64xf32, #tpu.memory_space<vmem>>
      %dma_wait3A_463 = tpu.memref_squeeze %dma_wait3A_462 : memref<1x128x64xf32, #tpu.memory_space<vmem>> -> memref<128x64xf32, #tpu.memory_space<vmem>>
      %dma_wait3A_464 = arith.constant 0 : i32
      %dma_wait3A_465 = tpu.memref_slice %arg7[%add3A_264, %dma_wait3A_464] : memref<80x128xi32, #tpu.memory_space<vmem>> -> memref<1x128xi32, #tpu.memory_space<vmem>>
      %dma_wait3A_466 = tpu.memref_squeeze %dma_wait3A_465 : memref<1x128xi32, #tpu.memory_space<vmem>> -> memref<128xi32, #tpu.memory_space<vmem>>
      %dma_wait3A_467 = arith.constant 0 : i32
      %dma_wait3A_468 = arith.constant 0 : i32
      %dma_wait3A_469 = tpu.memref_slice %arg9[%dma_wait3A_467, %dma_wait3A_468] : memref<10240x64xf32, #tpu.memory_space<vmem_shared>> -> memref<10240x64xf32, #tpu.memory_space<vmem_shared>>
      tpu.wait_indirect_dma semaphore(%arg11 : memref<!tpu.dma_semaphore, #tpu.memory_space<semaphore_mem>>) src(%dma_wait3A_463 : memref<128x64xf32, #tpu.memory_space<vmem>>) dst(%dma_wait3A_469 : memref<10240x64xf32, #tpu.memory_space<vmem_shared>>)
      %add3A_470 = arith.constant 8 : i32
      %add3A_471 = arith.addi %mul3A_238, %add3A_470 : i32
      %add3A_472 = arith.constant 1 : i32
      %add3A_473 = arith.addi %add3A_471, %add3A_472 : i32
      %ge3A_474 = arith.constant 80 : i32
      %ge3A_475 = arith.cmpi sge, %add3A_473, %ge3A_474 : i32
      %sub3A_476 = arith.constant 80 : i32
      %sub3A_477 = arith.subi %add3A_473, %sub3A_476 : i32
      %select_n3A_478 = arith.select %ge3A_475, %sub3A_477, %add3A_473 : i32
      %dma_start3A_479 = arith.constant 1 : i32
      %dma_start3A_480 = arith.constant 0 : i32
      %dma_start3A_481 = arith.constant 0 : i32
      %dma_start3A_482 = tpu.memref_slice %arg8[%dma_start3A_479, %dma_start3A_480, %dma_start3A_481] : memref<8x128x64xf32, #tpu.memory_space<vmem>> -> memref<1x128x64xf32, #tpu.memory_space<vmem>>
      %dma_start3A_483 = tpu.memref_squeeze %dma_start3A_482 : memref<1x128x64xf32, #tpu.memory_space<vmem>> -> memref<128x64xf32, #tpu.memory_space<vmem>>
      %dma_start3A_484 = arith.constant 0 : i32
      %dma_start3A_485 = tpu.memref_slice %arg6[%select_n3A_478, %dma_start3A_484] : memref<80x128xi32, #tpu.memory_space<vmem>> -> memref<1x128xi32, #tpu.memory_space<vmem>>
      %dma_start3A_486 = tpu.memref_squeeze %dma_start3A_485 : memref<1x128xi32, #tpu.memory_space<vmem>> -> memref<128xi32, #tpu.memory_space<vmem>>
      %dma_start3A_487 = arith.constant 0 : i32
      %dma_start3A_488 = arith.constant 0 : i32
      %dma_start3A_489 = tpu.memref_slice %arg4[%dma_start3A_487, %dma_start3A_488] : memref<10000x64xf32, #tpu.memory_space<hbm>> -> memref<10000x64xf32, #tpu.memory_space<hbm>>
      tpu.enqueue_indirect_dma source(%dma_start3A_489 : memref<10000x64xf32, #tpu.memory_space<hbm>>) target(%dma_start3A_483 : memref<128x64xf32, #tpu.memory_space<vmem>>) offsets(%dma_start3A_486 : memref<128xi32, #tpu.memory_space<vmem>>) semaphore(%arg10 : memref<!tpu.dma_semaphore, #tpu.memory_space<semaphore_mem>>)
      %dma_wait3A_490 = arith.constant 2 : i32
      %dma_wait3A_491 = arith.constant 0 : i32
      %dma_wait3A_492 = arith.constant 0 : i32
      %dma_wait3A_493 = tpu.memref_slice %arg8[%dma_wait3A_490, %dma_wait3A_491, %dma_wait3A_492] : memref<8x128x64xf32, #tpu.memory_space<vmem>> -> memref<1x128x64xf32, #tpu.memory_space<vmem>>
      %dma_wait3A_494 = tpu.memref_squeeze %dma_wait3A_493 : memref<1x128x64xf32, #tpu.memory_space<vmem>> -> memref<128x64xf32, #tpu.memory_space<vmem>>
      %dma_wait3A_495 = arith.constant 0 : i32
      %dma_wait3A_496 = tpu.memref_slice %arg7[%add3A_288, %dma_wait3A_495] : memref<80x128xi32, #tpu.memory_space<vmem>> -> memref<1x128xi32, #tpu.memory_space<vmem>>
      %dma_wait3A_497 = tpu.memref_squeeze %dma_wait3A_496 : memref<1x128xi32, #tpu.memory_space<vmem>> -> memref<128xi32, #tpu.memory_space<vmem>>
      %dma_wait3A_498 = arith.constant 0 : i32
      %dma_wait3A_499 = arith.constant 0 : i32
      %dma_wait3A_500 = tpu.memref_slice %arg9[%dma_wait3A_498, %dma_wait3A_499] : memref<10240x64xf32, #tpu.memory_space<vmem_shared>> -> memref<10240x64xf32, #tpu.memory_space<vmem_shared>>
      tpu.wait_indirect_dma semaphore(%arg11 : memref<!tpu.dma_semaphore, #tpu.memory_space<semaphore_mem>>) src(%dma_wait3A_494 : memref<128x64xf32, #tpu.memory_space<vmem>>) dst(%dma_wait3A_500 : memref<10240x64xf32, #tpu.memory_space<vmem_shared>>)
      %add3A_501 = arith.constant 8 : i32
      %add3A_502 = arith.addi %mul3A_238, %add3A_501 : i32
      %add3A_503 = arith.constant 2 : i32
      %add3A_504 = arith.addi %add3A_502, %add3A_503 : i32
      %ge3A_505 = arith.constant 80 : i32
      %ge3A_506 = arith.cmpi sge, %add3A_504, %ge3A_505 : i32
      %sub3A_507 = arith.constant 80 : i32
      %sub3A_508 = arith.subi %add3A_504, %sub3A_507 : i32
      %select_n3A_509 = arith.select %ge3A_506, %sub3A_508, %add3A_504 : i32
      %dma_start3A_510 = arith.constant 2 : i32
      %dma_start3A_511 = arith.constant 0 : i32
      %dma_start3A_512 = arith.constant 0 : i32
      %dma_start3A_513 = tpu.memref_slice %arg8[%dma_start3A_510, %dma_start3A_511, %dma_start3A_512] : memref<8x128x64xf32, #tpu.memory_space<vmem>> -> memref<1x128x64xf32, #tpu.memory_space<vmem>>
      %dma_start3A_514 = tpu.memref_squeeze %dma_start3A_513 : memref<1x128x64xf32, #tpu.memory_space<vmem>> -> memref<128x64xf32, #tpu.memory_space<vmem>>
      %dma_start3A_515 = arith.constant 0 : i32
      %dma_start3A_516 = tpu.memref_slice %arg6[%select_n3A_509, %dma_start3A_515] : memref<80x128xi32, #tpu.memory_space<vmem>> -> memref<1x128xi32, #tpu.memory_space<vmem>>
      %dma_start3A_517 = tpu.memref_squeeze %dma_start3A_516 : memref<1x128xi32, #tpu.memory_space<vmem>> -> memref<128xi32, #tpu.memory_space<vmem>>
      %dma_start3A_518 = arith.constant 0 : i32
      %dma_start3A_519 = arith.constant 0 : i32
      %dma_start3A_520 = tpu.memref_slice %arg4[%dma_start3A_518, %dma_start3A_519] : memref<10000x64xf32, #tpu.memory_space<hbm>> -> memref<10000x64xf32, #tpu.memory_space<hbm>>
      tpu.enqueue_indirect_dma source(%dma_start3A_520 : memref<10000x64xf32, #tpu.memory_space<hbm>>) target(%dma_start3A_514 : memref<128x64xf32, #tpu.memory_space<vmem>>) offsets(%dma_start3A_517 : memref<128xi32, #tpu.memory_space<vmem>>) semaphore(%arg10 : memref<!tpu.dma_semaphore, #tpu.memory_space<semaphore_mem>>)
      %dma_wait3A_521 = arith.constant 3 : i32
      %dma_wait3A_522 = arith.constant 0 : i32
      %dma_wait3A_523 = arith.constant 0 : i32
      %dma_wait3A_524 = tpu.memref_slice %arg8[%dma_wait3A_521, %dma_wait3A_522, %dma_wait3A_523] : memref<8x128x64xf32, #tpu.memory_space<vmem>> -> memref<1x128x64xf32, #tpu.memory_space<vmem>>
      %dma_wait3A_525 = tpu.memref_squeeze %dma_wait3A_524 : memref<1x128x64xf32, #tpu.memory_space<vmem>> -> memref<128x64xf32, #tpu.memory_space<vmem>>
      %dma_wait3A_526 = arith.constant 0 : i32
      %dma_wait3A_527 = tpu.memref_slice %arg7[%add3A_312, %dma_wait3A_526] : memref<80x128xi32, #tpu.memory_space<vmem>> -> memref<1x128xi32, #tpu.memory_space<vmem>>
      %dma_wait3A_528 = tpu.memref_squeeze %dma_wait3A_527 : memref<1x128xi32, #tpu.memory_space<vmem>> -> memref<128xi32, #tpu.memory_space<vmem>>
      %dma_wait3A_529 = arith.constant 0 : i32
      %dma_wait3A_530 = arith.constant 0 : i32
      %dma_wait3A_531 = tpu.memref_slice %arg9[%dma_wait3A_529, %dma_wait3A_530] : memref<10240x64xf32, #tpu.memory_space<vmem_shared>> -> memref<10240x64xf32, #tpu.memory_space<vmem_shared>>
      tpu.wait_indirect_dma semaphore(%arg11 : memref<!tpu.dma_semaphore, #tpu.memory_space<semaphore_mem>>) src(%dma_wait3A_525 : memref<128x64xf32, #tpu.memory_space<vmem>>) dst(%dma_wait3A_531 : memref<10240x64xf32, #tpu.memory_space<vmem_shared>>)
      %add3A_532 = arith.constant 8 : i32
      %add3A_533 = arith.addi %mul3A_238, %add3A_532 : i32
      %add3A_534 = arith.constant 3 : i32
      %add3A_535 = arith.addi %add3A_533, %add3A_534 : i32
      %ge3A_536 = arith.constant 80 : i32
      %ge3A_537 = arith.cmpi sge, %add3A_535, %ge3A_536 : i32
      %sub3A_538 = arith.constant 80 : i32
      %sub3A_539 = arith.subi %add3A_535, %sub3A_538 : i32
      %select_n3A_540 = arith.select %ge3A_537, %sub3A_539, %add3A_535 : i32
      %dma_start3A_541 = arith.constant 3 : i32
      %dma_start3A_542 = arith.constant 0 : i32
      %dma_start3A_543 = arith.constant 0 : i32
      %dma_start3A_544 = tpu.memref_slice %arg8[%dma_start3A_541, %dma_start3A_542, %dma_start3A_543] : memref<8x128x64xf32, #tpu.memory_space<vmem>> -> memref<1x128x64xf32, #tpu.memory_space<vmem>>
      %dma_start3A_545 = tpu.memref_squeeze %dma_start3A_544 : memref<1x128x64xf32, #tpu.memory_space<vmem>> -> memref<128x64xf32, #tpu.memory_space<vmem>>
      %dma_start3A_546 = arith.constant 0 : i32
      %dma_start3A_547 = tpu.memref_slice %arg6[%select_n3A_540, %dma_start3A_546] : memref<80x128xi32, #tpu.memory_space<vmem>> -> memref<1x128xi32, #tpu.memory_space<vmem>>
      %dma_start3A_548 = tpu.memref_squeeze %dma_start3A_547 : memref<1x128xi32, #tpu.memory_space<vmem>> -> memref<128xi32, #tpu.memory_space<vmem>>
      %dma_start3A_549 = arith.constant 0 : i32
      %dma_start3A_550 = arith.constant 0 : i32
      %dma_start3A_551 = tpu.memref_slice %arg4[%dma_start3A_549, %dma_start3A_550] : memref<10000x64xf32, #tpu.memory_space<hbm>> -> memref<10000x64xf32, #tpu.memory_space<hbm>>
      tpu.enqueue_indirect_dma source(%dma_start3A_551 : memref<10000x64xf32, #tpu.memory_space<hbm>>) target(%dma_start3A_545 : memref<128x64xf32, #tpu.memory_space<vmem>>) offsets(%dma_start3A_548 : memref<128xi32, #tpu.memory_space<vmem>>) semaphore(%arg10 : memref<!tpu.dma_semaphore, #tpu.memory_space<semaphore_mem>>)
      %dma_wait3A_552 = arith.constant 4 : i32
      %dma_wait3A_553 = arith.constant 0 : i32
      %dma_wait3A_554 = arith.constant 0 : i32
      %dma_wait3A_555 = tpu.memref_slice %arg8[%dma_wait3A_552, %dma_wait3A_553, %dma_wait3A_554] : memref<8x128x64xf32, #tpu.memory_space<vmem>> -> memref<1x128x64xf32, #tpu.memory_space<vmem>>
      %dma_wait3A_556 = tpu.memref_squeeze %dma_wait3A_555 : memref<1x128x64xf32, #tpu.memory_space<vmem>> -> memref<128x64xf32, #tpu.memory_space<vmem>>
      %dma_wait3A_557 = arith.constant 0 : i32
      %dma_wait3A_558 = tpu.memref_slice %arg7[%add3A_336, %dma_wait3A_557] : memref<80x128xi32, #tpu.memory_space<vmem>> -> memref<1x128xi32, #tpu.memory_space<vmem>>
      %dma_wait3A_559 = tpu.memref_squeeze %dma_wait3A_558 : memref<1x128xi32, #tpu.memory_space<vmem>> -> memref<128xi32, #tpu.memory_space<vmem>>
      %dma_wait3A_560 = arith.constant 0 : i32
      %dma_wait3A_561 = arith.constant 0 : i32
      %dma_wait3A_562 = tpu.memref_slice %arg9[%dma_wait3A_560, %dma_wait3A_561] : memref<10240x64xf32, #tpu.memory_space<vmem_shared>> -> memref<10240x64xf32, #tpu.memory_space<vmem_shared>>
      tpu.wait_indirect_dma semaphore(%arg11 : memref<!tpu.dma_semaphore, #tpu.memory_space<semaphore_mem>>) src(%dma_wait3A_556 : memref<128x64xf32, #tpu.memory_space<vmem>>) dst(%dma_wait3A_562 : memref<10240x64xf32, #tpu.memory_space<vmem_shared>>)
      %add3A_563 = arith.constant 8 : i32
      %add3A_564 = arith.addi %mul3A_238, %add3A_563 : i32
      %add3A_565 = arith.constant 4 : i32
      %add3A_566 = arith.addi %add3A_564, %add3A_565 : i32
      %ge3A_567 = arith.constant 80 : i32
      %ge3A_568 = arith.cmpi sge, %add3A_566, %ge3A_567 : i32
      %sub3A_569 = arith.constant 80 : i32
      %sub3A_570 = arith.subi %add3A_566, %sub3A_569 : i32
      %select_n3A_571 = arith.select %ge3A_568, %sub3A_570, %add3A_566 : i32
      %dma_start3A_572 = arith.constant 4 : i32
      %dma_start3A_573 = arith.constant 0 : i32
      %dma_start3A_574 = arith.constant 0 : i32
      %dma_start3A_575 = tpu.memref_slice %arg8[%dma_start3A_572, %dma_start3A_573, %dma_start3A_574] : memref<8x128x64xf32, #tpu.memory_space<vmem>> -> memref<1x128x64xf32, #tpu.memory_space<vmem>>
      %dma_start3A_576 = tpu.memref_squeeze %dma_start3A_575 : memref<1x128x64xf32, #tpu.memory_space<vmem>> -> memref<128x64xf32, #tpu.memory_space<vmem>>
      %dma_start3A_577 = arith.constant 0 : i32
      %dma_start3A_578 = tpu.memref_slice %arg6[%select_n3A_571, %dma_start3A_577] : memref<80x128xi32, #tpu.memory_space<vmem>> -> memref<1x128xi32, #tpu.memory_space<vmem>>
      %dma_start3A_579 = tpu.memref_squeeze %dma_start3A_578 : memref<1x128xi32, #tpu.memory_space<vmem>> -> memref<128xi32, #tpu.memory_space<vmem>>
      %dma_start3A_580 = arith.constant 0 : i32
      %dma_start3A_581 = arith.constant 0 : i32
      %dma_start3A_582 = tpu.memref_slice %arg4[%dma_start3A_580, %dma_start3A_581] : memref<10000x64xf32, #tpu.memory_space<hbm>> -> memref<10000x64xf32, #tpu.memory_space<hbm>>
      tpu.enqueue_indirect_dma source(%dma_start3A_582 : memref<10000x64xf32, #tpu.memory_space<hbm>>) target(%dma_start3A_576 : memref<128x64xf32, #tpu.memory_space<vmem>>) offsets(%dma_start3A_579 : memref<128xi32, #tpu.memory_space<vmem>>) semaphore(%arg10 : memref<!tpu.dma_semaphore, #tpu.memory_space<semaphore_mem>>)
      %dma_wait3A_583 = arith.constant 5 : i32
      %dma_wait3A_584 = arith.constant 0 : i32
      %dma_wait3A_585 = arith.constant 0 : i32
      %dma_wait3A_586 = tpu.memref_slice %arg8[%dma_wait3A_583, %dma_wait3A_584, %dma_wait3A_585] : memref<8x128x64xf32, #tpu.memory_space<vmem>> -> memref<1x128x64xf32, #tpu.memory_space<vmem>>
      %dma_wait3A_587 = tpu.memref_squeeze %dma_wait3A_586 : memref<1x128x64xf32, #tpu.memory_space<vmem>> -> memref<128x64xf32, #tpu.memory_space<vmem>>
      %dma_wait3A_588 = arith.constant 0 : i32
      %dma_wait3A_589 = tpu.memref_slice %arg7[%add3A_360, %dma_wait3A_588] : memref<80x128xi32, #tpu.memory_space<vmem>> -> memref<1x128xi32, #tpu.memory_space<vmem>>
      %dma_wait3A_590 = tpu.memref_squeeze %dma_wait3A_589 : memref<1x128xi32, #tpu.memory_space<vmem>> -> memref<128xi32, #tpu.memory_space<vmem>>
      %dma_wait3A_591 = arith.constant 0 : i32
      %dma_wait3A_592 = arith.constant 0 : i32
      %dma_wait3A_593 = tpu.memref_slice %arg9[%dma_wait3A_591, %dma_wait3A_592] : memref<10240x64xf32, #tpu.memory_space<vmem_shared>> -> memref<10240x64xf32, #tpu.memory_space<vmem_shared>>
      tpu.wait_indirect_dma semaphore(%arg11 : memref<!tpu.dma_semaphore, #tpu.memory_space<semaphore_mem>>) src(%dma_wait3A_587 : memref<128x64xf32, #tpu.memory_space<vmem>>) dst(%dma_wait3A_593 : memref<10240x64xf32, #tpu.memory_space<vmem_shared>>)
      %add3A_594 = arith.constant 8 : i32
      %add3A_595 = arith.addi %mul3A_238, %add3A_594 : i32
      %add3A_596 = arith.constant 5 : i32
      %add3A_597 = arith.addi %add3A_595, %add3A_596 : i32
      %ge3A_598 = arith.constant 80 : i32
      %ge3A_599 = arith.cmpi sge, %add3A_597, %ge3A_598 : i32
      %sub3A_600 = arith.constant 80 : i32
      %sub3A_601 = arith.subi %add3A_597, %sub3A_600 : i32
      %select_n3A_602 = arith.select %ge3A_599, %sub3A_601, %add3A_597 : i32
      %dma_start3A_603 = arith.constant 5 : i32
      %dma_start3A_604 = arith.constant 0 : i32
      %dma_start3A_605 = arith.constant 0 : i32
      %dma_start3A_606 = tpu.memref_slice %arg8[%dma_start3A_603, %dma_start3A_604, %dma_start3A_605] : memref<8x128x64xf32, #tpu.memory_space<vmem>> -> memref<1x128x64xf32, #tpu.memory_space<vmem>>
      %dma_start3A_607 = tpu.memref_squeeze %dma_start3A_606 : memref<1x128x64xf32, #tpu.memory_space<vmem>> -> memref<128x64xf32, #tpu.memory_space<vmem>>
      %dma_start3A_608 = arith.constant 0 : i32
      %dma_start3A_609 = tpu.memref_slice %arg6[%select_n3A_602, %dma_start3A_608] : memref<80x128xi32, #tpu.memory_space<vmem>> -> memref<1x128xi32, #tpu.memory_space<vmem>>
      %dma_start3A_610 = tpu.memref_squeeze %dma_start3A_609 : memref<1x128xi32, #tpu.memory_space<vmem>> -> memref<128xi32, #tpu.memory_space<vmem>>
      %dma_start3A_611 = arith.constant 0 : i32
      %dma_start3A_612 = arith.constant 0 : i32
      %dma_start3A_613 = tpu.memref_slice %arg4[%dma_start3A_611, %dma_start3A_612] : memref<10000x64xf32, #tpu.memory_space<hbm>> -> memref<10000x64xf32, #tpu.memory_space<hbm>>
      tpu.enqueue_indirect_dma source(%dma_start3A_613 : memref<10000x64xf32, #tpu.memory_space<hbm>>) target(%dma_start3A_607 : memref<128x64xf32, #tpu.memory_space<vmem>>) offsets(%dma_start3A_610 : memref<128xi32, #tpu.memory_space<vmem>>) semaphore(%arg10 : memref<!tpu.dma_semaphore, #tpu.memory_space<semaphore_mem>>)
      %dma_wait3A_614 = arith.constant 6 : i32
      %dma_wait3A_615 = arith.constant 0 : i32
      %dma_wait3A_616 = arith.constant 0 : i32
      %dma_wait3A_617 = tpu.memref_slice %arg8[%dma_wait3A_614, %dma_wait3A_615, %dma_wait3A_616] : memref<8x128x64xf32, #tpu.memory_space<vmem>> -> memref<1x128x64xf32, #tpu.memory_space<vmem>>
      %dma_wait3A_618 = tpu.memref_squeeze %dma_wait3A_617 : memref<1x128x64xf32, #tpu.memory_space<vmem>> -> memref<128x64xf32, #tpu.memory_space<vmem>>
      %dma_wait3A_619 = arith.constant 0 : i32
      %dma_wait3A_620 = tpu.memref_slice %arg7[%add3A_384, %dma_wait3A_619] : memref<80x128xi32, #tpu.memory_space<vmem>> -> memref<1x128xi32, #tpu.memory_space<vmem>>
      %dma_wait3A_621 = tpu.memref_squeeze %dma_wait3A_620 : memref<1x128xi32, #tpu.memory_space<vmem>> -> memref<128xi32, #tpu.memory_space<vmem>>
      %dma_wait3A_622 = arith.constant 0 : i32
      %dma_wait3A_623 = arith.constant 0 : i32
      %dma_wait3A_624 = tpu.memref_slice %arg9[%dma_wait3A_622, %dma_wait3A_623] : memref<10240x64xf32, #tpu.memory_space<vmem_shared>> -> memref<10240x64xf32, #tpu.memory_space<vmem_shared>>
      tpu.wait_indirect_dma semaphore(%arg11 : memref<!tpu.dma_semaphore, #tpu.memory_space<semaphore_mem>>) src(%dma_wait3A_618 : memref<128x64xf32, #tpu.memory_space<vmem>>) dst(%dma_wait3A_624 : memref<10240x64xf32, #tpu.memory_space<vmem_shared>>)
      %add3A_625 = arith.constant 8 : i32
      %add3A_626 = arith.addi %mul3A_238, %add3A_625 : i32
      %add3A_627 = arith.constant 6 : i32
      %add3A_628 = arith.addi %add3A_626, %add3A_627 : i32
      %ge3A_629 = arith.constant 80 : i32
      %ge3A_630 = arith.cmpi sge, %add3A_628, %ge3A_629 : i32
      %sub3A_631 = arith.constant 80 : i32
      %sub3A_632 = arith.subi %add3A_628, %sub3A_631 : i32
      %select_n3A_633 = arith.select %ge3A_630, %sub3A_632, %add3A_628 : i32
      %dma_start3A_634 = arith.constant 6 : i32
      %dma_start3A_635 = arith.constant 0 : i32
      %dma_start3A_636 = arith.constant 0 : i32
      %dma_start3A_637 = tpu.memref_slice %arg8[%dma_start3A_634, %dma_start3A_635, %dma_start3A_636] : memref<8x128x64xf32, #tpu.memory_space<vmem>> -> memref<1x128x64xf32, #tpu.memory_space<vmem>>
      %dma_start3A_638 = tpu.memref_squeeze %dma_start3A_637 : memref<1x128x64xf32, #tpu.memory_space<vmem>> -> memref<128x64xf32, #tpu.memory_space<vmem>>
      %dma_start3A_639 = arith.constant 0 : i32
      %dma_start3A_640 = tpu.memref_slice %arg6[%select_n3A_633, %dma_start3A_639] : memref<80x128xi32, #tpu.memory_space<vmem>> -> memref<1x128xi32, #tpu.memory_space<vmem>>
      %dma_start3A_641 = tpu.memref_squeeze %dma_start3A_640 : memref<1x128xi32, #tpu.memory_space<vmem>> -> memref<128xi32, #tpu.memory_space<vmem>>
      %dma_start3A_642 = arith.constant 0 : i32
      %dma_start3A_643 = arith.constant 0 : i32
      %dma_start3A_644 = tpu.memref_slice %arg4[%dma_start3A_642, %dma_start3A_643] : memref<10000x64xf32, #tpu.memory_space<hbm>> -> memref<10000x64xf32, #tpu.memory_space<hbm>>
      tpu.enqueue_indirect_dma source(%dma_start3A_644 : memref<10000x64xf32, #tpu.memory_space<hbm>>) target(%dma_start3A_638 : memref<128x64xf32, #tpu.memory_space<vmem>>) offsets(%dma_start3A_641 : memref<128xi32, #tpu.memory_space<vmem>>) semaphore(%arg10 : memref<!tpu.dma_semaphore, #tpu.memory_space<semaphore_mem>>)
      %dma_wait3A_645 = arith.constant 7 : i32
      %dma_wait3A_646 = arith.constant 0 : i32
      %dma_wait3A_647 = arith.constant 0 : i32
      %dma_wait3A_648 = tpu.memref_slice %arg8[%dma_wait3A_645, %dma_wait3A_646, %dma_wait3A_647] : memref<8x128x64xf32, #tpu.memory_space<vmem>> -> memref<1x128x64xf32, #tpu.memory_space<vmem>>
      %dma_wait3A_649 = tpu.memref_squeeze %dma_wait3A_648 : memref<1x128x64xf32, #tpu.memory_space<vmem>> -> memref<128x64xf32, #tpu.memory_space<vmem>>
      %dma_wait3A_650 = arith.constant 0 : i32
      %dma_wait3A_651 = tpu.memref_slice %arg7[%add3A_408, %dma_wait3A_650] : memref<80x128xi32, #tpu.memory_space<vmem>> -> memref<1x128xi32, #tpu.memory_space<vmem>>
      %dma_wait3A_652 = tpu.memref_squeeze %dma_wait3A_651 : memref<1x128xi32, #tpu.memory_space<vmem>> -> memref<128xi32, #tpu.memory_space<vmem>>
      %dma_wait3A_653 = arith.constant 0 : i32
      %dma_wait3A_654 = arith.constant 0 : i32
      %dma_wait3A_655 = tpu.memref_slice %arg9[%dma_wait3A_653, %dma_wait3A_654] : memref<10240x64xf32, #tpu.memory_space<vmem_shared>> -> memref<10240x64xf32, #tpu.memory_space<vmem_shared>>
      tpu.wait_indirect_dma semaphore(%arg11 : memref<!tpu.dma_semaphore, #tpu.memory_space<semaphore_mem>>) src(%dma_wait3A_649 : memref<128x64xf32, #tpu.memory_space<vmem>>) dst(%dma_wait3A_655 : memref<10240x64xf32, #tpu.memory_space<vmem_shared>>)
      %add3A_656 = arith.constant 8 : i32
      %add3A_657 = arith.addi %mul3A_238, %add3A_656 : i32
      %add3A_658 = arith.constant 7 : i32
      %add3A_659 = arith.addi %add3A_657, %add3A_658 : i32
      %ge3A_660 = arith.constant 80 : i32
      %ge3A_661 = arith.cmpi sge, %add3A_659, %ge3A_660 : i32
      %sub3A_662 = arith.constant 80 : i32
      %sub3A_663 = arith.subi %add3A_659, %sub3A_662 : i32
      %select_n3A_664 = arith.select %ge3A_661, %sub3A_663, %add3A_659 : i32
      %dma_start3A_665 = arith.constant 7 : i32
      %dma_start3A_666 = arith.constant 0 : i32
      %dma_start3A_667 = arith.constant 0 : i32
      %dma_start3A_668 = tpu.memref_slice %arg8[%dma_start3A_665, %dma_start3A_666, %dma_start3A_667] : memref<8x128x64xf32, #tpu.memory_space<vmem>> -> memref<1x128x64xf32, #tpu.memory_space<vmem>>
      %dma_start3A_669 = tpu.memref_squeeze %dma_start3A_668 : memref<1x128x64xf32, #tpu.memory_space<vmem>> -> memref<128x64xf32, #tpu.memory_space<vmem>>
      %dma_start3A_670 = arith.constant 0 : i32
      %dma_start3A_671 = tpu.memref_slice %arg6[%select_n3A_664, %dma_start3A_670] : memref<80x128xi32, #tpu.memory_space<vmem>> -> memref<1x128xi32, #tpu.memory_space<vmem>>
      %dma_start3A_672 = tpu.memref_squeeze %dma_start3A_671 : memref<1x128xi32, #tpu.memory_space<vmem>> -> memref<128xi32, #tpu.memory_space<vmem>>
      %dma_start3A_673 = arith.constant 0 : i32
      %dma_start3A_674 = arith.constant 0 : i32
      %dma_start3A_675 = tpu.memref_slice %arg4[%dma_start3A_673, %dma_start3A_674] : memref<10000x64xf32, #tpu.memory_space<hbm>> -> memref<10000x64xf32, #tpu.memory_space<hbm>>
      tpu.enqueue_indirect_dma source(%dma_start3A_675 : memref<10000x64xf32, #tpu.memory_space<hbm>>) target(%dma_start3A_669 : memref<128x64xf32, #tpu.memory_space<vmem>>) offsets(%dma_start3A_672 : memref<128xi32, #tpu.memory_space<vmem>>) semaphore(%arg10 : memref<!tpu.dma_semaphore, #tpu.memory_space<semaphore_mem>>)
    }
    %scan3A_131 = arith.constant 10 : i32
    %dma_wait3A = arith.constant 0 : i32
    %dma_wait3A_132 = arith.constant 0 : i32
    %dma_wait3A_133 = arith.constant 0 : i32
    %dma_wait3A_134 = arith.constant 0 : i32
    %dma_wait3A_135 = tpu.memref_slice %arg8[%dma_wait3A_132, %dma_wait3A_133, %dma_wait3A_134] : memref<8x128x64xf32, #tpu.memory_space<vmem>> -> memref<1x128x64xf32, #tpu.memory_space<vmem>>
    %dma_wait3A_136 = tpu.memref_squeeze %dma_wait3A_135 : memref<1x128x64xf32, #tpu.memory_space<vmem>> -> memref<128x64xf32, #tpu.memory_space<vmem>>
    %dma_wait3A_137 = arith.constant 0 : i32
    %dma_wait3A_138 = tpu.memref_slice %arg6[%dma_wait3A, %dma_wait3A_137] : memref<80x128xi32, #tpu.memory_space<vmem>> -> memref<1x128xi32, #tpu.memory_space<vmem>>
    %dma_wait3A_139 = tpu.memref_squeeze %dma_wait3A_138 : memref<1x128xi32, #tpu.memory_space<vmem>> -> memref<128xi32, #tpu.memory_space<vmem>>
    %dma_wait3A_140 = arith.constant 0 : i32
    %dma_wait3A_141 = arith.constant 0 : i32
    %dma_wait3A_142 = tpu.memref_slice %arg4[%dma_wait3A_140, %dma_wait3A_141] : memref<10000x64xf32, #tpu.memory_space<hbm>> -> memref<10000x64xf32, #tpu.memory_space<hbm>>
    tpu.wait_indirect_dma semaphore(%arg10 : memref<!tpu.dma_semaphore, #tpu.memory_space<semaphore_mem>>) src(%dma_wait3A_142 : memref<10000x64xf32, #tpu.memory_space<hbm>>) dst(%dma_wait3A_136 : memref<128x64xf32, #tpu.memory_space<vmem>>)
    %dma_wait3A_143 = arith.constant 1 : i32
    %dma_wait3A_144 = arith.constant 1 : i32
    %dma_wait3A_145 = arith.constant 0 : i32
    %dma_wait3A_146 = arith.constant 0 : i32
    %dma_wait3A_147 = tpu.memref_slice %arg8[%dma_wait3A_144, %dma_wait3A_145, %dma_wait3A_146] : memref<8x128x64xf32, #tpu.memory_space<vmem>> -> memref<1x128x64xf32, #tpu.memory_space<vmem>>
    %dma_wait3A_148 = tpu.memref_squeeze %dma_wait3A_147 : memref<1x128x64xf32, #tpu.memory_space<vmem>> -> memref<128x64xf32, #tpu.memory_space<vmem>>
    %dma_wait3A_149 = arith.constant 0 : i32
    %dma_wait3A_150 = tpu.memref_slice %arg6[%dma_wait3A_143, %dma_wait3A_149] : memref<80x128xi32, #tpu.memory_space<vmem>> -> memref<1x128xi32, #tpu.memory_space<vmem>>
    %dma_wait3A_151 = tpu.memref_squeeze %dma_wait3A_150 : memref<1x128xi32, #tpu.memory_space<vmem>> -> memref<128xi32, #tpu.memory_space<vmem>>
    %dma_wait3A_152 = arith.constant 0 : i32
    %dma_wait3A_153 = arith.constant 0 : i32
    %dma_wait3A_154 = tpu.memref_slice %arg4[%dma_wait3A_152, %dma_wait3A_153] : memref<10000x64xf32, #tpu.memory_space<hbm>> -> memref<10000x64xf32, #tpu.memory_space<hbm>>
    tpu.wait_indirect_dma semaphore(%arg10 : memref<!tpu.dma_semaphore, #tpu.memory_space<semaphore_mem>>) src(%dma_wait3A_154 : memref<10000x64xf32, #tpu.memory_space<hbm>>) dst(%dma_wait3A_148 : memref<128x64xf32, #tpu.memory_space<vmem>>)
    %dma_wait3A_155 = arith.constant 2 : i32
    %dma_wait3A_156 = arith.constant 2 : i32
    %dma_wait3A_157 = arith.constant 0 : i32
    %dma_wait3A_158 = arith.constant 0 : i32
    %dma_wait3A_159 = tpu.memref_slice %arg8[%dma_wait3A_156, %dma_wait3A_157, %dma_wait3A_158] : memref<8x128x64xf32, #tpu.memory_space<vmem>> -> memref<1x128x64xf32, #tpu.memory_space<vmem>>
    %dma_wait3A_160 = tpu.memref_squeeze %dma_wait3A_159 : memref<1x128x64xf32, #tpu.memory_space<vmem>> -> memref<128x64xf32, #tpu.memory_space<vmem>>
    %dma_wait3A_161 = arith.constant 0 : i32
    %dma_wait3A_162 = tpu.memref_slice %arg6[%dma_wait3A_155, %dma_wait3A_161] : memref<80x128xi32, #tpu.memory_space<vmem>> -> memref<1x128xi32, #tpu.memory_space<vmem>>
    %dma_wait3A_163 = tpu.memref_squeeze %dma_wait3A_162 : memref<1x128xi32, #tpu.memory_space<vmem>> -> memref<128xi32, #tpu.memory_space<vmem>>
    %dma_wait3A_164 = arith.constant 0 : i32
    %dma_wait3A_165 = arith.constant 0 : i32
    %dma_wait3A_166 = tpu.memref_slice %arg4[%dma_wait3A_164, %dma_wait3A_165] : memref<10000x64xf32, #tpu.memory_space<hbm>> -> memref<10000x64xf32, #tpu.memory_space<hbm>>
    tpu.wait_indirect_dma semaphore(%arg10 : memref<!tpu.dma_semaphore, #tpu.memory_space<semaphore_mem>>) src(%dma_wait3A_166 : memref<10000x64xf32, #tpu.memory_space<hbm>>) dst(%dma_wait3A_160 : memref<128x64xf32, #tpu.memory_space<vmem>>)
    %dma_wait3A_167 = arith.constant 3 : i32
    %dma_wait3A_168 = arith.constant 3 : i32
    %dma_wait3A_169 = arith.constant 0 : i32
    %dma_wait3A_170 = arith.constant 0 : i32
    %dma_wait3A_171 = tpu.memref_slice %arg8[%dma_wait3A_168, %dma_wait3A_169, %dma_wait3A_170] : memref<8x128x64xf32, #tpu.memory_space<vmem>> -> memref<1x128x64xf32, #tpu.memory_space<vmem>>
    %dma_wait3A_172 = tpu.memref_squeeze %dma_wait3A_171 : memref<1x128x64xf32, #tpu.memory_space<vmem>> -> memref<128x64xf32, #tpu.memory_space<vmem>>
    %dma_wait3A_173 = arith.constant 0 : i32
    %dma_wait3A_174 = tpu.memref_slice %arg6[%dma_wait3A_167, %dma_wait3A_173] : memref<80x128xi32, #tpu.memory_space<vmem>> -> memref<1x128xi32, #tpu.memory_space<vmem>>
    %dma_wait3A_175 = tpu.memref_squeeze %dma_wait3A_174 : memref<1x128xi32, #tpu.memory_space<vmem>> -> memref<128xi32, #tpu.memory_space<vmem>>
    %dma_wait3A_176 = arith.constant 0 : i32
    %dma_wait3A_177 = arith.constant 0 : i32
    %dma_wait3A_178 = tpu.memref_slice %arg4[%dma_wait3A_176, %dma_wait3A_177] : memref<10000x64xf32, #tpu.memory_space<hbm>> -> memref<10000x64xf32, #tpu.memory_space<hbm>>
    tpu.wait_indirect_dma semaphore(%arg10 : memref<!tpu.dma_semaphore, #tpu.memory_space<semaphore_mem>>) src(%dma_wait3A_178 : memref<10000x64xf32, #tpu.memory_space<hbm>>) dst(%dma_wait3A_172 : memref<128x64xf32, #tpu.memory_space<vmem>>)
    %dma_wait3A_179 = arith.constant 4 : i32
    %dma_wait3A_180 = arith.constant 4 : i32
    %dma_wait3A_181 = arith.constant 0 : i32
    %dma_wait3A_182 = arith.constant 0 : i32
    %dma_wait3A_183 = tpu.memref_slice %arg8[%dma_wait3A_180, %dma_wait3A_181, %dma_wait3A_182] : memref<8x128x64xf32, #tpu.memory_space<vmem>> -> memref<1x128x64xf32, #tpu.memory_space<vmem>>
    %dma_wait3A_184 = tpu.memref_squeeze %dma_wait3A_183 : memref<1x128x64xf32, #tpu.memory_space<vmem>> -> memref<128x64xf32, #tpu.memory_space<vmem>>
    %dma_wait3A_185 = arith.constant 0 : i32
    %dma_wait3A_186 = tpu.memref_slice %arg6[%dma_wait3A_179, %dma_wait3A_185] : memref<80x128xi32, #tpu.memory_space<vmem>> -> memref<1x128xi32, #tpu.memory_space<vmem>>
    %dma_wait3A_187 = tpu.memref_squeeze %dma_wait3A_186 : memref<1x128xi32, #tpu.memory_space<vmem>> -> memref<128xi32, #tpu.memory_space<vmem>>
    %dma_wait3A_188 = arith.constant 0 : i32
    %dma_wait3A_189 = arith.constant 0 : i32
    %dma_wait3A_190 = tpu.memref_slice %arg4[%dma_wait3A_188, %dma_wait3A_189] : memref<10000x64xf32, #tpu.memory_space<hbm>> -> memref<10000x64xf32, #tpu.memory_space<hbm>>
    tpu.wait_indirect_dma semaphore(%arg10 : memref<!tpu.dma_semaphore, #tpu.memory_space<semaphore_mem>>) src(%dma_wait3A_190 : memref<10000x64xf32, #tpu.memory_space<hbm>>) dst(%dma_wait3A_184 : memref<128x64xf32, #tpu.memory_space<vmem>>)
    %dma_wait3A_191 = arith.constant 5 : i32
    %dma_wait3A_192 = arith.constant 5 : i32
    %dma_wait3A_193 = arith.constant 0 : i32
    %dma_wait3A_194 = arith.constant 0 : i32
    %dma_wait3A_195 = tpu.memref_slice %arg8[%dma_wait3A_192, %dma_wait3A_193, %dma_wait3A_194] : memref<8x128x64xf32, #tpu.memory_space<vmem>> -> memref<1x128x64xf32, #tpu.memory_space<vmem>>
    %dma_wait3A_196 = tpu.memref_squeeze %dma_wait3A_195 : memref<1x128x64xf32, #tpu.memory_space<vmem>> -> memref<128x64xf32, #tpu.memory_space<vmem>>
    %dma_wait3A_197 = arith.constant 0 : i32
    %dma_wait3A_198 = tpu.memref_slice %arg6[%dma_wait3A_191, %dma_wait3A_197] : memref<80x128xi32, #tpu.memory_space<vmem>> -> memref<1x128xi32, #tpu.memory_space<vmem>>
    %dma_wait3A_199 = tpu.memref_squeeze %dma_wait3A_198 : memref<1x128xi32, #tpu.memory_space<vmem>> -> memref<128xi32, #tpu.memory_space<vmem>>
    %dma_wait3A_200 = arith.constant 0 : i32
    %dma_wait3A_201 = arith.constant 0 : i32
    %dma_wait3A_202 = tpu.memref_slice %arg4[%dma_wait3A_200, %dma_wait3A_201] : memref<10000x64xf32, #tpu.memory_space<hbm>> -> memref<10000x64xf32, #tpu.memory_space<hbm>>
    tpu.wait_indirect_dma semaphore(%arg10 : memref<!tpu.dma_semaphore, #tpu.memory_space<semaphore_mem>>) src(%dma_wait3A_202 : memref<10000x64xf32, #tpu.memory_space<hbm>>) dst(%dma_wait3A_196 : memref<128x64xf32, #tpu.memory_space<vmem>>)
    %dma_wait3A_203 = arith.constant 6 : i32
    %dma_wait3A_204 = arith.constant 6 : i32
    %dma_wait3A_205 = arith.constant 0 : i32
    %dma_wait3A_206 = arith.constant 0 : i32
    %dma_wait3A_207 = tpu.memref_slice %arg8[%dma_wait3A_204, %dma_wait3A_205, %dma_wait3A_206] : memref<8x128x64xf32, #tpu.memory_space<vmem>> -> memref<1x128x64xf32, #tpu.memory_space<vmem>>
    %dma_wait3A_208 = tpu.memref_squeeze %dma_wait3A_207 : memref<1x128x64xf32, #tpu.memory_space<vmem>> -> memref<128x64xf32, #tpu.memory_space<vmem>>
    %dma_wait3A_209 = arith.constant 0 : i32
    %dma_wait3A_210 = tpu.memref_slice %arg6[%dma_wait3A_203, %dma_wait3A_209] : memref<80x128xi32, #tpu.memory_space<vmem>> -> memref<1x128xi32, #tpu.memory_space<vmem>>
    %dma_wait3A_211 = tpu.memref_squeeze %dma_wait3A_210 : memref<1x128xi32, #tpu.memory_space<vmem>> -> memref<128xi32, #tpu.memory_space<vmem>>
    %dma_wait3A_212 = arith.constant 0 : i32
    %dma_wait3A_213 = arith.constant 0 : i32
    %dma_wait3A_214 = tpu.memref_slice %arg4[%dma_wait3A_212, %dma_wait3A_213] : memref<10000x64xf32, #tpu.memory_space<hbm>> -> memref<10000x64xf32, #tpu.memory_space<hbm>>
    tpu.wait_indirect_dma semaphore(%arg10 : memref<!tpu.dma_semaphore, #tpu.memory_space<semaphore_mem>>) src(%dma_wait3A_214 : memref<10000x64xf32, #tpu.memory_space<hbm>>) dst(%dma_wait3A_208 : memref<128x64xf32, #tpu.memory_space<vmem>>)
    %dma_wait3A_215 = arith.constant 7 : i32
    %dma_wait3A_216 = arith.constant 7 : i32
    %dma_wait3A_217 = arith.constant 0 : i32
    %dma_wait3A_218 = arith.constant 0 : i32
    %dma_wait3A_219 = tpu.memref_slice %arg8[%dma_wait3A_216, %dma_wait3A_217, %dma_wait3A_218] : memref<8x128x64xf32, #tpu.memory_space<vmem>> -> memref<1x128x64xf32, #tpu.memory_space<vmem>>
    %dma_wait3A_220 = tpu.memref_squeeze %dma_wait3A_219 : memref<1x128x64xf32, #tpu.memory_space<vmem>> -> memref<128x64xf32, #tpu.memory_space<vmem>>
    %dma_wait3A_221 = arith.constant 0 : i32
    %dma_wait3A_222 = tpu.memref_slice %arg6[%dma_wait3A_215, %dma_wait3A_221] : memref<80x128xi32, #tpu.memory_space<vmem>> -> memref<1x128xi32, #tpu.memory_space<vmem>>
    %dma_wait3A_223 = tpu.memref_squeeze %dma_wait3A_222 : memref<1x128xi32, #tpu.memory_space<vmem>> -> memref<128xi32, #tpu.memory_space<vmem>>
    %dma_wait3A_224 = arith.constant 0 : i32
    %dma_wait3A_225 = arith.constant 0 : i32
    %dma_wait3A_226 = tpu.memref_slice %arg4[%dma_wait3A_224, %dma_wait3A_225] : memref<10000x64xf32, #tpu.memory_space<hbm>> -> memref<10000x64xf32, #tpu.memory_space<hbm>>
    tpu.wait_indirect_dma semaphore(%arg10 : memref<!tpu.dma_semaphore, #tpu.memory_space<semaphore_mem>>) src(%dma_wait3A_226 : memref<10000x64xf32, #tpu.memory_space<hbm>>) dst(%dma_wait3A_220 : memref<128x64xf32, #tpu.memory_space<vmem>>)
    %barrier3A_227 = arith.constant 0 : index
    tpu.barrier barrier_id(%barrier3A_227)
    %mul3A_228 = arith.constant 640 : i32
    %mul3A_229 = arith.muli %arg1, %mul3A_228 : i32
    %mul3A_230 = arith.constant 640 : i32
    %mul3A_231 = arith.muli %arg1, %mul3A_230 : i32
    "tpu.region"() ({
      %run_scoped3A_232 = tpu.sem_alloc : memref<!tpu.dma_semaphore, #tpu.memory_space<semaphore_mem>>
      %dma_start3A_233 = arith.constant 0 : i32
      %dma_start3A_234 = tpu.memref_slice %arg5[%arg0, %mul3A_231, %dma_start3A_233] : memref<2x10240x64xf32, #tpu.memory_space<hbm>> -> memref<1x640x64xf32, #tpu.memory_space<hbm>>
      %dma_start3A_235 = tpu.memref_squeeze %dma_start3A_234 : memref<1x640x64xf32, #tpu.memory_space<hbm>> -> memref<640x64xf32, #tpu.memory_space<hbm>>
      %dma_start3A_236 = arith.constant 0 : i32
      %dma_start3A_237 = tpu.memref_slice %arg9[%mul3A_229, %dma_start3A_236] : memref<10240x64xf32, #tpu.memory_space<vmem_shared>> -> memref<640x64xf32, #tpu.memory_space<vmem_shared>>
      tpu.enqueue_dma source(%dma_start3A_237 : memref<640x64xf32, #tpu.memory_space<vmem_shared>>) target(%dma_start3A_235 : memref<640x64xf32, #tpu.memory_space<hbm>>) target_semaphore(%run_scoped3A_232 : memref<!tpu.dma_semaphore, #tpu.memory_space<semaphore_mem>>)
      %dma_wait3A_238 = arith.constant 0 : i32
      %dma_wait3A_239 = tpu.memref_slice %arg5[%arg0, %mul3A_231, %dma_wait3A_238] : memref<2x10240x64xf32, #tpu.memory_space<hbm>> -> memref<1x640x64xf32, #tpu.memory_space<hbm>>
      %dma_wait3A_240 = tpu.memref_squeeze %dma_wait3A_239 : memref<1x640x64xf32, #tpu.memory_space<hbm>> -> memref<640x64xf32, #tpu.memory_space<hbm>>
      %dma_wait3A_241 = arith.constant 0 : i32
      %dma_wait3A_242 = tpu.memref_slice %arg9[%mul3A_229, %dma_wait3A_241] : memref<10240x64xf32, #tpu.memory_space<vmem_shared>> -> memref<640x64xf32, #tpu.memory_space<vmem_shared>>
      tpu.wait_dma2 semaphore(%run_scoped3A_232 : memref<!tpu.dma_semaphore, #tpu.memory_space<semaphore_mem>>) src(%dma_wait3A_242 : memref<640x64xf32, #tpu.memory_space<vmem_shared>>) dst(%dma_wait3A_240 : memref<640x64xf32, #tpu.memory_space<hbm>>)
      tpu.yield
    }) : () -> ()
    return
  }
}

module attributes {stable_mosaic.version = 14 : i64} {
  func.func @_mm1_body(%arg0: memref<5000x256xf32, #tpu.memory_space<vmem>>, %arg1: memref<256x128xf32, #tpu.memory_space<vmem>>, %arg2: memref<2x5120x2xf32, #tpu.memory_space<vmem>>, %arg3: memref<5000x128xf32, #tpu.memory_space<vmem>>) attributes {dimension_semantics = [], scalar_prefetch = 0 : i64, scratch_operands = 0 : i64, tpu.core_type = #tpu.core_type<tc>} {
    %get3A = arith.constant 0 : index
    %get3A_0 = arith.constant 0 : index
    %get3A_1 = arith.constant 0 : index
    %get3A_2 = vector.load %arg2[%get3A, %get3A_0, %get3A_1] : memref<2x5120x2xf32, #tpu.memory_space<vmem>>, vector<1x5120x2xf32>
    %get3A_3 = vector.shape_cast %get3A_2 : vector<1x5120x2xf32> to vector<5120x2xf32>
    %get3A_4 = arith.constant 1 : index
    %get3A_5 = arith.constant 0 : index
    %get3A_6 = arith.constant 0 : index
    %get3A_7 = vector.load %arg2[%get3A_4, %get3A_5, %get3A_6] : memref<2x5120x2xf32, #tpu.memory_space<vmem>>, vector<1x5120x2xf32>
    %get3A_8 = vector.shape_cast %get3A_7 : vector<1x5120x2xf32> to vector<5120x2xf32>
    %add3A = arith.addf %get3A_3, %get3A_8 : vector<5120x2xf32>
    %slice3A = vector.extract_strided_slice %add3A {offsets = [0, 0], sizes = [5000, 2], strides = [1, 1]} : vector<5120x2xf32> to vector<5000x2xf32>
    %add3A_9 = arith.constant 1.000000e+00 : f32
    %add3A_10 = vector.broadcast %add3A_9 : f32 to vector<5000x2xf32>
    %add3A_11 = arith.addf %slice3A, %add3A_10 : vector<5000x2xf32>
    %rsqrt3A = math.rsqrt %add3A_11 : vector<5000x2xf32>
    %iota3A = tpu.iota {dimensions = array<i32: 1>} : vector<2x128xi32>
    %iota3A_12 = tpu.iota {dimensions = array<i32: 0>} : vector<2x128xi32>
    %jit3A = arith.constant 64 : i32
    %div3A = vector.broadcast %jit3A : i32 to vector<2x128xi32>
    %div3A_13 = arith.divsi %iota3A, %div3A : vector<2x128xi32>
    %sign3A = arith.constant 0 : i32
    %sign3A_14 = vector.broadcast %sign3A : i32 to vector<2x128xi32>
    %sign3A_15 = arith.cmpi sgt, %iota3A, %sign3A_14 : vector<2x128xi32>
    %sign3A_16 = arith.extui %sign3A_15 : vector<2x128xi1> to vector<2x128xi32>
    %sign3A_17 = arith.constant 0 : i32
    %sign3A_18 = vector.broadcast %sign3A_17 : i32 to vector<2x128xi32>
    %sign3A_19 = arith.cmpi slt, %iota3A, %sign3A_18 : vector<2x128xi32>
    %sign3A_20 = arith.extui %sign3A_19 : vector<2x128xi1> to vector<2x128xi32>
    %sign3A_21 = arith.subi %sign3A_16, %sign3A_20 : vector<2x128xi32>
    %sign3A_22 = arith.constant 0 : i32
    %sign3A_23 = arith.cmpi sgt, %jit3A, %sign3A_22 : i32
    %sign3A_24 = arith.extui %sign3A_23 : i1 to i32
    %sign3A_25 = arith.constant 0 : i32
    %sign3A_26 = arith.cmpi slt, %jit3A, %sign3A_25 : i32
    %sign3A_27 = arith.extui %sign3A_26 : i1 to i32
    %sign3A_28 = arith.subi %sign3A_24, %sign3A_27 : i32
    %ne3A = vector.broadcast %sign3A_28 : i32 to vector<2x128xi32>
    %ne3A_29 = arith.cmpi ne, %sign3A_21, %ne3A : vector<2x128xi32>
    %rem3A = vector.broadcast %jit3A : i32 to vector<2x128xi32>
    %rem3A_30 = arith.remsi %iota3A, %rem3A : vector<2x128xi32>
    %ne3A_31 = arith.constant 0 : i32
    %ne3A_32 = vector.broadcast %ne3A_31 : i32 to vector<2x128xi32>
    %ne3A_33 = arith.cmpi ne, %rem3A_30, %ne3A_32 : vector<2x128xi32>
    %and3A = arith.andi %ne3A_29, %ne3A_33 : vector<2x128xi1>
    %sub3A = arith.constant 1 : i32
    %sub3A_34 = vector.broadcast %sub3A : i32 to vector<2x128xi32>
    %sub3A_35 = arith.subi %div3A_13, %sub3A_34 : vector<2x128xi32>
    %select_n3A = arith.select %and3A, %sub3A_35, %div3A_13 : vector<2x128xi1>, vector<2x128xi32>
    %eq3A = arith.cmpi eq, %select_n3A, %iota3A_12 : vector<2x128xi32>
    %convert_element_type3A = arith.extui %eq3A : vector<2x128xi1> to vector<2x128xi32>
    %convert_element_type3A_36 = arith.sitofp %convert_element_type3A : vector<2x128xi32> to vector<2x128xf32>
    %dot_general3A = arith.constant dense<0.000000e+00> : vector<5000x128xf32>
    %dot_general3A_37 = tpu.matmul %rsqrt3A, %convert_element_type3A_36, %dot_general3A {dimension_numbers = #tpu.dot_dimension_numbers<[1], [0], [0], [1], [0, 0, 1, 1], [], []>, transpose_lhs_hint = false} : vector<5000x2xf32>, vector<2x128xf32>, vector<5000x128xf32> -> vector<5000x128xf32>
    %get3A_38 = arith.constant 0 : index
    %get3A_39 = arith.constant 0 : index
    %get3A_40 = vector.load %arg0[%get3A_38, %get3A_39] : memref<5000x256xf32, #tpu.memory_space<vmem>>, vector<5000x256xf32>
    %get3A_41 = arith.constant 0 : index
    %get3A_42 = arith.constant 0 : index
    %get3A_43 = vector.load %arg1[%get3A_41, %get3A_42] : memref<256x128xf32, #tpu.memory_space<vmem>>, vector<256x128xf32>
    %dot_general3A_44 = arith.constant dense<0.000000e+00> : vector<5000x128xf32>
    %dot_general3A_45 = tpu.matmul %get3A_40, %get3A_43, %dot_general3A_44 {dimension_numbers = #tpu.dot_dimension_numbers<[1], [0], [0], [1], [0, 0, 1, 1], [], []>, transpose_lhs_hint = false} : vector<5000x256xf32>, vector<256x128xf32>, vector<5000x128xf32> -> vector<5000x128xf32>
    %mul3A = arith.mulf %dot_general3A_45, %dot_general3A_37 : vector<5000x128xf32>
    %swap3A = arith.constant 0 : index
    %swap3A_46 = arith.constant 0 : index
    %swap3A_47 = vector.load %arg3[%swap3A, %swap3A_46] : memref<5000x128xf32, #tpu.memory_space<vmem>>, vector<5000x128xf32>
    tpu.vector_store %arg3[%swap3A, %swap3A_46], %mul3A {strides = array<i32>} : memref<5000x128xf32, #tpu.memory_space<vmem>>, vector<5000x128xf32>,
    return
  }
}

module attributes {stable_mosaic.version = 14 : i64} {
  func.func @_mm2_body(%arg0: memref<2x5120x128xf32, #tpu.memory_space<vmem>>, %arg1: memref<5000x128xf32, #tpu.memory_space<vmem>>, %arg2: memref<2x5120x2xf32, #tpu.memory_space<vmem>>, %arg3: memref<1x128xf32, #tpu.memory_space<vmem>>, %arg4: memref<128x16xf32, #tpu.memory_space<vmem>>, %arg5: memref<5000x16xf32, #tpu.memory_space<vmem>>) attributes {dimension_semantics = [], scalar_prefetch = 0 : i64, scratch_operands = 0 : i64, tpu.core_type = #tpu.core_type<tc>} {
    %get3A = arith.constant 0 : index
    %get3A_0 = arith.constant 0 : index
    %get3A_1 = arith.constant 0 : index
    %get3A_2 = vector.load %arg2[%get3A, %get3A_0, %get3A_1] : memref<2x5120x2xf32, #tpu.memory_space<vmem>>, vector<1x5120x2xf32>
    %get3A_3 = vector.shape_cast %get3A_2 : vector<1x5120x2xf32> to vector<5120x2xf32>
    %get3A_4 = arith.constant 1 : index
    %get3A_5 = arith.constant 0 : index
    %get3A_6 = arith.constant 0 : index
    %get3A_7 = vector.load %arg2[%get3A_4, %get3A_5, %get3A_6] : memref<2x5120x2xf32, #tpu.memory_space<vmem>>, vector<1x5120x2xf32>
    %get3A_8 = vector.shape_cast %get3A_7 : vector<1x5120x2xf32> to vector<5120x2xf32>
    %add3A = arith.addf %get3A_3, %get3A_8 : vector<5120x2xf32>
    %slice3A = vector.extract_strided_slice %add3A {offsets = [0, 0], sizes = [5000, 2], strides = [1, 1]} : vector<5120x2xf32> to vector<5000x2xf32>
    %add3A_9 = arith.constant 1.000000e+00 : f32
    %add3A_10 = vector.broadcast %add3A_9 : f32 to vector<5000x2xf32>
    %add3A_11 = arith.addf %slice3A, %add3A_10 : vector<5000x2xf32>
    %rsqrt3A = math.rsqrt %add3A_11 : vector<5000x2xf32>
    %iota3A = tpu.iota {dimensions = array<i32: 1>} : vector<2x128xi32>
    %iota3A_12 = tpu.iota {dimensions = array<i32: 0>} : vector<2x128xi32>
    %jit3A = arith.constant 64 : i32
    %div3A = vector.broadcast %jit3A : i32 to vector<2x128xi32>
    %div3A_13 = arith.divsi %iota3A, %div3A : vector<2x128xi32>
    %sign3A = arith.constant 0 : i32
    %sign3A_14 = vector.broadcast %sign3A : i32 to vector<2x128xi32>
    %sign3A_15 = arith.cmpi sgt, %iota3A, %sign3A_14 : vector<2x128xi32>
    %sign3A_16 = arith.extui %sign3A_15 : vector<2x128xi1> to vector<2x128xi32>
    %sign3A_17 = arith.constant 0 : i32
    %sign3A_18 = vector.broadcast %sign3A_17 : i32 to vector<2x128xi32>
    %sign3A_19 = arith.cmpi slt, %iota3A, %sign3A_18 : vector<2x128xi32>
    %sign3A_20 = arith.extui %sign3A_19 : vector<2x128xi1> to vector<2x128xi32>
    %sign3A_21 = arith.subi %sign3A_16, %sign3A_20 : vector<2x128xi32>
    %sign3A_22 = arith.constant 0 : i32
    %sign3A_23 = arith.cmpi sgt, %jit3A, %sign3A_22 : i32
    %sign3A_24 = arith.extui %sign3A_23 : i1 to i32
    %sign3A_25 = arith.constant 0 : i32
    %sign3A_26 = arith.cmpi slt, %jit3A, %sign3A_25 : i32
    %sign3A_27 = arith.extui %sign3A_26 : i1 to i32
    %sign3A_28 = arith.subi %sign3A_24, %sign3A_27 : i32
    %ne3A = vector.broadcast %sign3A_28 : i32 to vector<2x128xi32>
    %ne3A_29 = arith.cmpi ne, %sign3A_21, %ne3A : vector<2x128xi32>
    %rem3A = vector.broadcast %jit3A : i32 to vector<2x128xi32>
    %rem3A_30 = arith.remsi %iota3A, %rem3A : vector<2x128xi32>
    %ne3A_31 = arith.constant 0 : i32
    %ne3A_32 = vector.broadcast %ne3A_31 : i32 to vector<2x128xi32>
    %ne3A_33 = arith.cmpi ne, %rem3A_30, %ne3A_32 : vector<2x128xi32>
    %and3A = arith.andi %ne3A_29, %ne3A_33 : vector<2x128xi1>
    %sub3A = arith.constant 1 : i32
    %sub3A_34 = vector.broadcast %sub3A : i32 to vector<2x128xi32>
    %sub3A_35 = arith.subi %div3A_13, %sub3A_34 : vector<2x128xi32>
    %select_n3A = arith.select %and3A, %sub3A_35, %div3A_13 : vector<2x128xi1>, vector<2x128xi32>
    %eq3A = arith.cmpi eq, %select_n3A, %iota3A_12 : vector<2x128xi32>
    %convert_element_type3A = arith.extui %eq3A : vector<2x128xi1> to vector<2x128xi32>
    %convert_element_type3A_36 = arith.sitofp %convert_element_type3A : vector<2x128xi32> to vector<2x128xf32>
    %dot_general3A = arith.constant dense<0.000000e+00> : vector<5000x128xf32>
    %dot_general3A_37 = tpu.matmul %rsqrt3A, %convert_element_type3A_36, %dot_general3A {dimension_numbers = #tpu.dot_dimension_numbers<[1], [0], [0], [1], [0, 0, 1, 1], [], []>, transpose_lhs_hint = false} : vector<5000x2xf32>, vector<2x128xf32>, vector<5000x128xf32> -> vector<5000x128xf32>
    %get3A_38 = arith.constant 0 : index
    %get3A_39 = arith.constant 0 : index
    %get3A_40 = arith.constant 0 : index
    %get3A_41 = vector.load %arg0[%get3A_38, %get3A_39, %get3A_40] : memref<2x5120x128xf32, #tpu.memory_space<vmem>>, vector<1x5120x128xf32>
    %get3A_42 = vector.shape_cast %get3A_41 : vector<1x5120x128xf32> to vector<5120x128xf32>
    %get3A_43 = arith.constant 1 : index
    %get3A_44 = arith.constant 0 : index
    %get3A_45 = arith.constant 0 : index
    %get3A_46 = vector.load %arg0[%get3A_43, %get3A_44, %get3A_45] : memref<2x5120x128xf32, #tpu.memory_space<vmem>>, vector<1x5120x128xf32>
    %get3A_47 = vector.shape_cast %get3A_46 : vector<1x5120x128xf32> to vector<5120x128xf32>
    %add3A_48 = arith.addf %get3A_42, %get3A_47 : vector<5120x128xf32>
    %slice3A_49 = vector.extract_strided_slice %add3A_48 {offsets = [0, 0], sizes = [5000, 128], strides = [1, 1]} : vector<5120x128xf32> to vector<5000x128xf32>
    %get3A_50 = arith.constant 0 : index
    %get3A_51 = arith.constant 0 : index
    %get3A_52 = vector.load %arg1[%get3A_50, %get3A_51] : memref<5000x128xf32, #tpu.memory_space<vmem>>, vector<5000x128xf32>
    %add3A_53 = arith.addf %slice3A_49, %get3A_52 : vector<5000x128xf32>
    %mul3A = arith.mulf %dot_general3A_37, %add3A_53 : vector<5000x128xf32>
    %get3A_54 = arith.constant 0 : index
    %get3A_55 = arith.constant 0 : index
    %get3A_56 = vector.load %arg3[%get3A_54, %get3A_55] : memref<1x128xf32, #tpu.memory_space<vmem>>, vector<1x128xf32>
    %add3A_57 = vector.broadcast %get3A_56 : vector<1x128xf32> to vector<5000x128xf32>
    %add3A_58 = arith.addf %mul3A, %add3A_57 : vector<5000x128xf32>
    %tanh3A = math.tanh %add3A_58 : vector<5000x128xf32>
    %get3A_59 = arith.constant 0 : index
    %get3A_60 = arith.constant 0 : index
    %get3A_61 = vector.load %arg4[%get3A_59, %get3A_60] : memref<128x16xf32, #tpu.memory_space<vmem>>, vector<128x16xf32>
    %dot_general3A_62 = arith.constant dense<0.000000e+00> : vector<5000x16xf32>
    %dot_general3A_63 = tpu.matmul %tanh3A, %get3A_61, %dot_general3A_62 {dimension_numbers = #tpu.dot_dimension_numbers<[1], [0], [0], [1], [0, 0, 1, 1], [], []>, transpose_lhs_hint = false} : vector<5000x128xf32>, vector<128x16xf32>, vector<5000x16xf32> -> vector<5000x16xf32>
    %iota3A_64 = tpu.iota {dimensions = array<i32: 1>} : vector<2x16xi32>
    %iota3A_65 = tpu.iota {dimensions = array<i32: 0>} : vector<2x16xi32>
    %jit3A_66 = arith.constant 8 : i32
    %div3A_67 = vector.broadcast %jit3A_66 : i32 to vector<2x16xi32>
    %div3A_68 = arith.divsi %iota3A_64, %div3A_67 : vector<2x16xi32>
    %sign3A_69 = arith.constant 0 : i32
    %sign3A_70 = vector.broadcast %sign3A_69 : i32 to vector<2x16xi32>
    %sign3A_71 = arith.cmpi sgt, %iota3A_64, %sign3A_70 : vector<2x16xi32>
    %sign3A_72 = arith.extui %sign3A_71 : vector<2x16xi1> to vector<2x16xi32>
    %sign3A_73 = arith.constant 0 : i32
    %sign3A_74 = vector.broadcast %sign3A_73 : i32 to vector<2x16xi32>
    %sign3A_75 = arith.cmpi slt, %iota3A_64, %sign3A_74 : vector<2x16xi32>
    %sign3A_76 = arith.extui %sign3A_75 : vector<2x16xi1> to vector<2x16xi32>
    %sign3A_77 = arith.subi %sign3A_72, %sign3A_76 : vector<2x16xi32>
    %sign3A_78 = arith.constant 0 : i32
    %sign3A_79 = arith.cmpi sgt, %jit3A_66, %sign3A_78 : i32
    %sign3A_80 = arith.extui %sign3A_79 : i1 to i32
    %sign3A_81 = arith.constant 0 : i32
    %sign3A_82 = arith.cmpi slt, %jit3A_66, %sign3A_81 : i32
    %sign3A_83 = arith.extui %sign3A_82 : i1 to i32
    %sign3A_84 = arith.subi %sign3A_80, %sign3A_83 : i32
    %ne3A_85 = vector.broadcast %sign3A_84 : i32 to vector<2x16xi32>
    %ne3A_86 = arith.cmpi ne, %sign3A_77, %ne3A_85 : vector<2x16xi32>
    %rem3A_87 = vector.broadcast %jit3A_66 : i32 to vector<2x16xi32>
    %rem3A_88 = arith.remsi %iota3A_64, %rem3A_87 : vector<2x16xi32>
    %ne3A_89 = arith.constant 0 : i32
    %ne3A_90 = vector.broadcast %ne3A_89 : i32 to vector<2x16xi32>
    %ne3A_91 = arith.cmpi ne, %rem3A_88, %ne3A_90 : vector<2x16xi32>
    %and3A_92 = arith.andi %ne3A_86, %ne3A_91 : vector<2x16xi1>
    %sub3A_93 = arith.constant 1 : i32
    %sub3A_94 = vector.broadcast %sub3A_93 : i32 to vector<2x16xi32>
    %sub3A_95 = arith.subi %div3A_68, %sub3A_94 : vector<2x16xi32>
    %select_n3A_96 = arith.select %and3A_92, %sub3A_95, %div3A_68 : vector<2x16xi1>, vector<2x16xi32>
    %eq3A_97 = arith.cmpi eq, %select_n3A_96, %iota3A_65 : vector<2x16xi32>
    %convert_element_type3A_98 = arith.extui %eq3A_97 : vector<2x16xi1> to vector<2x16xi32>
    %convert_element_type3A_99 = arith.sitofp %convert_element_type3A_98 : vector<2x16xi32> to vector<2x16xf32>
    %dot_general3A_100 = arith.constant dense<0.000000e+00> : vector<5000x16xf32>
    %dot_general3A_101 = tpu.matmul %rsqrt3A, %convert_element_type3A_99, %dot_general3A_100 {dimension_numbers = #tpu.dot_dimension_numbers<[1], [0], [0], [1], [0, 0, 1, 1], [], []>, transpose_lhs_hint = false} : vector<5000x2xf32>, vector<2x16xf32>, vector<5000x16xf32> -> vector<5000x16xf32>
    %mul3A_102 = arith.mulf %dot_general3A_63, %dot_general3A_101 : vector<5000x16xf32>
    %swap3A = arith.constant 0 : index
    %swap3A_103 = arith.constant 0 : index
    %swap3A_104 = vector.load %arg5[%swap3A, %swap3A_103] : memref<5000x16xf32, #tpu.memory_space<vmem>>, vector<5000x16xf32>
    tpu.vector_store %arg5[%swap3A, %swap3A_103], %mul3A_102 {strides = array<i32>} : memref<5000x16xf32, #tpu.memory_space<vmem>>, vector<5000x16xf32>,
    return
  }
}

module attributes {stable_mosaic.version = 14 : i64} {
  func.func @_tail_body(%arg0: memref<2x640x128xf32, #tpu.memory_space<vmem>>, %arg1: memref<625x128xf32, #tpu.memory_space<vmem>>, %arg2: memref<2x640x16xf32, #tpu.memory_space<vmem>>, %arg3: memref<1x128xf32, #tpu.memory_space<vmem>>, %arg4: memref<625x16xi32, #tpu.memory_space<vmem>>, %arg5: memref<64x8xf32, #tpu.memory_space<vmem>>) attributes {dimension_semantics = [], scalar_prefetch = 0 : i64, scratch_operands = 0 : i64, tpu.core_type = #tpu.core_type<tc>} {
    %get3A = arith.constant 0 : index
    %get3A_0 = arith.constant 0 : index
    %get3A_1 = arith.constant 0 : index
    %get3A_2 = vector.load %arg2[%get3A, %get3A_0, %get3A_1] : memref<2x640x16xf32, #tpu.memory_space<vmem>>, vector<1x640x16xf32>
    %get3A_3 = vector.shape_cast %get3A_2 : vector<1x640x16xf32> to vector<640x16xf32>
    %get3A_4 = arith.constant 1 : index
    %get3A_5 = arith.constant 0 : index
    %get3A_6 = arith.constant 0 : index
    %get3A_7 = vector.load %arg2[%get3A_4, %get3A_5, %get3A_6] : memref<2x640x16xf32, #tpu.memory_space<vmem>>, vector<1x640x16xf32>
    %get3A_8 = vector.shape_cast %get3A_7 : vector<1x640x16xf32> to vector<640x16xf32>
    %add3A = arith.addf %get3A_3, %get3A_8 : vector<640x16xf32>
    %slice3A = vector.extract_strided_slice %add3A {offsets = [0, 0], sizes = [625, 16], strides = [1, 1]} : vector<640x16xf32> to vector<625x16xf32>
    %add3A_9 = arith.constant 1.000000e+00 : f32
    %add3A_10 = vector.broadcast %add3A_9 : f32 to vector<625x16xf32>
    %add3A_11 = arith.addf %slice3A, %add3A_10 : vector<625x16xf32>
    %rsqrt3A = math.rsqrt %add3A_11 : vector<625x16xf32>
    %iota3A = tpu.iota {dimensions = array<i32: 1>} : vector<16x128xi32>
    %iota3A_12 = tpu.iota {dimensions = array<i32: 0>} : vector<16x128xi32>
    %jit3A = arith.constant 8 : i32
    %div3A = vector.broadcast %jit3A : i32 to vector<16x128xi32>
    %div3A_13 = arith.divsi %iota3A, %div3A : vector<16x128xi32>
    %sign3A = arith.constant 0 : i32
    %sign3A_14 = vector.broadcast %sign3A : i32 to vector<16x128xi32>
    %sign3A_15 = arith.cmpi sgt, %iota3A, %sign3A_14 : vector<16x128xi32>
    %sign3A_16 = arith.extui %sign3A_15 : vector<16x128xi1> to vector<16x128xi32>
    %sign3A_17 = arith.constant 0 : i32
    %sign3A_18 = vector.broadcast %sign3A_17 : i32 to vector<16x128xi32>
    %sign3A_19 = arith.cmpi slt, %iota3A, %sign3A_18 : vector<16x128xi32>
    %sign3A_20 = arith.extui %sign3A_19 : vector<16x128xi1> to vector<16x128xi32>
    %sign3A_21 = arith.subi %sign3A_16, %sign3A_20 : vector<16x128xi32>
    %sign3A_22 = arith.constant 0 : i32
    %sign3A_23 = arith.cmpi sgt, %jit3A, %sign3A_22 : i32
    %sign3A_24 = arith.extui %sign3A_23 : i1 to i32
    %sign3A_25 = arith.constant 0 : i32
    %sign3A_26 = arith.cmpi slt, %jit3A, %sign3A_25 : i32
    %sign3A_27 = arith.extui %sign3A_26 : i1 to i32
    %sign3A_28 = arith.subi %sign3A_24, %sign3A_27 : i32
    %ne3A = vector.broadcast %sign3A_28 : i32 to vector<16x128xi32>
    %ne3A_29 = arith.cmpi ne, %sign3A_21, %ne3A : vector<16x128xi32>
    %rem3A = vector.broadcast %jit3A : i32 to vector<16x128xi32>
    %rem3A_30 = arith.remsi %iota3A, %rem3A : vector<16x128xi32>
    %ne3A_31 = arith.constant 0 : i32
    %ne3A_32 = vector.broadcast %ne3A_31 : i32 to vector<16x128xi32>
    %ne3A_33 = arith.cmpi ne, %rem3A_30, %ne3A_32 : vector<16x128xi32>
    %and3A = arith.andi %ne3A_29, %ne3A_33 : vector<16x128xi1>
    %sub3A = arith.constant 1 : i32
    %sub3A_34 = vector.broadcast %sub3A : i32 to vector<16x128xi32>
    %sub3A_35 = arith.subi %div3A_13, %sub3A_34 : vector<16x128xi32>
    %select_n3A = arith.select %and3A, %sub3A_35, %div3A_13 : vector<16x128xi1>, vector<16x128xi32>
    %eq3A = arith.cmpi eq, %select_n3A, %iota3A_12 : vector<16x128xi32>
    %convert_element_type3A = arith.extui %eq3A : vector<16x128xi1> to vector<16x128xi32>
    %convert_element_type3A_36 = arith.sitofp %convert_element_type3A : vector<16x128xi32> to vector<16x128xf32>
    %dot_general3A = arith.constant dense<0.000000e+00> : vector<625x128xf32>
    %dot_general3A_37 = tpu.matmul %rsqrt3A, %convert_element_type3A_36, %dot_general3A {dimension_numbers = #tpu.dot_dimension_numbers<[1], [0], [0], [1], [0, 0, 1, 1], [], []>, transpose_lhs_hint = false} : vector<625x16xf32>, vector<16x128xf32>, vector<625x128xf32> -> vector<625x128xf32>
    %get3A_38 = arith.constant 0 : index
    %get3A_39 = arith.constant 0 : index
    %get3A_40 = arith.constant 0 : index
    %get3A_41 = vector.load %arg0[%get3A_38, %get3A_39, %get3A_40] : memref<2x640x128xf32, #tpu.memory_space<vmem>>, vector<1x640x128xf32>
    %get3A_42 = vector.shape_cast %get3A_41 : vector<1x640x128xf32> to vector<640x128xf32>
    %get3A_43 = arith.constant 1 : index
    %get3A_44 = arith.constant 0 : index
    %get3A_45 = arith.constant 0 : index
    %get3A_46 = vector.load %arg0[%get3A_43, %get3A_44, %get3A_45] : memref<2x640x128xf32, #tpu.memory_space<vmem>>, vector<1x640x128xf32>
    %get3A_47 = vector.shape_cast %get3A_46 : vector<1x640x128xf32> to vector<640x128xf32>
    %add3A_48 = arith.addf %get3A_42, %get3A_47 : vector<640x128xf32>
    %slice3A_49 = vector.extract_strided_slice %add3A_48 {offsets = [0, 0], sizes = [625, 128], strides = [1, 1]} : vector<640x128xf32> to vector<625x128xf32>
    %get3A_50 = arith.constant 0 : index
    %get3A_51 = arith.constant 0 : index
    %get3A_52 = vector.load %arg1[%get3A_50, %get3A_51] : memref<625x128xf32, #tpu.memory_space<vmem>>, vector<625x128xf32>
    %add3A_53 = arith.addf %slice3A_49, %get3A_52 : vector<625x128xf32>
    %mul3A = arith.mulf %dot_general3A_37, %add3A_53 : vector<625x128xf32>
    %get3A_54 = arith.constant 0 : index
    %get3A_55 = arith.constant 0 : index
    %get3A_56 = vector.load %arg3[%get3A_54, %get3A_55] : memref<1x128xf32, #tpu.memory_space<vmem>>, vector<1x128xf32>
    %add3A_57 = vector.broadcast %get3A_56 : vector<1x128xf32> to vector<625x128xf32>
    %add3A_58 = arith.addf %mul3A, %add3A_57 : vector<625x128xf32>
    %tanh3A = math.tanh %add3A_58 : vector<625x128xf32>
    %get3A_59 = arith.constant 0 : index
    %get3A_60 = arith.constant 0 : index
    %get3A_61 = vector.load %arg4[%get3A_59, %get3A_60] : memref<625x16xi32, #tpu.memory_space<vmem>>, vector<625x16xi32>
    %iota3A_62 = tpu.iota {dimensions = array<i32: 1>} : vector<1x64xi32>
    %broadcast_in_dim3A = arith.constant 1.000000e+00 : f32
    %broadcast_in_dim3A_63 = vector.broadcast %broadcast_in_dim3A : f32 to vector<625x1xf32>
    %broadcast_in_dim3A_64 = arith.constant 0.000000e+00 : f32
    %broadcast_in_dim3A_65 = vector.broadcast %broadcast_in_dim3A_64 : f32 to vector<64x8xf32>
    %broadcast_in_dim3A_66 = arith.constant 0.000000e+00 : f32
    %broadcast_in_dim3A_67 = vector.broadcast %broadcast_in_dim3A_66 : f32 to vector<64x1xf32>
    %slice3A_68 = vector.extract_strided_slice %get3A_61 {offsets = [0, 0], sizes = [625, 1], strides = [1, 1]} : vector<625x16xi32> to vector<625x1xi32>
    %eq3A_69 = vector.broadcast %slice3A_68 : vector<625x1xi32> to vector<625x64xi32>
    %eq3A_70 = vector.broadcast %iota3A_62 : vector<1x64xi32> to vector<625x64xi32>
    %eq3A_71 = arith.cmpi eq, %eq3A_69, %eq3A_70 : vector<625x64xi32>
    %convert_element_type3A_72 = arith.extui %eq3A_71 : vector<625x64xi1> to vector<625x64xi32>
    %convert_element_type3A_73 = arith.sitofp %convert_element_type3A_72 : vector<625x64xi32> to vector<625x64xf32>
    %slice3A_74 = vector.extract_strided_slice %tanh3A {offsets = [0, 0], sizes = [625, 8], strides = [1, 1]} : vector<625x128xf32> to vector<625x8xf32>
    %dot_general3A_75 = arith.constant dense<0.000000e+00> : vector<64x8xf32>
    %dot_general3A_76 = tpu.matmul %convert_element_type3A_73, %slice3A_74, %dot_general3A_75 {dimension_numbers = #tpu.dot_dimension_numbers<[0], [0], [1], [1], [0, 1, 1, 1], [], []>, transpose_lhs_hint = false} : vector<625x64xf32>, vector<625x8xf32>, vector<64x8xf32> -> vector<64x8xf32>
    %add3A_77 = arith.addf %broadcast_in_dim3A_65, %dot_general3A_76 : vector<64x8xf32>
    %dot_general3A_78 = arith.constant dense<0.000000e+00> : vector<64x1xf32>
    %dot_general3A_79 = tpu.matmul %convert_element_type3A_73, %broadcast_in_dim3A_63, %dot_general3A_78 {dimension_numbers = #tpu.dot_dimension_numbers<[0], [0], [1], [1], [0, 1, 1, 1], [], []>, transpose_lhs_hint = false} : vector<625x64xf32>, vector<625x1xf32>, vector<64x1xf32> -> vector<64x1xf32>
    %add3A_80 = arith.addf %broadcast_in_dim3A_67, %dot_general3A_79 : vector<64x1xf32>
    %slice3A_81 = vector.extract_strided_slice %get3A_61 {offsets = [0, 1], sizes = [625, 1], strides = [1, 1]} : vector<625x16xi32> to vector<625x1xi32>
    %eq3A_82 = vector.broadcast %slice3A_81 : vector<625x1xi32> to vector<625x64xi32>
    %eq3A_83 = vector.broadcast %iota3A_62 : vector<1x64xi32> to vector<625x64xi32>
    %eq3A_84 = arith.cmpi eq, %eq3A_82, %eq3A_83 : vector<625x64xi32>
    %convert_element_type3A_85 = arith.extui %eq3A_84 : vector<625x64xi1> to vector<625x64xi32>
    %convert_element_type3A_86 = arith.sitofp %convert_element_type3A_85 : vector<625x64xi32> to vector<625x64xf32>
    %slice3A_87 = vector.extract_strided_slice %tanh3A {offsets = [0, 8], sizes = [625, 8], strides = [1, 1]} : vector<625x128xf32> to vector<625x8xf32>
    %dot_general3A_88 = arith.constant dense<0.000000e+00> : vector<64x8xf32>
    %dot_general3A_89 = tpu.matmul %convert_element_type3A_86, %slice3A_87, %dot_general3A_88 {dimension_numbers = #tpu.dot_dimension_numbers<[0], [0], [1], [1], [0, 1, 1, 1], [], []>, transpose_lhs_hint = false} : vector<625x64xf32>, vector<625x8xf32>, vector<64x8xf32> -> vector<64x8xf32>
    %add3A_90 = arith.addf %add3A_77, %dot_general3A_89 : vector<64x8xf32>
    %dot_general3A_91 = arith.constant dense<0.000000e+00> : vector<64x1xf32>
    %dot_general3A_92 = tpu.matmul %convert_element_type3A_86, %broadcast_in_dim3A_63, %dot_general3A_91 {dimension_numbers = #tpu.dot_dimension_numbers<[0], [0], [1], [1], [0, 1, 1, 1], [], []>, transpose_lhs_hint = false} : vector<625x64xf32>, vector<625x1xf32>, vector<64x1xf32> -> vector<64x1xf32>
    %add3A_93 = arith.addf %add3A_80, %dot_general3A_92 : vector<64x1xf32>
    %slice3A_94 = vector.extract_strided_slice %get3A_61 {offsets = [0, 2], sizes = [625, 1], strides = [1, 1]} : vector<625x16xi32> to vector<625x1xi32>
    %eq3A_95 = vector.broadcast %slice3A_94 : vector<625x1xi32> to vector<625x64xi32>
    %eq3A_96 = vector.broadcast %iota3A_62 : vector<1x64xi32> to vector<625x64xi32>
    %eq3A_97 = arith.cmpi eq, %eq3A_95, %eq3A_96 : vector<625x64xi32>
    %convert_element_type3A_98 = arith.extui %eq3A_97 : vector<625x64xi1> to vector<625x64xi32>
    %convert_element_type3A_99 = arith.sitofp %convert_element_type3A_98 : vector<625x64xi32> to vector<625x64xf32>
    %slice3A_100 = vector.extract_strided_slice %tanh3A {offsets = [0, 16], sizes = [625, 8], strides = [1, 1]} : vector<625x128xf32> to vector<625x8xf32>
    %dot_general3A_101 = arith.constant dense<0.000000e+00> : vector<64x8xf32>
    %dot_general3A_102 = tpu.matmul %convert_element_type3A_99, %slice3A_100, %dot_general3A_101 {dimension_numbers = #tpu.dot_dimension_numbers<[0], [0], [1], [1], [0, 1, 1, 1], [], []>, transpose_lhs_hint = false} : vector<625x64xf32>, vector<625x8xf32>, vector<64x8xf32> -> vector<64x8xf32>
    %add3A_103 = arith.addf %add3A_90, %dot_general3A_102 : vector<64x8xf32>
    %dot_general3A_104 = arith.constant dense<0.000000e+00> : vector<64x1xf32>
    %dot_general3A_105 = tpu.matmul %convert_element_type3A_99, %broadcast_in_dim3A_63, %dot_general3A_104 {dimension_numbers = #tpu.dot_dimension_numbers<[0], [0], [1], [1], [0, 1, 1, 1], [], []>, transpose_lhs_hint = false} : vector<625x64xf32>, vector<625x1xf32>, vector<64x1xf32> -> vector<64x1xf32>
    %add3A_106 = arith.addf %add3A_93, %dot_general3A_105 : vector<64x1xf32>
    %slice3A_107 = vector.extract_strided_slice %get3A_61 {offsets = [0, 3], sizes = [625, 1], strides = [1, 1]} : vector<625x16xi32> to vector<625x1xi32>
    %eq3A_108 = vector.broadcast %slice3A_107 : vector<625x1xi32> to vector<625x64xi32>
    %eq3A_109 = vector.broadcast %iota3A_62 : vector<1x64xi32> to vector<625x64xi32>
    %eq3A_110 = arith.cmpi eq, %eq3A_108, %eq3A_109 : vector<625x64xi32>
    %convert_element_type3A_111 = arith.extui %eq3A_110 : vector<625x64xi1> to vector<625x64xi32>
    %convert_element_type3A_112 = arith.sitofp %convert_element_type3A_111 : vector<625x64xi32> to vector<625x64xf32>
    %slice3A_113 = vector.extract_strided_slice %tanh3A {offsets = [0, 24], sizes = [625, 8], strides = [1, 1]} : vector<625x128xf32> to vector<625x8xf32>
    %dot_general3A_114 = arith.constant dense<0.000000e+00> : vector<64x8xf32>
    %dot_general3A_115 = tpu.matmul %convert_element_type3A_112, %slice3A_113, %dot_general3A_114 {dimension_numbers = #tpu.dot_dimension_numbers<[0], [0], [1], [1], [0, 1, 1, 1], [], []>, transpose_lhs_hint = false} : vector<625x64xf32>, vector<625x8xf32>, vector<64x8xf32> -> vector<64x8xf32>
    %add3A_116 = arith.addf %add3A_103, %dot_general3A_115 : vector<64x8xf32>
    %dot_general3A_117 = arith.constant dense<0.000000e+00> : vector<64x1xf32>
    %dot_general3A_118 = tpu.matmul %convert_element_type3A_112, %broadcast_in_dim3A_63, %dot_general3A_117 {dimension_numbers = #tpu.dot_dimension_numbers<[0], [0], [1], [1], [0, 1, 1, 1], [], []>, transpose_lhs_hint = false} : vector<625x64xf32>, vector<625x1xf32>, vector<64x1xf32> -> vector<64x1xf32>
    %add3A_119 = arith.addf %add3A_106, %dot_general3A_118 : vector<64x1xf32>
    %slice3A_120 = vector.extract_strided_slice %get3A_61 {offsets = [0, 4], sizes = [625, 1], strides = [1, 1]} : vector<625x16xi32> to vector<625x1xi32>
    %eq3A_121 = vector.broadcast %slice3A_120 : vector<625x1xi32> to vector<625x64xi32>
    %eq3A_122 = vector.broadcast %iota3A_62 : vector<1x64xi32> to vector<625x64xi32>
    %eq3A_123 = arith.cmpi eq, %eq3A_121, %eq3A_122 : vector<625x64xi32>
    %convert_element_type3A_124 = arith.extui %eq3A_123 : vector<625x64xi1> to vector<625x64xi32>
    %convert_element_type3A_125 = arith.sitofp %convert_element_type3A_124 : vector<625x64xi32> to vector<625x64xf32>
    %slice3A_126 = vector.extract_strided_slice %tanh3A {offsets = [0, 32], sizes = [625, 8], strides = [1, 1]} : vector<625x128xf32> to vector<625x8xf32>
    %dot_general3A_127 = arith.constant dense<0.000000e+00> : vector<64x8xf32>
    %dot_general3A_128 = tpu.matmul %convert_element_type3A_125, %slice3A_126, %dot_general3A_127 {dimension_numbers = #tpu.dot_dimension_numbers<[0], [0], [1], [1], [0, 1, 1, 1], [], []>, transpose_lhs_hint = false} : vector<625x64xf32>, vector<625x8xf32>, vector<64x8xf32> -> vector<64x8xf32>
    %add3A_129 = arith.addf %add3A_116, %dot_general3A_128 : vector<64x8xf32>
    %dot_general3A_130 = arith.constant dense<0.000000e+00> : vector<64x1xf32>
    %dot_general3A_131 = tpu.matmul %convert_element_type3A_125, %broadcast_in_dim3A_63, %dot_general3A_130 {dimension_numbers = #tpu.dot_dimension_numbers<[0], [0], [1], [1], [0, 1, 1, 1], [], []>, transpose_lhs_hint = false} : vector<625x64xf32>, vector<625x1xf32>, vector<64x1xf32> -> vector<64x1xf32>
    %add3A_132 = arith.addf %add3A_119, %dot_general3A_131 : vector<64x1xf32>
    %slice3A_133 = vector.extract_strided_slice %get3A_61 {offsets = [0, 5], sizes = [625, 1], strides = [1, 1]} : vector<625x16xi32> to vector<625x1xi32>
    %eq3A_134 = vector.broadcast %slice3A_133 : vector<625x1xi32> to vector<625x64xi32>
    %eq3A_135 = vector.broadcast %iota3A_62 : vector<1x64xi32> to vector<625x64xi32>
    %eq3A_136 = arith.cmpi eq, %eq3A_134, %eq3A_135 : vector<625x64xi32>
    %convert_element_type3A_137 = arith.extui %eq3A_136 : vector<625x64xi1> to vector<625x64xi32>
    %convert_element_type3A_138 = arith.sitofp %convert_element_type3A_137 : vector<625x64xi32> to vector<625x64xf32>
    %slice3A_139 = vector.extract_strided_slice %tanh3A {offsets = [0, 40], sizes = [625, 8], strides = [1, 1]} : vector<625x128xf32> to vector<625x8xf32>
    %dot_general3A_140 = arith.constant dense<0.000000e+00> : vector<64x8xf32>
    %dot_general3A_141 = tpu.matmul %convert_element_type3A_138, %slice3A_139, %dot_general3A_140 {dimension_numbers = #tpu.dot_dimension_numbers<[0], [0], [1], [1], [0, 1, 1, 1], [], []>, transpose_lhs_hint = false} : vector<625x64xf32>, vector<625x8xf32>, vector<64x8xf32> -> vector<64x8xf32>
    %add3A_142 = arith.addf %add3A_129, %dot_general3A_141 : vector<64x8xf32>
    %dot_general3A_143 = arith.constant dense<0.000000e+00> : vector<64x1xf32>
    %dot_general3A_144 = tpu.matmul %convert_element_type3A_138, %broadcast_in_dim3A_63, %dot_general3A_143 {dimension_numbers = #tpu.dot_dimension_numbers<[0], [0], [1], [1], [0, 1, 1, 1], [], []>, transpose_lhs_hint = false} : vector<625x64xf32>, vector<625x1xf32>, vector<64x1xf32> -> vector<64x1xf32>
    %add3A_145 = arith.addf %add3A_132, %dot_general3A_144 : vector<64x1xf32>
    %slice3A_146 = vector.extract_strided_slice %get3A_61 {offsets = [0, 6], sizes = [625, 1], strides = [1, 1]} : vector<625x16xi32> to vector<625x1xi32>
    %eq3A_147 = vector.broadcast %slice3A_146 : vector<625x1xi32> to vector<625x64xi32>
    %eq3A_148 = vector.broadcast %iota3A_62 : vector<1x64xi32> to vector<625x64xi32>
    %eq3A_149 = arith.cmpi eq, %eq3A_147, %eq3A_148 : vector<625x64xi32>
    %convert_element_type3A_150 = arith.extui %eq3A_149 : vector<625x64xi1> to vector<625x64xi32>
    %convert_element_type3A_151 = arith.sitofp %convert_element_type3A_150 : vector<625x64xi32> to vector<625x64xf32>
    %slice3A_152 = vector.extract_strided_slice %tanh3A {offsets = [0, 48], sizes = [625, 8], strides = [1, 1]} : vector<625x128xf32> to vector<625x8xf32>
    %dot_general3A_153 = arith.constant dense<0.000000e+00> : vector<64x8xf32>
    %dot_general3A_154 = tpu.matmul %convert_element_type3A_151, %slice3A_152, %dot_general3A_153 {dimension_numbers = #tpu.dot_dimension_numbers<[0], [0], [1], [1], [0, 1, 1, 1], [], []>, transpose_lhs_hint = false} : vector<625x64xf32>, vector<625x8xf32>, vector<64x8xf32> -> vector<64x8xf32>
    %add3A_155 = arith.addf %add3A_142, %dot_general3A_154 : vector<64x8xf32>
    %dot_general3A_156 = arith.constant dense<0.000000e+00> : vector<64x1xf32>
    %dot_general3A_157 = tpu.matmul %convert_element_type3A_151, %broadcast_in_dim3A_63, %dot_general3A_156 {dimension_numbers = #tpu.dot_dimension_numbers<[0], [0], [1], [1], [0, 1, 1, 1], [], []>, transpose_lhs_hint = false} : vector<625x64xf32>, vector<625x1xf32>, vector<64x1xf32> -> vector<64x1xf32>
    %add3A_158 = arith.addf %add3A_145, %dot_general3A_157 : vector<64x1xf32>
    %slice3A_159 = vector.extract_strided_slice %get3A_61 {offsets = [0, 7], sizes = [625, 1], strides = [1, 1]} : vector<625x16xi32> to vector<625x1xi32>
    %eq3A_160 = vector.broadcast %slice3A_159 : vector<625x1xi32> to vector<625x64xi32>
    %eq3A_161 = vector.broadcast %iota3A_62 : vector<1x64xi32> to vector<625x64xi32>
    %eq3A_162 = arith.cmpi eq, %eq3A_160, %eq3A_161 : vector<625x64xi32>
    %convert_element_type3A_163 = arith.extui %eq3A_162 : vector<625x64xi1> to vector<625x64xi32>
    %convert_element_type3A_164 = arith.sitofp %convert_element_type3A_163 : vector<625x64xi32> to vector<625x64xf32>
    %slice3A_165 = vector.extract_strided_slice %tanh3A {offsets = [0, 56], sizes = [625, 8], strides = [1, 1]} : vector<625x128xf32> to vector<625x8xf32>
    %dot_general3A_166 = arith.constant dense<0.000000e+00> : vector<64x8xf32>
    %dot_general3A_167 = tpu.matmul %convert_element_type3A_164, %slice3A_165, %dot_general3A_166 {dimension_numbers = #tpu.dot_dimension_numbers<[0], [0], [1], [1], [0, 1, 1, 1], [], []>, transpose_lhs_hint = false} : vector<625x64xf32>, vector<625x8xf32>, vector<64x8xf32> -> vector<64x8xf32>
    %add3A_168 = arith.addf %add3A_155, %dot_general3A_167 : vector<64x8xf32>
    %dot_general3A_169 = arith.constant dense<0.000000e+00> : vector<64x1xf32>
    %dot_general3A_170 = tpu.matmul %convert_element_type3A_164, %broadcast_in_dim3A_63, %dot_general3A_169 {dimension_numbers = #tpu.dot_dimension_numbers<[0], [0], [1], [1], [0, 1, 1, 1], [], []>, transpose_lhs_hint = false} : vector<625x64xf32>, vector<625x1xf32>, vector<64x1xf32> -> vector<64x1xf32>
    %add3A_171 = arith.addf %add3A_158, %dot_general3A_170 : vector<64x1xf32>
    %slice3A_172 = vector.extract_strided_slice %get3A_61 {offsets = [0, 8], sizes = [625, 1], strides = [1, 1]} : vector<625x16xi32> to vector<625x1xi32>
    %eq3A_173 = vector.broadcast %slice3A_172 : vector<625x1xi32> to vector<625x64xi32>
    %eq3A_174 = vector.broadcast %iota3A_62 : vector<1x64xi32> to vector<625x64xi32>
    %eq3A_175 = arith.cmpi eq, %eq3A_173, %eq3A_174 : vector<625x64xi32>
    %convert_element_type3A_176 = arith.extui %eq3A_175 : vector<625x64xi1> to vector<625x64xi32>
    %convert_element_type3A_177 = arith.sitofp %convert_element_type3A_176 : vector<625x64xi32> to vector<625x64xf32>
    %slice3A_178 = vector.extract_strided_slice %tanh3A {offsets = [0, 64], sizes = [625, 8], strides = [1, 1]} : vector<625x128xf32> to vector<625x8xf32>
    %dot_general3A_179 = arith.constant dense<0.000000e+00> : vector<64x8xf32>
    %dot_general3A_180 = tpu.matmul %convert_element_type3A_177, %slice3A_178, %dot_general3A_179 {dimension_numbers = #tpu.dot_dimension_numbers<[0], [0], [1], [1], [0, 1, 1, 1], [], []>, transpose_lhs_hint = false} : vector<625x64xf32>, vector<625x8xf32>, vector<64x8xf32> -> vector<64x8xf32>
    %add3A_181 = arith.addf %add3A_168, %dot_general3A_180 : vector<64x8xf32>
    %dot_general3A_182 = arith.constant dense<0.000000e+00> : vector<64x1xf32>
    %dot_general3A_183 = tpu.matmul %convert_element_type3A_177, %broadcast_in_dim3A_63, %dot_general3A_182 {dimension_numbers = #tpu.dot_dimension_numbers<[0], [0], [1], [1], [0, 1, 1, 1], [], []>, transpose_lhs_hint = false} : vector<625x64xf32>, vector<625x1xf32>, vector<64x1xf32> -> vector<64x1xf32>
    %add3A_184 = arith.addf %add3A_171, %dot_general3A_183 : vector<64x1xf32>
    %slice3A_185 = vector.extract_strided_slice %get3A_61 {offsets = [0, 9], sizes = [625, 1], strides = [1, 1]} : vector<625x16xi32> to vector<625x1xi32>
    %eq3A_186 = vector.broadcast %slice3A_185 : vector<625x1xi32> to vector<625x64xi32>
    %eq3A_187 = vector.broadcast %iota3A_62 : vector<1x64xi32> to vector<625x64xi32>
    %eq3A_188 = arith.cmpi eq, %eq3A_186, %eq3A_187 : vector<625x64xi32>
    %convert_element_type3A_189 = arith.extui %eq3A_188 : vector<625x64xi1> to vector<625x64xi32>
    %convert_element_type3A_190 = arith.sitofp %convert_element_type3A_189 : vector<625x64xi32> to vector<625x64xf32>
    %slice3A_191 = vector.extract_strided_slice %tanh3A {offsets = [0, 72], sizes = [625, 8], strides = [1, 1]} : vector<625x128xf32> to vector<625x8xf32>
    %dot_general3A_192 = arith.constant dense<0.000000e+00> : vector<64x8xf32>
    %dot_general3A_193 = tpu.matmul %convert_element_type3A_190, %slice3A_191, %dot_general3A_192 {dimension_numbers = #tpu.dot_dimension_numbers<[0], [0], [1], [1], [0, 1, 1, 1], [], []>, transpose_lhs_hint = false} : vector<625x64xf32>, vector<625x8xf32>, vector<64x8xf32> -> vector<64x8xf32>
    %add3A_194 = arith.addf %add3A_181, %dot_general3A_193 : vector<64x8xf32>
    %dot_general3A_195 = arith.constant dense<0.000000e+00> : vector<64x1xf32>
    %dot_general3A_196 = tpu.matmul %convert_element_type3A_190, %broadcast_in_dim3A_63, %dot_general3A_195 {dimension_numbers = #tpu.dot_dimension_numbers<[0], [0], [1], [1], [0, 1, 1, 1], [], []>, transpose_lhs_hint = false} : vector<625x64xf32>, vector<625x1xf32>, vector<64x1xf32> -> vector<64x1xf32>
    %add3A_197 = arith.addf %add3A_184, %dot_general3A_196 : vector<64x1xf32>
    %slice3A_198 = vector.extract_strided_slice %get3A_61 {offsets = [0, 10], sizes = [625, 1], strides = [1, 1]} : vector<625x16xi32> to vector<625x1xi32>
    %eq3A_199 = vector.broadcast %slice3A_198 : vector<625x1xi32> to vector<625x64xi32>
    %eq3A_200 = vector.broadcast %iota3A_62 : vector<1x64xi32> to vector<625x64xi32>
    %eq3A_201 = arith.cmpi eq, %eq3A_199, %eq3A_200 : vector<625x64xi32>
    %convert_element_type3A_202 = arith.extui %eq3A_201 : vector<625x64xi1> to vector<625x64xi32>
    %convert_element_type3A_203 = arith.sitofp %convert_element_type3A_202 : vector<625x64xi32> to vector<625x64xf32>
    %slice3A_204 = vector.extract_strided_slice %tanh3A {offsets = [0, 80], sizes = [625, 8], strides = [1, 1]} : vector<625x128xf32> to vector<625x8xf32>
    %dot_general3A_205 = arith.constant dense<0.000000e+00> : vector<64x8xf32>
    %dot_general3A_206 = tpu.matmul %convert_element_type3A_203, %slice3A_204, %dot_general3A_205 {dimension_numbers = #tpu.dot_dimension_numbers<[0], [0], [1], [1], [0, 1, 1, 1], [], []>, transpose_lhs_hint = false} : vector<625x64xf32>, vector<625x8xf32>, vector<64x8xf32> -> vector<64x8xf32>
    %add3A_207 = arith.addf %add3A_194, %dot_general3A_206 : vector<64x8xf32>
    %dot_general3A_208 = arith.constant dense<0.000000e+00> : vector<64x1xf32>
    %dot_general3A_209 = tpu.matmul %convert_element_type3A_203, %broadcast_in_dim3A_63, %dot_general3A_208 {dimension_numbers = #tpu.dot_dimension_numbers<[0], [0], [1], [1], [0, 1, 1, 1], [], []>, transpose_lhs_hint = false} : vector<625x64xf32>, vector<625x1xf32>, vector<64x1xf32> -> vector<64x1xf32>
    %add3A_210 = arith.addf %add3A_197, %dot_general3A_209 : vector<64x1xf32>
    %slice3A_211 = vector.extract_strided_slice %get3A_61 {offsets = [0, 11], sizes = [625, 1], strides = [1, 1]} : vector<625x16xi32> to vector<625x1xi32>
    %eq3A_212 = vector.broadcast %slice3A_211 : vector<625x1xi32> to vector<625x64xi32>
    %eq3A_213 = vector.broadcast %iota3A_62 : vector<1x64xi32> to vector<625x64xi32>
    %eq3A_214 = arith.cmpi eq, %eq3A_212, %eq3A_213 : vector<625x64xi32>
    %convert_element_type3A_215 = arith.extui %eq3A_214 : vector<625x64xi1> to vector<625x64xi32>
    %convert_element_type3A_216 = arith.sitofp %convert_element_type3A_215 : vector<625x64xi32> to vector<625x64xf32>
    %slice3A_217 = vector.extract_strided_slice %tanh3A {offsets = [0, 88], sizes = [625, 8], strides = [1, 1]} : vector<625x128xf32> to vector<625x8xf32>
    %dot_general3A_218 = arith.constant dense<0.000000e+00> : vector<64x8xf32>
    %dot_general3A_219 = tpu.matmul %convert_element_type3A_216, %slice3A_217, %dot_general3A_218 {dimension_numbers = #tpu.dot_dimension_numbers<[0], [0], [1], [1], [0, 1, 1, 1], [], []>, transpose_lhs_hint = false} : vector<625x64xf32>, vector<625x8xf32>, vector<64x8xf32> -> vector<64x8xf32>
    %add3A_220 = arith.addf %add3A_207, %dot_general3A_219 : vector<64x8xf32>
    %dot_general3A_221 = arith.constant dense<0.000000e+00> : vector<64x1xf32>
    %dot_general3A_222 = tpu.matmul %convert_element_type3A_216, %broadcast_in_dim3A_63, %dot_general3A_221 {dimension_numbers = #tpu.dot_dimension_numbers<[0], [0], [1], [1], [0, 1, 1, 1], [], []>, transpose_lhs_hint = false} : vector<625x64xf32>, vector<625x1xf32>, vector<64x1xf32> -> vector<64x1xf32>
    %add3A_223 = arith.addf %add3A_210, %dot_general3A_222 : vector<64x1xf32>
    %slice3A_224 = vector.extract_strided_slice %get3A_61 {offsets = [0, 12], sizes = [625, 1], strides = [1, 1]} : vector<625x16xi32> to vector<625x1xi32>
    %eq3A_225 = vector.broadcast %slice3A_224 : vector<625x1xi32> to vector<625x64xi32>
    %eq3A_226 = vector.broadcast %iota3A_62 : vector<1x64xi32> to vector<625x64xi32>
    %eq3A_227 = arith.cmpi eq, %eq3A_225, %eq3A_226 : vector<625x64xi32>
    %convert_element_type3A_228 = arith.extui %eq3A_227 : vector<625x64xi1> to vector<625x64xi32>
    %convert_element_type3A_229 = arith.sitofp %convert_element_type3A_228 : vector<625x64xi32> to vector<625x64xf32>
    %slice3A_230 = vector.extract_strided_slice %tanh3A {offsets = [0, 96], sizes = [625, 8], strides = [1, 1]} : vector<625x128xf32> to vector<625x8xf32>
    %dot_general3A_231 = arith.constant dense<0.000000e+00> : vector<64x8xf32>
    %dot_general3A_232 = tpu.matmul %convert_element_type3A_229, %slice3A_230, %dot_general3A_231 {dimension_numbers = #tpu.dot_dimension_numbers<[0], [0], [1], [1], [0, 1, 1, 1], [], []>, transpose_lhs_hint = false} : vector<625x64xf32>, vector<625x8xf32>, vector<64x8xf32> -> vector<64x8xf32>
    %add3A_233 = arith.addf %add3A_220, %dot_general3A_232 : vector<64x8xf32>
    %dot_general3A_234 = arith.constant dense<0.000000e+00> : vector<64x1xf32>
    %dot_general3A_235 = tpu.matmul %convert_element_type3A_229, %broadcast_in_dim3A_63, %dot_general3A_234 {dimension_numbers = #tpu.dot_dimension_numbers<[0], [0], [1], [1], [0, 1, 1, 1], [], []>, transpose_lhs_hint = false} : vector<625x64xf32>, vector<625x1xf32>, vector<64x1xf32> -> vector<64x1xf32>
    %add3A_236 = arith.addf %add3A_223, %dot_general3A_235 : vector<64x1xf32>
    %slice3A_237 = vector.extract_strided_slice %get3A_61 {offsets = [0, 13], sizes = [625, 1], strides = [1, 1]} : vector<625x16xi32> to vector<625x1xi32>
    %eq3A_238 = vector.broadcast %slice3A_237 : vector<625x1xi32> to vector<625x64xi32>
    %eq3A_239 = vector.broadcast %iota3A_62 : vector<1x64xi32> to vector<625x64xi32>
    %eq3A_240 = arith.cmpi eq, %eq3A_238, %eq3A_239 : vector<625x64xi32>
    %convert_element_type3A_241 = arith.extui %eq3A_240 : vector<625x64xi1> to vector<625x64xi32>
    %convert_element_type3A_242 = arith.sitofp %convert_element_type3A_241 : vector<625x64xi32> to vector<625x64xf32>
    %slice3A_243 = vector.extract_strided_slice %tanh3A {offsets = [0, 104], sizes = [625, 8], strides = [1, 1]} : vector<625x128xf32> to vector<625x8xf32>
    %dot_general3A_244 = arith.constant dense<0.000000e+00> : vector<64x8xf32>
    %dot_general3A_245 = tpu.matmul %convert_element_type3A_242, %slice3A_243, %dot_general3A_244 {dimension_numbers = #tpu.dot_dimension_numbers<[0], [0], [1], [1], [0, 1, 1, 1], [], []>, transpose_lhs_hint = false} : vector<625x64xf32>, vector<625x8xf32>, vector<64x8xf32> -> vector<64x8xf32>
    %add3A_246 = arith.addf %add3A_233, %dot_general3A_245 : vector<64x8xf32>
    %dot_general3A_247 = arith.constant dense<0.000000e+00> : vector<64x1xf32>
    %dot_general3A_248 = tpu.matmul %convert_element_type3A_242, %broadcast_in_dim3A_63, %dot_general3A_247 {dimension_numbers = #tpu.dot_dimension_numbers<[0], [0], [1], [1], [0, 1, 1, 1], [], []>, transpose_lhs_hint = false} : vector<625x64xf32>, vector<625x1xf32>, vector<64x1xf32> -> vector<64x1xf32>
    %add3A_249 = arith.addf %add3A_236, %dot_general3A_248 : vector<64x1xf32>
    %slice3A_250 = vector.extract_strided_slice %get3A_61 {offsets = [0, 14], sizes = [625, 1], strides = [1, 1]} : vector<625x16xi32> to vector<625x1xi32>
    %eq3A_251 = vector.broadcast %slice3A_250 : vector<625x1xi32> to vector<625x64xi32>
    %eq3A_252 = vector.broadcast %iota3A_62 : vector<1x64xi32> to vector<625x64xi32>
    %eq3A_253 = arith.cmpi eq, %eq3A_251, %eq3A_252 : vector<625x64xi32>
    %convert_element_type3A_254 = arith.extui %eq3A_253 : vector<625x64xi1> to vector<625x64xi32>
    %convert_element_type3A_255 = arith.sitofp %convert_element_type3A_254 : vector<625x64xi32> to vector<625x64xf32>
    %slice3A_256 = vector.extract_strided_slice %tanh3A {offsets = [0, 112], sizes = [625, 8], strides = [1, 1]} : vector<625x128xf32> to vector<625x8xf32>
    %dot_general3A_257 = arith.constant dense<0.000000e+00> : vector<64x8xf32>
    %dot_general3A_258 = tpu.matmul %convert_element_type3A_255, %slice3A_256, %dot_general3A_257 {dimension_numbers = #tpu.dot_dimension_numbers<[0], [0], [1], [1], [0, 1, 1, 1], [], []>, transpose_lhs_hint = false} : vector<625x64xf32>, vector<625x8xf32>, vector<64x8xf32> -> vector<64x8xf32>
    %add3A_259 = arith.addf %add3A_246, %dot_general3A_258 : vector<64x8xf32>
    %dot_general3A_260 = arith.constant dense<0.000000e+00> : vector<64x1xf32>
    %dot_general3A_261 = tpu.matmul %convert_element_type3A_255, %broadcast_in_dim3A_63, %dot_general3A_260 {dimension_numbers = #tpu.dot_dimension_numbers<[0], [0], [1], [1], [0, 1, 1, 1], [], []>, transpose_lhs_hint = false} : vector<625x64xf32>, vector<625x1xf32>, vector<64x1xf32> -> vector<64x1xf32>
    %add3A_262 = arith.addf %add3A_249, %dot_general3A_261 : vector<64x1xf32>
    %slice3A_263 = vector.extract_strided_slice %get3A_61 {offsets = [0, 15], sizes = [625, 1], strides = [1, 1]} : vector<625x16xi32> to vector<625x1xi32>
    %eq3A_264 = vector.broadcast %slice3A_263 : vector<625x1xi32> to vector<625x64xi32>
    %eq3A_265 = vector.broadcast %iota3A_62 : vector<1x64xi32> to vector<625x64xi32>
    %eq3A_266 = arith.cmpi eq, %eq3A_264, %eq3A_265 : vector<625x64xi32>
    %convert_element_type3A_267 = arith.extui %eq3A_266 : vector<625x64xi1> to vector<625x64xi32>
    %convert_element_type3A_268 = arith.sitofp %convert_element_type3A_267 : vector<625x64xi32> to vector<625x64xf32>
    %slice3A_269 = vector.extract_strided_slice %tanh3A {offsets = [0, 120], sizes = [625, 8], strides = [1, 1]} : vector<625x128xf32> to vector<625x8xf32>
    %dot_general3A_270 = arith.constant dense<0.000000e+00> : vector<64x8xf32>
    %dot_general3A_271 = tpu.matmul %convert_element_type3A_268, %slice3A_269, %dot_general3A_270 {dimension_numbers = #tpu.dot_dimension_numbers<[0], [0], [1], [1], [0, 1, 1, 1], [], []>, transpose_lhs_hint = false} : vector<625x64xf32>, vector<625x8xf32>, vector<64x8xf32> -> vector<64x8xf32>
    %add3A_272 = arith.addf %add3A_259, %dot_general3A_271 : vector<64x8xf32>
    %dot_general3A_273 = arith.constant dense<0.000000e+00> : vector<64x1xf32>
    %dot_general3A_274 = tpu.matmul %convert_element_type3A_268, %broadcast_in_dim3A_63, %dot_general3A_273 {dimension_numbers = #tpu.dot_dimension_numbers<[0], [0], [1], [1], [0, 1, 1, 1], [], []>, transpose_lhs_hint = false} : vector<625x64xf32>, vector<625x1xf32>, vector<64x1xf32> -> vector<64x1xf32>
    %add3A_275 = arith.addf %add3A_262, %dot_general3A_274 : vector<64x1xf32>
    %max3A = arith.constant 1.000000e+00 : f32
    %max3A_276 = vector.broadcast %max3A : f32 to vector<64x1xf32>
    %max3A_277 = arith.maximumf %add3A_275, %max3A_276 : vector<64x1xf32>
    %div3A_278 = vector.broadcast %max3A_277 : vector<64x1xf32> to vector<64x8xf32>
    %div3A_279 = arith.divf %add3A_272, %div3A_278 : vector<64x8xf32>
    %neg3A = arith.constant 0.000000e+00 : f32
    %neg3A_280 = vector.broadcast %neg3A : f32 to vector<64x8xf32>
    %neg3A_281 = arith.subf %neg3A_280, %div3A_279 : vector<64x8xf32>
    %exp3A = math.exp %neg3A_281 : vector<64x8xf32>
    %add3A_282 = arith.constant 1.000000e+00 : f32
    %add3A_283 = vector.broadcast %add3A_282 : f32 to vector<64x8xf32>
    %add3A_284 = arith.addf %add3A_283, %exp3A : vector<64x8xf32>
    %div3A_285 = arith.constant 1.000000e+00 : f32
    %div3A_286 = vector.broadcast %div3A_285 : f32 to vector<64x8xf32>
    %div3A_287 = arith.divf %div3A_286, %add3A_284 : vector<64x8xf32>
    %swap3A = arith.constant 0 : index
    %swap3A_288 = arith.constant 0 : index
    %swap3A_289 = vector.load %arg5[%swap3A, %swap3A_288] : memref<64x8xf32, #tpu.memory_space<vmem>>, vector<64x8xf32>
    tpu.vector_store %arg5[%swap3A, %swap3A_288], %div3A_287 {strides = array<i32>} : memref<64x8xf32, #tpu.memory_space<vmem>>, vector<64x8xf32>,
    return
  }
}

</mosaic_0001>

<sc_bundles>
// kernel: kernel.11.cloned.1.call-start
scs
__scs_entry_jumppad:
0x0: {  	(pc) =	sbr.rel $0x88, $3  }
0x1: {  	(tag) =	ssettag $0x0;
	lr =	simm.s32 $0x1  }
0x2: {  	[smem:$0x3F9A] =	sst lr;
	_ =	strace $0xD0000000  }
0x3: {  	_ = 	snop  }
0x4: {  	_ = 	snop  }
0x5: {  	_ = 	snop  }
0x6: {  	_ = 	snop  }
0x7: {  	_ = 	snop  }
__scs_overlays_trampoline_lowered:
0x8: {  	[smem:$0x3FA9] =	sst s0  }
0x9: {  	[smem:$0x3FAA] =	sst s1  }
0xa: {  	[smem:$0x3FAB] =	sst s2  }
0xb: {  	[smem:$0x3FAC] =	sst s3  }
0xc: {  	[smem:$0x3FAD] =	sst s4  }
0xd: {  	[smem:$0x3FAE] =	sst s5  }
0xe: {  	[smem:$0x3FAF] =	sst s6  }
0xf: {  	[smem:$0x3FB0] =	sst s7  }
0x10: {  	[smem:$0x3FB1] =	sst s8  }
0x11: {  	[smem:$0x3FB2] =	sst s9;
	s0 =	simm.s32 @!p0 $0x0  }
0x12: {  	s1 =	sld [smem:$0x3F98];
	s0 =	simm.s32 @p0 $0x1  }
0x13: {  	[smem:$0x3FB3] =	sst s0;
	s0 =	simm.s32 @!p1 $0x0  }
0x14: {  	s2 =	sld [smem:$0x3F97];
	s0 =	simm.s32 @p1 $0x1  }
0x15: {  	[smem:$0x3FB4] =	sst s0;
	s0 =	simm.s32 @!p2 $0x0  }
0x16: {  	s3 =	sld [smem:$0x3FDB];
	s0 =	simm.s32 @p2 $0x1  }
0x17: {  	s4 =	simm.s32 $0x1BF5;
	[smem:$0x3FB6] =	sst s0  }
0x18: {  	s0 =	sld [smem:$0x3F99];
	_ =	swait.ge [sflag:s4], $0x0  }
0x19: {  	s7 =	sld [smem:$0x3F9A]  }
0x1a: {  	s8 =	sadd.s32 $0xFFFFE003, lr  }
0x1b: {  	s9 =	sadd.s32 $0xFFFFFEF7, lr;
	s5 =	simm.s32 $0xFFFFFFFF;
	p2 =	slt.u32 s8, $0xFFFFF086  }
0x1c: {  	p1 =	slt.u32 s9, $0xF7A;
	s5 =	simm.s32 @!p2 $0x0  }
0x1d: {  	s5 =	simm.s32 @p1 $0x1;
	p0 =	seq.s32 s7, s2  }
0x1e: {  	s7 =	smul.u32 @!p0 $0xF7A, s2;
	p2 =	seq.s32 @!p0 s5, $0x0  }
0x1f: {  	s9 =	smul.u32 $0xF7A, s1;
	s8 =	simm.s32 @!p0 $0x1BF5;
	p2 =	por !p2, p0  }
0x20: {  	[sflag:s8] =	ssyncset.s32 @!p0 $0xFFFFF086;
	s6 =	sadd.s32 @!p0 s3, s7;
	s7 =	simm.s32 @!p0 $0x108  }
0x21: {  	s3 =	sadd.s32 s3, s9;
	s6 =	sadd.s32 @!p0 $0x88, s6;
	s7 =	simm.s32 @p2 $0x1082  }
0x22: {  	[simem:s7], [sflag:s8] =	dma.local @!p0 [hbm:s6], $0xF7A  }
0x23: {  	s9 =	sor.u32 $0xD0000000, s2;
	s6 =	simm.s32 $0x108;
	_ =	swait.ge @!p0 [sflag:s8], $0x0  }
0x24: {  	s3 =	sadd.s32 $0x88, s3;
	s6 =	simm.s32 @!p1 $0x1082;
	[sflag:s4] =	ssyncset.s32 $0xFFFFF086  }
0x25: {  	[simem:s6], [sflag:s4] =	dma.local [hbm:s3], $0xF7A  }
0x26: {  	[smem:$0x3F9A] =	sst s1;
	(tag) =	ssettag s2;
	_ =	strace s9  }
0x27: {  	s1 =	sld [smem:$0x3FAA]  }
0x28: {  	s2 =	sld [smem:$0x3FAB]  }
0x29: {  	s4 =	sld [smem:$0x3FAD]  }
0x2a: {  	p0 =	seq.s32 s5, $0x0;
	s5 =	sld [smem:$0x3FAE]  }
0x2b: {  	s6 =	sld [smem:$0x3FAF]  }
0x2c: {  	s7 =	sld [smem:$0x3FB0]  }
0x2d: {  	s3 =	simm.s32 $0x108;
	s8 =	sld [smem:$0x3FB1]  }
0x2e: {  	s3 =	simm.s32 @!p0 $0x1082;
	s9 =	sld [smem:$0x3FB2]  }
0x2f: {  	lr =	sadd.s32 s0, s3;
	s0 =	sld [smem:$0x3FA9]  }
0x30: {  	s3 =	sld [smem:$0x3FAC]  }
0x31: {  	[smem:$0x3FB5] =	sst s10  }
0x32: {  	s10 =	sld [smem:$0x3FB3];
	_ =	sdelay $0x3  }
0x33: {  	p0 =	seq.s32 s10, $0x1;
	s10 =	sld [smem:$0x3FB5];
	_ =	sdelay $0x3  }
0x34: {  	[smem:$0x3FB5] =	sst s10  }
0x35: {  	s10 =	sld [smem:$0x3FB4];
	_ =	sdelay $0x3  }
0x36: {  	p1 =	seq.s32 s10, $0x1;
	s10 =	sld [smem:$0x3FB5];
	_ =	sdelay $0x3  }
0x37: {  	[smem:$0x3FB5] =	sst s10  }
0x38: {  	s10 =	sld [smem:$0x3FB6]  }
0x39: {  	_ = 	snop;
	(pc) =	sbr.ind lr, $3  }
0x3a: {  	_ = 	snop  }
0x3b: {  	_ = 	snop  }
0x3c: {  	p2 =	seq.s32 s10, $0x1;
	s10 =	sld [smem:$0x3FB5]  }
0x3d: {  	_ =	shalt  }
0x3e: {  	_ =	shalt  }
0x3f: {  	_ =	shalt  }
0x40: {  	_ =	shalt  }
0x41: {  	_ =	shalt  }
0x42: {  	_ =	shalt  }
0x43: {  	_ =	shalt  }
0x44: {  	_ =	shalt  }
0x45: {  	_ =	shalt  }
0x46: {  	_ =	shalt  }
0x47: {  	_ =	shalt  }
0x48: {  	_ =	shalt  }
0x49: {  	_ =	shalt  }
0x4a: {  	_ =	shalt  }
0x4b: {  	_ =	shalt  }
0x4c: {  	_ =	shalt  }
0x4d: {  	_ =	shalt  }
0x4e: {  	_ =	shalt  }
0x4f: {  	_ =	shalt  }
0x50: {  	_ =	shalt  }
0x51: {  	_ =	shalt  }
0x52: {  	_ =	shalt  }
0x53: {  	_ =	shalt  }
0x54: {  	_ =	shalt  }
0x55: {  	_ =	shalt  }
0x56: {  	_ =	shalt  }
0x57: {  	_ =	shalt  }
0x58: {  	_ =	shalt  }
0x59: {  	_ =	shalt  }
0x5a: {  	_ =	shalt  }
0x5b: {  	_ =	shalt  }
0x5c: {  	_ =	shalt  }
0x5d: {  	_ =	shalt  }
0x5e: {  	_ =	shalt  }
0x5f: {  	_ =	shalt  }
0x60: {  	_ =	shalt  }
0x61: {  	_ =	shalt  }
0x62: {  	_ =	shalt  }
0x63: {  	_ =	shalt  }
0x64: {  	_ =	shalt  }
0x65: {  	_ =	shalt  }
0x66: {  	_ =	shalt  }
0x67: {  	_ =	shalt  }
0x68: {  	_ =	shalt  }
0x69: {  	_ =	shalt  }
0x6a: {  	_ =	shalt  }
0x6b: {  	_ =	shalt  }
0x6c: {  	_ =	shalt  }
0x6d: {  	_ =	shalt  }
0x6e: {  	_ =	shalt  }
0x6f: {  	_ =	shalt  }
0x70: {  	_ =	shalt  }
0x71: {  	_ =	shalt  }
0x72: {  	_ =	shalt  }
0x73: {  	_ =	shalt  }
0x74: {  	_ =	shalt  }
0x75: {  	_ =	shalt  }
0x76: {  	_ =	shalt  }
0x77: {  	_ =	shalt  }
0x78: {  	_ =	shalt  }
0x79: {  	_ =	shalt  }
0x7a: {  	_ =	shalt  }
0x7b: {  	_ =	shalt  }
0x7c: {  	_ =	shalt  }
0x7d: {  	_ =	shalt  }
0x7e: {  	_ =	shalt  }
0x7f: {  	_ =	shalt  }
0x80: {  	_ =	shalt  }
0x81: {  	_ =	shalt  }
0x82: {  	_ =	shalt  }
0x83: {  	_ =	shalt  }
0x84: {  	_ =	shalt  }
0x85: {  	_ =	shalt  }
0x86: {  	_ =	shalt  }
0x87: {  	_ =	shalt  }
.Lfunc_end0:
.L_simem_size_0:
called_computation.1_lowered:
.L_overlay_start_0:
0x88: {  	s2 =	sld [smem:$0x3FD9]  }
0x89: {  	s3 =	sld [smem:$0x3FFE];
	_ =	sdelay $0x1  }
0x8a: {  	s1 =	srdreg.scid  }
0x8b: {  	s0 =	sand.u32 $0x1, s1  }
0x8c: {  	s16 =	sshll.u32 s0, $0xA;
	s2 =	sadd.s32 s3, s2  }
0x8d: {  	s2 =	sadd.s32 s2, s16  }
0x8e: {  	[smem:$0x3FC1] =	sst s2  }
0x8f: {  	_ = 	snop  }
0x90: {  	(tm) =	ssettm $0x1  }
0x91: {  	s17 =	sld [smem:$0x3FFB];
	_ =	sdelay $0x3  }
0x92: {  	_ =	strace s17  }
0x93: {  	s2 =	sld [smem:$0x3FFC];
	_ =	sdelay $0x3  }
0x94: {  	_ =	strace s2  }
0x95: {  	s2 =	sld [smem:$0x3FFD];
	_ =	sdelay $0x3  }
0x96: {  	_ =	strace s2  }
0x97: {  	_ =	strace $0x8FFFFFFF  }
0x98: {  	s18 =	sld [smem:$0x3FDB];
	_ =	sdelay $0x1  }
0x99: {  	s19 =	simm.s32 $_scs_section_size  }
0x9a: {  	s4 =	simm.s32 $_size__tile_overlayer_lowered;
	s5 =	simm.s32 $_tile_overlayer_lowered  }
0x9b: {  	s22 =	simm.s32 $0x1BFF;
	s21 =	sshll.u32 s5, $0x1;
	s2 =	sadd.s32 s19, s18  }
0x9c: {  	s6 =	simm.s32 $0x0;
	s20 =	sshll.u32 s4, $0x1;
	s4 =	sadd.s32 s21, s2  }
0x9d: {  	[timem:s6], [sflag:s22] =	dma.local [hbm:s4], s20  }
0x9e: {  	_ =	swait.ge [sflag:s22], s20  }
0x9f: {  	s3 =	ssub.s32 $0x0, s20;
	[sflag:s22] =	ssyncset.done $0x0  }
0xa0: {  	[sflag:s22] =	ssyncadd.s32 s3;
	_ =	sdelay $0x1  }
0xa1: {  	s23 =	simm.s32 $0x1B8B  }
0xa2: {  	_ =	swait.ge [sflag:s23], $0x1  }
0xa3: {  	[sflag:s23] =	ssyncset.done $0x0  }
0xa4: {  	s25 =	simm.s32 $0x1B8E;
	s24 =	sld [smem:$0x3FFE];
	[sflag:s23] =	ssyncadd.s32 $0xFFFFFFFF  }
0xa5: {  	s26 =	simm.s32 $execute0_lowered;
	[smem:$0x3FD2] =	sst s25  }
0xa6: {  	s4 =	sshll.u32 s26, $0x1;
	_ =	strace $0x80000049;
	[dreg:$0x1] =	wrdreg $0xFFFFFFFF  }
0xa7: {  	s28 =	simm.s32 $_size_execute0_lowered;
	s2 =	sadd.s32 s2, s4;
	[dreg:$0x0] =	wrdreg $0x0  }
0xa8: {  	s4 =	sshll.u32 s28, $0x1;
	[dreg:$0x2] =	wrdreg s2  }
0xa9: {  	[dreg:$0x3] =	wrdreg s4  }
0xaa: {  	[dreg:$0x4] =	wrdreg $0xC0  }
0xab: {  	_ =	task [dreg:s6], $0x5FFFF  }
0xac: {  	[dreg:$0x1] =	wrdreg $0xFFFFFFFF  }
0xad: {  	[dreg:$0x0] =	wrdreg $0x60  }
0xae: {  	[dreg:$0x2] =	wrdreg s24  }
0xaf: {  	[dreg:$0x3] =	wrdreg $0x150000  }
0xb0: {  	[dreg:$0x4] =	wrdreg $0x9  }
0xb1: {  	_ =	task.clear_ibuf [dreg:s6], $0x5FFFF;
	_ =	strace $0x90000049  }
0xb2: {  	s29 =	simm.s32 $0x9;
	_ =	strace $0x8000004B  }
0xb3: {  	_ =	swait.ge [sflag:s29], $0x1  }
0xb4: {  	[sflag:s29] =	ssyncadd.s32 $0xFFFFFFFF  }
0xb5: {  	_ =	strace $0x9000004B  }
0xb6: {  	_ =	sfence  }
0xb7: {  	s30 =	sld [smem:$0x0];
	_ =	sdelay $0x2  }
0xb8: {  	s31 =	sshll.u32 s1, $0xD;
	s1 =	sshrl.u32 s1, $0x2  }
0xb9: {  	s3 =	sand.u32 $0x4000, s31;
	s1 =	sadd.s32 s1, s30  }
0xba: {  	s0 =	sor.u32 s3, s0;
	s1 =	sshll.u32 s1, $0x11  }
0xbb: {  	s0 =	sor.u32 s1, s0  }
0xbc: {  	s0 =	sadd.s32 $0x8F2B, s0  }
0xbd: {  	[sflag:s0] =	ssyncadd.remote.s32 $0x1  }
0xbe: {  	_ =	sfence.sel $0xFFFF  }
0xbf: {  	[dreg:$0x0] =	wrdreg $0xFFFFFFFF;
	(pc) =	sbr.abs _section_cstart, $3  }
0xc0: {  	[dreg:$0x1] =	wrdreg $0xFFFFFFFF  }
0xc1: {  	_ =	task.clear_ibuf [dreg:s6], $0x2FFFF;
	_ =	strace $0x9FFFFFFF  }
0xc2: {  	(tm) =	ssettm $0x7FFFFFFF  }
0xc3: {  	_ =	shalt  }
tec
execute0_lowered:
.L_overlay_start_1:
0x0: {  	(tag) =	ssettag $0x1  }
0x1: {  	s0 =	srdreg.scid  }
0x2: {  	s25 =	stileid.u32;
	s5 =	rddreg [dreg:$0x0]  }
0x3: {  	s14 =	simm.s32 $0x5000;
	s15 =	simm.s32 $0x3;
	s17 =	simm.s32 $0x80  }
0x4: {  	s18 =	simm.s32 $0x7000;
	s20 =	simm.s32 $0x9000;
	s22 =	simm.s32 $0xB000  }
0x5: {  	s24 =	simm.s32 $0xD000;
	s28 =	simm.s32 $0x300;
	s29 =	simm.s32 $0x11000  }
0x6: {  	s30 =	simm.s32 $0x380;
	s31 =	simm.s32 $0x13000;
	s6 =	smul.u32 $0xA000, s25  }
0x7: {  	s16 =	simm.s32 $0x2;
	s1 =	sand.u32 $0x1, s0;
	s8 =	smul.u32 $0x28000, s25  }
0x8: {  	s19 =	simm.s32 $0x0;
	s2 =	sshll.u32 s1, $0x4;
	s7 =	smul.u32 $0xA0000, s1  }
0x9: {  	s1 =	ssub.s32 $0x2, s1;
	s3 =	sor.u32 s25, s2;
	s2 =	rddreg [dreg:$0x1]  }
0xa: {  	s8 =	sshrl.u32 s8, $0x2;
	s26 =	sshrl.u32 s1, $0x1;
	s4 =	smul.u32 $0x500, s3  }
0xb: {  	s3 =	simm.s32 $0x0;
	s7 =	sadd.s32 s6, s7;
	s9 =	sadd.s32 s8, s2  }
0xc: {  	s1 =	ssub.s32 s1, s26;
	s26 =	simm.s32 $0xF000;
	[smem:$0x7FF] =	sst s3  }
0xd: {  	s7 =	sshrl.u32 s7, $0x3;
	s8 =	sadd.s32 $0x6000, s9;
	s13 =	smax.u32 s1, $0x1  }
0xe: {  	s1 =	simm.s32 $0x1;
	_ =	strace $0x8000004A;
	s11 =	sadd.s32 s4, s5  }
0xf: {  	s4 =	sadd.s32 $0x16C00, s5;
	s12 =	sadd.s32 s7, s5;
	s5 =	sadd.s32 s6, s2  }
0x10: {  	s6 =	sadd.s32 $0x2000, s9;
	s7 =	sadd.s32 $0x4000, s9;
	s9 =	sadd.s32 $0x8000, s9  }
0x11: {  	v0 =	vimm.f32 $0.0e+00;
	s10 =	sadd.s32 $0x2200, s11;
	s11 =	sadd.s32 $0xC200, s11;
	s12 =	sadd.s32 $0x2A600, s12  }
.LBB2_1:
0x12: {  	s23 =	simm.s32 $0x100;
	s21 =	simm.s32 $0x0  }
.LBB2_2:
0x13: {  	p0 =	sne.s32 s23, $0x7F00;
	[tilespmem:s21+$0x5030] =	vst v0;
	s25 =	smov.u32 s23;
	s23 =	sadd.s32 $0x100, s23  }
.Ltmp0:
0x14: {  	[tilespmem:s21+$0x5020] =	vst v0;
	(pc) =	sbr.rel @p0 .LBB2_2-.Ltmp0, $3  }
0x15: {  	[tilespmem:s21+$0x5000] =	vst v0  }
0x16: {  	[tilespmem:s21+$0x5010] =	vst v0;
	_ =	sdelay $0x1  }
0x17: {  	s21 =	sshra.s32 s25, $0x2  }
0x18: {  	[tilespmem:s21+$0x5030] =	vst v0  }
0x19: {  	[tilespmem:s21+$0x5020] =	vst v0  }
0x1a: {  	[tilespmem:s21+$0x5000] =	vst v0  }
0x1b: {  	[tilespmem:s21+$0x5010] =	vst v0  }
0x1c: {  	[spmem:s5] =	stream.linear.scatter [tilespmem:s14], [sflag:$0x3], $0x2000, $0x38;
	[tilespmem:$0x1F000] =	vst v63  }
0x1d: {  	_ =	swait.ge [sflag:s15], $0x2000  }
0x1e: {  	[sflag:s15] =	ssyncset.done $0x0  }
0x1f: {  	[sflag:s15] =	ssyncadd.s32 $0xFFFFE000  }
0x20: {  	[spmem:s6] =	stream.linear.scatter [tilespmem:s14], [sflag:$0x3], $0x2000, $0x38;
	[tilespmem:$0x1F000] =	vst v63  }
0x21: {  	_ =	swait.ge [sflag:s15], $0x2000  }
0x22: {  	[sflag:s15] =	ssyncset.done $0x0  }
0x23: {  	[sflag:s15] =	ssyncadd.s32 $0xFFFFE000  }
0x24: {  	[spmem:s7] =	stream.linear.scatter [tilespmem:s14], [sflag:$0x3], $0x2000, $0x38;
	[tilespmem:$0x1F000] =	vst v63  }
0x25: {  	_ =	swait.ge [sflag:s15], $0x2000  }
0x26: {  	[sflag:s15] =	ssyncset.done $0x0  }
0x27: {  	[sflag:s15] =	ssyncadd.s32 $0xFFFFE000  }
0x28: {  	[spmem:s8] =	stream.linear.scatter [tilespmem:s14], [sflag:$0x3], $0x2000, $0x38;
	[tilespmem:$0x1F000] =	vst v63  }
0x29: {  	_ =	swait.ge [sflag:s15], $0x2000  }
0x2a: {  	[sflag:s15] =	ssyncset.done $0x0  }
0x2b: {  	[sflag:s15] =	ssyncadd.s32 $0xFFFFE000  }
0x2c: {  	[spmem:s9] =	stream.linear.scatter [tilespmem:s14], [sflag:$0x3], $0x2000, $0x38;
	[tilespmem:$0x1F000] =	vst v63  }
0x2d: {  	_ =	swait.ge [sflag:s15], $0x2000  }
0x2e: {  	[sflag:s15] =	ssyncset.done $0x0  }
0x2f: {  	[sflag:s15] =	ssyncadd.s32 $0xFFFFE000  }
0x30: {  	[tilespmem:s3], [sflag:$0x3] =	stream.linear.gather [hbm4b:s10+s3], $0x2800, $0x38;
	[tilespmem:$0x1F000] =	vst v63  }
0x31: {  	_ =	swait.ge [sflag:s15], $0x2800  }
0x32: {  	[sflag:s15] =	ssyncset.done $0x0  }
0x33: {  	s0 =	simm.s32 $0x2800;
	[sflag:s15] =	ssyncadd.s32 $0xFFFFD800  }
0x34: {  	[tilespmem:s0], [sflag:$0x3] =	stream.linear.gather [hbm4b:s11+s3], $0x2800, $0x38;
	[tilespmem:$0x1F000] =	vst v63  }
0x35: {  	_ =	swait.ge [sflag:s15], $0x2800  }
0x36: {  	[sflag:s15] =	ssyncset.done $0x0  }
0x37: {  	[sflag:s15] =	ssyncadd.s32 $0xFFFFD800  }
0x38: {  	[tilespmem:s14], [sflag:$0x1] =	stream.indirect.gather [hbm4b:s4+s17], $0x40, s3, s17, $0xb8;
	[tilespmem:$0x1F000] =	vst v63  }
0x39: {  	_ = 	snop  }
0x3a: {  	[tilespmem:s18], [sflag:$0x1] =	stream.indirect.gather [hbm4b:s4+s17], $0x40, s17, s17, $0xb8;
	[tilespmem:$0x1F000] =	vst v63  }
0x3b: {  	s21 =	simm.s32 $0x100  }
0x3c: {  	[tilespmem:s20], [sflag:$0x1] =	stream.indirect.gather [hbm4b:s4+s17], $0x40, s21, s17, $0xb8;
	[tilespmem:$0x1F000] =	vst v63  }
0x3d: {  	s23 =	simm.s32 $0x180  }
0x3e: {  	[tilespmem:s22], [sflag:$0x1] =	stream.indirect.gather [hbm4b:s4+s17], $0x40, s23, s17, $0xb8;
	[tilespmem:$0x1F000] =	vst v63  }
0x3f: {  	s25 =	simm.s32 $0x200  }
0x40: {  	[tilespmem:s24], [sflag:$0x1] =	stream.indirect.gather [hbm4b:s4+s17], $0x40, s25, s17, $0xb8;
	[tilespmem:$0x1F000] =	vst v63  }
0x41: {  	s21 =	simm.s32 $0x280  }
0x42: {  	[tilespmem:s26], [sflag:$0x1] =	stream.indirect.gather [hbm4b:s4+s17], $0x40, s21, s17, $0xb8;
	[tilespmem:$0x1F000] =	vst v63  }
0x43: {  	_ = 	snop  }
0x44: {  	[tilespmem:s29], [sflag:$0x1] =	stream.indirect.gather [hbm4b:s4+s17], $0x40, s28, s17, $0xb8;
	[tilespmem:$0x1F000] =	vst v63  }
0x45: {  	_ = 	snop  }
0x46: {  	[tilespmem:s31], [sflag:$0x1] =	stream.indirect.gather [hbm4b:s4+s17], $0x40, s30, s17, $0xb8;
	[tilespmem:$0x1F000] =	vst v63  }
0x47: {  	[bflag:$0x0] =	sbarrier.arrive $0xFFFF  }
0x48: {  	_ =	swait.ge [sflag:s1], $0x2000  }
0x49: {  	[sflag:s1] =	ssyncset.done $0x0  }
0x4a: {  	s23 =	simm.s32 $0x2800;
	[sflag:s1] =	ssyncadd.s32 $0xFFFFE000  }
0x4b: {  	[spmem:s2] =	stream.indirect.scatter.add.f32 [tilespmem:s14], [sflag:$0x2], $0x40, s23, s17, $0xb8;
	[tilespmem:$0x1F000] =	vst v63  }
0x4c: {  	_ =	swait.ge [sflag:s1], $0x2000  }
0x4d: {  	[sflag:s1] =	ssyncset.done $0x0  }
0x4e: {  	s25 =	simm.s32 $0x2880;
	[sflag:s1] =	ssyncadd.s32 $0xFFFFE000  }
0x4f: {  	[spmem:s2] =	stream.indirect.scatter.add.f32 [tilespmem:s18], [sflag:$0x2], $0x40, s25, s17, $0xb8;
	[tilespmem:$0x1F000] =	vst v63  }
0x50: {  	_ =	swait.ge [sflag:s1], $0x2000  }
0x51: {  	[sflag:s1] =	ssyncset.done $0x0  }
0x52: {  	s0 =	simm.s32 $0x2900;
	[sflag:s1] =	ssyncadd.s32 $0xFFFFE000  }
0x53: {  	[spmem:s2] =	stream.indirect.scatter.add.f32 [tilespmem:s20], [sflag:$0x2], $0x40, s0, s17, $0xb8;
	[tilespmem:$0x1F000] =	vst v63  }
0x54: {  	_ =	swait.ge [sflag:s1], $0x2000  }
0x55: {  	[sflag:s1] =	ssyncset.done $0x0  }
0x56: {  	s23 =	simm.s32 $0x2980;
	[sflag:s1] =	ssyncadd.s32 $0xFFFFE000  }
0x57: {  	[spmem:s2] =	stream.indirect.scatter.add.f32 [tilespmem:s22], [sflag:$0x2], $0x40, s23, s17, $0xb8;
	[tilespmem:$0x1F000] =	vst v63  }
0x58: {  	_ =	swait.ge [sflag:s1], $0x2000  }
0x59: {  	[sflag:s1] =	ssyncset.done $0x0  }
0x5a: {  	s25 =	simm.s32 $0x2A00;
	[sflag:s1] =	ssyncadd.s32 $0xFFFFE000  }
0x5b: {  	[spmem:s2] =	stream.indirect.scatter.add.f32 [tilespmem:s24], [sflag:$0x2], $0x40, s25, s17, $0xb8;
	[tilespmem:$0x1F000] =	vst v63  }
0x5c: {  	_ =	swait.ge [sflag:s1], $0x2000  }
0x5d: {  	[sflag:s1] =	ssyncset.done $0x0  }
0x5e: {  	s0 =	simm.s32 $0x2A80;
	[sflag:s1] =	ssyncadd.s32 $0xFFFFE000  }
0x5f: {  	[spmem:s2] =	stream.indirect.scatter.add.f32 [tilespmem:s26], [sflag:$0x2], $0x40, s0, s17, $0xb8;
	[tilespmem:$0x1F000] =	vst v63  }
0x60: {  	_ =	swait.ge [sflag:s1], $0x2000  }
0x61: {  	[sflag:s1] =	ssyncset.done $0x0  }
0x62: {  	s23 =	simm.s32 $0x2B00;
	[sflag:s1] =	ssyncadd.s32 $0xFFFFE000  }
0x63: {  	[spmem:s2] =	stream.indirect.scatter.add.f32 [tilespmem:s29], [sflag:$0x2], $0x40, s23, s17, $0xb8;
	[tilespmem:$0x1F000] =	vst v63  }
0x64: {  	_ =	swait.ge [sflag:s1], $0x2000  }
0x65: {  	[sflag:s1] =	ssyncset.done $0x0  }
0x66: {  	s25 =	simm.s32 $0x2B80;
	[sflag:s1] =	ssyncadd.s32 $0xFFFFE000  }
0x67: {  	[spmem:s2] =	stream.indirect.scatter.add.f32 [tilespmem:s31], [sflag:$0x2], $0x40, s25, s17, $0xb8;
	[tilespmem:$0x1F000] =	vst v63  }
0x68: {  	p0 =	por $0x0, $0x0;
	s21 =	simm.s32 $0x1000;
	_ =	swait.ge [sflag:s16], $0x2000  }
0x69: {  	s21 =	simm.s32 @p0 $0x0;
	[sflag:s16] =	ssyncset.done $0x0  }
0x6a: {  	s21 =	sshra.s32 s21, $0x2;
	[sflag:s16] =	ssyncadd.s32 $0xFFFFE000  }
0x6b: {  	[tilespmem:s14], [sflag:$0x1] =	stream.indirect.gather [hbm4b:s4+s17], $0x40, s21, s17, $0xb8;
	[tilespmem:$0x1F000] =	vst v63  }
0x6c: {  	s21 =	simm.s32 $0x1200;
	_ =	swait.ge [sflag:s16], $0x2000  }
0x6d: {  	s21 =	simm.s32 @p0 $0x200;
	[sflag:s16] =	ssyncset.done $0x0  }
0x6e: {  	s21 =	sshra.s32 s21, $0x2;
	[sflag:s16] =	ssyncadd.s32 $0xFFFFE000  }
0x6f: {  	[tilespmem:s18], [sflag:$0x1] =	stream.indirect.gather [hbm4b:s4+s17], $0x40, s21, s17, $0xb8;
	[tilespmem:$0x1F000] =	vst v63  }
0x70: {  	s21 =	simm.s32 $0x1400;
	_ =	swait.ge [sflag:s16], $0x2000  }
0x71: {  	s21 =	simm.s32 @p0 $0x400;
	[sflag:s16] =	ssyncset.done $0x0  }
0x72: {  	s21 =	sshra.s32 s21, $0x2;
	[sflag:s16] =	ssyncadd.s32 $0xFFFFE000  }
0x73: {  	[tilespmem:s20], [sflag:$0x1] =	stream.indirect.gather [hbm4b:s4+s17], $0x40, s21, s17, $0xb8;
	[tilespmem:$0x1F000] =	vst v63  }
0x74: {  	s21 =	simm.s32 $0x1600;
	_ =	swait.ge [sflag:s16], $0x2000  }
0x75: {  	s21 =	simm.s32 @p0 $0x600;
	[sflag:s16] =	ssyncset.done $0x0  }
0x76: {  	s21 =	sshra.s32 s21, $0x2;
	[sflag:s16] =	ssyncadd.s32 $0xFFFFE000  }
0x77: {  	[tilespmem:s22], [sflag:$0x1] =	stream.indirect.gather [hbm4b:s4+s17], $0x40, s21, s17, $0xb8;
	[tilespmem:$0x1F000] =	vst v63  }
0x78: {  	s21 =	simm.s32 $0x1800;
	_ =	swait.ge [sflag:s16], $0x2000  }
0x79: {  	s21 =	simm.s32 @p0 $0x800;
	[sflag:s16] =	ssyncset.done $0x0  }
0x7a: {  	s21 =	sshra.s32 s21, $0x2;
	[sflag:s16] =	ssyncadd.s32 $0xFFFFE000  }
0x7b: {  	[tilespmem:s24], [sflag:$0x1] =	stream.indirect.gather [hbm4b:s4+s17], $0x40, s21, s17, $0xb8;
	[tilespmem:$0x1F000] =	vst v63  }
0x7c: {  	s21 =	simm.s32 $0x1A00;
	_ =	swait.ge [sflag:s16], $0x2000  }
0x7d: {  	s21 =	simm.s32 @p0 $0xA00;
	[sflag:s16] =	ssyncset.done $0x0  }
0x7e: {  	s21 =	sshra.s32 s21, $0x2;
	[sflag:s16] =	ssyncadd.s32 $0xFFFFE000  }
0x7f: {  	[tilespmem:s26], [sflag:$0x1] =	stream.indirect.gather [hbm4b:s4+s17], $0x40, s21, s17, $0xb8;
	[tilespmem:$0x1F000] =	vst v63  }
0x80: {  	s21 =	simm.s32 $0x1C00;
	_ =	swait.ge [sflag:s16], $0x2000  }
0x81: {  	s21 =	simm.s32 @p0 $0xC00;
	[sflag:s16] =	ssyncset.done $0x0  }
0x82: {  	s21 =	sshra.s32 s21, $0x2;
	[sflag:s16] =	ssyncadd.s32 $0xFFFFE000  }
0x83: {  	[tilespmem:s29], [sflag:$0x1] =	stream.indirect.gather [hbm4b:s4+s17], $0x40, s21, s17, $0xb8;
	[tilespmem:$0x1F000] =	vst v63  }
0x84: {  	s23 =	simm.s32 $0x1E00;
	_ =	swait.ge [sflag:s16], $0x2000  }
0x85: {  	s23 =	simm.s32 @p0 $0xE00;
	[sflag:s16] =	ssyncset.done $0x0  }
0x86: {  	s23 =	sshra.s32 s23, $0x2;
	s21 =	simm.s32 $0x2E00;
	[sflag:s16] =	ssyncadd.s32 $0xFFFFE000  }
.LBB2_4:
0x87: {  	[tilespmem:s31], [sflag:$0x1] =	stream.indirect.gather [hbm4b:s4+s17], $0x40, s23, s17, $0xb8;
	[tilespmem:$0x1F000] =	vst v63  }
0x88: {  	s23 =	smov.u32 s21  }
0x89: {  	p0 =	sne.s32 s21, $0xAE00;
	s21 =	sadd.s32 $0x1000, s21;
	_ =	swait.ge [sflag:s1], $0x2000  }
0x8a: {  	s25 =	sshra.s32 s23, $0x2;
	[sflag:s1] =	ssyncset.done $0x0  }
0x8b: {  	s0 =	sadd.s32 $0x2080, s25;
	[sflag:s1] =	ssyncadd.s32 $0xFFFFE000  }
0x8c: {  	[spmem:s2] =	stream.indirect.scatter.add.f32 [tilespmem:s14], [sflag:$0x2], $0x40, s0, s17, $0xb8;
	[tilespmem:$0x1F000] =	vst v63  }
0x8d: {  	_ =	swait.ge [sflag:s1], $0x2000  }
0x8e: {  	[sflag:s1] =	ssyncset.done $0x0  }
0x8f: {  	s0 =	sadd.s32 $0x2100, s25;
	[sflag:s1] =	ssyncadd.s32 $0xFFFFE000  }
0x90: {  	[spmem:s2] =	stream.indirect.scatter.add.f32 [tilespmem:s18], [sflag:$0x2], $0x40, s0, s17, $0xb8;
	[tilespmem:$0x1F000] =	vst v63  }
0x91: {  	_ =	swait.ge [sflag:s1], $0x2000  }
0x92: {  	[sflag:s1] =	ssyncset.done $0x0  }
0x93: {  	s0 =	sadd.s32 $0x2180, s25;
	[sflag:s1] =	ssyncadd.s32 $0xFFFFE000  }
0x94: {  	[spmem:s2] =	stream.indirect.scatter.add.f32 [tilespmem:s20], [sflag:$0x2], $0x40, s0, s17, $0xb8;
	[tilespmem:$0x1F000] =	vst v63  }
0x95: {  	_ =	swait.ge [sflag:s1], $0x2000  }
0x96: {  	[sflag:s1] =	ssyncset.done $0x0  }
0x97: {  	s0 =	sadd.s32 $0x2200, s25;
	[sflag:s1] =	ssyncadd.s32 $0xFFFFE000  }
0x98: {  	[spmem:s2] =	stream.indirect.scatter.add.f32 [tilespmem:s22], [sflag:$0x2], $0x40, s0, s17, $0xb8;
	[tilespmem:$0x1F000] =	vst v63  }
0x99: {  	_ =	swait.ge [sflag:s1], $0x2000  }
0x9a: {  	[sflag:s1] =	ssyncset.done $0x0  }
0x9b: {  	s0 =	sadd.s32 $0x2280, s25;
	[sflag:s1] =	ssyncadd.s32 $0xFFFFE000  }
0x9c: {  	[spmem:s2] =	stream.indirect.scatter.add.f32 [tilespmem:s24], [sflag:$0x2], $0x40, s0, s17, $0xb8;
	[tilespmem:$0x1F000] =	vst v63  }
0x9d: {  	_ =	swait.ge [sflag:s1], $0x2000  }
0x9e: {  	[sflag:s1] =	ssyncset.done $0x0  }
0x9f: {  	s0 =	sadd.s32 $0x2300, s25;
	[sflag:s1] =	ssyncadd.s32 $0xFFFFE000  }
0xa0: {  	[spmem:s2] =	stream.indirect.scatter.add.f32 [tilespmem:s26], [sflag:$0x2], $0x40, s0, s17, $0xb8;
	[tilespmem:$0x1F000] =	vst v63  }
0xa1: {  	_ =	swait.ge [sflag:s1], $0x2000  }
0xa2: {  	[sflag:s1] =	ssyncset.done $0x0  }
0xa3: {  	s0 =	sadd.s32 $0x2380, s25;
	[sflag:s1] =	ssyncadd.s32 $0xFFFFE000  }
0xa4: {  	[spmem:s2] =	stream.indirect.scatter.add.f32 [tilespmem:s29], [sflag:$0x2], $0x40, s0, s17, $0xb8;
	[tilespmem:$0x1F000] =	vst v63  }
0xa5: {  	_ =	swait.ge [sflag:s1], $0x2000  }
0xa6: {  	[sflag:s1] =	ssyncset.done $0x0  }
0xa7: {  	s0 =	sadd.s32 $0x2400, s25;
	s25 =	sadd.s32 $0xFFFFF800, s23;
	[sflag:s1] =	ssyncadd.s32 $0xFFFFE000  }
0xa8: {  	[spmem:s2] =	stream.indirect.scatter.add.f32 [tilespmem:s31], [sflag:$0x2], $0x40, s0, s17, $0xb8;
	[tilespmem:$0x1F000] =	vst v63  }
0xa9: {  	p1 =	seq.s32 s23, $0xAE00;
	s0 =	sadd.s32 $0xFFFFF200, s23;
	_ =	swait.ge [sflag:s16], $0x2000  }
0xaa: {  	s25 =	simm.s32 @p1 $0x600;
	s0 =	simm.s32 @p1 $0x0;
	[sflag:s16] =	ssyncset.done $0x0  }
0xab: {  	s0 =	sshra.s32 s0, $0x2;
	[sflag:s16] =	ssyncadd.s32 $0xFFFFE000  }
0xac: {  	[tilespmem:s14], [sflag:$0x1] =	stream.indirect.gather [hbm4b:s4+s17], $0x40, s0, s17, $0xb8;
	[tilespmem:$0x1F000] =	vst v63  }
0xad: {  	s0 =	sadd.s32 $0xFFFFF400, s23;
	_ =	swait.ge [sflag:s16], $0x2000  }
0xae: {  	s0 =	simm.s32 @p1 $0x200;
	[sflag:s16] =	ssyncset.done $0x0  }
0xaf: {  	s0 =	sshra.s32 s0, $0x2;
	[sflag:s16] =	ssyncadd.s32 $0xFFFFE000  }
0xb0: {  	[tilespmem:s18], [sflag:$0x1] =	stream.indirect.gather [hbm4b:s4+s17], $0x40, s0, s17, $0xb8;
	[tilespmem:$0x1F000] =	vst v63  }
0xb1: {  	s0 =	sadd.s32 $0xFFFFF600, s23;
	_ =	swait.ge [sflag:s16], $0x2000  }
0xb2: {  	s0 =	simm.s32 @p1 $0x400;
	[sflag:s16] =	ssyncset.done $0x0  }
0xb3: {  	s0 =	sshra.s32 s0, $0x2;
	[sflag:s16] =	ssyncadd.s32 $0xFFFFE000  }
0xb4: {  	[tilespmem:s20], [sflag:$0x1] =	stream.indirect.gather [hbm4b:s4+s17], $0x40, s0, s17, $0xb8;
	[tilespmem:$0x1F000] =	vst v63  }
0xb5: {  	_ =	swait.ge [sflag:s16], $0x2000  }
0xb6: {  	[sflag:s16] =	ssyncset.done $0x0  }
0xb7: {  	s0 =	sshra.s32 s25, $0x2;
	[sflag:s16] =	ssyncadd.s32 $0xFFFFE000  }
0xb8: {  	[tilespmem:s22], [sflag:$0x1] =	stream.indirect.gather [hbm4b:s4+s17], $0x40, s0, s17, $0xb8;
	[tilespmem:$0x1F000] =	vst v63  }
0xb9: {  	s0 =	sadd.s32 $0xFFFFFA00, s23;
	_ =	swait.ge [sflag:s16], $0x2000  }
0xba: {  	s0 =	simm.s32 @p1 $0x800;
	[sflag:s16] =	ssyncset.done $0x0  }
0xbb: {  	s0 =	sshra.s32 s0, $0x2;
	[sflag:s16] =	ssyncadd.s32 $0xFFFFE000  }
0xbc: {  	[tilespmem:s24], [sflag:$0x1] =	stream.indirect.gather [hbm4b:s4+s17], $0x40, s0, s17, $0xb8;
	[tilespmem:$0x1F000] =	vst v63  }
0xbd: {  	s0 =	sadd.s32 $0xFFFFFC00, s23;
	_ =	swait.ge [sflag:s16], $0x2000  }
0xbe: {  	s0 =	simm.s32 @p1 $0xA00;
	[sflag:s16] =	ssyncset.done $0x0  }
0xbf: {  	s0 =	sshra.s32 s0, $0x2;
	[sflag:s16] =	ssyncadd.s32 $0xFFFFE000  }
0xc0: {  	[tilespmem:s26], [sflag:$0x1] =	stream.indirect.gather [hbm4b:s4+s17], $0x40, s0, s17, $0xb8;
	[tilespmem:$0x1F000] =	vst v63  }
0xc1: {  	s0 =	sadd.s32 $0xFFFFFE00, s23;
	_ =	swait.ge [sflag:s16], $0x2000  }
0xc2: {  	s0 =	simm.s32 @p1 $0xC00;
	[sflag:s16] =	ssyncset.done $0x0  }
.Ltmp1:
0xc3: {  	s0 =	sshra.s32 s0, $0x2;
	[sflag:s16] =	ssyncadd.s32 $0xFFFFE000;
	(pc) =	sbr.rel @p0 .LBB2_4-.Ltmp1, $4  }
0xc4: {  	[tilespmem:s29], [sflag:$0x1] =	stream.indirect.gather [hbm4b:s4+s17], $0x40, s0, s17, $0xb8;
	[tilespmem:$0x1F000] =	vst v63  }
0xc5: {  	_ =	swait.ge [sflag:s16], $0x2000  }
0xc6: {  	s23 =	simm.s32 @p1 $0xE00;
	[sflag:s16] =	ssyncset.done $0x0  }
0xc7: {  	s23 =	sshra.s32 s23, $0x2;
	[sflag:s16] =	ssyncadd.s32 $0xFFFFE000  }
0xc8: {  	[tilespmem:s31], [sflag:$0x1] =	stream.indirect.gather [hbm4b:s4+s17], $0x40, s23, s17, $0xb8;
	[tilespmem:$0x1F000] =	vst v63  }
0xc9: {  	_ =	swait.ge [sflag:s1], $0x2000  }
0xca: {  	[sflag:s1] =	ssyncset.done $0x0  }
0xcb: {  	[sflag:s1] =	ssyncadd.s32 $0xFFFFE000  }
0xcc: {  	_ =	swait.ge [sflag:s1], $0x2000  }
0xcd: {  	[sflag:s1] =	ssyncset.done $0x0  }
0xce: {  	[sflag:s1] =	ssyncadd.s32 $0xFFFFE000  }
0xcf: {  	_ =	swait.ge [sflag:s1], $0x2000  }
0xd0: {  	[sflag:s1] =	ssyncset.done $0x0  }
0xd1: {  	[sflag:s1] =	ssyncadd.s32 $0xFFFFE000  }
0xd2: {  	_ =	swait.ge [sflag:s1], $0x2000  }
0xd3: {  	[sflag:s1] =	ssyncset.done $0x0  }
0xd4: {  	[sflag:s1] =	ssyncadd.s32 $0xFFFFE000  }
0xd5: {  	_ =	swait.ge [sflag:s1], $0x2000  }
0xd6: {  	[sflag:s1] =	ssyncset.done $0x0  }
0xd7: {  	[sflag:s1] =	ssyncadd.s32 $0xFFFFE000  }
0xd8: {  	_ =	swait.ge [sflag:s1], $0x2000  }
0xd9: {  	[sflag:s1] =	ssyncset.done $0x0  }
0xda: {  	[sflag:s1] =	ssyncadd.s32 $0xFFFFE000  }
0xdb: {  	_ =	swait.ge [sflag:s1], $0x2000  }
0xdc: {  	[sflag:s1] =	ssyncset.done $0x0  }
0xdd: {  	[sflag:s1] =	ssyncadd.s32 $0xFFFFE000  }
0xde: {  	s0 =	stileid.u32;
	_ =	swait.ge [sflag:s1], $0x2000  }
0xdf: {  	s21 =	sshrl.u32 s5, $0x3;
	s19 =	sadd.s32 $0x1, s19;
	[sflag:s1] =	ssyncset.done $0x0  }
0xe0: {  	s0 =	sshll.u32 s0, $0x6;
	p0 =	sne.s32 s19, s13;
	[sflag:s1] =	ssyncadd.s32 $0xFFFFE000  }
.Ltmp2:
0xe1: {  	s0 =	sor.u32 $0x1C03, s0;
	[bflag:$0x0] =	sbarrier.arrive $0xFFFF;
	(pc) =	sbr.rel @p0 .LBB2_1-.Ltmp2, $4  }
0xe2: {  	[hbm:s12], [sflag:s0] =	dma.local [spmem:s21], $0x1400  }
0xe3: {  	_ =	swait.ge [sflag:s15], $0x1400  }
0xe4: {  	[sflag:s15] =	ssyncset.done $0x0  }
0xe5: {  	[sflag:s15] =	ssyncadd.s32 $0xFFFFEC00  }
0xe6: {  	_ =	sfence.sel $0x180000  }
0xe7: {  	[bflag:$0x0] =	sbarrier.arrive $0xFFFF  }
0xe8: {  	_ =	strace $0x9000004A  }
0xe9: {  	s0 =	stileid.u32;
	[bflag:$0x2] =	sbarrier.arrive $0xFFFF  }
0xea: {  	p0 =	sne.s32 s0, $0x0;
	s0 =	rddreg [dreg:$0x2]  }
0xeb: {  	s0 =	sadd.s32 @!p0 $0x100000, s0  }
0xec: {  	[sflag:s0] =	ssyncadd.tile.s32 @!p0 $0x1;
	_ =	shalt  }
.Lfunc_end2:
_tile_overlayer_lowered:
.L_overlay_start_2:
0xed: {  	(tag) =	ssettag $0x2  }
0xee: {  	s0 =	rddreg [dreg:$0x0];
	s2 =	stileid.u32  }
0xef: {  	s1 =	rddreg [dreg:$0x1];
	p0 =	sne.s32 s2, $0x0  }
0xf0: {  	s3 =	rddreg [dreg:$0x2];
	[bflag:$0x3] =	sbarrier.arrive $0xFFFF;
	s2 =	simm.s32 @!p0 $0x1C03  }
0xf1: {  	[timem:s3], [sflag:s2] =	dma.local @!p0 [hbm:s0], s1  }
0xf2: {  	s0 =	simm.s32 @!p0 $0x3  }
0xf3: {  	_ =	swait.ge @!p0 [sflag:s0], s1  }
0xf4: {  	s1 =	ssub.s32 @!p0 $0x0, s1;
	[sflag:s0] =	ssyncset.done @!p0 $0x0  }
0xf5: {  	[sflag:s0] =	ssyncadd.s32 @!p0 s1  }
0xf6: {  	[bflag:$0x3] =	sbarrier.arrive $0xFFFF  }
0xf7: {  	_ =	shalt  }

// kernel: kernel.14.cloned.1.call-start
scs
__scs_entry_jumppad:
0x0: {  	(pc) =	sbr.rel $0x88, $3  }
0x1: {  	(tag) =	ssettag $0x0;
	lr =	simm.s32 $0x1  }
0x2: {  	[smem:$0x3F9A] =	sst lr;
	_ =	strace $0xD0000000  }
0x3: {  	_ = 	snop  }
0x4: {  	_ = 	snop  }
0x5: {  	_ = 	snop  }
0x6: {  	_ = 	snop  }
0x7: {  	_ = 	snop  }
__scs_overlays_trampoline_lowered:
0x8: {  	[smem:$0x3FA9] =	sst s0  }
0x9: {  	[smem:$0x3FAA] =	sst s1  }
0xa: {  	[smem:$0x3FAB] =	sst s2  }
0xb: {  	[smem:$0x3FAC] =	sst s3  }
0xc: {  	[smem:$0x3FAD] =	sst s4  }
0xd: {  	[smem:$0x3FAE] =	sst s5  }
0xe: {  	[smem:$0x3FAF] =	sst s6  }
0xf: {  	[smem:$0x3FB0] =	sst s7  }
0x10: {  	[smem:$0x3FB1] =	sst s8  }
0x11: {  	[smem:$0x3FB2] =	sst s9;
	s0 =	simm.s32 @!p0 $0x0  }
0x12: {  	s1 =	sld [smem:$0x3F98];
	s0 =	simm.s32 @p0 $0x1  }
0x13: {  	[smem:$0x3FB3] =	sst s0;
	s0 =	simm.s32 @!p1 $0x0  }
0x14: {  	s2 =	sld [smem:$0x3F97];
	s0 =	simm.s32 @p1 $0x1  }
0x15: {  	[smem:$0x3FB4] =	sst s0;
	s0 =	simm.s32 @!p2 $0x0  }
0x16: {  	s3 =	sld [smem:$0x3FDB];
	s0 =	simm.s32 @p2 $0x1  }
0x17: {  	s4 =	simm.s32 $0x1BF5;
	[smem:$0x3FB6] =	sst s0  }
0x18: {  	s0 =	sld [smem:$0x3F99];
	_ =	swait.ge [sflag:s4], $0x0  }
0x19: {  	s7 =	sld [smem:$0x3F9A]  }
0x1a: {  	s8 =	sadd.s32 $0xFFFFE003, lr  }
0x1b: {  	s9 =	sadd.s32 $0xFFFFFEF7, lr;
	s5 =	simm.s32 $0xFFFFFFFF;
	p2 =	slt.u32 s8, $0xFFFFF086  }
0x1c: {  	p1 =	slt.u32 s9, $0xF7A;
	s5 =	simm.s32 @!p2 $0x0  }
0x1d: {  	s5 =	simm.s32 @p1 $0x1;
	p0 =	seq.s32 s7, s2  }
0x1e: {  	s7 =	smul.u32 @!p0 $0xF7A, s2;
	p2 =	seq.s32 @!p0 s5, $0x0  }
0x1f: {  	s9 =	smul.u32 $0xF7A, s1;
	s8 =	simm.s32 @!p0 $0x1BF5;
	p2 =	por !p2, p0  }
0x20: {  	[sflag:s8] =	ssyncset.s32 @!p0 $0xFFFFF086;
	s6 =	sadd.s32 @!p0 s3, s7;
	s7 =	simm.s32 @!p0 $0x108  }
0x21: {  	s3 =	sadd.s32 s3, s9;
	s6 =	sadd.s32 @!p0 $0x88, s6;
	s7 =	simm.s32 @p2 $0x1082  }
0x22: {  	[simem:s7], [sflag:s8] =	dma.local @!p0 [hbm:s6], $0xF7A  }
0x23: {  	s9 =	sor.u32 $0xD0000000, s2;
	s6 =	simm.s32 $0x108;
	_ =	swait.ge @!p0 [sflag:s8], $0x0  }
0x24: {  	s3 =	sadd.s32 $0x88, s3;
	s6 =	simm.s32 @!p1 $0x1082;
	[sflag:s4] =	ssyncset.s32 $0xFFFFF086  }
0x25: {  	[simem:s6], [sflag:s4] =	dma.local [hbm:s3], $0xF7A  }
0x26: {  	[smem:$0x3F9A] =	sst s1;
	(tag) =	ssettag s2;
	_ =	strace s9  }
0x27: {  	s1 =	sld [smem:$0x3FAA]  }
0x28: {  	s2 =	sld [smem:$0x3FAB]  }
0x29: {  	s4 =	sld [smem:$0x3FAD]  }
0x2a: {  	p0 =	seq.s32 s5, $0x0;
	s5 =	sld [smem:$0x3FAE]  }
0x2b: {  	s6 =	sld [smem:$0x3FAF]  }
0x2c: {  	s7 =	sld [smem:$0x3FB0]  }
0x2d: {  	s3 =	simm.s32 $0x108;
	s8 =	sld [smem:$0x3FB1]  }
0x2e: {  	s3 =	simm.s32 @!p0 $0x1082;
	s9 =	sld [smem:$0x3FB2]  }
0x2f: {  	lr =	sadd.s32 s0, s3;
	s0 =	sld [smem:$0x3FA9]  }
0x30: {  	s3 =	sld [smem:$0x3FAC]  }
0x31: {  	[smem:$0x3FB5] =	sst s10  }
0x32: {  	s10 =	sld [smem:$0x3FB3];
	_ =	sdelay $0x3  }
0x33: {  	p0 =	seq.s32 s10, $0x1;
	s10 =	sld [smem:$0x3FB5];
	_ =	sdelay $0x3  }
0x34: {  	[smem:$0x3FB5] =	sst s10  }
0x35: {  	s10 =	sld [smem:$0x3FB4];
	_ =	sdelay $0x3  }
0x36: {  	p1 =	seq.s32 s10, $0x1;
	s10 =	sld [smem:$0x3FB5];
	_ =	sdelay $0x3  }
0x37: {  	[smem:$0x3FB5] =	sst s10  }
0x38: {  	s10 =	sld [smem:$0x3FB6]  }
0x39: {  	_ = 	snop;
	(pc) =	sbr.ind lr, $3  }
0x3a: {  	_ = 	snop  }
0x3b: {  	_ = 	snop  }
0x3c: {  	p2 =	seq.s32 s10, $0x1;
	s10 =	sld [smem:$0x3FB5]  }
0x3d: {  	_ =	shalt  }
0x3e: {  	_ =	shalt  }
0x3f: {  	_ =	shalt  }
0x40: {  	_ =	shalt  }
0x41: {  	_ =	shalt  }
0x42: {  	_ =	shalt  }
0x43: {  	_ =	shalt  }
0x44: {  	_ =	shalt  }
0x45: {  	_ =	shalt  }
0x46: {  	_ =	shalt  }
0x47: {  	_ =	shalt  }
0x48: {  	_ =	shalt  }
0x49: {  	_ =	shalt  }
0x4a: {  	_ =	shalt  }
0x4b: {  	_ =	shalt  }
0x4c: {  	_ =	shalt  }
0x4d: {  	_ =	shalt  }
0x4e: {  	_ =	shalt  }
0x4f: {  	_ =	shalt  }
0x50: {  	_ =	shalt  }
0x51: {  	_ =	shalt  }
0x52: {  	_ =	shalt  }
0x53: {  	_ =	shalt  }
0x54: {  	_ =	shalt  }
0x55: {  	_ =	shalt  }
0x56: {  	_ =	shalt  }
0x57: {  	_ =	shalt  }
0x58: {  	_ =	shalt  }
0x59: {  	_ =	shalt  }
0x5a: {  	_ =	shalt  }
0x5b: {  	_ =	shalt  }
0x5c: {  	_ =	shalt  }
0x5d: {  	_ =	shalt  }
0x5e: {  	_ =	shalt  }
0x5f: {  	_ =	shalt  }
0x60: {  	_ =	shalt  }
0x61: {  	_ =	shalt  }
0x62: {  	_ =	shalt  }
0x63: {  	_ =	shalt  }
0x64: {  	_ =	shalt  }
0x65: {  	_ =	shalt  }
0x66: {  	_ =	shalt  }
0x67: {  	_ =	shalt  }
0x68: {  	_ =	shalt  }
0x69: {  	_ =	shalt  }
0x6a: {  	_ =	shalt  }
0x6b: {  	_ =	shalt  }
0x6c: {  	_ =	shalt  }
0x6d: {  	_ =	shalt  }
0x6e: {  	_ =	shalt  }
0x6f: {  	_ =	shalt  }
0x70: {  	_ =	shalt  }
0x71: {  	_ =	shalt  }
0x72: {  	_ =	shalt  }
0x73: {  	_ =	shalt  }
0x74: {  	_ =	shalt  }
0x75: {  	_ =	shalt  }
0x76: {  	_ =	shalt  }
0x77: {  	_ =	shalt  }
0x78: {  	_ =	shalt  }
0x79: {  	_ =	shalt  }
0x7a: {  	_ =	shalt  }
0x7b: {  	_ =	shalt  }
0x7c: {  	_ =	shalt  }
0x7d: {  	_ =	shalt  }
0x7e: {  	_ =	shalt  }
0x7f: {  	_ =	shalt  }
0x80: {  	_ =	shalt  }
0x81: {  	_ =	shalt  }
0x82: {  	_ =	shalt  }
0x83: {  	_ =	shalt  }
0x84: {  	_ =	shalt  }
0x85: {  	_ =	shalt  }
0x86: {  	_ =	shalt  }
0x87: {  	_ =	shalt  }
.Lfunc_end0:
.L_simem_size_0:
called_computation.2_lowered:
.L_overlay_start_0:
0x88: {  	s2 =	sld [smem:$0x3FD9]  }
0x89: {  	s3 =	sld [smem:$0x3FFE];
	_ =	sdelay $0x1  }
0x8a: {  	s1 =	srdreg.scid  }
0x8b: {  	s0 =	sand.u32 $0x1, s1  }
0x8c: {  	s16 =	sshll.u32 s0, $0xA;
	s2 =	sadd.s32 s3, s2  }
0x8d: {  	s2 =	sadd.s32 s2, s16  }
0x8e: {  	[smem:$0x3FC1] =	sst s2  }
0x8f: {  	_ = 	snop  }
0x90: {  	(tm) =	ssettm $0x1  }
0x91: {  	s17 =	sld [smem:$0x3FFB];
	_ =	sdelay $0x3  }
0x92: {  	_ =	strace s17  }
0x93: {  	s2 =	sld [smem:$0x3FFC];
	_ =	sdelay $0x3  }
0x94: {  	_ =	strace s2  }
0x95: {  	s2 =	sld [smem:$0x3FFD];
	_ =	sdelay $0x3  }
0x96: {  	_ =	strace s2  }
0x97: {  	_ =	strace $0x8FFFFFFF  }
0x98: {  	s18 =	sld [smem:$0x3FDB];
	_ =	sdelay $0x1  }
0x99: {  	s19 =	simm.s32 $_scs_section_size  }
0x9a: {  	s4 =	simm.s32 $_size__tile_overlayer_lowered;
	s5 =	simm.s32 $_tile_overlayer_lowered  }
0x9b: {  	s22 =	simm.s32 $0x1BFF;
	s21 =	sshll.u32 s5, $0x1;
	s2 =	sadd.s32 s19, s18  }
0x9c: {  	s6 =	simm.s32 $0x0;
	s20 =	sshll.u32 s4, $0x1;
	s4 =	sadd.s32 s21, s2  }
0x9d: {  	[timem:s6], [sflag:s22] =	dma.local [hbm:s4], s20  }
0x9e: {  	_ =	swait.ge [sflag:s22], s20  }
0x9f: {  	s3 =	ssub.s32 $0x0, s20;
	[sflag:s22] =	ssyncset.done $0x0  }
0xa0: {  	[sflag:s22] =	ssyncadd.s32 s3;
	_ =	sdelay $0x1  }
0xa1: {  	s23 =	simm.s32 $0x1B8B  }
0xa2: {  	_ =	swait.ge [sflag:s23], $0x1  }
0xa3: {  	[sflag:s23] =	ssyncset.done $0x0  }
0xa4: {  	s25 =	simm.s32 $0x1B8E;
	s24 =	sld [smem:$0x3FFE];
	[sflag:s23] =	ssyncadd.s32 $0xFFFFFFFF  }
0xa5: {  	s26 =	simm.s32 $execute0_lowered;
	[smem:$0x3FD2] =	sst s25  }
0xa6: {  	s4 =	sshll.u32 s26, $0x1;
	_ =	strace $0x8000004C;
	[dreg:$0x1] =	wrdreg $0xFFFFFFFF  }
0xa7: {  	s28 =	simm.s32 $_size_execute0_lowered;
	s2 =	sadd.s32 s2, s4;
	[dreg:$0x0] =	wrdreg $0x0  }
0xa8: {  	s4 =	sshll.u32 s28, $0x1;
	[dreg:$0x2] =	wrdreg s2  }
0xa9: {  	[dreg:$0x3] =	wrdreg s4  }
0xaa: {  	[dreg:$0x4] =	wrdreg $0xC0  }
0xab: {  	_ =	task [dreg:s6], $0x5FFFF  }
0xac: {  	[dreg:$0x1] =	wrdreg $0xFFFFFFFF  }
0xad: {  	[dreg:$0x0] =	wrdreg $0x60  }
0xae: {  	[dreg:$0x2] =	wrdreg s24  }
0xaf: {  	[dreg:$0x3] =	wrdreg $0x90000  }
0xb0: {  	[dreg:$0x4] =	wrdreg $0x9  }
0xb1: {  	_ =	task.clear_ibuf [dreg:s6], $0x5FFFF;
	_ =	strace $0x9000004C  }
0xb2: {  	s29 =	simm.s32 $0x9;
	_ =	strace $0x8000004E  }
0xb3: {  	_ =	swait.ge [sflag:s29], $0x1  }
0xb4: {  	[sflag:s29] =	ssyncadd.s32 $0xFFFFFFFF  }
0xb5: {  	_ =	strace $0x9000004E  }
0xb6: {  	_ =	sfence  }
0xb7: {  	s30 =	sld [smem:$0x0];
	_ =	sdelay $0x2  }
0xb8: {  	s31 =	sshll.u32 s1, $0xD;
	s1 =	sshrl.u32 s1, $0x2  }
0xb9: {  	s3 =	sand.u32 $0x4000, s31;
	s1 =	sadd.s32 s1, s30  }
0xba: {  	s0 =	sor.u32 s3, s0;
	s1 =	sshll.u32 s1, $0x11  }
0xbb: {  	s0 =	sor.u32 s1, s0  }
0xbc: {  	s0 =	sadd.s32 $0x8F2B, s0  }
0xbd: {  	[sflag:s0] =	ssyncadd.remote.s32 $0x1  }
0xbe: {  	_ =	sfence.sel $0xFFFF  }
0xbf: {  	[dreg:$0x0] =	wrdreg $0xFFFFFFFF;
	(pc) =	sbr.abs _section_cstart, $3  }
0xc0: {  	[dreg:$0x1] =	wrdreg $0xFFFFFFFF  }
0xc1: {  	_ =	task.clear_ibuf [dreg:s6], $0x2FFFF;
	_ =	strace $0x9FFFFFFF  }
0xc2: {  	(tm) =	ssettm $0x7FFFFFFF  }
0xc3: {  	_ =	shalt  }
tec
execute0_lowered:
.L_overlay_start_1:
0x0: {  	(tag) =	ssettag $0x1  }
0x1: {  	s0 =	srdreg.scid;
	s5 =	rddreg [dreg:$0x0]  }
0x2: {  	s10 =	stileid.u32;
	s2 =	rddreg [dreg:$0x1]  }
0x3: {  	s3 =	simm.s32 $0x0;
	s12 =	simm.s32 $0x3;
	s14 =	simm.s32 $0x80  }
0x4: {  	s15 =	simm.s32 $0x5000;
	s16 =	simm.s32 $0x5400;
	s18 =	simm.s32 $0x5800  }
0x5: {  	s20 =	simm.s32 $0x5C00;
	s29 =	simm.s32 $0x6C00;
	s31 =	simm.s32 $0x7000  }
0x6: {  	s17 =	simm.s32 $0x7800;
	s21 =	simm.s32 $0x7C00;
	s30 =	simm.s32 $0x8400  }
0x7: {  	s13 =	simm.s32 $0x8800;
	s28 =	simm.s32 $0x1;
	s19 =	simm.s32 $0x0  }
0x8: {  	s0 =	sand.u32 $0x1, s0;
	s6 =	smul.u32 $0x1400, s10;
	[smem:$0x7FF] =	sst s3  }
0x9: {  	s4 =	sadd.s32 $0x16C00, s5;
	s24 =	sshll.u32 s10, $0x6;
	s1 =	sshll.u32 s0, $0x4  }
0xa: {  	s7 =	smul.u32 $0x14000, s0;
	_ =	strace $0x8000004D;
	s0 =	ssub.s32 $0x2, s0  }
0xb: {  	s1 =	sor.u32 s10, s1;
	s8 =	sshrl.u32 s6, $0x3;
	s9 =	sshrl.u32 s0, $0x1  }
0xc: {  	s22 =	sadd.s32 s6, s2;
	s1 =	smul.u32 $0x500, s1;
	s7 =	sadd.s32 s6, s7  }
0xd: {  	s8 =	sadd.s32 s8, s5;
	s0 =	ssub.s32 s0, s9;
	s6 =	sor.u32 $0x1C03, s24  }
0xe: {  	s11 =	sshrl.u32 s22, $0x3;
	s22 =	simm.s32 $0x6000;
	s23 =	sadd.s32 $0x19400, s8  }
0xf: {  	s0 =	smax.u32 s0, $0x1;
	s1 =	sadd.s32 s1, s5;
	[dreg:$0x3] =	wrdreg s23  }
0x10: {  	s7 =	sshrl.u32 s7, $0x3;
	[dreg:$0x7] =	wrdreg s0;
	s25 =	sadd.s32 $0x2200, s1  }
0x11: {  	s5 =	sadd.s32 s7, s5;
	s1 =	sadd.s32 $0xC200, s1;
	[dreg:$0x4] =	wrdreg s25  }
0x12: {  	s24 =	simm.s32 $0x6400;
	s26 =	sadd.s32 $0x1BC00, s5;
	[dreg:$0x5] =	wrdreg s1  }
0x13: {  	s0 =	simm.s32 $0x7400;
	s23 =	simm.s32 $0x8C00;
	[dreg:$0x6] =	wrdreg s26  }
0x14: {  	s26 =	simm.s32 $0x6800;
	s25 =	simm.s32 $0x8000;
	s1 =	simm.s32 $0x2  }
.LBB2_1:
0x15: {  	s5 =	rddreg [dreg:$0x3]  }
0x16: {  	[spmem:s11], [sflag:s6] =	dma.local [hbm:s5], $0x280  }
0x17: {  	_ =	swait.ge [sflag:s12], $0x280  }
0x18: {  	[sflag:s12] =	ssyncset.done $0x0  }
0x19: {  	s7 =	rddreg [dreg:$0x4];
	[sflag:s12] =	ssyncadd.s32 $0xFFFFFD80  }
0x1a: {  	[tilespmem:s3], [sflag:$0x3] =	stream.linear.gather [hbm4b:s7+s3], $0x2800, $0x38;
	[tilespmem:$0xA400] =	vst v63  }
0x1b: {  	_ =	swait.ge [sflag:s12], $0x2800  }
0x1c: {  	[sflag:s12] =	ssyncset.done $0x0  }
0x1d: {  	s7 =	simm.s32 $0x2800;
	s8 =	rddreg [dreg:$0x5];
	[sflag:s12] =	ssyncadd.s32 $0xFFFFD800  }
0x1e: {  	[tilespmem:s7], [sflag:$0x3] =	stream.linear.gather [hbm4b:s8+s3], $0x2800, $0x38;
	[tilespmem:$0xA400] =	vst v63  }
0x1f: {  	_ =	swait.ge [sflag:s12], $0x2800  }
0x20: {  	[sflag:s12] =	ssyncset.done $0x0  }
0x21: {  	[sflag:s12] =	ssyncadd.s32 $0xFFFFD800  }
0x22: {  	[tilespmem:s15], [sflag:$0x1] =	stream.indirect.gather [hbm4b:s4+s14], $0x8, s3, s14, $0xb8;
	[tilespmem:$0xA400] =	vst v63  }
0x23: {  	_ = 	snop  }
0x24: {  	[tilespmem:s16], [sflag:$0x1] =	stream.indirect.gather [hbm4b:s4+s14], $0x8, s14, s14, $0xb8;
	[tilespmem:$0xA400] =	vst v63  }
0x25: {  	s9 =	simm.s32 $0x100  }
0x26: {  	[tilespmem:s18], [sflag:$0x1] =	stream.indirect.gather [hbm4b:s4+s14], $0x8, s9, s14, $0xb8;
	[tilespmem:$0xA400] =	vst v63  }
0x27: {  	s10 =	simm.s32 $0x180  }
0x28: {  	[tilespmem:s20], [sflag:$0x1] =	stream.indirect.gather [hbm4b:s4+s14], $0x8, s10, s14, $0xb8;
	[tilespmem:$0xA400] =	vst v63  }
0x29: {  	s7 =	simm.s32 $0x200  }
0x2a: {  	[tilespmem:s22], [sflag:$0x1] =	stream.indirect.gather [hbm4b:s4+s14], $0x8, s7, s14, $0xb8;
	[tilespmem:$0xA400] =	vst v63  }
0x2b: {  	s8 =	simm.s32 $0x280  }
0x2c: {  	[tilespmem:s24], [sflag:$0x1] =	stream.indirect.gather [hbm4b:s4+s14], $0x8, s8, s14, $0xb8;
	[tilespmem:$0xA400] =	vst v63  }
0x2d: {  	s9 =	simm.s32 $0x300  }
0x2e: {  	[tilespmem:s26], [sflag:$0x1] =	stream.indirect.gather [hbm4b:s4+s14], $0x8, s9, s14, $0xb8;
	[tilespmem:$0xA400] =	vst v63  }
0x2f: {  	s10 =	simm.s32 $0x380  }
0x30: {  	[tilespmem:s29], [sflag:$0x1] =	stream.indirect.gather [hbm4b:s4+s14], $0x8, s10, s14, $0xb8;
	[tilespmem:$0xA400] =	vst v63  }
0x31: {  	s7 =	simm.s32 $0x400  }
0x32: {  	[tilespmem:s31], [sflag:$0x1] =	stream.indirect.gather [hbm4b:s4+s14], $0x8, s7, s14, $0xb8;
	[tilespmem:$0xA400] =	vst v63  }
0x33: {  	s8 =	simm.s32 $0x480  }
0x34: {  	[tilespmem:s0], [sflag:$0x1] =	stream.indirect.gather [hbm4b:s4+s14], $0x8, s8, s14, $0xb8;
	[tilespmem:$0xA400] =	vst v63  }
0x35: {  	s9 =	simm.s32 $0x500  }
0x36: {  	[tilespmem:s17], [sflag:$0x1] =	stream.indirect.gather [hbm4b:s4+s14], $0x8, s9, s14, $0xb8;
	[tilespmem:$0xA400] =	vst v63  }
0x37: {  	s10 =	simm.s32 $0x580  }
0x38: {  	[tilespmem:s21], [sflag:$0x1] =	stream.indirect.gather [hbm4b:s4+s14], $0x8, s10, s14, $0xb8;
	[tilespmem:$0xA400] =	vst v63  }
0x39: {  	s7 =	simm.s32 $0x600  }
0x3a: {  	[tilespmem:s25], [sflag:$0x1] =	stream.indirect.gather [hbm4b:s4+s14], $0x8, s7, s14, $0xb8;
	[tilespmem:$0xA400] =	vst v63  }
0x3b: {  	s8 =	simm.s32 $0x680  }
0x3c: {  	[tilespmem:s30], [sflag:$0x1] =	stream.indirect.gather [hbm4b:s4+s14], $0x8, s8, s14, $0xb8;
	[tilespmem:$0xA400] =	vst v63  }
0x3d: {  	s9 =	simm.s32 $0x700  }
0x3e: {  	[tilespmem:s13], [sflag:$0x1] =	stream.indirect.gather [hbm4b:s4+s14], $0x8, s9, s14, $0xb8;
	[tilespmem:$0xA400] =	vst v63  }
0x3f: {  	s10 =	simm.s32 $0x780  }
0x40: {  	[tilespmem:s23], [sflag:$0x1] =	stream.indirect.gather [hbm4b:s4+s14], $0x8, s10, s14, $0xb8;
	[tilespmem:$0xA400] =	vst v63  }
0x41: {  	[bflag:$0x0] =	sbarrier.arrive $0xFFFF  }
0x42: {  	_ =	swait.ge [sflag:s28], $0x400  }
0x43: {  	[sflag:s28] =	ssyncset.done $0x0  }
0x44: {  	s7 =	simm.s32 $0x2800;
	[sflag:s28] =	ssyncadd.s32 $0xFFFFFC00  }
0x45: {  	[spmem:s2] =	stream.indirect.scatter.add.f32 [tilespmem:s15], [sflag:$0x2], $0x8, s7, s14, $0xb8;
	[tilespmem:$0xA400] =	vst v63  }
0x46: {  	_ =	swait.ge [sflag:s28], $0x400  }
0x47: {  	[sflag:s28] =	ssyncset.done $0x0  }
0x48: {  	s8 =	simm.s32 $0x2880;
	[sflag:s28] =	ssyncadd.s32 $0xFFFFFC00  }
0x49: {  	[spmem:s2] =	stream.indirect.scatter.add.f32 [tilespmem:s16], [sflag:$0x2], $0x8, s8, s14, $0xb8;
	[tilespmem:$0xA400] =	vst v63  }
0x4a: {  	_ =	swait.ge [sflag:s28], $0x400  }
0x4b: {  	[sflag:s28] =	ssyncset.done $0x0  }
0x4c: {  	s9 =	simm.s32 $0x2900;
	[sflag:s28] =	ssyncadd.s32 $0xFFFFFC00  }
0x4d: {  	[spmem:s2] =	stream.indirect.scatter.add.f32 [tilespmem:s18], [sflag:$0x2], $0x8, s9, s14, $0xb8;
	[tilespmem:$0xA400] =	vst v63  }
0x4e: {  	_ =	swait.ge [sflag:s28], $0x400  }
0x4f: {  	[sflag:s28] =	ssyncset.done $0x0  }
0x50: {  	s10 =	simm.s32 $0x2980;
	[sflag:s28] =	ssyncadd.s32 $0xFFFFFC00  }
0x51: {  	[spmem:s2] =	stream.indirect.scatter.add.f32 [tilespmem:s20], [sflag:$0x2], $0x8, s10, s14, $0xb8;
	[tilespmem:$0xA400] =	vst v63  }
0x52: {  	_ =	swait.ge [sflag:s28], $0x400  }
0x53: {  	[sflag:s28] =	ssyncset.done $0x0  }
0x54: {  	s7 =	simm.s32 $0x2A00;
	[sflag:s28] =	ssyncadd.s32 $0xFFFFFC00  }
0x55: {  	[spmem:s2] =	stream.indirect.scatter.add.f32 [tilespmem:s22], [sflag:$0x2], $0x8, s7, s14, $0xb8;
	[tilespmem:$0xA400] =	vst v63  }
0x56: {  	_ =	swait.ge [sflag:s28], $0x400  }
0x57: {  	[sflag:s28] =	ssyncset.done $0x0  }
0x58: {  	s8 =	simm.s32 $0x2A80;
	[sflag:s28] =	ssyncadd.s32 $0xFFFFFC00  }
0x59: {  	[spmem:s2] =	stream.indirect.scatter.add.f32 [tilespmem:s24], [sflag:$0x2], $0x8, s8, s14, $0xb8;
	[tilespmem:$0xA400] =	vst v63  }
0x5a: {  	_ =	swait.ge [sflag:s28], $0x400  }
0x5b: {  	[sflag:s28] =	ssyncset.done $0x0  }
0x5c: {  	s9 =	simm.s32 $0x2B00;
	[sflag:s28] =	ssyncadd.s32 $0xFFFFFC00  }
0x5d: {  	[spmem:s2] =	stream.indirect.scatter.add.f32 [tilespmem:s26], [sflag:$0x2], $0x8, s9, s14, $0xb8;
	[tilespmem:$0xA400] =	vst v63  }
0x5e: {  	_ =	swait.ge [sflag:s28], $0x400  }
0x5f: {  	[sflag:s28] =	ssyncset.done $0x0  }
0x60: {  	s10 =	simm.s32 $0x2B80;
	[sflag:s28] =	ssyncadd.s32 $0xFFFFFC00  }
0x61: {  	[spmem:s2] =	stream.indirect.scatter.add.f32 [tilespmem:s29], [sflag:$0x2], $0x8, s10, s14, $0xb8;
	[tilespmem:$0xA400] =	vst v63  }
0x62: {  	_ =	swait.ge [sflag:s28], $0x400  }
0x63: {  	[sflag:s28] =	ssyncset.done $0x0  }
0x64: {  	s7 =	simm.s32 $0x2C00;
	[sflag:s28] =	ssyncadd.s32 $0xFFFFFC00  }
0x65: {  	[spmem:s2] =	stream.indirect.scatter.add.f32 [tilespmem:s31], [sflag:$0x2], $0x8, s7, s14, $0xb8;
	[tilespmem:$0xA400] =	vst v63  }
0x66: {  	_ =	swait.ge [sflag:s28], $0x400  }
0x67: {  	[sflag:s28] =	ssyncset.done $0x0  }
0x68: {  	s8 =	simm.s32 $0x2C80;
	[sflag:s28] =	ssyncadd.s32 $0xFFFFFC00  }
0x69: {  	[spmem:s2] =	stream.indirect.scatter.add.f32 [tilespmem:s0], [sflag:$0x2], $0x8, s8, s14, $0xb8;
	[tilespmem:$0xA400] =	vst v63  }
0x6a: {  	_ =	swait.ge [sflag:s28], $0x400  }
0x6b: {  	[sflag:s28] =	ssyncset.done $0x0  }
0x6c: {  	s9 =	simm.s32 $0x2D00;
	[sflag:s28] =	ssyncadd.s32 $0xFFFFFC00  }
0x6d: {  	[spmem:s2] =	stream.indirect.scatter.add.f32 [tilespmem:s17], [sflag:$0x2], $0x8, s9, s14, $0xb8;
	[tilespmem:$0xA400] =	vst v63  }
0x6e: {  	_ =	swait.ge [sflag:s28], $0x400  }
0x6f: {  	[sflag:s28] =	ssyncset.done $0x0  }
0x70: {  	s10 =	simm.s32 $0x2D80;
	[sflag:s28] =	ssyncadd.s32 $0xFFFFFC00  }
0x71: {  	[spmem:s2] =	stream.indirect.scatter.add.f32 [tilespmem:s21], [sflag:$0x2], $0x8, s10, s14, $0xb8;
	[tilespmem:$0xA400] =	vst v63  }
0x72: {  	_ =	swait.ge [sflag:s28], $0x400  }
0x73: {  	[sflag:s28] =	ssyncset.done $0x0  }
0x74: {  	s7 =	simm.s32 $0x2E00;
	[sflag:s28] =	ssyncadd.s32 $0xFFFFFC00  }
0x75: {  	[spmem:s2] =	stream.indirect.scatter.add.f32 [tilespmem:s25], [sflag:$0x2], $0x8, s7, s14, $0xb8;
	[tilespmem:$0xA400] =	vst v63  }
0x76: {  	_ =	swait.ge [sflag:s28], $0x400  }
0x77: {  	[sflag:s28] =	ssyncset.done $0x0  }
0x78: {  	s8 =	simm.s32 $0x2E80;
	[sflag:s28] =	ssyncadd.s32 $0xFFFFFC00  }
0x79: {  	[spmem:s2] =	stream.indirect.scatter.add.f32 [tilespmem:s30], [sflag:$0x2], $0x8, s8, s14, $0xb8;
	[tilespmem:$0xA400] =	vst v63  }
0x7a: {  	_ =	swait.ge [sflag:s28], $0x400  }
0x7b: {  	[sflag:s28] =	ssyncset.done $0x0  }
0x7c: {  	s9 =	simm.s32 $0x2F00;
	[sflag:s28] =	ssyncadd.s32 $0xFFFFFC00  }
0x7d: {  	[spmem:s2] =	stream.indirect.scatter.add.f32 [tilespmem:s13], [sflag:$0x2], $0x8, s9, s14, $0xb8;
	[tilespmem:$0xA400] =	vst v63  }
0x7e: {  	_ =	swait.ge [sflag:s28], $0x400  }
0x7f: {  	[sflag:s28] =	ssyncset.done $0x0  }
0x80: {  	s10 =	simm.s32 $0x2F80;
	[sflag:s28] =	ssyncadd.s32 $0xFFFFFC00  }
0x81: {  	[spmem:s2] =	stream.indirect.scatter.add.f32 [tilespmem:s23], [sflag:$0x2], $0x8, s10, s14, $0xb8;
	[tilespmem:$0xA400] =	vst v63  }
0x82: {  	p0 =	por $0x0, $0x0;
	s5 =	simm.s32 $0x2000;
	_ =	swait.ge [sflag:s1], $0x400  }
0x83: {  	s5 =	simm.s32 @p0 $0x0;
	[sflag:s1] =	ssyncset.done $0x0  }
0x84: {  	s5 =	sshra.s32 s5, $0x2;
	[sflag:s1] =	ssyncadd.s32 $0xFFFFFC00  }
0x85: {  	[tilespmem:s15], [sflag:$0x1] =	stream.indirect.gather [hbm4b:s4+s14], $0x8, s5, s14, $0xb8;
	[tilespmem:$0xA400] =	vst v63  }
0x86: {  	s5 =	simm.s32 $0x2200;
	_ =	swait.ge [sflag:s1], $0x400  }
0x87: {  	s5 =	simm.s32 @p0 $0x200;
	[sflag:s1] =	ssyncset.done $0x0  }
0x88: {  	s5 =	sshra.s32 s5, $0x2;
	[sflag:s1] =	ssyncadd.s32 $0xFFFFFC00  }
0x89: {  	[tilespmem:s16], [sflag:$0x1] =	stream.indirect.gather [hbm4b:s4+s14], $0x8, s5, s14, $0xb8;
	[tilespmem:$0xA400] =	vst v63  }
0x8a: {  	s5 =	simm.s32 $0x2400;
	_ =	swait.ge [sflag:s1], $0x400  }
0x8b: {  	s5 =	simm.s32 @p0 $0x400;
	[sflag:s1] =	ssyncset.done $0x0  }
0x8c: {  	s5 =	sshra.s32 s5, $0x2;
	[sflag:s1] =	ssyncadd.s32 $0xFFFFFC00  }
0x8d: {  	[tilespmem:s18], [sflag:$0x1] =	stream.indirect.gather [hbm4b:s4+s14], $0x8, s5, s14, $0xb8;
	[tilespmem:$0xA400] =	vst v63  }
0x8e: {  	s5 =	simm.s32 $0x2600;
	_ =	swait.ge [sflag:s1], $0x400  }
0x8f: {  	s5 =	simm.s32 @p0 $0x600;
	[sflag:s1] =	ssyncset.done $0x0  }
0x90: {  	s5 =	sshra.s32 s5, $0x2;
	[sflag:s1] =	ssyncadd.s32 $0xFFFFFC00  }
0x91: {  	[tilespmem:s20], [sflag:$0x1] =	stream.indirect.gather [hbm4b:s4+s14], $0x8, s5, s14, $0xb8;
	[tilespmem:$0xA400] =	vst v63  }
0x92: {  	s5 =	simm.s32 $0x2800;
	_ =	swait.ge [sflag:s1], $0x400  }
0x93: {  	s5 =	simm.s32 @p0 $0x800;
	[sflag:s1] =	ssyncset.done $0x0  }
0x94: {  	s5 =	sshra.s32 s5, $0x2;
	[sflag:s1] =	ssyncadd.s32 $0xFFFFFC00  }
0x95: {  	[tilespmem:s22], [sflag:$0x1] =	stream.indirect.gather [hbm4b:s4+s14], $0x8, s5, s14, $0xb8;
	[tilespmem:$0xA400] =	vst v63  }
0x96: {  	s5 =	simm.s32 $0x2A00;
	_ =	swait.ge [sflag:s1], $0x400  }
0x97: {  	s5 =	simm.s32 @p0 $0xA00;
	[sflag:s1] =	ssyncset.done $0x0  }
0x98: {  	s5 =	sshra.s32 s5, $0x2;
	[sflag:s1] =	ssyncadd.s32 $0xFFFFFC00  }
0x99: {  	[tilespmem:s24], [sflag:$0x1] =	stream.indirect.gather [hbm4b:s4+s14], $0x8, s5, s14, $0xb8;
	[tilespmem:$0xA400] =	vst v63  }
0x9a: {  	s5 =	simm.s32 $0x2C00;
	_ =	swait.ge [sflag:s1], $0x400  }
0x9b: {  	s5 =	simm.s32 @p0 $0xC00;
	[sflag:s1] =	ssyncset.done $0x0  }
0x9c: {  	s5 =	sshra.s32 s5, $0x2;
	[sflag:s1] =	ssyncadd.s32 $0xFFFFFC00  }
0x9d: {  	[tilespmem:s26], [sflag:$0x1] =	stream.indirect.gather [hbm4b:s4+s14], $0x8, s5, s14, $0xb8;
	[tilespmem:$0xA400] =	vst v63  }
0x9e: {  	s5 =	simm.s32 $0x2E00;
	_ =	swait.ge [sflag:s1], $0x400  }
0x9f: {  	s5 =	simm.s32 @p0 $0xE00;
	[sflag:s1] =	ssyncset.done $0x0  }
0xa0: {  	s5 =	sshra.s32 s5, $0x2;
	[sflag:s1] =	ssyncadd.s32 $0xFFFFFC00  }
0xa1: {  	[tilespmem:s29], [sflag:$0x1] =	stream.indirect.gather [hbm4b:s4+s14], $0x8, s5, s14, $0xb8;
	[tilespmem:$0xA400] =	vst v63  }
0xa2: {  	s5 =	simm.s32 $0x3000;
	_ =	swait.ge [sflag:s1], $0x400  }
0xa3: {  	s5 =	simm.s32 @p0 $0x1000;
	[sflag:s1] =	ssyncset.done $0x0  }
0xa4: {  	s5 =	sshra.s32 s5, $0x2;
	[sflag:s1] =	ssyncadd.s32 $0xFFFFFC00  }
0xa5: {  	[tilespmem:s31], [sflag:$0x1] =	stream.indirect.gather [hbm4b:s4+s14], $0x8, s5, s14, $0xb8;
	[tilespmem:$0xA400] =	vst v63  }
0xa6: {  	s5 =	simm.s32 $0x3200;
	_ =	swait.ge [sflag:s1], $0x400  }
0xa7: {  	s5 =	simm.s32 @p0 $0x1200;
	[sflag:s1] =	ssyncset.done $0x0  }
0xa8: {  	s5 =	sshra.s32 s5, $0x2;
	[sflag:s1] =	ssyncadd.s32 $0xFFFFFC00  }
0xa9: {  	[tilespmem:s0], [sflag:$0x1] =	stream.indirect.gather [hbm4b:s4+s14], $0x8, s5, s14, $0xb8;
	[tilespmem:$0xA400] =	vst v63  }
0xaa: {  	s5 =	simm.s32 $0x3400;
	_ =	swait.ge [sflag:s1], $0x400  }
0xab: {  	s5 =	simm.s32 @p0 $0x1400;
	[sflag:s1] =	ssyncset.done $0x0  }
0xac: {  	s5 =	sshra.s32 s5, $0x2;
	[sflag:s1] =	ssyncadd.s32 $0xFFFFFC00  }
0xad: {  	[tilespmem:s17], [sflag:$0x1] =	stream.indirect.gather [hbm4b:s4+s14], $0x8, s5, s14, $0xb8;
	[tilespmem:$0xA400] =	vst v63  }
0xae: {  	s5 =	simm.s32 $0x3600;
	_ =	swait.ge [sflag:s1], $0x400  }
0xaf: {  	s5 =	simm.s32 @p0 $0x1600;
	[sflag:s1] =	ssyncset.done $0x0  }
0xb0: {  	s5 =	sshra.s32 s5, $0x2;
	[sflag:s1] =	ssyncadd.s32 $0xFFFFFC00  }
0xb1: {  	[tilespmem:s21], [sflag:$0x1] =	stream.indirect.gather [hbm4b:s4+s14], $0x8, s5, s14, $0xb8;
	[tilespmem:$0xA400] =	vst v63  }
0xb2: {  	s5 =	simm.s32 $0x3800;
	_ =	swait.ge [sflag:s1], $0x400  }
0xb3: {  	s5 =	simm.s32 @p0 $0x1800;
	[sflag:s1] =	ssyncset.done $0x0  }
0xb4: {  	s5 =	sshra.s32 s5, $0x2;
	[sflag:s1] =	ssyncadd.s32 $0xFFFFFC00  }
0xb5: {  	[tilespmem:s25], [sflag:$0x1] =	stream.indirect.gather [hbm4b:s4+s14], $0x8, s5, s14, $0xb8;
	[tilespmem:$0xA400] =	vst v63  }
0xb6: {  	s5 =	simm.s32 $0x3A00;
	_ =	swait.ge [sflag:s1], $0x400  }
0xb7: {  	s5 =	simm.s32 @p0 $0x1A00;
	[sflag:s1] =	ssyncset.done $0x0  }
0xb8: {  	s5 =	sshra.s32 s5, $0x2;
	[sflag:s1] =	ssyncadd.s32 $0xFFFFFC00  }
0xb9: {  	[tilespmem:s30], [sflag:$0x1] =	stream.indirect.gather [hbm4b:s4+s14], $0x8, s5, s14, $0xb8;
	[tilespmem:$0xA400] =	vst v63  }
0xba: {  	s5 =	simm.s32 $0x3C00;
	_ =	swait.ge [sflag:s1], $0x400  }
0xbb: {  	s5 =	simm.s32 @p0 $0x1C00;
	[sflag:s1] =	ssyncset.done $0x0  }
0xbc: {  	s5 =	sshra.s32 s5, $0x2;
	[sflag:s1] =	ssyncadd.s32 $0xFFFFFC00  }
0xbd: {  	[tilespmem:s13], [sflag:$0x1] =	stream.indirect.gather [hbm4b:s4+s14], $0x8, s5, s14, $0xb8;
	[tilespmem:$0xA400] =	vst v63  }
0xbe: {  	s7 =	simm.s32 $0x3E00;
	_ =	swait.ge [sflag:s1], $0x400  }
0xbf: {  	s7 =	simm.s32 @p0 $0x1E00;
	[sflag:s1] =	ssyncset.done $0x0  }
0xc0: {  	s7 =	sshra.s32 s7, $0x2;
	s5 =	simm.s32 $0x5E00;
	[sflag:s1] =	ssyncadd.s32 $0xFFFFFC00  }
.LBB2_2:
0xc1: {  	[tilespmem:s23], [sflag:$0x1] =	stream.indirect.gather [hbm4b:s4+s14], $0x8, s7, s14, $0xb8;
	[tilespmem:$0xA400] =	vst v63  }
0xc2: {  	s7 =	smov.u32 s5  }
0xc3: {  	p0 =	sne.s32 s5, $0xBE00;
	s5 =	sadd.s32 $0x2000, s5;
	_ =	swait.ge [sflag:s28], $0x400  }
0xc4: {  	s8 =	sshra.s32 s7, $0x2;
	[sflag:s28] =	ssyncset.done $0x0  }
0xc5: {  	s9 =	sadd.s32 $0x1880, s8;
	[sflag:s28] =	ssyncadd.s32 $0xFFFFFC00  }
0xc6: {  	[spmem:s2] =	stream.indirect.scatter.add.f32 [tilespmem:s15], [sflag:$0x2], $0x8, s9, s14, $0xb8;
	[tilespmem:$0xA400] =	vst v63  }
0xc7: {  	_ =	swait.ge [sflag:s28], $0x400  }
0xc8: {  	[sflag:s28] =	ssyncset.done $0x0  }
0xc9: {  	s9 =	sadd.s32 $0x1900, s8;
	[sflag:s28] =	ssyncadd.s32 $0xFFFFFC00  }
0xca: {  	[spmem:s2] =	stream.indirect.scatter.add.f32 [tilespmem:s16], [sflag:$0x2], $0x8, s9, s14, $0xb8;
	[tilespmem:$0xA400] =	vst v63  }
0xcb: {  	_ =	swait.ge [sflag:s28], $0x400  }
0xcc: {  	[sflag:s28] =	ssyncset.done $0x0  }
0xcd: {  	s9 =	sadd.s32 $0x1980, s8;
	[sflag:s28] =	ssyncadd.s32 $0xFFFFFC00  }
0xce: {  	[spmem:s2] =	stream.indirect.scatter.add.f32 [tilespmem:s18], [sflag:$0x2], $0x8, s9, s14, $0xb8;
	[tilespmem:$0xA400] =	vst v63  }
0xcf: {  	_ =	swait.ge [sflag:s28], $0x400  }
0xd0: {  	[sflag:s28] =	ssyncset.done $0x0  }
0xd1: {  	s9 =	sadd.s32 $0x1A00, s8;
	[sflag:s28] =	ssyncadd.s32 $0xFFFFFC00  }
0xd2: {  	[spmem:s2] =	stream.indirect.scatter.add.f32 [tilespmem:s20], [sflag:$0x2], $0x8, s9, s14, $0xb8;
	[tilespmem:$0xA400] =	vst v63  }
0xd3: {  	_ =	swait.ge [sflag:s28], $0x400  }
0xd4: {  	[sflag:s28] =	ssyncset.done $0x0  }
0xd5: {  	s9 =	sadd.s32 $0x1A80, s8;
	[sflag:s28] =	ssyncadd.s32 $0xFFFFFC00  }
0xd6: {  	[spmem:s2] =	stream.indirect.scatter.add.f32 [tilespmem:s22], [sflag:$0x2], $0x8, s9, s14, $0xb8;
	[tilespmem:$0xA400] =	vst v63  }
0xd7: {  	_ =	swait.ge [sflag:s28], $0x400  }
0xd8: {  	[sflag:s28] =	ssyncset.done $0x0  }
0xd9: {  	s9 =	sadd.s32 $0x1B00, s8;
	[sflag:s28] =	ssyncadd.s32 $0xFFFFFC00  }
0xda: {  	[spmem:s2] =	stream.indirect.scatter.add.f32 [tilespmem:s24], [sflag:$0x2], $0x8, s9, s14, $0xb8;
	[tilespmem:$0xA400] =	vst v63  }
0xdb: {  	_ =	swait.ge [sflag:s28], $0x400  }
0xdc: {  	[sflag:s28] =	ssyncset.done $0x0  }
0xdd: {  	s9 =	sadd.s32 $0x1B80, s8;
	[sflag:s28] =	ssyncadd.s32 $0xFFFFFC00  }
0xde: {  	[spmem:s2] =	stream.indirect.scatter.add.f32 [tilespmem:s26], [sflag:$0x2], $0x8, s9, s14, $0xb8;
	[tilespmem:$0xA400] =	vst v63  }
0xdf: {  	_ =	swait.ge [sflag:s28], $0x400  }
0xe0: {  	[sflag:s28] =	ssyncset.done $0x0  }
0xe1: {  	s9 =	sadd.s32 $0x1C00, s8;
	[sflag:s28] =	ssyncadd.s32 $0xFFFFFC00  }
0xe2: {  	[spmem:s2] =	stream.indirect.scatter.add.f32 [tilespmem:s29], [sflag:$0x2], $0x8, s9, s14, $0xb8;
	[tilespmem:$0xA400] =	vst v63  }
0xe3: {  	_ =	swait.ge [sflag:s28], $0x400  }
0xe4: {  	[sflag:s28] =	ssyncset.done $0x0  }
0xe5: {  	s9 =	sadd.s32 $0x1C80, s8;
	[sflag:s28] =	ssyncadd.s32 $0xFFFFFC00  }
0xe6: {  	[spmem:s2] =	stream.indirect.scatter.add.f32 [tilespmem:s31], [sflag:$0x2], $0x8, s9, s14, $0xb8;
	[tilespmem:$0xA400] =	vst v63  }
0xe7: {  	_ =	swait.ge [sflag:s28], $0x400  }
0xe8: {  	[sflag:s28] =	ssyncset.done $0x0  }
0xe9: {  	s9 =	sadd.s32 $0x1D00, s8;
	[sflag:s28] =	ssyncadd.s32 $0xFFFFFC00  }
0xea: {  	[spmem:s2] =	stream.indirect.scatter.add.f32 [tilespmem:s0], [sflag:$0x2], $0x8, s9, s14, $0xb8;
	[tilespmem:$0xA400] =	vst v63  }
0xeb: {  	_ =	swait.ge [sflag:s28], $0x400  }
0xec: {  	[sflag:s28] =	ssyncset.done $0x0  }
0xed: {  	s9 =	sadd.s32 $0x1D80, s8;
	[sflag:s28] =	ssyncadd.s32 $0xFFFFFC00  }
0xee: {  	[spmem:s2] =	stream.indirect.scatter.add.f32 [tilespmem:s17], [sflag:$0x2], $0x8, s9, s14, $0xb8;
	[tilespmem:$0xA400] =	vst v63  }
0xef: {  	_ =	swait.ge [sflag:s28], $0x400  }
0xf0: {  	[sflag:s28] =	ssyncset.done $0x0  }
0xf1: {  	s9 =	sadd.s32 $0x1E00, s8;
	[sflag:s28] =	ssyncadd.s32 $0xFFFFFC00  }
0xf2: {  	[spmem:s2] =	stream.indirect.scatter.add.f32 [tilespmem:s21], [sflag:$0x2], $0x8, s9, s14, $0xb8;
	[tilespmem:$0xA400] =	vst v63  }
0xf3: {  	_ =	swait.ge [sflag:s28], $0x400  }
0xf4: {  	[sflag:s28] =	ssyncset.done $0x0  }
0xf5: {  	s9 =	sadd.s32 $0x1E80, s8;
	[sflag:s28] =	ssyncadd.s32 $0xFFFFFC00  }
0xf6: {  	[spmem:s2] =	stream.indirect.scatter.add.f32 [tilespmem:s25], [sflag:$0x2], $0x8, s9, s14, $0xb8;
	[tilespmem:$0xA400] =	vst v63  }
0xf7: {  	_ =	swait.ge [sflag:s28], $0x400  }
0xf8: {  	[sflag:s28] =	ssyncset.done $0x0  }
0xf9: {  	s9 =	sadd.s32 $0x1F00, s8;
	[sflag:s28] =	ssyncadd.s32 $0xFFFFFC00  }
0xfa: {  	[spmem:s2] =	stream.indirect.scatter.add.f32 [tilespmem:s30], [sflag:$0x2], $0x8, s9, s14, $0xb8;
	[tilespmem:$0xA400] =	vst v63  }
0xfb: {  	_ =	swait.ge [sflag:s28], $0x400  }
0xfc: {  	[sflag:s28] =	ssyncset.done $0x0  }
0xfd: {  	s9 =	sadd.s32 $0x1F80, s8;
	[sflag:s28] =	ssyncadd.s32 $0xFFFFFC00  }
0xfe: {  	[spmem:s2] =	stream.indirect.scatter.add.f32 [tilespmem:s13], [sflag:$0x2], $0x8, s9, s14, $0xb8;
	[tilespmem:$0xA400] =	vst v63  }
0xff: {  	_ =	swait.ge [sflag:s28], $0x400  }
0x100: {  	s9 =	sadd.s32 $0xFFFFE400, s7;
	[sflag:s28] =	ssyncset.done $0x0  }
0x101: {  	s10 =	sadd.s32 $0xFFFFE800, s7;
	s8 =	sadd.s32 $0x2000, s8;
	[sflag:s28] =	ssyncadd.s32 $0xFFFFFC00  }
0x102: {  	[spmem:s2] =	stream.indirect.scatter.add.f32 [tilespmem:s23], [sflag:$0x2], $0x8, s8, s14, $0xb8;
	[tilespmem:$0xA400] =	vst v63  }
0x103: {  	p1 =	seq.s32 s7, $0xBE00;
	s8 =	sadd.s32 $0xFFFFE200, s7;
	_ =	swait.ge [sflag:s1], $0x400  }
0x104: {  	s10 =	simm.s32 @p1 $0x600;
	s8 =	simm.s32 @p1 $0x0;
	[sflag:s1] =	ssyncset.done $0x0  }
0x105: {  	s9 =	simm.s32 @p1 $0x200;
	s8 =	sshra.s32 s8, $0x2;
	[sflag:s1] =	ssyncadd.s32 $0xFFFFFC00  }
0x106: {  	[tilespmem:s15], [sflag:$0x1] =	stream.indirect.gather [hbm4b:s4+s14], $0x8, s8, s14, $0xb8;
	[tilespmem:$0xA400] =	vst v63  }
0x107: {  	_ =	swait.ge [sflag:s1], $0x400  }
0x108: {  	[sflag:s1] =	ssyncset.done $0x0  }
0x109: {  	s8 =	sshra.s32 s9, $0x2;
	[sflag:s1] =	ssyncadd.s32 $0xFFFFFC00  }
0x10a: {  	[tilespmem:s16], [sflag:$0x1] =	stream.indirect.gather [hbm4b:s4+s14], $0x8, s8, s14, $0xb8;
	[tilespmem:$0xA400] =	vst v63  }
0x10b: {  	s8 =	sadd.s32 $0xFFFFE600, s7;
	_ =	swait.ge [sflag:s1], $0x400  }
0x10c: {  	s8 =	simm.s32 @p1 $0x400;
	[sflag:s1] =	ssyncset.done $0x0  }
0x10d: {  	s8 =	sshra.s32 s8, $0x2;
	[sflag:s1] =	ssyncadd.s32 $0xFFFFFC00  }
0x10e: {  	[tilespmem:s18], [sflag:$0x1] =	stream.indirect.gather [hbm4b:s4+s14], $0x8, s8, s14, $0xb8;
	[tilespmem:$0xA400] =	vst v63  }
0x10f: {  	_ =	swait.ge [sflag:s1], $0x400  }
0x110: {  	[sflag:s1] =	ssyncset.done $0x0  }
0x111: {  	s8 =	sshra.s32 s10, $0x2;
	[sflag:s1] =	ssyncadd.s32 $0xFFFFFC00  }
0x112: {  	[tilespmem:s20], [sflag:$0x1] =	stream.indirect.gather [hbm4b:s4+s14], $0x8, s8, s14, $0xb8;
	[tilespmem:$0xA400] =	vst v63  }
0x113: {  	s8 =	sadd.s32 $0xFFFFEA00, s7;
	_ =	swait.ge [sflag:s1], $0x400  }
0x114: {  	s8 =	simm.s32 @p1 $0x800;
	[sflag:s1] =	ssyncset.done $0x0  }
0x115: {  	s8 =	sshra.s32 s8, $0x2;
	[sflag:s1] =	ssyncadd.s32 $0xFFFFFC00  }
0x116: {  	[tilespmem:s22], [sflag:$0x1] =	stream.indirect.gather [hbm4b:s4+s14], $0x8, s8, s14, $0xb8;
	[tilespmem:$0xA400] =	vst v63  }
0x117: {  	s8 =	sadd.s32 $0xFFFFEC00, s7;
	_ =	swait.ge [sflag:s1], $0x400  }
0x118: {  	s8 =	simm.s32 @p1 $0xA00;
	[sflag:s1] =	ssyncset.done $0x0  }
0x119: {  	s8 =	sshra.s32 s8, $0x2;
	[sflag:s1] =	ssyncadd.s32 $0xFFFFFC00  }
0x11a: {  	[tilespmem:s24], [sflag:$0x1] =	stream.indirect.gather [hbm4b:s4+s14], $0x8, s8, s14, $0xb8;
	[tilespmem:$0xA400] =	vst v63  }
0x11b: {  	s8 =	sadd.s32 $0xFFFFEE00, s7;
	_ =	swait.ge [sflag:s1], $0x400  }
0x11c: {  	s8 =	simm.s32 @p1 $0xC00;
	[sflag:s1] =	ssyncset.done $0x0  }
0x11d: {  	s8 =	sshra.s32 s8, $0x2;
	[sflag:s1] =	ssyncadd.s32 $0xFFFFFC00  }
0x11e: {  	[tilespmem:s26], [sflag:$0x1] =	stream.indirect.gather [hbm4b:s4+s14], $0x8, s8, s14, $0xb8;
	[tilespmem:$0xA400] =	vst v63  }
0x11f: {  	s8 =	sadd.s32 $0xFFFFF000, s7;
	_ =	swait.ge [sflag:s1], $0x400  }
0x120: {  	s8 =	simm.s32 @p1 $0xE00;
	[sflag:s1] =	ssyncset.done $0x0  }
0x121: {  	s8 =	sshra.s32 s8, $0x2;
	[sflag:s1] =	ssyncadd.s32 $0xFFFFFC00  }
0x122: {  	[tilespmem:s29], [sflag:$0x1] =	stream.indirect.gather [hbm4b:s4+s14], $0x8, s8, s14, $0xb8;
	[tilespmem:$0xA400] =	vst v63  }
0x123: {  	s8 =	sadd.s32 $0xFFFFF200, s7;
	_ =	swait.ge [sflag:s1], $0x400  }
0x124: {  	s8 =	simm.s32 @p1 $0x1000;
	[sflag:s1] =	ssyncset.done $0x0  }
0x125: {  	s8 =	sshra.s32 s8, $0x2;
	[sflag:s1] =	ssyncadd.s32 $0xFFFFFC00  }
0x126: {  	[tilespmem:s31], [sflag:$0x1] =	stream.indirect.gather [hbm4b:s4+s14], $0x8, s8, s14, $0xb8;
	[tilespmem:$0xA400] =	vst v63  }
0x127: {  	s8 =	sadd.s32 $0xFFFFF400, s7;
	_ =	swait.ge [sflag:s1], $0x400  }
0x128: {  	s8 =	simm.s32 @p1 $0x1200;
	[sflag:s1] =	ssyncset.done $0x0  }
0x129: {  	s8 =	sshra.s32 s8, $0x2;
	[sflag:s1] =	ssyncadd.s32 $0xFFFFFC00  }
0x12a: {  	[tilespmem:s0], [sflag:$0x1] =	stream.indirect.gather [hbm4b:s4+s14], $0x8, s8, s14, $0xb8;
	[tilespmem:$0xA400] =	vst v63  }
0x12b: {  	s8 =	sadd.s32 $0xFFFFF600, s7;
	_ =	swait.ge [sflag:s1], $0x400  }
0x12c: {  	s8 =	simm.s32 @p1 $0x1400;
	[sflag:s1] =	ssyncset.done $0x0  }
0x12d: {  	s8 =	sshra.s32 s8, $0x2;
	[sflag:s1] =	ssyncadd.s32 $0xFFFFFC00  }
0x12e: {  	[tilespmem:s17], [sflag:$0x1] =	stream.indirect.gather [hbm4b:s4+s14], $0x8, s8, s14, $0xb8;
	[tilespmem:$0xA400] =	vst v63  }
0x12f: {  	s8 =	sadd.s32 $0xFFFFF800, s7;
	_ =	swait.ge [sflag:s1], $0x400  }
0x130: {  	s8 =	simm.s32 @p1 $0x1600;
	[sflag:s1] =	ssyncset.done $0x0  }
0x131: {  	s8 =	sshra.s32 s8, $0x2;
	[sflag:s1] =	ssyncadd.s32 $0xFFFFFC00  }
0x132: {  	[tilespmem:s21], [sflag:$0x1] =	stream.indirect.gather [hbm4b:s4+s14], $0x8, s8, s14, $0xb8;
	[tilespmem:$0xA400] =	vst v63  }
0x133: {  	s8 =	sadd.s32 $0xFFFFFA00, s7;
	_ =	swait.ge [sflag:s1], $0x400  }
0x134: {  	s8 =	simm.s32 @p1 $0x1800;
	[sflag:s1] =	ssyncset.done $0x0  }
0x135: {  	s8 =	sshra.s32 s8, $0x2;
	[sflag:s1] =	ssyncadd.s32 $0xFFFFFC00  }
0x136: {  	[tilespmem:s25], [sflag:$0x1] =	stream.indirect.gather [hbm4b:s4+s14], $0x8, s8, s14, $0xb8;
	[tilespmem:$0xA400] =	vst v63  }
0x137: {  	s8 =	sadd.s32 $0xFFFFFC00, s7;
	_ =	swait.ge [sflag:s1], $0x400  }
0x138: {  	s8 =	simm.s32 @p1 $0x1A00;
	[sflag:s1] =	ssyncset.done $0x0  }
0x139: {  	s8 =	sshra.s32 s8, $0x2;
	[sflag:s1] =	ssyncadd.s32 $0xFFFFFC00  }
0x13a: {  	[tilespmem:s30], [sflag:$0x1] =	stream.indirect.gather [hbm4b:s4+s14], $0x8, s8, s14, $0xb8;
	[tilespmem:$0xA400] =	vst v63  }
0x13b: {  	s8 =	sadd.s32 $0xFFFFFE00, s7;
	_ =	swait.ge [sflag:s1], $0x400  }
0x13c: {  	s8 =	simm.s32 @p1 $0x1C00;
	[sflag:s1] =	ssyncset.done $0x0  }
.Ltmp0:
0x13d: {  	s8 =	sshra.s32 s8, $0x2;
	[sflag:s1] =	ssyncadd.s32 $0xFFFFFC00;
	(pc) =	sbr.rel @p0 .LBB2_2-.Ltmp0, $4  }
0x13e: {  	[tilespmem:s13], [sflag:$0x1] =	stream.indirect.gather [hbm4b:s4+s14], $0x8, s8, s14, $0xb8;
	[tilespmem:$0xA400] =	vst v63  }
0x13f: {  	_ =	swait.ge [sflag:s1], $0x400  }
0x140: {  	s7 =	simm.s32 @p1 $0x1E00;
	[sflag:s1] =	ssyncset.done $0x0  }
0x141: {  	s7 =	sshra.s32 s7, $0x2;
	[sflag:s1] =	ssyncadd.s32 $0xFFFFFC00  }
0x142: {  	[tilespmem:s23], [sflag:$0x1] =	stream.indirect.gather [hbm4b:s4+s14], $0x8, s7, s14, $0xb8;
	[tilespmem:$0xA400] =	vst v63  }
0x143: {  	_ =	swait.ge [sflag:s28], $0x400  }
0x144: {  	[sflag:s28] =	ssyncset.done $0x0  }
0x145: {  	[sflag:s28] =	ssyncadd.s32 $0xFFFFFC00  }
0x146: {  	_ =	swait.ge [sflag:s28], $0x400  }
0x147: {  	[sflag:s28] =	ssyncset.done $0x0  }
0x148: {  	[sflag:s28] =	ssyncadd.s32 $0xFFFFFC00  }
0x149: {  	_ =	swait.ge [sflag:s28], $0x400  }
0x14a: {  	[sflag:s28] =	ssyncset.done $0x0  }
0x14b: {  	[sflag:s28] =	ssyncadd.s32 $0xFFFFFC00  }
0x14c: {  	_ =	swait.ge [sflag:s28], $0x400  }
0x14d: {  	[sflag:s28] =	ssyncset.done $0x0  }
0x14e: {  	[sflag:s28] =	ssyncadd.s32 $0xFFFFFC00  }
0x14f: {  	_ =	swait.ge [sflag:s28], $0x400  }
0x150: {  	[sflag:s28] =	ssyncset.done $0x0  }
0x151: {  	[sflag:s28] =	ssyncadd.s32 $0xFFFFFC00  }
0x152: {  	_ =	swait.ge [sflag:s28], $0x400  }
0x153: {  	[sflag:s28] =	ssyncset.done $0x0  }
0x154: {  	[sflag:s28] =	ssyncadd.s32 $0xFFFFFC00  }
0x155: {  	_ =	swait.ge [sflag:s28], $0x400  }
0x156: {  	[sflag:s28] =	ssyncset.done $0x0  }
0x157: {  	[sflag:s28] =	ssyncadd.s32 $0xFFFFFC00  }
0x158: {  	_ =	swait.ge [sflag:s28], $0x400  }
0x159: {  	[sflag:s28] =	ssyncset.done $0x0  }
0x15a: {  	[sflag:s28] =	ssyncadd.s32 $0xFFFFFC00  }
0x15b: {  	_ =	swait.ge [sflag:s28], $0x400  }
0x15c: {  	[sflag:s28] =	ssyncset.done $0x0  }
0x15d: {  	[sflag:s28] =	ssyncadd.s32 $0xFFFFFC00  }
0x15e: {  	_ =	swait.ge [sflag:s28], $0x400  }
0x15f: {  	[sflag:s28] =	ssyncset.done $0x0  }
0x160: {  	[sflag:s28] =	ssyncadd.s32 $0xFFFFFC00  }
0x161: {  	_ =	swait.ge [sflag:s28], $0x400  }
0x162: {  	[sflag:s28] =	ssyncset.done $0x0  }
0x163: {  	[sflag:s28] =	ssyncadd.s32 $0xFFFFFC00  }
0x164: {  	_ =	swait.ge [sflag:s28], $0x400  }
0x165: {  	[sflag:s28] =	ssyncset.done $0x0  }
0x166: {  	[sflag:s28] =	ssyncadd.s32 $0xFFFFFC00  }
0x167: {  	_ =	swait.ge [sflag:s28], $0x400  }
0x168: {  	[sflag:s28] =	ssyncset.done $0x0  }
0x169: {  	[sflag:s28] =	ssyncadd.s32 $0xFFFFFC00  }
0x16a: {  	_ =	swait.ge [sflag:s28], $0x400  }
0x16b: {  	[sflag:s28] =	ssyncset.done $0x0  }
0x16c: {  	[sflag:s28] =	ssyncadd.s32 $0xFFFFFC00  }
0x16d: {  	_ =	swait.ge [sflag:s28], $0x400  }
0x16e: {  	[sflag:s28] =	ssyncset.done $0x0  }
0x16f: {  	[sflag:s28] =	ssyncadd.s32 $0xFFFFFC00  }
0x170: {  	_ =	swait.ge [sflag:s28], $0x400  }
0x171: {  	[sflag:s28] =	ssyncset.done $0x0  }
0x172: {  	[sflag:s28] =	ssyncadd.s32 $0xFFFFFC00  }
0x173: {  	[bflag:$0x0] =	sbarrier.arrive $0xFFFF  }
0x174: {  	s5 =	rddreg [dreg:$0x6]  }
0x175: {  	[hbm:s5], [sflag:s6] =	dma.local [spmem:s11], $0x280  }
0x176: {  	_ =	swait.ge [sflag:s12], $0x280  }
0x177: {  	s19 =	sadd.s32 $0x1, s19;
	s10 =	rddreg [dreg:$0x7]  }
0x178: {  	p0 =	sne.s32 s19, s10  }
.Ltmp1:
0x179: {  	_ = 	snop;
	(pc) =	sbr.rel @p0 .LBB2_1-.Ltmp1, $3  }
0x17a: {  	_ =	sdelay $0x1  }
0x17b: {  	[sflag:s12] =	ssyncset.done $0x0  }
0x17c: {  	[sflag:s12] =	ssyncadd.s32 $0xFFFFFD80  }
0x17d: {  	_ =	sfence.sel $0x180000  }
0x17e: {  	[bflag:$0x0] =	sbarrier.arrive $0xFFFF  }
0x17f: {  	_ =	strace $0x9000004D  }
0x180: {  	s0 =	stileid.u32;
	[bflag:$0x2] =	sbarrier.arrive $0xFFFF  }
0x181: {  	p0 =	sne.s32 s0, $0x0;
	s0 =	rddreg [dreg:$0x2]  }
0x182: {  	s0 =	sadd.s32 @!p0 $0x100000, s0  }
0x183: {  	[sflag:s0] =	ssyncadd.tile.s32 @!p0 $0x1;
	_ =	shalt  }
.Lfunc_end2:
_tile_overlayer_lowered:
.L_overlay_start_2:
0x184: {  	(tag) =	ssettag $0x2  }
0x185: {  	s0 =	rddreg [dreg:$0x0];
	s2 =	stileid.u32  }
0x186: {  	s1 =	rddreg [dreg:$0x1];
	p0 =	sne.s32 s2, $0x0  }
0x187: {  	s3 =	rddreg [dreg:$0x2];
	[bflag:$0x3] =	sbarrier.arrive $0xFFFF;
	s2 =	simm.s32 @!p0 $0x1C03  }
0x188: {  	[timem:s3], [sflag:s2] =	dma.local @!p0 [hbm:s0], s1  }
0x189: {  	s0 =	simm.s32 @!p0 $0x3  }
0x18a: {  	_ =	swait.ge @!p0 [sflag:s0], s1  }
0x18b: {  	s1 =	ssub.s32 @!p0 $0x0, s1;
	[sflag:s0] =	ssyncset.done @!p0 $0x0  }
0x18c: {  	[sflag:s0] =	ssyncadd.s32 @!p0 s1  }
0x18d: {  	[bflag:$0x3] =	sbarrier.arrive $0xFFFF  }
0x18e: {  	_ =	shalt  }

// kernel: kernel.8.cloned.1.call-start
scs
__scs_entry_jumppad:
0x0: {  	(pc) =	sbr.rel $0x88, $3  }
0x1: {  	(tag) =	ssettag $0x0;
	lr =	simm.s32 $0x1  }
0x2: {  	[smem:$0x3F9A] =	sst lr;
	_ =	strace $0xD0000000  }
0x3: {  	_ = 	snop  }
0x4: {  	_ = 	snop  }
0x5: {  	_ = 	snop  }
0x6: {  	_ = 	snop  }
0x7: {  	_ = 	snop  }
__scs_overlays_trampoline_lowered:
0x8: {  	[smem:$0x3FA9] =	sst s0  }
0x9: {  	[smem:$0x3FAA] =	sst s1  }
0xa: {  	[smem:$0x3FAB] =	sst s2  }
0xb: {  	[smem:$0x3FAC] =	sst s3  }
0xc: {  	[smem:$0x3FAD] =	sst s4  }
0xd: {  	[smem:$0x3FAE] =	sst s5  }
0xe: {  	[smem:$0x3FAF] =	sst s6  }
0xf: {  	[smem:$0x3FB0] =	sst s7  }
0x10: {  	[smem:$0x3FB1] =	sst s8  }
0x11: {  	[smem:$0x3FB2] =	sst s9;
	s0 =	simm.s32 @!p0 $0x0  }
0x12: {  	s1 =	sld [smem:$0x3F98];
	s0 =	simm.s32 @p0 $0x1  }
0x13: {  	[smem:$0x3FB3] =	sst s0;
	s0 =	simm.s32 @!p1 $0x0  }
0x14: {  	s2 =	sld [smem:$0x3F97];
	s0 =	simm.s32 @p1 $0x1  }
0x15: {  	[smem:$0x3FB4] =	sst s0;
	s0 =	simm.s32 @!p2 $0x0  }
0x16: {  	s3 =	sld [smem:$0x3FDB];
	s0 =	simm.s32 @p2 $0x1  }
0x17: {  	s4 =	simm.s32 $0x1BF5;
	[smem:$0x3FB6] =	sst s0  }
0x18: {  	s0 =	sld [smem:$0x3F99];
	_ =	swait.ge [sflag:s4], $0x0  }
0x19: {  	s7 =	sld [smem:$0x3F9A]  }
0x1a: {  	s8 =	sadd.s32 $0xFFFFE003, lr  }
0x1b: {  	s9 =	sadd.s32 $0xFFFFFEF7, lr;
	s5 =	simm.s32 $0xFFFFFFFF;
	p2 =	slt.u32 s8, $0xFFFFF086  }
0x1c: {  	p1 =	slt.u32 s9, $0xF7A;
	s5 =	simm.s32 @!p2 $0x0  }
0x1d: {  	s5 =	simm.s32 @p1 $0x1;
	p0 =	seq.s32 s7, s2  }
0x1e: {  	s7 =	smul.u32 @!p0 $0xF7A, s2;
	p2 =	seq.s32 @!p0 s5, $0x0  }
0x1f: {  	s9 =	smul.u32 $0xF7A, s1;
	s8 =	simm.s32 @!p0 $0x1BF5;
	p2 =	por !p2, p0  }
0x20: {  	[sflag:s8] =	ssyncset.s32 @!p0 $0xFFFFF086;
	s6 =	sadd.s32 @!p0 s3, s7;
	s7 =	simm.s32 @!p0 $0x108  }
0x21: {  	s3 =	sadd.s32 s3, s9;
	s6 =	sadd.s32 @!p0 $0x88, s6;
	s7 =	simm.s32 @p2 $0x1082  }
0x22: {  	[simem:s7], [sflag:s8] =	dma.local @!p0 [hbm:s6], $0xF7A  }
0x23: {  	s9 =	sor.u32 $0xD0000000, s2;
	s6 =	simm.s32 $0x108;
	_ =	swait.ge @!p0 [sflag:s8], $0x0  }
0x24: {  	s3 =	sadd.s32 $0x88, s3;
	s6 =	simm.s32 @!p1 $0x1082;
	[sflag:s4] =	ssyncset.s32 $0xFFFFF086  }
0x25: {  	[simem:s6], [sflag:s4] =	dma.local [hbm:s3], $0xF7A  }
0x26: {  	[smem:$0x3F9A] =	sst s1;
	(tag) =	ssettag s2;
	_ =	strace s9  }
0x27: {  	s1 =	sld [smem:$0x3FAA]  }
0x28: {  	s2 =	sld [smem:$0x3FAB]  }
0x29: {  	s4 =	sld [smem:$0x3FAD]  }
0x2a: {  	p0 =	seq.s32 s5, $0x0;
	s5 =	sld [smem:$0x3FAE]  }
0x2b: {  	s6 =	sld [smem:$0x3FAF]  }
0x2c: {  	s7 =	sld [smem:$0x3FB0]  }
0x2d: {  	s3 =	simm.s32 $0x108;
	s8 =	sld [smem:$0x3FB1]  }
0x2e: {  	s3 =	simm.s32 @!p0 $0x1082;
	s9 =	sld [smem:$0x3FB2]  }
0x2f: {  	lr =	sadd.s32 s0, s3;
	s0 =	sld [smem:$0x3FA9]  }
0x30: {  	s3 =	sld [smem:$0x3FAC]  }
0x31: {  	[smem:$0x3FB5] =	sst s10  }
0x32: {  	s10 =	sld [smem:$0x3FB3];
	_ =	sdelay $0x3  }
0x33: {  	p0 =	seq.s32 s10, $0x1;
	s10 =	sld [smem:$0x3FB5];
	_ =	sdelay $0x3  }
0x34: {  	[smem:$0x3FB5] =	sst s10  }
0x35: {  	s10 =	sld [smem:$0x3FB4];
	_ =	sdelay $0x3  }
0x36: {  	p1 =	seq.s32 s10, $0x1;
	s10 =	sld [smem:$0x3FB5];
	_ =	sdelay $0x3  }
0x37: {  	[smem:$0x3FB5] =	sst s10  }
0x38: {  	s10 =	sld [smem:$0x3FB6]  }
0x39: {  	_ = 	snop;
	(pc) =	sbr.ind lr, $3  }
0x3a: {  	_ = 	snop  }
0x3b: {  	_ = 	snop  }
0x3c: {  	p2 =	seq.s32 s10, $0x1;
	s10 =	sld [smem:$0x3FB5]  }
0x3d: {  	_ =	shalt  }
0x3e: {  	_ =	shalt  }
0x3f: {  	_ =	shalt  }
0x40: {  	_ =	shalt  }
0x41: {  	_ =	shalt  }
0x42: {  	_ =	shalt  }
0x43: {  	_ =	shalt  }
0x44: {  	_ =	shalt  }
0x45: {  	_ =	shalt  }
0x46: {  	_ =	shalt  }
0x47: {  	_ =	shalt  }
0x48: {  	_ =	shalt  }
0x49: {  	_ =	shalt  }
0x4a: {  	_ =	shalt  }
0x4b: {  	_ =	shalt  }
0x4c: {  	_ =	shalt  }
0x4d: {  	_ =	shalt  }
0x4e: {  	_ =	shalt  }
0x4f: {  	_ =	shalt  }
0x50: {  	_ =	shalt  }
0x51: {  	_ =	shalt  }
0x52: {  	_ =	shalt  }
0x53: {  	_ =	shalt  }
0x54: {  	_ =	shalt  }
0x55: {  	_ =	shalt  }
0x56: {  	_ =	shalt  }
0x57: {  	_ =	shalt  }
0x58: {  	_ =	shalt  }
0x59: {  	_ =	shalt  }
0x5a: {  	_ =	shalt  }
0x5b: {  	_ =	shalt  }
0x5c: {  	_ =	shalt  }
0x5d: {  	_ =	shalt  }
0x5e: {  	_ =	shalt  }
0x5f: {  	_ =	shalt  }
0x60: {  	_ =	shalt  }
0x61: {  	_ =	shalt  }
0x62: {  	_ =	shalt  }
0x63: {  	_ =	shalt  }
0x64: {  	_ =	shalt  }
0x65: {  	_ =	shalt  }
0x66: {  	_ =	shalt  }
0x67: {  	_ =	shalt  }
0x68: {  	_ =	shalt  }
0x69: {  	_ =	shalt  }
0x6a: {  	_ =	shalt  }
0x6b: {  	_ =	shalt  }
0x6c: {  	_ =	shalt  }
0x6d: {  	_ =	shalt  }
0x6e: {  	_ =	shalt  }
0x6f: {  	_ =	shalt  }
0x70: {  	_ =	shalt  }
0x71: {  	_ =	shalt  }
0x72: {  	_ =	shalt  }
0x73: {  	_ =	shalt  }
0x74: {  	_ =	shalt  }
0x75: {  	_ =	shalt  }
0x76: {  	_ =	shalt  }
0x77: {  	_ =	shalt  }
0x78: {  	_ =	shalt  }
0x79: {  	_ =	shalt  }
0x7a: {  	_ =	shalt  }
0x7b: {  	_ =	shalt  }
0x7c: {  	_ =	shalt  }
0x7d: {  	_ =	shalt  }
0x7e: {  	_ =	shalt  }
0x7f: {  	_ =	shalt  }
0x80: {  	_ =	shalt  }
0x81: {  	_ =	shalt  }
0x82: {  	_ =	shalt  }
0x83: {  	_ =	shalt  }
0x84: {  	_ =	shalt  }
0x85: {  	_ =	shalt  }
0x86: {  	_ =	shalt  }
0x87: {  	_ =	shalt  }
.Lfunc_end0:
.L_simem_size_0:
called_computation_lowered:
.L_overlay_start_0:
0x88: {  	s2 =	sld [smem:$0x3FD9]  }
0x89: {  	s3 =	sld [smem:$0x3FFE];
	_ =	sdelay $0x1  }
0x8a: {  	s1 =	srdreg.scid  }
0x8b: {  	s0 =	sand.u32 $0x1, s1  }
0x8c: {  	s16 =	sshll.u32 s0, $0xA;
	s2 =	sadd.s32 s3, s2  }
0x8d: {  	s2 =	sadd.s32 s2, s16  }
0x8e: {  	[smem:$0x3FC1] =	sst s2  }
0x8f: {  	_ = 	snop  }
0x90: {  	(tm) =	ssettm $0x1  }
0x91: {  	s17 =	sld [smem:$0x3FFB];
	_ =	sdelay $0x3  }
0x92: {  	_ =	strace s17  }
0x93: {  	s2 =	sld [smem:$0x3FFC];
	_ =	sdelay $0x3  }
0x94: {  	_ =	strace s2  }
0x95: {  	s2 =	sld [smem:$0x3FFD];
	_ =	sdelay $0x3  }
0x96: {  	_ =	strace s2  }
0x97: {  	_ =	strace $0x8FFFFFFF  }
0x98: {  	s18 =	sld [smem:$0x3FDB];
	_ =	sdelay $0x1  }
0x99: {  	s19 =	simm.s32 $_scs_section_size  }
0x9a: {  	s4 =	simm.s32 $_size__tile_overlayer_lowered;
	s5 =	simm.s32 $_tile_overlayer_lowered  }
0x9b: {  	s22 =	simm.s32 $0x1BFF;
	s21 =	sshll.u32 s5, $0x1;
	s2 =	sadd.s32 s19, s18  }
0x9c: {  	s6 =	simm.s32 $0x0;
	s20 =	sshll.u32 s4, $0x1;
	s4 =	sadd.s32 s21, s2  }
0x9d: {  	[timem:s6], [sflag:s22] =	dma.local [hbm:s4], s20  }
0x9e: {  	_ =	swait.ge [sflag:s22], s20  }
0x9f: {  	s3 =	ssub.s32 $0x0, s20;
	[sflag:s22] =	ssyncset.done $0x0  }
0xa0: {  	[sflag:s22] =	ssyncadd.s32 s3;
	_ =	sdelay $0x1  }
0xa1: {  	s23 =	simm.s32 $0x1B8B  }
0xa2: {  	_ =	swait.ge [sflag:s23], $0x1  }
0xa3: {  	[sflag:s23] =	ssyncset.done $0x0  }
0xa4: {  	s25 =	simm.s32 $0x1B8E;
	s24 =	sld [smem:$0x3FFE];
	[sflag:s23] =	ssyncadd.s32 $0xFFFFFFFF  }
0xa5: {  	s26 =	simm.s32 $execute0_lowered;
	[smem:$0x3FD2] =	sst s25  }
0xa6: {  	s4 =	sshll.u32 s26, $0x1;
	_ =	strace $0x80000046;
	[dreg:$0x1] =	wrdreg $0xFFFFFFFF  }
0xa7: {  	s28 =	simm.s32 $_size_execute0_lowered;
	s2 =	sadd.s32 s2, s4;
	[dreg:$0x0] =	wrdreg $0x0  }
0xa8: {  	s4 =	sshll.u32 s28, $0x1;
	[dreg:$0x2] =	wrdreg s2  }
0xa9: {  	[dreg:$0x3] =	wrdreg s4  }
0xaa: {  	[dreg:$0x4] =	wrdreg $0xC0  }
0xab: {  	_ =	task [dreg:s6], $0x5FFFF  }
0xac: {  	[dreg:$0x1] =	wrdreg $0xFFFFFFFF  }
0xad: {  	[dreg:$0x0] =	wrdreg $0x60  }
0xae: {  	[dreg:$0x2] =	wrdreg s24  }
0xaf: {  	[dreg:$0x3] =	wrdreg $0x29000  }
0xb0: {  	[dreg:$0x4] =	wrdreg $0x9  }
0xb1: {  	_ =	task.clear_ibuf [dreg:s6], $0x5FFFF;
	_ =	strace $0x90000046  }
0xb2: {  	s29 =	simm.s32 $0x9;
	_ =	strace $0x80000048  }
0xb3: {  	_ =	swait.ge [sflag:s29], $0x1  }
0xb4: {  	[sflag:s29] =	ssyncadd.s32 $0xFFFFFFFF  }
0xb5: {  	_ =	strace $0x90000048  }
0xb6: {  	_ =	sfence  }
0xb7: {  	s30 =	sld [smem:$0x0];
	_ =	sdelay $0x2  }
0xb8: {  	s31 =	sshll.u32 s1, $0xD;
	s1 =	sshrl.u32 s1, $0x2  }
0xb9: {  	s3 =	sand.u32 $0x4000, s31;
	s1 =	sadd.s32 s1, s30  }
0xba: {  	s0 =	sor.u32 s3, s0;
	s1 =	sshll.u32 s1, $0x11  }
0xbb: {  	s0 =	sor.u32 s1, s0  }
0xbc: {  	s0 =	sadd.s32 $0x8F2B, s0  }
0xbd: {  	[sflag:s0] =	ssyncadd.remote.s32 $0x1  }
0xbe: {  	_ =	sfence.sel $0xFFFF  }
0xbf: {  	[dreg:$0x0] =	wrdreg $0xFFFFFFFF;
	(pc) =	sbr.abs _section_cstart, $3  }
0xc0: {  	[dreg:$0x1] =	wrdreg $0xFFFFFFFF  }
0xc1: {  	_ =	task.clear_ibuf [dreg:s6], $0x2FFFF;
	_ =	strace $0x9FFFFFFF  }
0xc2: {  	(tm) =	ssettm $0x7FFFFFFF  }
0xc3: {  	_ =	shalt  }
tec
execute0_lowered:
.L_overlay_start_1:
0x0: {  	(tag) =	ssettag $0x1  }
0x1: {  	s0 =	srdreg.scid;
	s5 =	rddreg [dreg:$0x0]  }
0x2: {  	s2 =	rddreg [dreg:$0x1];
	s3 =	simm.s32 $0x0;
	s13 =	simm.s32 $0x2  }
0x3: {  	s14 =	simm.s32 $0x80;
	s15 =	simm.s32 $0x2800;
	s16 =	simm.s32 $0x1  }
0x4: {  	s19 =	simm.s32 $0x0;
	s4 =	sand.u32 $0x1, s0;
	s0 =	stileid.u32  }
0x5: {  	[smem:$0x7FF] =	sst s3;
	s1 =	sshll.u32 s4, $0x4;
	s7 =	smul.u32 $0x280, s0  }
0x6: {  	s8 =	smul.u32 $0x2800, s4;
	s31 =	ssub.s32 $0x2, s4;
	s17 =	sshll.u32 s0, $0x6  }
0x7: {  	s1 =	sor.u32 s0, s1;
	s10 =	sshrl.u32 s31, $0x1;
	s17 =	sor.u32 $0x1C02, s17  }
0x8: {  	s6 =	smul.u32 $0x500, s1;
	s1 =	rddreg [dreg:$0x2];
	_ =	strace $0x80000047  }
0x9: {  	s30 =	sadd.s32 s7, s8;
	s4 =	sadd.s32 s7, s2;
	s12 =	ssub.s32 s31, s10  }
0xa: {  	s7 =	sadd.s32 $0x180, s4;
	s9 =	sadd.s32 s6, s5;
	s6 =	sshrl.u32 s30, $0x3  }
0xb: {  	s8 =	sadd.s32 $0x200, s4;
	s18 =	sshrl.u32 s4, $0x3;
	s11 =	sadd.s32 s6, s5  }
0xc: {  	s5 =	sadd.s32 $0x80, s4;
	s6 =	sadd.s32 $0x100, s4;
	s9 =	sadd.s32 $0xC200, s9  }
0xd: {  	v0 =	vimm.f32 $1.000000000e+00;
	v1 =	vimm.f32 $0.0e+00;
	s10 =	sadd.s32 $0x16200, s11;
	s11 =	smax.u32 s12, $0x1;
	s12 =	simm.s32 $0x2880  }
.LBB2_1:
0xe: {  	[tilespmem:$0x2800] =	vst v0  }
0xf: {  	[tilespmem:$0x2880] =	vst v1  }
0x10: {  	[tilespmem:$0x2810] =	vst v0  }
0x11: {  	[tilespmem:$0x2890] =	vst v1  }
0x12: {  	[tilespmem:$0x2820] =	vst v0  }
0x13: {  	[tilespmem:$0x28A0] =	vst v1  }
0x14: {  	[tilespmem:$0x2830] =	vst v0  }
0x15: {  	[tilespmem:$0x28B0] =	vst v1  }
0x16: {  	[tilespmem:$0x2840] =	vst v0  }
0x17: {  	[tilespmem:$0x28C0] =	vst v1  }
0x18: {  	[tilespmem:$0x2850] =	vst v0  }
0x19: {  	[tilespmem:$0x28D0] =	vst v1  }
0x1a: {  	[tilespmem:$0x2860] =	vst v0  }
0x1b: {  	[tilespmem:$0x28E0] =	vst v1  }
0x1c: {  	[tilespmem:$0x2870] =	vst v0  }
0x1d: {  	[tilespmem:$0x28F0] =	vst v1  }
0x1e: {  	[spmem:s4] =	stream.linear.scatter [tilespmem:s12], [sflag:$0x2], $0x80, $0x38;
	[tilespmem:$0x2B80] =	vst v63  }
0x1f: {  	_ =	swait.ge [sflag:s13], $0x80  }
0x20: {  	[sflag:s13] =	ssyncset.done $0x0  }
0x21: {  	[sflag:s13] =	ssyncadd.s32 $0xFFFFFF80  }
0x22: {  	[spmem:s5] =	stream.linear.scatter [tilespmem:s12], [sflag:$0x2], $0x80, $0x38;
	[tilespmem:$0x2B80] =	vst v63  }
0x23: {  	_ =	swait.ge [sflag:s13], $0x80  }
0x24: {  	[sflag:s13] =	ssyncset.done $0x0  }
0x25: {  	[sflag:s13] =	ssyncadd.s32 $0xFFFFFF80  }
0x26: {  	[spmem:s6] =	stream.linear.scatter [tilespmem:s12], [sflag:$0x2], $0x80, $0x38;
	[tilespmem:$0x2B80] =	vst v63  }
0x27: {  	_ =	swait.ge [sflag:s13], $0x80  }
0x28: {  	[sflag:s13] =	ssyncset.done $0x0  }
0x29: {  	[sflag:s13] =	ssyncadd.s32 $0xFFFFFF80  }
0x2a: {  	[spmem:s7] =	stream.linear.scatter [tilespmem:s12], [sflag:$0x2], $0x80, $0x38;
	[tilespmem:$0x2B80] =	vst v63  }
0x2b: {  	_ =	swait.ge [sflag:s13], $0x80  }
0x2c: {  	[sflag:s13] =	ssyncset.done $0x0  }
0x2d: {  	[sflag:s13] =	ssyncadd.s32 $0xFFFFFF80  }
0x2e: {  	[spmem:s8] =	stream.linear.scatter [tilespmem:s12], [sflag:$0x2], $0x80, $0x38;
	[tilespmem:$0x2B80] =	vst v63  }
0x2f: {  	_ =	swait.ge [sflag:s13], $0x80  }
0x30: {  	[sflag:s13] =	ssyncset.done $0x0  }
0x31: {  	[sflag:s13] =	ssyncadd.s32 $0xFFFFFF80  }
0x32: {  	[tilespmem:s3], [sflag:$0x2] =	stream.linear.gather [hbm4b:s9+s3], $0x2800, $0x38;
	[tilespmem:$0x2B80] =	vst v63  }
0x33: {  	_ =	swait.ge [sflag:s13], $0x2800  }
0x34: {  	[sflag:s13] =	ssyncset.done $0x0  }
0x35: {  	[sflag:s13] =	ssyncadd.s32 $0xFFFFD800  }
0x36: {  	s20 =	simm.s32 $0x0;
	[bflag:$0x0] =	sbarrier.arrive $0xFFFF  }
0x37: {  	[spmem:s2] =	stream.indirect.scatter.add.f32 [tilespmem:s15], [sflag:$0x1], $0x1, s20, s14, $0xb8;
	[tilespmem:$0x2B80] =	vst v63  }
0x38: {  	s26 =	simm.s32 $0x80  }
0x39: {  	[spmem:s2] =	stream.indirect.scatter.add.f32 [tilespmem:s15], [sflag:$0x1], $0x1, s26, s14, $0xb8;
	[tilespmem:$0x2B80] =	vst v63  }
0x3a: {  	s28 =	simm.s32 $0x100  }
0x3b: {  	[spmem:s2] =	stream.indirect.scatter.add.f32 [tilespmem:s15], [sflag:$0x1], $0x1, s28, s14, $0xb8;
	[tilespmem:$0x2B80] =	vst v63  }
0x3c: {  	s29 =	simm.s32 $0x180  }
0x3d: {  	[spmem:s2] =	stream.indirect.scatter.add.f32 [tilespmem:s15], [sflag:$0x1], $0x1, s29, s14, $0xb8;
	[tilespmem:$0x2B80] =	vst v63  }
0x3e: {  	s30 =	simm.s32 $0x200  }
0x3f: {  	[spmem:s2] =	stream.indirect.scatter.add.f32 [tilespmem:s15], [sflag:$0x1], $0x1, s30, s14, $0xb8;
	[tilespmem:$0x2B80] =	vst v63  }
0x40: {  	s31 =	simm.s32 $0x280  }
0x41: {  	[spmem:s2] =	stream.indirect.scatter.add.f32 [tilespmem:s15], [sflag:$0x1], $0x1, s31, s14, $0xb8;
	[tilespmem:$0x2B80] =	vst v63  }
0x42: {  	s21 =	simm.s32 $0x300  }
0x43: {  	[spmem:s2] =	stream.indirect.scatter.add.f32 [tilespmem:s15], [sflag:$0x1], $0x1, s21, s14, $0xb8;
	[tilespmem:$0x2B80] =	vst v63  }
0x44: {  	s22 =	simm.s32 $0x380  }
0x45: {  	[spmem:s2] =	stream.indirect.scatter.add.f32 [tilespmem:s15], [sflag:$0x1], $0x1, s22, s14, $0xb8;
	[tilespmem:$0x2B80] =	vst v63  }
0x46: {  	s23 =	simm.s32 $0x400  }
0x47: {  	[spmem:s2] =	stream.indirect.scatter.add.f32 [tilespmem:s15], [sflag:$0x1], $0x1, s23, s14, $0xb8;
	[tilespmem:$0x2B80] =	vst v63  }
0x48: {  	s24 =	simm.s32 $0x480  }
0x49: {  	[spmem:s2] =	stream.indirect.scatter.add.f32 [tilespmem:s15], [sflag:$0x1], $0x1, s24, s14, $0xb8;
	[tilespmem:$0x2B80] =	vst v63  }
0x4a: {  	s25 =	simm.s32 $0x500  }
0x4b: {  	[spmem:s2] =	stream.indirect.scatter.add.f32 [tilespmem:s15], [sflag:$0x1], $0x1, s25, s14, $0xb8;
	[tilespmem:$0x2B80] =	vst v63  }
0x4c: {  	s26 =	simm.s32 $0x580  }
0x4d: {  	[spmem:s2] =	stream.indirect.scatter.add.f32 [tilespmem:s15], [sflag:$0x1], $0x1, s26, s14, $0xb8;
	[tilespmem:$0x2B80] =	vst v63  }
0x4e: {  	s28 =	simm.s32 $0x600  }
0x4f: {  	[spmem:s2] =	stream.indirect.scatter.add.f32 [tilespmem:s15], [sflag:$0x1], $0x1, s28, s14, $0xb8;
	[tilespmem:$0x2B80] =	vst v63  }
0x50: {  	s29 =	simm.s32 $0x680  }
0x51: {  	[spmem:s2] =	stream.indirect.scatter.add.f32 [tilespmem:s15], [sflag:$0x1], $0x1, s29, s14, $0xb8;
	[tilespmem:$0x2B80] =	vst v63  }
0x52: {  	s30 =	simm.s32 $0x700  }
0x53: {  	[spmem:s2] =	stream.indirect.scatter.add.f32 [tilespmem:s15], [sflag:$0x1], $0x1, s30, s14, $0xb8;
	[tilespmem:$0x2B80] =	vst v63  }
0x54: {  	s31 =	simm.s32 $0x780  }
0x55: {  	[spmem:s2] =	stream.indirect.scatter.add.f32 [tilespmem:s15], [sflag:$0x1], $0x1, s31, s14, $0xb8;
	[tilespmem:$0x2B80] =	vst v63  }
0x56: {  	_ =	swait.ge [sflag:s16], $0x80  }
0x57: {  	[sflag:s16] =	ssyncset.done $0x0  }
0x58: {  	[sflag:s16] =	ssyncadd.s32 $0xFFFFFF80  }
0x59: {  	_ =	swait.ge [sflag:s16], $0x80  }
0x5a: {  	[sflag:s16] =	ssyncset.done $0x0  }
0x5b: {  	[sflag:s16] =	ssyncadd.s32 $0xFFFFFF80  }
0x5c: {  	_ =	swait.ge [sflag:s16], $0x80  }
0x5d: {  	[sflag:s16] =	ssyncset.done $0x0  }
0x5e: {  	[sflag:s16] =	ssyncadd.s32 $0xFFFFFF80  }
0x5f: {  	_ =	swait.ge [sflag:s16], $0x80  }
0x60: {  	[sflag:s16] =	ssyncset.done $0x0  }
0x61: {  	[sflag:s16] =	ssyncadd.s32 $0xFFFFFF80  }
0x62: {  	_ =	swait.ge [sflag:s16], $0x80  }
0x63: {  	[sflag:s16] =	ssyncset.done $0x0  }
0x64: {  	[sflag:s16] =	ssyncadd.s32 $0xFFFFFF80  }
0x65: {  	_ =	swait.ge [sflag:s16], $0x80  }
0x66: {  	[sflag:s16] =	ssyncset.done $0x0  }
0x67: {  	[sflag:s16] =	ssyncadd.s32 $0xFFFFFF80  }
0x68: {  	_ =	swait.ge [sflag:s16], $0x80  }
0x69: {  	[sflag:s16] =	ssyncset.done $0x0  }
0x6a: {  	[sflag:s16] =	ssyncadd.s32 $0xFFFFFF80  }
0x6b: {  	_ =	swait.ge [sflag:s16], $0x80  }
0x6c: {  	[sflag:s16] =	ssyncset.done $0x0  }
0x6d: {  	[sflag:s16] =	ssyncadd.s32 $0xFFFFFF80  }
0x6e: {  	_ =	swait.ge [sflag:s16], $0x80  }
0x6f: {  	[sflag:s16] =	ssyncset.done $0x0  }
0x70: {  	[sflag:s16] =	ssyncadd.s32 $0xFFFFFF80  }
0x71: {  	_ =	swait.ge [sflag:s16], $0x80  }
0x72: {  	[sflag:s16] =	ssyncset.done $0x0  }
0x73: {  	[sflag:s16] =	ssyncadd.s32 $0xFFFFFF80  }
0x74: {  	_ =	swait.ge [sflag:s16], $0x80  }
0x75: {  	[sflag:s16] =	ssyncset.done $0x0  }
0x76: {  	[sflag:s16] =	ssyncadd.s32 $0xFFFFFF80  }
0x77: {  	_ =	swait.ge [sflag:s16], $0x80  }
0x78: {  	[sflag:s16] =	ssyncset.done $0x0  }
0x79: {  	[sflag:s16] =	ssyncadd.s32 $0xFFFFFF80  }
0x7a: {  	_ =	swait.ge [sflag:s16], $0x80  }
0x7b: {  	[sflag:s16] =	ssyncset.done $0x0  }
0x7c: {  	[sflag:s16] =	ssyncadd.s32 $0xFFFFFF80  }
0x7d: {  	_ =	swait.ge [sflag:s16], $0x80  }
0x7e: {  	[sflag:s16] =	ssyncset.done $0x0  }
0x7f: {  	[sflag:s16] =	ssyncadd.s32 $0xFFFFFF80  }
0x80: {  	_ =	swait.ge [sflag:s16], $0x80  }
0x81: {  	[sflag:s16] =	ssyncset.done $0x0  }
0x82: {  	[sflag:s16] =	ssyncadd.s32 $0xFFFFFF80  }
0x83: {  	_ =	swait.ge [sflag:s16], $0x80  }
0x84: {  	s20 =	simm.s32 $0x2000;
	s23 =	simm.s32 $0x4000;
	[sflag:s16] =	ssyncset.done $0x0  }
.LBB2_2:
0x85: {  	s22 =	sshra.s32 s20, $0x2  }
0x86: {  	[sflag:s16] =	ssyncadd.s32 $0xFFFFFF80;
	s20 =	smov.u32 s23;
	s21 =	sadd.s32 $0x2000, s23  }
0x87: {  	[spmem:s2] =	stream.indirect.scatter.add.f32 [tilespmem:s15], [sflag:$0x1], $0x1, s22, s14, $0xb8;
	[tilespmem:$0x2B80] =	vst v63  }
0x88: {  	p0 =	sne.s32 s23, $0x8000;
	s23 =	sadd.s32 $0x80, s22  }
0x89: {  	[spmem:s2] =	stream.indirect.scatter.add.f32 [tilespmem:s15], [sflag:$0x1], $0x1, s23, s14, $0xb8;
	[tilespmem:$0x2B80] =	vst v63  }
0x8a: {  	s23 =	sadd.s32 $0x100, s22  }
0x8b: {  	[spmem:s2] =	stream.indirect.scatter.add.f32 [tilespmem:s15], [sflag:$0x1], $0x1, s23, s14, $0xb8;
	[tilespmem:$0x2B80] =	vst v63  }
0x8c: {  	s23 =	sadd.s32 $0x180, s22  }
0x8d: {  	[spmem:s2] =	stream.indirect.scatter.add.f32 [tilespmem:s15], [sflag:$0x1], $0x1, s23, s14, $0xb8;
	[tilespmem:$0x2B80] =	vst v63  }
0x8e: {  	s23 =	sadd.s32 $0x200, s22  }
0x8f: {  	[spmem:s2] =	stream.indirect.scatter.add.f32 [tilespmem:s15], [sflag:$0x1], $0x1, s23, s14, $0xb8;
	[tilespmem:$0x2B80] =	vst v63  }
0x90: {  	s23 =	sadd.s32 $0x280, s22  }
0x91: {  	[spmem:s2] =	stream.indirect.scatter.add.f32 [tilespmem:s15], [sflag:$0x1], $0x1, s23, s14, $0xb8;
	[tilespmem:$0x2B80] =	vst v63  }
0x92: {  	s23 =	sadd.s32 $0x300, s22  }
0x93: {  	[spmem:s2] =	stream.indirect.scatter.add.f32 [tilespmem:s15], [sflag:$0x1], $0x1, s23, s14, $0xb8;
	[tilespmem:$0x2B80] =	vst v63  }
0x94: {  	s23 =	sadd.s32 $0x380, s22  }
0x95: {  	[spmem:s2] =	stream.indirect.scatter.add.f32 [tilespmem:s15], [sflag:$0x1], $0x1, s23, s14, $0xb8;
	[tilespmem:$0x2B80] =	vst v63  }
0x96: {  	s23 =	sadd.s32 $0x400, s22  }
0x97: {  	[spmem:s2] =	stream.indirect.scatter.add.f32 [tilespmem:s15], [sflag:$0x1], $0x1, s23, s14, $0xb8;
	[tilespmem:$0x2B80] =	vst v63  }
0x98: {  	s23 =	sadd.s32 $0x480, s22  }
0x99: {  	[spmem:s2] =	stream.indirect.scatter.add.f32 [tilespmem:s15], [sflag:$0x1], $0x1, s23, s14, $0xb8;
	[tilespmem:$0x2B80] =	vst v63  }
0x9a: {  	s23 =	sadd.s32 $0x500, s22  }
0x9b: {  	[spmem:s2] =	stream.indirect.scatter.add.f32 [tilespmem:s15], [sflag:$0x1], $0x1, s23, s14, $0xb8;
	[tilespmem:$0x2B80] =	vst v63  }
0x9c: {  	s23 =	sadd.s32 $0x580, s22  }
0x9d: {  	[spmem:s2] =	stream.indirect.scatter.add.f32 [tilespmem:s15], [sflag:$0x1], $0x1, s23, s14, $0xb8;
	[tilespmem:$0x2B80] =	vst v63  }
0x9e: {  	s23 =	sadd.s32 $0x600, s22  }
0x9f: {  	[spmem:s2] =	stream.indirect.scatter.add.f32 [tilespmem:s15], [sflag:$0x1], $0x1, s23, s14, $0xb8;
	[tilespmem:$0x2B80] =	vst v63  }
0xa0: {  	s23 =	sadd.s32 $0x680, s22  }
0xa1: {  	[spmem:s2] =	stream.indirect.scatter.add.f32 [tilespmem:s15], [sflag:$0x1], $0x1, s23, s14, $0xb8;
	[tilespmem:$0x2B80] =	vst v63  }
0xa2: {  	s23 =	sadd.s32 $0x700, s22  }
0xa3: {  	[spmem:s2] =	stream.indirect.scatter.add.f32 [tilespmem:s15], [sflag:$0x1], $0x1, s23, s14, $0xb8;
	[tilespmem:$0x2B80] =	vst v63  }
0xa4: {  	s22 =	sadd.s32 $0x780, s22  }
0xa5: {  	[spmem:s2] =	stream.indirect.scatter.add.f32 [tilespmem:s15], [sflag:$0x1], $0x1, s22, s14, $0xb8;
	[tilespmem:$0x2B80] =	vst v63  }
0xa6: {  	_ =	swait.ge [sflag:s16], $0x80  }
0xa7: {  	[sflag:s16] =	ssyncset.done $0x0  }
0xa8: {  	[sflag:s16] =	ssyncadd.s32 $0xFFFFFF80  }
0xa9: {  	_ =	swait.ge [sflag:s16], $0x80  }
0xaa: {  	[sflag:s16] =	ssyncset.done $0x0  }
0xab: {  	[sflag:s16] =	ssyncadd.s32 $0xFFFFFF80  }
0xac: {  	_ =	swait.ge [sflag:s16], $0x80  }
0xad: {  	[sflag:s16] =	ssyncset.done $0x0  }
0xae: {  	[sflag:s16] =	ssyncadd.s32 $0xFFFFFF80  }
0xaf: {  	_ =	swait.ge [sflag:s16], $0x80  }
0xb0: {  	[sflag:s16] =	ssyncset.done $0x0  }
0xb1: {  	[sflag:s16] =	ssyncadd.s32 $0xFFFFFF80  }
0xb2: {  	_ =	swait.ge [sflag:s16], $0x80  }
0xb3: {  	[sflag:s16] =	ssyncset.done $0x0  }
0xb4: {  	[sflag:s16] =	ssyncadd.s32 $0xFFFFFF80  }
0xb5: {  	_ =	swait.ge [sflag:s16], $0x80  }
0xb6: {  	[sflag:s16] =	ssyncset.done $0x0  }
0xb7: {  	[sflag:s16] =	ssyncadd.s32 $0xFFFFFF80  }
0xb8: {  	_ =	swait.ge [sflag:s16], $0x80  }
0xb9: {  	[sflag:s16] =	ssyncset.done $0x0  }
0xba: {  	[sflag:s16] =	ssyncadd.s32 $0xFFFFFF80  }
0xbb: {  	_ =	swait.ge [sflag:s16], $0x80  }
0xbc: {  	[sflag:s16] =	ssyncset.done $0x0  }
0xbd: {  	[sflag:s16] =	ssyncadd.s32 $0xFFFFFF80  }
0xbe: {  	_ =	swait.ge [sflag:s16], $0x80  }
0xbf: {  	[sflag:s16] =	ssyncset.done $0x0  }
0xc0: {  	[sflag:s16] =	ssyncadd.s32 $0xFFFFFF80  }
0xc1: {  	_ =	swait.ge [sflag:s16], $0x80  }
0xc2: {  	[sflag:s16] =	ssyncset.done $0x0  }
0xc3: {  	[sflag:s16] =	ssyncadd.s32 $0xFFFFFF80  }
0xc4: {  	_ =	swait.ge [sflag:s16], $0x80  }
0xc5: {  	[sflag:s16] =	ssyncset.done $0x0  }
0xc6: {  	[sflag:s16] =	ssyncadd.s32 $0xFFFFFF80  }
0xc7: {  	_ =	swait.ge [sflag:s16], $0x80  }
0xc8: {  	[sflag:s16] =	ssyncset.done $0x0  }
0xc9: {  	[sflag:s16] =	ssyncadd.s32 $0xFFFFFF80  }
0xca: {  	_ =	swait.ge [sflag:s16], $0x80  }
0xcb: {  	[sflag:s16] =	ssyncset.done $0x0  }
0xcc: {  	[sflag:s16] =	ssyncadd.s32 $0xFFFFFF80  }
0xcd: {  	_ =	swait.ge [sflag:s16], $0x80  }
0xce: {  	[sflag:s16] =	ssyncset.done $0x0  }
0xcf: {  	[sflag:s16] =	ssyncadd.s32 $0xFFFFFF80  }
.Ltmp0:
0xd0: {  	_ =	swait.ge [sflag:s16], $0x80;
	(pc) =	sbr.rel @p0 .LBB2_2-.Ltmp0, $4  }
0xd1: {  	[sflag:s16] =	ssyncset.done $0x0  }
0xd2: {  	[sflag:s16] =	ssyncadd.s32 $0xFFFFFF80  }
0xd3: {  	_ =	swait.ge [sflag:s16], $0x80  }
0xd4: {  	s23 =	smov.u32 s21;
	[sflag:s16] =	ssyncset.done $0x0  }
0xd5: {  	s20 =	sshra.s32 s20, $0x2;
	[sflag:s16] =	ssyncadd.s32 $0xFFFFFF80  }
0xd6: {  	[spmem:s2] =	stream.indirect.scatter.add.f32 [tilespmem:s15], [sflag:$0x1], $0x1, s20, s14, $0xb8;
	[tilespmem:$0x2B80] =	vst v63  }
0xd7: {  	s21 =	sadd.s32 $0x80, s20  }
0xd8: {  	[spmem:s2] =	stream.indirect.scatter.add.f32 [tilespmem:s15], [sflag:$0x1], $0x1, s21, s14, $0xb8;
	[tilespmem:$0x2B80] =	vst v63  }
0xd9: {  	s28 =	sadd.s32 $0x100, s20  }
0xda: {  	[spmem:s2] =	stream.indirect.scatter.add.f32 [tilespmem:s15], [sflag:$0x1], $0x1, s28, s14, $0xb8;
	[tilespmem:$0x2B80] =	vst v63  }
0xdb: {  	s29 =	sadd.s32 $0x180, s20  }
0xdc: {  	[spmem:s2] =	stream.indirect.scatter.add.f32 [tilespmem:s15], [sflag:$0x1], $0x1, s29, s14, $0xb8;
	[tilespmem:$0x2B80] =	vst v63  }
0xdd: {  	s30 =	sadd.s32 $0x200, s20  }
0xde: {  	[spmem:s2] =	stream.indirect.scatter.add.f32 [tilespmem:s15], [sflag:$0x1], $0x1, s30, s14, $0xb8;
	[tilespmem:$0x2B80] =	vst v63  }
0xdf: {  	s31 =	sadd.s32 $0x280, s20  }
0xe0: {  	[spmem:s2] =	stream.indirect.scatter.add.f32 [tilespmem:s15], [sflag:$0x1], $0x1, s31, s14, $0xb8;
	[tilespmem:$0x2B80] =	vst v63  }
0xe1: {  	s22 =	sadd.s32 $0x300, s20  }
0xe2: {  	[spmem:s2] =	stream.indirect.scatter.add.f32 [tilespmem:s15], [sflag:$0x1], $0x1, s22, s14, $0xb8;
	[tilespmem:$0x2B80] =	vst v63  }
0xe3: {  	s23 =	sadd.s32 $0x380, s20  }
0xe4: {  	[spmem:s2] =	stream.indirect.scatter.add.f32 [tilespmem:s15], [sflag:$0x1], $0x1, s23, s14, $0xb8;
	[tilespmem:$0x2B80] =	vst v63  }
0xe5: {  	s24 =	sadd.s32 $0x400, s20  }
0xe6: {  	[spmem:s2] =	stream.indirect.scatter.add.f32 [tilespmem:s15], [sflag:$0x1], $0x1, s24, s14, $0xb8;
	[tilespmem:$0x2B80] =	vst v63  }
0xe7: {  	s25 =	sadd.s32 $0x480, s20  }
0xe8: {  	[spmem:s2] =	stream.indirect.scatter.add.f32 [tilespmem:s15], [sflag:$0x1], $0x1, s25, s14, $0xb8;
	[tilespmem:$0x2B80] =	vst v63  }
0xe9: {  	s26 =	sadd.s32 $0x500, s20  }
0xea: {  	[spmem:s2] =	stream.indirect.scatter.add.f32 [tilespmem:s15], [sflag:$0x1], $0x1, s26, s14, $0xb8;
	[tilespmem:$0x2B80] =	vst v63  }
0xeb: {  	s28 =	sadd.s32 $0x580, s20  }
0xec: {  	[spmem:s2] =	stream.indirect.scatter.add.f32 [tilespmem:s15], [sflag:$0x1], $0x1, s28, s14, $0xb8;
	[tilespmem:$0x2B80] =	vst v63  }
0xed: {  	s29 =	sadd.s32 $0x600, s20  }
0xee: {  	[spmem:s2] =	stream.indirect.scatter.add.f32 [tilespmem:s15], [sflag:$0x1], $0x1, s29, s14, $0xb8;
	[tilespmem:$0x2B80] =	vst v63  }
0xef: {  	s30 =	sadd.s32 $0x680, s20  }
0xf0: {  	[spmem:s2] =	stream.indirect.scatter.add.f32 [tilespmem:s15], [sflag:$0x1], $0x1, s30, s14, $0xb8;
	[tilespmem:$0x2B80] =	vst v63  }
0xf1: {  	s31 =	sadd.s32 $0x700, s20  }
0xf2: {  	[spmem:s2] =	stream.indirect.scatter.add.f32 [tilespmem:s15], [sflag:$0x1], $0x1, s31, s14, $0xb8;
	[tilespmem:$0x2B80] =	vst v63  }
0xf3: {  	s20 =	sadd.s32 $0x780, s20  }
0xf4: {  	[spmem:s2] =	stream.indirect.scatter.add.f32 [tilespmem:s15], [sflag:$0x1], $0x1, s20, s14, $0xb8;
	[tilespmem:$0x2B80] =	vst v63  }
0xf5: {  	_ =	swait.ge [sflag:s16], $0x80  }
0xf6: {  	[sflag:s16] =	ssyncset.done $0x0  }
0xf7: {  	[sflag:s16] =	ssyncadd.s32 $0xFFFFFF80  }
0xf8: {  	_ =	swait.ge [sflag:s16], $0x80  }
0xf9: {  	[sflag:s16] =	ssyncset.done $0x0  }
0xfa: {  	[sflag:s16] =	ssyncadd.s32 $0xFFFFFF80  }
0xfb: {  	_ =	swait.ge [sflag:s16], $0x80  }
0xfc: {  	[sflag:s16] =	ssyncset.done $0x0  }
0xfd: {  	[sflag:s16] =	ssyncadd.s32 $0xFFFFFF80  }
0xfe: {  	_ =	swait.ge [sflag:s16], $0x80  }
0xff: {  	[sflag:s16] =	ssyncset.done $0x0  }
0x100: {  	[sflag:s16] =	ssyncadd.s32 $0xFFFFFF80  }
0x101: {  	_ =	swait.ge [sflag:s16], $0x80  }
0x102: {  	[sflag:s16] =	ssyncset.done $0x0  }
0x103: {  	[sflag:s16] =	ssyncadd.s32 $0xFFFFFF80  }
0x104: {  	_ =	swait.ge [sflag:s16], $0x80  }
0x105: {  	[sflag:s16] =	ssyncset.done $0x0  }
0x106: {  	[sflag:s16] =	ssyncadd.s32 $0xFFFFFF80  }
0x107: {  	_ =	swait.ge [sflag:s16], $0x80  }
0x108: {  	[sflag:s16] =	ssyncset.done $0x0  }
0x109: {  	[sflag:s16] =	ssyncadd.s32 $0xFFFFFF80  }
0x10a: {  	_ =	swait.ge [sflag:s16], $0x80  }
0x10b: {  	[sflag:s16] =	ssyncset.done $0x0  }
0x10c: {  	[sflag:s16] =	ssyncadd.s32 $0xFFFFFF80  }
0x10d: {  	_ =	swait.ge [sflag:s16], $0x80  }
0x10e: {  	[sflag:s16] =	ssyncset.done $0x0  }
0x10f: {  	[sflag:s16] =	ssyncadd.s32 $0xFFFFFF80  }
0x110: {  	_ =	swait.ge [sflag:s16], $0x80  }
0x111: {  	[sflag:s16] =	ssyncset.done $0x0  }
0x112: {  	[sflag:s16] =	ssyncadd.s32 $0xFFFFFF80  }
0x113: {  	_ =	swait.ge [sflag:s16], $0x80  }
0x114: {  	[sflag:s16] =	ssyncset.done $0x0  }
0x115: {  	[sflag:s16] =	ssyncadd.s32 $0xFFFFFF80  }
0x116: {  	_ =	swait.ge [sflag:s16], $0x80  }
0x117: {  	[sflag:s16] =	ssyncset.done $0x0  }
0x118: {  	[sflag:s16] =	ssyncadd.s32 $0xFFFFFF80  }
0x119: {  	_ =	swait.ge [sflag:s16], $0x80  }
0x11a: {  	[sflag:s16] =	ssyncset.done $0x0  }
0x11b: {  	[sflag:s16] =	ssyncadd.s32 $0xFFFFFF80  }
0x11c: {  	_ =	swait.ge [sflag:s16], $0x80  }
0x11d: {  	[sflag:s16] =	ssyncset.done $0x0  }
0x11e: {  	[sflag:s16] =	ssyncadd.s32 $0xFFFFFF80  }
0x11f: {  	_ =	swait.ge [sflag:s16], $0x80  }
0x120: {  	[sflag:s16] =	ssyncset.done $0x0  }
0x121: {  	[sflag:s16] =	ssyncadd.s32 $0xFFFFFF80  }
0x122: {  	_ =	swait.ge [sflag:s16], $0x80  }
0x123: {  	s19 =	sadd.s32 $0x1, s19;
	[sflag:s16] =	ssyncset.done $0x0  }
0x124: {  	p0 =	sne.s32 s19, s11;
	[sflag:s16] =	ssyncadd.s32 $0xFFFFFF80  }
.Ltmp1:
0x125: {  	[bflag:$0x0] =	sbarrier.arrive $0xFFFF;
	(pc) =	sbr.rel @p0 .LBB2_1-.Ltmp1, $4  }
0x126: {  	[hbm:s10], [sflag:s17] =	dma.local [spmem:s18], $0x50  }
0x127: {  	_ =	swait.ge [sflag:s13], $0x50  }
0x128: {  	[sflag:s13] =	ssyncset.done $0x0  }
0x129: {  	[sflag:s13] =	ssyncadd.s32 $0xFFFFFFB0  }
0x12a: {  	_ =	sfence.sel $0x180000  }
0x12b: {  	[bflag:$0x0] =	sbarrier.arrive $0xFFFF  }
0x12c: {  	p0 =	sne.s32 s0, $0x0;
	_ =	strace $0x90000047  }
0x12d: {  	s0 =	sadd.s32 @!p0 $0x100000, s1;
	[bflag:$0x2] =	sbarrier.arrive $0xFFFF  }
0x12e: {  	[sflag:s0] =	ssyncadd.tile.s32 @!p0 $0x1;
	_ =	shalt  }
.Lfunc_end2:
_tile_overlayer_lowered:
.L_overlay_start_2:
0x12f: {  	(tag) =	ssettag $0x2  }
0x130: {  	s0 =	rddreg [dreg:$0x0];
	s2 =	stileid.u32  }
0x131: {  	s1 =	rddreg [dreg:$0x1];
	p0 =	sne.s32 s2, $0x0  }
0x132: {  	s3 =	rddreg [dreg:$0x2];
	[bflag:$0x3] =	sbarrier.arrive $0xFFFF;
	s2 =	simm.s32 @!p0 $0x1C02  }
0x133: {  	[timem:s3], [sflag:s2] =	dma.local @!p0 [hbm:s0], s1  }
0x134: {  	s0 =	simm.s32 @!p0 $0x2  }
0x135: {  	_ =	swait.ge @!p0 [sflag:s0], s1  }
0x136: {  	s1 =	ssub.s32 @!p0 $0x0, s1;
	[sflag:s0] =	ssyncset.done @!p0 $0x0  }
0x137: {  	[sflag:s0] =	ssyncadd.s32 @!p0 s1  }
0x138: {  	[bflag:$0x3] =	sbarrier.arrive $0xFFFF  }
0x139: {  	_ =	shalt  }

</sc_bundles>
